<compile_context>
chip_gen: v7x
topology: tpu7x:2x2x1
jax: 0.10.2.dev20260603
libtpu: 0.0.44.dev20260713+nightly
codegen_flags: <defaults>
</compile_context>

<pallas_src>
import functools

import jax
import jax.numpy as jnp
from jax import lax
from jax.experimental import pallas as pl
from jax.experimental.pallas import tpu as pltpu
from jax.experimental.pallas import tpu_sc as plsc

N_NODES = 10000
N_EDGES = 320000
D = 128
N_CLASSES = 40
EPS = 0.3

NC = 2
NS = 16
L = 16
NW = NC * NS
NP = 10240
ROWS_T = NP // NS
E_W = N_EDGES // NW
CH = 80
NCHUNK = E_W // CH
ZR = 16

BR = 2048
GRID = NP // BR


def _sc_mesh():
    return plsc.VectorSubcoreMesh(
        core_axis_name="c", subcore_axis_name="s", num_cores=NC, num_subcores=NS
    )


def _deg_body(dst_hbm, deg_hbm, idx2, ones_v, zrow, deg_sp, sem):
    c = lax.axis_index("c")
    s = lax.axis_index("s")
    wid = s * NC + c

    @pl.loop(0, ROWS_T // L)
    def _zero_stamp(i):
        zrow[pl.ds(i * L, L)] = jnp.zeros((L,), jnp.float32)

    for i in range(CH // L):
        ones_v[pl.ds(i * L, L)] = jnp.ones((L,), jnp.float32)

    pltpu.sync_copy(zrow, deg_sp.at[pl.ds(s * ROWS_T, ROWS_T)])
    plsc.subcore_barrier()

    @pl.loop(0, NCHUNK)
    def _chunk(k):
        base = wid * E_W + k * CH
        pltpu.sync_copy(dst_hbm.at[pl.ds(base, CH)], idx2.at[0])
        pltpu.sync_copy(ones_v, deg_sp.at[idx2.at[0]], add=True)

    plsc.subcore_barrier()
    pltpu.sync_copy(
        deg_sp.at[pl.ds(s * ROWS_T, ROWS_T)],
        deg_hbm.at[c, pl.ds(s * ROWS_T, ROWS_T)],
    )


def _deg_call(dst):
    return pl.kernel(
        _deg_body,
        out_type=jax.ShapeDtypeStruct((NC, NP), jnp.float32),
        mesh=_sc_mesh(),
        scratch_types=[
            pltpu.VMEM((1, CH), jnp.int32),
            pltpu.VMEM((CH,), jnp.float32),
            pltpu.VMEM((ROWS_T,), jnp.float32),
            pltpu.VMEM_SHARED((NP,), jnp.float32),
            pltpu.SemaphoreType.DMA,
        ],
        compiler_params=pltpu.CompilerParams(needs_layout_passes=False),
    )(dst)


def _layer_body(h_hbm, al_hbm, ar_hbm, dinv_hbm, src_hbm, dst_hbm, out_hbm,
                al_v, ar_v, dinv_v, idx_s, idx_d2, w_v, msg_v, zb, out_sp, sem):
    c = lax.axis_index("c")
    s = lax.axis_index("s")
    wid = s * NC + c

    pltpu.sync_copy(al_hbm, al_v)
    pltpu.sync_copy(ar_hbm, ar_v)
    pltpu.sync_copy(dinv_hbm, dinv_v)

    @pl.loop(0, ZR)
    def _zero_stamp(i):
        for j in range(D // L):
            zb[i, pl.ds(j * L, L)] = jnp.zeros((L,), jnp.float32)

    for r in range(ROWS_T // ZR):
        pltpu.sync_copy(zb, out_sp.at[pl.ds(s * ROWS_T + r * ZR, ZR)])
    plsc.subcore_barrier()

    @pl.loop(0, NCHUNK)
    def _chunk(k):
        base = wid * E_W + k * CH
        pltpu.sync_copy(src_hbm.at[pl.ds(base, CH)], idx_s)
        pltpu.sync_copy(dst_hbm.at[pl.ds(base, CH)], idx_d2.at[0])
        gather = pltpu.async_copy(h_hbm.at[idx_s], msg_v, sem)
        for g in range(CH // L):
            sl = pl.ds(g * L, L)
            si = idx_s[sl]
            di = idx_d2[0, sl]
            u = plsc.load_gather(al_v, [si]) + plsc.load_gather(ar_v, [di])
            a = jnp.abs(u)
            e = jnp.exp(-2.0 * a)
            t = jnp.sign(u) * (1.0 - e) / (1.0 + e)
            w_v[sl] = (t * plsc.load_gather(dinv_v, [si])
                       * plsc.load_gather(dinv_v, [di]))
        gather.wait()

        @pl.loop(0, CH)
        def _scale(ei):
            ei_v = lax.broadcast(ei, (L,)).astype(jnp.int32)
            wv = plsc.load_gather(w_v, [ei_v])
            for j in range(D // L):
                sl = pl.ds(j * L, L)
                msg_v[ei, sl] = msg_v[ei, sl] * wv

        pltpu.sync_copy(msg_v, out_sp.at[idx_d2.at[0]], add=True)

    plsc.subcore_barrier()
    pltpu.sync_copy(
        out_sp.at[pl.ds(s * ROWS_T, ROWS_T)],
        out_hbm.at[c, pl.ds(s * ROWS_T, ROWS_T)],
    )


def _layer_call(h, al, ar, dinv, src, dst):
    return pl.kernel(
        _layer_body,
        out_type=jax.ShapeDtypeStruct((NC, NP, D), jnp.float32),
        mesh=_sc_mesh(),
        scratch_types=[
            pltpu.VMEM((NP,), jnp.float32),
            pltpu.VMEM((NP,), jnp.float32),
            pltpu.VMEM((NP,), jnp.float32),
            pltpu.VMEM((CH,), jnp.int32),
            pltpu.VMEM((1, CH), jnp.int32),
            pltpu.VMEM((CH,), jnp.float32),
            pltpu.VMEM((CH, D), jnp.float32),
            pltpu.VMEM((ZR, D), jnp.float32),
            pltpu.VMEM_SHARED((NP, D), jnp.float32),
            pltpu.SemaphoreType.DMA,
        ],
        compiler_params=pltpu.CompilerParams(needs_layout_passes=False),
    )(h, al, ar, dinv, src, dst)


def _dense1_body(x_ref, w_ref, b_ref, attl_ref, attr_ref, degp_ref,
                 h_ref, al_ref, ar_ref, dinv_ref):
    z = lax.dot_general(x_ref[...], w_ref[...], (((1,), (1,)), ((), ())),
                        preferred_element_type=jnp.float32)
    h = jnp.maximum(z + b_ref[...][None, :], 0.0)
    h_ref[...] = h
    al_ref[...] = jnp.sum(h * attl_ref[...][None, :], axis=1, keepdims=True)
    ar_ref[...] = jnp.sum(h * attr_ref[...][None, :], axis=1, keepdims=True)
    deg = degp_ref[0] + degp_ref[1] + 1.0
    dinv_ref[...] = lax.rsqrt(deg)


def _dense1_call(x_p, t1_W, t1_b, attl, attr, degp3):
    return pl.pallas_call(
        _dense1_body,
        grid=(GRID,),
        in_specs=[
            pl.BlockSpec((BR, D), lambda i: (i, 0)),
            pl.BlockSpec((D, D), lambda i: (0, 0)),
            pl.BlockSpec((D,), lambda i: (0,)),
            pl.BlockSpec((D,), lambda i: (0,)),
            pl.BlockSpec((D,), lambda i: (0,)),
            pl.BlockSpec((2, BR, 1), lambda i: (0, i, 0)),
        ],
        out_specs=[
            pl.BlockSpec((BR, D), lambda i: (i, 0)),
            pl.BlockSpec((BR, 1), lambda i: (i, 0)),
            pl.BlockSpec((BR, 1), lambda i: (i, 0)),
            pl.BlockSpec((BR, 1), lambda i: (i, 0)),
        ],
        out_shape=[
            jax.ShapeDtypeStruct((NP, D), jnp.float32),
            jax.ShapeDtypeStruct((NP, 1), jnp.float32),
            jax.ShapeDtypeStruct((NP, 1), jnp.float32),
            jax.ShapeDtypeStruct((NP, 1), jnp.float32),
        ],
    )(x_p, t1_W, t1_b, attl, attr, degp3)


def _mid_body(outp_ref, h0_ref, al_ref, ar_ref, dinv_ref, attl_ref, attr_ref,
              h1_ref, al1_ref, ar1_ref):
    dv = dinv_ref[...]
    coef = jnp.tanh(al_ref[...] + ar_ref[...]) * dv * dv
    h0 = h0_ref[...]
    h1 = outp_ref[0] + outp_ref[1] + h0 * coef + EPS * h0
    h1_ref[...] = h1
    al1_ref[...] = jnp.sum(h1 * attl_ref[...][None, :], axis=1, keepdims=True)
    ar1_ref[...] = jnp.sum(h1 * attr_ref[...][None, :], axis=1, keepdims=True)


def _mid_call(outp, h0, al0, ar0, dinv, attl1, attr1):
    return pl.pallas_call(
        _mid_body,
        grid=(GRID,),
        in_specs=[
            pl.BlockSpec((2, BR, D), lambda i: (0, i, 0)),
            pl.BlockSpec((BR, D), lambda i: (i, 0)),
            pl.BlockSpec((BR, 1), lambda i: (i, 0)),
            pl.BlockSpec((BR, 1), lambda i: (i, 0)),
            pl.BlockSpec((BR, 1), lambda i: (i, 0)),
            pl.BlockSpec((D,), lambda i: (0,)),
            pl.BlockSpec((D,), lambda i: (0,)),
        ],
        out_specs=[
            pl.BlockSpec((BR, D), lambda i: (i, 0)),
            pl.BlockSpec((BR, 1), lambda i: (i, 0)),
            pl.BlockSpec((BR, 1), lambda i: (i, 0)),
        ],
        out_shape=[
            jax.ShapeDtypeStruct((NP, D), jnp.float32),
            jax.ShapeDtypeStruct((NP, 1), jnp.float32),
            jax.ShapeDtypeStruct((NP, 1), jnp.float32),
        ],
    )(outp, h0, al0, ar0, dinv, attl1, attr1)


def _fin_body(outp_ref, h0_ref, h1_ref, al_ref, ar_ref, dinv_ref,
              w2_ref, b2_ref, out_ref):
    dv = dinv_ref[...]
    coef = jnp.tanh(al_ref[...] + ar_ref[...]) * dv * dv
    h1 = h1_ref[...]
    h2 = outp_ref[0] + outp_ref[1] + h1 * coef + EPS * h0_ref[...]
    z = lax.dot_general(h2, w2_ref[...], (((1,), (1,)), ((), ())),
                        preferred_element_type=jnp.float32)
    z = z + b2_ref[...][None, :]
    m = jnp.max(z, axis=1, keepdims=True)
    zs = z - m
    out_ref[...] = zs - jnp.log(jnp.sum(jnp.exp(zs), axis=1, keepdims=True))


def _fin_call(outp, h0, h1, al1, ar1, dinv, t2_W, t2_b):
    return pl.pallas_call(
        _fin_body,
        grid=(GRID,),
        in_specs=[
            pl.BlockSpec((2, BR, D), lambda i: (0, i, 0)),
            pl.BlockSpec((BR, D), lambda i: (i, 0)),
            pl.BlockSpec((BR, D), lambda i: (i, 0)),
            pl.BlockSpec((BR, 1), lambda i: (i, 0)),
            pl.BlockSpec((BR, 1), lambda i: (i, 0)),
            pl.BlockSpec((BR, 1), lambda i: (i, 0)),
            pl.BlockSpec((N_CLASSES, D), lambda i: (0, 0)),
            pl.BlockSpec((N_CLASSES,), lambda i: (0,)),
        ],
        out_specs=pl.BlockSpec((BR, N_CLASSES), lambda i: (i, 0)),
        out_shape=jax.ShapeDtypeStruct((NP, N_CLASSES), jnp.float32),
    )(outp, h0, h1, al1, ar1, dinv, t2_W, t2_b)


def kernel(x, edge_index, t1_W, t1_b, att_l0, att_r0, att_l1, att_r1,
           t2_W, t2_b):
    src = edge_index[0]
    dst = edge_index[1]
    x_p = jnp.pad(x, ((0, NP - N_NODES), (0, 0)))

    degp = _deg_call(dst)
    h0, al0, ar0, dinv = _dense1_call(
        x_p, t1_W, t1_b, att_l0[:, 0], att_r0[:, 0], degp.reshape(NC, NP, 1))

    outp0 = _layer_call(h0, al0.reshape(NP), ar0.reshape(NP),
                        dinv.reshape(NP), src, dst)
    h1, al1, ar1 = _mid_call(outp0, h0, al0, ar0, dinv,
                             att_l1[:, 0], att_r1[:, 0])
    outp1 = _layer_call(h1, al1.reshape(NP), ar1.reshape(NP),
                        dinv.reshape(NP), src, dst)
    ls = _fin_call(outp1, h0, h1, al1, ar1, dinv, t2_W, t2_b)
    return ls[:N_NODES]

# --- scband reference (transcript-rebuilt; emitter-appended) ---
"""Pipeline reference for scband-fagcnnet-28991029248703 (READ-ONLY COPY).

The authoritative reference and input builder live on the scoring server;
editing this copy changes nothing except your own understanding.
"""

import jax, jax.numpy as jnp
import numpy as np

N_NODES = 10000
N_EDGES = 320000
D_FEAT = 128
DIM = 128
N_CLASSES = 40
EPS = 0.3

def setup_inputs(seed: int = 0) -> dict:
    key = jax.random.key(seed)
    ks = jax.random.split(key, 12)
    x = jax.random.normal(ks[0], (N_NODES, D_FEAT), dtype=jnp.float32)
    edge_index = jax.random.randint(ks[1], (2, N_EDGES), 0, N_NODES, dtype=jnp.int64 if jax.config.jax_enable_x64 else jnp.int32).astype(jnp.int32)
    s1 = 1.414 / np.sqrt(D_FEAT)
    t1_W = jax.random.normal(ks[2], (DIM, D_FEAT), dtype=jnp.float32) * s1
    t1_b = jnp.zeros((DIM,), dtype=jnp.float32)
    s2 = 1.414 / np.sqrt(DIM)
    t2_W = jax.random.normal(ks[3], (N_CLASSES, DIM), dtype=jnp.float32) * s2
    t2_b = jnp.zeros((N_CLASSES,), dtype=jnp.float32)
    sa = 1.0 / np.sqrt(DIM)
    att_l0 = jax.random.normal(ks[4], (DIM, 1), dtype=jnp.float32) * sa
    att_r0 = jax.random.normal(ks[5], (DIM, 1), dtype=jnp.float32) * sa
    att_l1 = jax.random.normal(ks[6], (DIM, 1), dtype=jnp.float32) * sa
    att_r1 = jax.random.normal(ks[7], (DIM, 1), dtype=jnp.float32) * sa
    return {"x": x, "edge_index": edge_index, "t1_W": t1_W, "t1_b": t1_b,
            "att_l0": att_l0, "att_r0": att_r0, "att_l1": att_l1, "att_r1": att_r1,
            "t2_W": t2_W, "t2_b": t2_b}

def reference(x, edge_index, t1_W, t1_b, att_l0, att_r0, att_l1, att_r1, t2_W, t2_b):
    N = x.shape[0]
    src = edge_index[0]
    dst = edge_index[1]
    loop = jnp.arange(N, dtype=src.dtype)
    src_f = jnp.concatenate([src, loop])
    dst_f = jnp.concatenate([dst, loop])
    # gcn_norm with self loops (FAConv normalize=True ignores any provided edge_weight)
    deg = jax.ops.segment_sum(jnp.ones_like(dst_f, dtype=x.dtype), dst_f, num_segments=N)
    dinv = jnp.where(deg > 0, 1.0 / jnp.sqrt(deg), 0.0)
    norm = dinv[src_f] * dinv[dst_f]
    # dropout is identity in eval mode
    h = jax.nn.relu(x @ t1_W.T + t1_b)
    raw = h
    for att_l, att_r in ((att_l0, att_r0), (att_l1, att_r1)):
        al = (h @ att_l)[:, 0]
        ar = (h @ att_r)[:, 0]
        alpha = jnp.tanh(al[src_f] + ar[dst_f])
        msg = h[src_f] * (alpha * norm)[:, None]
        out = jax.ops.segment_sum(msg, dst_f, num_segments=N)
        h = out + EPS * raw
    logits = h @ t2_W.T + t2_b
    return jax.nn.log_softmax(logits, axis=1)

if __name__ == "__main__":
    import jax
    _d = setup_inputs()
    print(jax.jit(kernel)(*tuple(_d.values())))

</pallas_src>

<mosaic_0001>
#map = affine_map<(d0, d1) -> (0)>
#map1 = affine_map<(d0, d1) -> (0, 0)>
module attributes {stable_mosaic.version = 14 : i64} {
  func.func @_deg_body(%arg0: i32, %arg1: i32, %arg2: memref<320000xi32, #tpu.memory_space<hbm>>, %arg3: memref<2x10240xf32, #tpu.memory_space<hbm>>, %arg4: memref<1x80xi32, #tpu.memory_space<vmem>>, %arg5: memref<80xf32, #tpu.memory_space<vmem>>, %arg6: memref<640xf32, #tpu.memory_space<vmem>>, %arg7: memref<10240xf32, #tpu.memory_space<vmem_shared>>, %arg8: memref<!tpu.dma_semaphore, #tpu.memory_space<semaphore_mem>>) attributes {dimension_semantics = [#tpu.dimension_semantics<core_parallel>, #tpu.dimension_semantics<subcore_parallel>], iteration_bounds = array<i64: 2, 16>, scalar_prefetch = 0 : i64, scratch_operands = 5 : i64, tpu.core_type = #tpu.core_type<sc_vector_subcore>, window_params = [{transform_indices = #map}, {transform_indices = #map1}]} {
    %mul3A = arith.constant 2 : i32
    %mul3A_0 = arith.muli %arg1, %mul3A : i32
    %add3A = arith.addi %mul3A_0, %arg0 : i32
    %scan3A = arith.constant 0 : i32
    %scan3A_1 = arith.constant 40 : i32
    %scan3A_2 = arith.addi %scan3A, %scan3A_1 : i32
    %scan3A_3 = arith.constant 1 : i32
    scf.for %scan3A_35 = %scan3A to %scan3A_2 step %scan3A_3  : i32 {
      %mul3A_36 = arith.constant 1 : i32
      %mul3A_37 = arith.muli %scan3A_35, %mul3A_36 : i32
      %add3A_38 = arith.constant 0 : i32
      %add3A_39 = arith.addi %add3A_38, %mul3A_37 : i32
      %broadcast_in_dim3A_40 = arith.constant 0.000000e+00 : f32
      %broadcast_in_dim3A_41 = vector.broadcast %broadcast_in_dim3A_40 : f32 to vector<16xf32>
      %mul3A_42 = arith.constant 16 : i32
      %mul3A_43 = arith.muli %add3A_39, %mul3A_42 : i32
      %swap3A_44 = arith.index_cast %mul3A_43 : i32 to index
      %swap3A_45 = tpu.vector_load %arg6[%swap3A_44] {strides = array<i32>} : memref<640xf32, #tpu.memory_space<vmem>>, vector<16xf32>,
      tpu.vector_store %arg6[%swap3A_44], %broadcast_in_dim3A_41 {strides = array<i32>} : memref<640xf32, #tpu.memory_space<vmem>>, vector<16xf32>,
    }
    %scan3A_4 = arith.constant 40 : i32
    %broadcast_in_dim3A = arith.constant 1.000000e+00 : f32
    %broadcast_in_dim3A_5 = vector.broadcast %broadcast_in_dim3A : f32 to vector<16xf32>
    %swap3A = arith.constant 0 : index
    %swap3A_6 = tpu.vector_load %arg5[%swap3A] {strides = array<i32>} : memref<80xf32, #tpu.memory_space<vmem>>, vector<16xf32>,
    tpu.vector_store %arg5[%swap3A], %broadcast_in_dim3A_5 {strides = array<i32>} : memref<80xf32, #tpu.memory_space<vmem>>, vector<16xf32>,
    %broadcast_in_dim3A_7 = arith.constant 1.000000e+00 : f32
    %broadcast_in_dim3A_8 = vector.broadcast %broadcast_in_dim3A_7 : f32 to vector<16xf32>
    %swap3A_9 = arith.constant 16 : index
    %swap3A_10 = tpu.vector_load %arg5[%swap3A_9] {strides = array<i32>} : memref<80xf32, #tpu.memory_space<vmem>>, vector<16xf32>,
    tpu.vector_store %arg5[%swap3A_9], %broadcast_in_dim3A_8 {strides = array<i32>} : memref<80xf32, #tpu.memory_space<vmem>>, vector<16xf32>,
    %broadcast_in_dim3A_11 = arith.constant 1.000000e+00 : f32
    %broadcast_in_dim3A_12 = vector.broadcast %broadcast_in_dim3A_11 : f32 to vector<16xf32>
    %swap3A_13 = arith.constant 32 : index
    %swap3A_14 = tpu.vector_load %arg5[%swap3A_13] {strides = array<i32>} : memref<80xf32, #tpu.memory_space<vmem>>, vector<16xf32>,
    tpu.vector_store %arg5[%swap3A_13], %broadcast_in_dim3A_12 {strides = array<i32>} : memref<80xf32, #tpu.memory_space<vmem>>, vector<16xf32>,
    %broadcast_in_dim3A_15 = arith.constant 1.000000e+00 : f32
    %broadcast_in_dim3A_16 = vector.broadcast %broadcast_in_dim3A_15 : f32 to vector<16xf32>
    %swap3A_17 = arith.constant 48 : index
    %swap3A_18 = tpu.vector_load %arg5[%swap3A_17] {strides = array<i32>} : memref<80xf32, #tpu.memory_space<vmem>>, vector<16xf32>,
    tpu.vector_store %arg5[%swap3A_17], %broadcast_in_dim3A_16 {strides = array<i32>} : memref<80xf32, #tpu.memory_space<vmem>>, vector<16xf32>,
    %broadcast_in_dim3A_19 = arith.constant 1.000000e+00 : f32
    %broadcast_in_dim3A_20 = vector.broadcast %broadcast_in_dim3A_19 : f32 to vector<16xf32>
    %swap3A_21 = arith.constant 64 : index
    %swap3A_22 = tpu.vector_load %arg5[%swap3A_21] {strides = array<i32>} : memref<80xf32, #tpu.memory_space<vmem>>, vector<16xf32>,
    tpu.vector_store %arg5[%swap3A_21], %broadcast_in_dim3A_20 {strides = array<i32>} : memref<80xf32, #tpu.memory_space<vmem>>, vector<16xf32>,
    %mul3A_23 = arith.constant 640 : i32
    %mul3A_24 = arith.muli %arg1, %mul3A_23 : i32
    "tpu.region"() ({
      %run_scoped3A = tpu.sem_alloc : memref<!tpu.dma_semaphore, #tpu.memory_space<semaphore_mem>>
      %dma_start3A = tpu.memref_slice %arg7[%mul3A_24] : memref<10240xf32, #tpu.memory_space<vmem_shared>> -> memref<640xf32, #tpu.memory_space<vmem_shared>>
      %dma_start3A_35 = tpu.memref_slice %arg7[%mul3A_24] : memref<10240xf32, #tpu.memory_space<vmem_shared>> -> memref<640xf32, #tpu.memory_space<vmem_shared>>
      tpu.enqueue_dma source(%arg6 : memref<640xf32, #tpu.memory_space<vmem>>) target(%dma_start3A_35 : memref<640xf32, #tpu.memory_space<vmem_shared>>) target_semaphore(%run_scoped3A : memref<!tpu.dma_semaphore, #tpu.memory_space<semaphore_mem>>)
      %dma_wait3A = tpu.memref_slice %arg7[%mul3A_24] : memref<10240xf32, #tpu.memory_space<vmem_shared>> -> memref<640xf32, #tpu.memory_space<vmem_shared>>
      %dma_wait3A_36 = tpu.memref_slice %arg7[%mul3A_24] : memref<10240xf32, #tpu.memory_space<vmem_shared>> -> memref<640xf32, #tpu.memory_space<vmem_shared>>
      tpu.wait_dma2 semaphore(%run_scoped3A : memref<!tpu.dma_semaphore, #tpu.memory_space<semaphore_mem>>) src(%arg6 : memref<640xf32, #tpu.memory_space<vmem>>) dst(%dma_wait3A_36 : memref<640xf32, #tpu.memory_space<vmem_shared>>)
      tpu.yield
    }) : () -> ()
    %barrier3A = arith.constant 0 : index
    tpu.barrier barrier_id(%barrier3A)
    %scan3A_25 = arith.constant 0 : i32
    %scan3A_26 = arith.constant 125 : i32
    %scan3A_27 = arith.addi %scan3A_25, %scan3A_26 : i32
    %scan3A_28 = arith.constant 1 : i32
    scf.for %scan3A_35 = %scan3A_25 to %scan3A_27 step %scan3A_28  : i32 {
      %mul3A_36 = arith.constant 1 : i32
      %mul3A_37 = arith.muli %scan3A_35, %mul3A_36 : i32
      %add3A_38 = arith.constant 0 : i32
      %add3A_39 = arith.addi %add3A_38, %mul3A_37 : i32
      %mul3A_40 = arith.constant 10000 : i32
      %mul3A_41 = arith.muli %add3A, %mul3A_40 : i32
      %mul3A_42 = arith.constant 80 : i32
      %mul3A_43 = arith.muli %add3A_39, %mul3A_42 : i32
      %add3A_44 = arith.addi %mul3A_41, %mul3A_43 : i32
      %run_scoped3A = arith.constant 0 : i32
      "tpu.region"() ({
        %run_scoped3A_46 = tpu.sem_alloc : memref<!tpu.dma_semaphore, #tpu.memory_space<semaphore_mem>>
        %dma_start3A = arith.constant 0 : i32
        %dma_start3A_47 = tpu.memref_slice %arg4[%run_scoped3A, %dma_start3A] : memref<1x80xi32, #tpu.memory_space<vmem>> -> memref<1x80xi32, #tpu.memory_space<vmem>>
        %dma_start3A_48 = tpu.memref_squeeze %dma_start3A_47 : memref<1x80xi32, #tpu.memory_space<vmem>> -> memref<80xi32, #tpu.memory_space<vmem>>
        %dma_start3A_49 = tpu.memref_slice %arg2[%add3A_44] : memref<320000xi32, #tpu.memory_space<hbm>> -> memref<80xi32, #tpu.memory_space<hbm>>
        %dma_start3A_50 = arith.constant 0 : i32
        %dma_start3A_51 = tpu.memref_slice %arg4[%run_scoped3A, %dma_start3A_50] : memref<1x80xi32, #tpu.memory_space<vmem>> -> memref<1x80xi32, #tpu.memory_space<vmem>>
        %dma_start3A_52 = tpu.memref_squeeze %dma_start3A_51 : memref<1x80xi32, #tpu.memory_space<vmem>> -> memref<80xi32, #tpu.memory_space<vmem>>
        %dma_start3A_53 = tpu.memref_slice %arg2[%add3A_44] : memref<320000xi32, #tpu.memory_space<hbm>> -> memref<80xi32, #tpu.memory_space<hbm>>
        tpu.enqueue_dma source(%dma_start3A_53 : memref<80xi32, #tpu.memory_space<hbm>>) target(%dma_start3A_52 : memref<80xi32, #tpu.memory_space<vmem>>) target_semaphore(%run_scoped3A_46 : memref<!tpu.dma_semaphore, #tpu.memory_space<semaphore_mem>>)
        %dma_wait3A = arith.constant 0 : i32
        %dma_wait3A_54 = tpu.memref_slice %arg4[%run_scoped3A, %dma_wait3A] : memref<1x80xi32, #tpu.memory_space<vmem>> -> memref<1x80xi32, #tpu.memory_space<vmem>>
        %dma_wait3A_55 = tpu.memref_squeeze %dma_wait3A_54 : memref<1x80xi32, #tpu.memory_space<vmem>> -> memref<80xi32, #tpu.memory_space<vmem>>
        %dma_wait3A_56 = tpu.memref_slice %arg2[%add3A_44] : memref<320000xi32, #tpu.memory_space<hbm>> -> memref<80xi32, #tpu.memory_space<hbm>>
        %dma_wait3A_57 = arith.constant 0 : i32
        %dma_wait3A_58 = tpu.memref_slice %arg4[%run_scoped3A, %dma_wait3A_57] : memref<1x80xi32, #tpu.memory_space<vmem>> -> memref<1x80xi32, #tpu.memory_space<vmem>>
        %dma_wait3A_59 = tpu.memref_squeeze %dma_wait3A_58 : memref<1x80xi32, #tpu.memory_space<vmem>> -> memref<80xi32, #tpu.memory_space<vmem>>
        %dma_wait3A_60 = tpu.memref_slice %arg2[%add3A_44] : memref<320000xi32, #tpu.memory_space<hbm>> -> memref<80xi32, #tpu.memory_space<hbm>>
        tpu.wait_dma2 semaphore(%run_scoped3A_46 : memref<!tpu.dma_semaphore, #tpu.memory_space<semaphore_mem>>) src(%dma_wait3A_60 : memref<80xi32, #tpu.memory_space<hbm>>) dst(%dma_wait3A_59 : memref<80xi32, #tpu.memory_space<vmem>>)
        tpu.yield
      }) : () -> ()
      %run_scoped3A_45 = arith.constant 0 : i32
      "tpu.region"() ({
        %run_scoped3A_46 = tpu.sem_alloc : memref<!tpu.dma_semaphore, #tpu.memory_space<semaphore_mem>>
        %dma_start3A = arith.constant 0 : i32
        %dma_start3A_47 = tpu.memref_slice %arg4[%run_scoped3A_45, %dma_start3A] : memref<1x80xi32, #tpu.memory_space<vmem>> -> memref<1x80xi32, #tpu.memory_space<vmem>>
        %dma_start3A_48 = tpu.memref_squeeze %dma_start3A_47 : memref<1x80xi32, #tpu.memory_space<vmem>> -> memref<80xi32, #tpu.memory_space<vmem>>
        %dma_start3A_49 = arith.constant 0 : i32
        %dma_start3A_50 = tpu.memref_slice %arg7[%dma_start3A_49] : memref<10240xf32, #tpu.memory_space<vmem_shared>> -> memref<10240xf32, #tpu.memory_space<vmem_shared>>
        tpu.enqueue_indirect_dma source(%arg5 : memref<80xf32, #tpu.memory_space<vmem>>) target(%dma_start3A_50 : memref<10240xf32, #tpu.memory_space<vmem_shared>>) offsets(%dma_start3A_48 : memref<80xi32, #tpu.memory_space<vmem>>) semaphore(%run_scoped3A_46 : memref<!tpu.dma_semaphore, #tpu.memory_space<semaphore_mem>>) {add = true}
        %dma_wait3A = arith.constant 0 : i32
        %dma_wait3A_51 = tpu.memref_slice %arg4[%run_scoped3A_45, %dma_wait3A] : memref<1x80xi32, #tpu.memory_space<vmem>> -> memref<1x80xi32, #tpu.memory_space<vmem>>
        %dma_wait3A_52 = tpu.memref_squeeze %dma_wait3A_51 : memref<1x80xi32, #tpu.memory_space<vmem>> -> memref<80xi32, #tpu.memory_space<vmem>>
        %dma_wait3A_53 = arith.constant 0 : i32
        %dma_wait3A_54 = tpu.memref_slice %arg7[%dma_wait3A_53] : memref<10240xf32, #tpu.memory_space<vmem_shared>> -> memref<10240xf32, #tpu.memory_space<vmem_shared>>
        tpu.wait_indirect_dma semaphore(%run_scoped3A_46 : memref<!tpu.dma_semaphore, #tpu.memory_space<semaphore_mem>>) src(%arg5 : memref<80xf32, #tpu.memory_space<vmem>>) dst(%dma_wait3A_54 : memref<10240xf32, #tpu.memory_space<vmem_shared>>)
        tpu.yield
      }) : () -> ()
    }
    %scan3A_29 = arith.constant 125 : i32
    %barrier3A_30 = arith.constant 0 : index
    tpu.barrier barrier_id(%barrier3A_30)
    %mul3A_31 = arith.constant 640 : i32
    %mul3A_32 = arith.muli %arg1, %mul3A_31 : i32
    %mul3A_33 = arith.constant 640 : i32
    %mul3A_34 = arith.muli %arg1, %mul3A_33 : i32
    "tpu.region"() ({
      %run_scoped3A = tpu.sem_alloc : memref<!tpu.dma_semaphore, #tpu.memory_space<semaphore_mem>>
      %dma_start3A = tpu.memref_slice %arg3[%arg0, %mul3A_34] : memref<2x10240xf32, #tpu.memory_space<hbm>> -> memref<1x640xf32, #tpu.memory_space<hbm>>
      %dma_start3A_35 = tpu.memref_squeeze %dma_start3A : memref<1x640xf32, #tpu.memory_space<hbm>> -> memref<640xf32, #tpu.memory_space<hbm>>
      %dma_start3A_36 = tpu.memref_slice %arg7[%mul3A_32] : memref<10240xf32, #tpu.memory_space<vmem_shared>> -> memref<640xf32, #tpu.memory_space<vmem_shared>>
      tpu.enqueue_dma source(%dma_start3A_36 : memref<640xf32, #tpu.memory_space<vmem_shared>>) target(%dma_start3A_35 : memref<640xf32, #tpu.memory_space<hbm>>) target_semaphore(%run_scoped3A : memref<!tpu.dma_semaphore, #tpu.memory_space<semaphore_mem>>)
      %dma_wait3A = tpu.memref_slice %arg3[%arg0, %mul3A_34] : memref<2x10240xf32, #tpu.memory_space<hbm>> -> memref<1x640xf32, #tpu.memory_space<hbm>>
      %dma_wait3A_37 = tpu.memref_squeeze %dma_wait3A : memref<1x640xf32, #tpu.memory_space<hbm>> -> memref<640xf32, #tpu.memory_space<hbm>>
      %dma_wait3A_38 = tpu.memref_slice %arg7[%mul3A_32] : memref<10240xf32, #tpu.memory_space<vmem_shared>> -> memref<640xf32, #tpu.memory_space<vmem_shared>>
      tpu.wait_dma2 semaphore(%run_scoped3A : memref<!tpu.dma_semaphore, #tpu.memory_space<semaphore_mem>>) src(%dma_wait3A_38 : memref<640xf32, #tpu.memory_space<vmem_shared>>) dst(%dma_wait3A_37 : memref<640xf32, #tpu.memory_space<hbm>>)
      tpu.yield
    }) : () -> ()
    return
  }
}

#map = affine_map<(d0, d1) -> (0, 0)>
#map1 = affine_map<(d0, d1) -> (0)>
#map2 = affine_map<(d0, d1) -> (0, 0, 0)>
module attributes {stable_mosaic.version = 14 : i64} {
  func.func @_layer_body(%arg0: i32, %arg1: i32, %arg2: memref<10240x128xf32, #tpu.memory_space<hbm>>, %arg3: memref<10240xf32, #tpu.memory_space<hbm>>, %arg4: memref<10240xf32, #tpu.memory_space<hbm>>, %arg5: memref<10240xf32, #tpu.memory_space<hbm>>, %arg6: memref<320000xi32, #tpu.memory_space<hbm>>, %arg7: memref<320000xi32, #tpu.memory_space<hbm>>, %arg8: memref<2x10240x128xf32, #tpu.memory_space<hbm>>, %arg9: memref<10240xf32, #tpu.memory_space<vmem>>, %arg10: memref<10240xf32, #tpu.memory_space<vmem>>, %arg11: memref<10240xf32, #tpu.memory_space<vmem>>, %arg12: memref<80xi32, #tpu.memory_space<vmem>>, %arg13: memref<1x80xi32, #tpu.memory_space<vmem>>, %arg14: memref<80xf32, #tpu.memory_space<vmem>>, %arg15: memref<80x128xf32, #tpu.memory_space<vmem>>, %arg16: memref<16x128xf32, #tpu.memory_space<vmem>>, %arg17: memref<10240x128xf32, #tpu.memory_space<vmem_shared>>, %arg18: memref<!tpu.dma_semaphore, #tpu.memory_space<semaphore_mem>>) attributes {dimension_semantics = [#tpu.dimension_semantics<core_parallel>, #tpu.dimension_semantics<subcore_parallel>], iteration_bounds = array<i64: 2, 16>, scalar_prefetch = 0 : i64, scratch_operands = 10 : i64, tpu.core_type = #tpu.core_type<sc_vector_subcore>, window_params = [{transform_indices = #map}, {transform_indices = #map1}, {transform_indices = #map1}, {transform_indices = #map1}, {transform_indices = #map1}, {transform_indices = #map1}, {transform_indices = #map2}]} {
    %mul3A = arith.constant 2 : i32
    %mul3A_0 = arith.muli %arg1, %mul3A : i32
    %add3A = arith.addi %mul3A_0, %arg0 : i32
    "tpu.region"() ({
      %run_scoped3A = tpu.sem_alloc : memref<!tpu.dma_semaphore, #tpu.memory_space<semaphore_mem>>
      tpu.enqueue_dma source(%arg3 : memref<10240xf32, #tpu.memory_space<hbm>>) target(%arg9 : memref<10240xf32, #tpu.memory_space<vmem>>) target_semaphore(%run_scoped3A : memref<!tpu.dma_semaphore, #tpu.memory_space<semaphore_mem>>)
      tpu.wait_dma2 semaphore(%run_scoped3A : memref<!tpu.dma_semaphore, #tpu.memory_space<semaphore_mem>>) src(%arg3 : memref<10240xf32, #tpu.memory_space<hbm>>) dst(%arg9 : memref<10240xf32, #tpu.memory_space<vmem>>)
      tpu.yield
    }) : () -> ()
    "tpu.region"() ({
      %run_scoped3A = tpu.sem_alloc : memref<!tpu.dma_semaphore, #tpu.memory_space<semaphore_mem>>
      tpu.enqueue_dma source(%arg4 : memref<10240xf32, #tpu.memory_space<hbm>>) target(%arg10 : memref<10240xf32, #tpu.memory_space<vmem>>) target_semaphore(%run_scoped3A : memref<!tpu.dma_semaphore, #tpu.memory_space<semaphore_mem>>)
      tpu.wait_dma2 semaphore(%run_scoped3A : memref<!tpu.dma_semaphore, #tpu.memory_space<semaphore_mem>>) src(%arg4 : memref<10240xf32, #tpu.memory_space<hbm>>) dst(%arg10 : memref<10240xf32, #tpu.memory_space<vmem>>)
      tpu.yield
    }) : () -> ()
    "tpu.region"() ({
      %run_scoped3A = tpu.sem_alloc : memref<!tpu.dma_semaphore, #tpu.memory_space<semaphore_mem>>
      tpu.enqueue_dma source(%arg5 : memref<10240xf32, #tpu.memory_space<hbm>>) target(%arg11 : memref<10240xf32, #tpu.memory_space<vmem>>) target_semaphore(%run_scoped3A : memref<!tpu.dma_semaphore, #tpu.memory_space<semaphore_mem>>)
      tpu.wait_dma2 semaphore(%run_scoped3A : memref<!tpu.dma_semaphore, #tpu.memory_space<semaphore_mem>>) src(%arg5 : memref<10240xf32, #tpu.memory_space<hbm>>) dst(%arg11 : memref<10240xf32, #tpu.memory_space<vmem>>)
      tpu.yield
    }) : () -> ()
    %scan3A = arith.constant 0 : i32
    %scan3A_1 = arith.constant 16 : i32
    %scan3A_2 = arith.addi %scan3A, %scan3A_1 : i32
    %scan3A_3 = arith.constant 1 : i32
    scf.for %scan3A_175 = %scan3A to %scan3A_2 step %scan3A_3  : i32 {
      %mul3A_176 = arith.constant 1 : i32
      %mul3A_177 = arith.muli %scan3A_175, %mul3A_176 : i32
      %add3A_178 = arith.constant 0 : i32
      %add3A_179 = arith.addi %add3A_178, %mul3A_177 : i32
      %broadcast_in_dim3A = arith.constant 0.000000e+00 : f32
      %broadcast_in_dim3A_180 = vector.broadcast %broadcast_in_dim3A : f32 to vector<16xf32>
      %swap3A = arith.index_cast %add3A_179 : i32 to index
      %swap3A_181 = arith.constant 0 : index
      %swap3A_182 = tpu.vector_load %arg16[%swap3A, %swap3A_181] {strides = array<i32>} : memref<16x128xf32, #tpu.memory_space<vmem>>, vector<16xf32>,
      tpu.vector_store %arg16[%swap3A, %swap3A_181], %broadcast_in_dim3A_180 {strides = array<i32>} : memref<16x128xf32, #tpu.memory_space<vmem>>, vector<16xf32>,
      %broadcast_in_dim3A_183 = arith.constant 0.000000e+00 : f32
      %broadcast_in_dim3A_184 = vector.broadcast %broadcast_in_dim3A_183 : f32 to vector<16xf32>
      %swap3A_185 = arith.index_cast %add3A_179 : i32 to index
      %swap3A_186 = arith.constant 16 : index
      %swap3A_187 = tpu.vector_load %arg16[%swap3A_185, %swap3A_186] {strides = array<i32>} : memref<16x128xf32, #tpu.memory_space<vmem>>, vector<16xf32>,
      tpu.vector_store %arg16[%swap3A_185, %swap3A_186], %broadcast_in_dim3A_184 {strides = array<i32>} : memref<16x128xf32, #tpu.memory_space<vmem>>, vector<16xf32>,
      %broadcast_in_dim3A_188 = arith.constant 0.000000e+00 : f32
      %broadcast_in_dim3A_189 = vector.broadcast %broadcast_in_dim3A_188 : f32 to vector<16xf32>
      %swap3A_190 = arith.index_cast %add3A_179 : i32 to index
      %swap3A_191 = arith.constant 32 : index
      %swap3A_192 = tpu.vector_load %arg16[%swap3A_190, %swap3A_191] {strides = array<i32>} : memref<16x128xf32, #tpu.memory_space<vmem>>, vector<16xf32>,
      tpu.vector_store %arg16[%swap3A_190, %swap3A_191], %broadcast_in_dim3A_189 {strides = array<i32>} : memref<16x128xf32, #tpu.memory_space<vmem>>, vector<16xf32>,
      %broadcast_in_dim3A_193 = arith.constant 0.000000e+00 : f32
      %broadcast_in_dim3A_194 = vector.broadcast %broadcast_in_dim3A_193 : f32 to vector<16xf32>
      %swap3A_195 = arith.index_cast %add3A_179 : i32 to index
      %swap3A_196 = arith.constant 48 : index
      %swap3A_197 = tpu.vector_load %arg16[%swap3A_195, %swap3A_196] {strides = array<i32>} : memref<16x128xf32, #tpu.memory_space<vmem>>, vector<16xf32>,
      tpu.vector_store %arg16[%swap3A_195, %swap3A_196], %broadcast_in_dim3A_194 {strides = array<i32>} : memref<16x128xf32, #tpu.memory_space<vmem>>, vector<16xf32>,
      %broadcast_in_dim3A_198 = arith.constant 0.000000e+00 : f32
      %broadcast_in_dim3A_199 = vector.broadcast %broadcast_in_dim3A_198 : f32 to vector<16xf32>
      %swap3A_200 = arith.index_cast %add3A_179 : i32 to index
      %swap3A_201 = arith.constant 64 : index
      %swap3A_202 = tpu.vector_load %arg16[%swap3A_200, %swap3A_201] {strides = array<i32>} : memref<16x128xf32, #tpu.memory_space<vmem>>, vector<16xf32>,
      tpu.vector_store %arg16[%swap3A_200, %swap3A_201], %broadcast_in_dim3A_199 {strides = array<i32>} : memref<16x128xf32, #tpu.memory_space<vmem>>, vector<16xf32>,
      %broadcast_in_dim3A_203 = arith.constant 0.000000e+00 : f32
      %broadcast_in_dim3A_204 = vector.broadcast %broadcast_in_dim3A_203 : f32 to vector<16xf32>
      %swap3A_205 = arith.index_cast %add3A_179 : i32 to index
      %swap3A_206 = arith.constant 80 : index
      %swap3A_207 = tpu.vector_load %arg16[%swap3A_205, %swap3A_206] {strides = array<i32>} : memref<16x128xf32, #tpu.memory_space<vmem>>, vector<16xf32>,
      tpu.vector_store %arg16[%swap3A_205, %swap3A_206], %broadcast_in_dim3A_204 {strides = array<i32>} : memref<16x128xf32, #tpu.memory_space<vmem>>, vector<16xf32>,
      %broadcast_in_dim3A_208 = arith.constant 0.000000e+00 : f32
      %broadcast_in_dim3A_209 = vector.broadcast %broadcast_in_dim3A_208 : f32 to vector<16xf32>
      %swap3A_210 = arith.index_cast %add3A_179 : i32 to index
      %swap3A_211 = arith.constant 96 : index
      %swap3A_212 = tpu.vector_load %arg16[%swap3A_210, %swap3A_211] {strides = array<i32>} : memref<16x128xf32, #tpu.memory_space<vmem>>, vector<16xf32>,
      tpu.vector_store %arg16[%swap3A_210, %swap3A_211], %broadcast_in_dim3A_209 {strides = array<i32>} : memref<16x128xf32, #tpu.memory_space<vmem>>, vector<16xf32>,
      %broadcast_in_dim3A_213 = arith.constant 0.000000e+00 : f32
      %broadcast_in_dim3A_214 = vector.broadcast %broadcast_in_dim3A_213 : f32 to vector<16xf32>
      %swap3A_215 = arith.index_cast %add3A_179 : i32 to index
      %swap3A_216 = arith.constant 112 : index
      %swap3A_217 = tpu.vector_load %arg16[%swap3A_215, %swap3A_216] {strides = array<i32>} : memref<16x128xf32, #tpu.memory_space<vmem>>, vector<16xf32>,
      tpu.vector_store %arg16[%swap3A_215, %swap3A_216], %broadcast_in_dim3A_214 {strides = array<i32>} : memref<16x128xf32, #tpu.memory_space<vmem>>, vector<16xf32>,
    }
    %scan3A_4 = arith.constant 16 : i32
    %mul3A_5 = arith.constant 640 : i32
    %mul3A_6 = arith.muli %arg1, %mul3A_5 : i32
    %add3A_7 = arith.constant 0 : i32
    %add3A_8 = arith.addi %mul3A_6, %add3A_7 : i32
    "tpu.region"() ({
      %run_scoped3A = tpu.sem_alloc : memref<!tpu.dma_semaphore, #tpu.memory_space<semaphore_mem>>
      %dma_start3A = arith.constant 0 : i32
      %dma_start3A_175 = tpu.memref_slice %arg17[%add3A_8, %dma_start3A] : memref<10240x128xf32, #tpu.memory_space<vmem_shared>> -> memref<16x128xf32, #tpu.memory_space<vmem_shared>>
      %dma_start3A_176 = arith.constant 0 : i32
      %dma_start3A_177 = tpu.memref_slice %arg17[%add3A_8, %dma_start3A_176] : memref<10240x128xf32, #tpu.memory_space<vmem_shared>> -> memref<16x128xf32, #tpu.memory_space<vmem_shared>>
      tpu.enqueue_dma source(%arg16 : memref<16x128xf32, #tpu.memory_space<vmem>>) target(%dma_start3A_177 : memref<16x128xf32, #tpu.memory_space<vmem_shared>>) target_semaphore(%run_scoped3A : memref<!tpu.dma_semaphore, #tpu.memory_space<semaphore_mem>>)
      %dma_wait3A = arith.constant 0 : i32
      %dma_wait3A_178 = tpu.memref_slice %arg17[%add3A_8, %dma_wait3A] : memref<10240x128xf32, #tpu.memory_space<vmem_shared>> -> memref<16x128xf32, #tpu.memory_space<vmem_shared>>
      %dma_wait3A_179 = arith.constant 0 : i32
      %dma_wait3A_180 = tpu.memref_slice %arg17[%add3A_8, %dma_wait3A_179] : memref<10240x128xf32, #tpu.memory_space<vmem_shared>> -> memref<16x128xf32, #tpu.memory_space<vmem_shared>>
      tpu.wait_dma2 semaphore(%run_scoped3A : memref<!tpu.dma_semaphore, #tpu.memory_space<semaphore_mem>>) src(%arg16 : memref<16x128xf32, #tpu.memory_space<vmem>>) dst(%dma_wait3A_180 : memref<16x128xf32, #tpu.memory_space<vmem_shared>>)
      tpu.yield
    }) : () -> ()
    %mul3A_9 = arith.constant 640 : i32
    %mul3A_10 = arith.muli %arg1, %mul3A_9 : i32
    %add3A_11 = arith.constant 16 : i32
    %add3A_12 = arith.addi %mul3A_10, %add3A_11 : i32
    "tpu.region"() ({
      %run_scoped3A = tpu.sem_alloc : memref<!tpu.dma_semaphore, #tpu.memory_space<semaphore_mem>>
      %dma_start3A = arith.constant 0 : i32
      %dma_start3A_175 = tpu.memref_slice %arg17[%add3A_12, %dma_start3A] : memref<10240x128xf32, #tpu.memory_space<vmem_shared>> -> memref<16x128xf32, #tpu.memory_space<vmem_shared>>
      %dma_start3A_176 = arith.constant 0 : i32
      %dma_start3A_177 = tpu.memref_slice %arg17[%add3A_12, %dma_start3A_176] : memref<10240x128xf32, #tpu.memory_space<vmem_shared>> -> memref<16x128xf32, #tpu.memory_space<vmem_shared>>
      tpu.enqueue_dma source(%arg16 : memref<16x128xf32, #tpu.memory_space<vmem>>) target(%dma_start3A_177 : memref<16x128xf32, #tpu.memory_space<vmem_shared>>) target_semaphore(%run_scoped3A : memref<!tpu.dma_semaphore, #tpu.memory_space<semaphore_mem>>)
      %dma_wait3A = arith.constant 0 : i32
      %dma_wait3A_178 = tpu.memref_slice %arg17[%add3A_12, %dma_wait3A] : memref<10240x128xf32, #tpu.memory_space<vmem_shared>> -> memref<16x128xf32, #tpu.memory_space<vmem_shared>>
      %dma_wait3A_179 = arith.constant 0 : i32
      %dma_wait3A_180 = tpu.memref_slice %arg17[%add3A_12, %dma_wait3A_179] : memref<10240x128xf32, #tpu.memory_space<vmem_shared>> -> memref<16x128xf32, #tpu.memory_space<vmem_shared>>
      tpu.wait_dma2 semaphore(%run_scoped3A : memref<!tpu.dma_semaphore, #tpu.memory_space<semaphore_mem>>) src(%arg16 : memref<16x128xf32, #tpu.memory_space<vmem>>) dst(%dma_wait3A_180 : memref<16x128xf32, #tpu.memory_space<vmem_shared>>)
      tpu.yield
    }) : () -> ()
    %mul3A_13 = arith.constant 640 : i32
    %mul3A_14 = arith.muli %arg1, %mul3A_13 : i32
    %add3A_15 = arith.constant 32 : i32
    %add3A_16 = arith.addi %mul3A_14, %add3A_15 : i32
    "tpu.region"() ({
      %run_scoped3A = tpu.sem_alloc : memref<!tpu.dma_semaphore, #tpu.memory_space<semaphore_mem>>
      %dma_start3A = arith.constant 0 : i32
      %dma_start3A_175 = tpu.memref_slice %arg17[%add3A_16, %dma_start3A] : memref<10240x128xf32, #tpu.memory_space<vmem_shared>> -> memref<16x128xf32, #tpu.memory_space<vmem_shared>>
      %dma_start3A_176 = arith.constant 0 : i32
      %dma_start3A_177 = tpu.memref_slice %arg17[%add3A_16, %dma_start3A_176] : memref<10240x128xf32, #tpu.memory_space<vmem_shared>> -> memref<16x128xf32, #tpu.memory_space<vmem_shared>>
      tpu.enqueue_dma source(%arg16 : memref<16x128xf32, #tpu.memory_space<vmem>>) target(%dma_start3A_177 : memref<16x128xf32, #tpu.memory_space<vmem_shared>>) target_semaphore(%run_scoped3A : memref<!tpu.dma_semaphore, #tpu.memory_space<semaphore_mem>>)
      %dma_wait3A = arith.constant 0 : i32
      %dma_wait3A_178 = tpu.memref_slice %arg17[%add3A_16, %dma_wait3A] : memref<10240x128xf32, #tpu.memory_space<vmem_shared>> -> memref<16x128xf32, #tpu.memory_space<vmem_shared>>
      %dma_wait3A_179 = arith.constant 0 : i32
      %dma_wait3A_180 = tpu.memref_slice %arg17[%add3A_16, %dma_wait3A_179] : memref<10240x128xf32, #tpu.memory_space<vmem_shared>> -> memref<16x128xf32, #tpu.memory_space<vmem_shared>>
      tpu.wait_dma2 semaphore(%run_scoped3A : memref<!tpu.dma_semaphore, #tpu.memory_space<semaphore_mem>>) src(%arg16 : memref<16x128xf32, #tpu.memory_space<vmem>>) dst(%dma_wait3A_180 : memref<16x128xf32, #tpu.memory_space<vmem_shared>>)
      tpu.yield
    }) : () -> ()
    %mul3A_17 = arith.constant 640 : i32
    %mul3A_18 = arith.muli %arg1, %mul3A_17 : i32
    %add3A_19 = arith.constant 48 : i32
    %add3A_20 = arith.addi %mul3A_18, %add3A_19 : i32
    "tpu.region"() ({
      %run_scoped3A = tpu.sem_alloc : memref<!tpu.dma_semaphore, #tpu.memory_space<semaphore_mem>>
      %dma_start3A = arith.constant 0 : i32
      %dma_start3A_175 = tpu.memref_slice %arg17[%add3A_20, %dma_start3A] : memref<10240x128xf32, #tpu.memory_space<vmem_shared>> -> memref<16x128xf32, #tpu.memory_space<vmem_shared>>
      %dma_start3A_176 = arith.constant 0 : i32
      %dma_start3A_177 = tpu.memref_slice %arg17[%add3A_20, %dma_start3A_176] : memref<10240x128xf32, #tpu.memory_space<vmem_shared>> -> memref<16x128xf32, #tpu.memory_space<vmem_shared>>
      tpu.enqueue_dma source(%arg16 : memref<16x128xf32, #tpu.memory_space<vmem>>) target(%dma_start3A_177 : memref<16x128xf32, #tpu.memory_space<vmem_shared>>) target_semaphore(%run_scoped3A : memref<!tpu.dma_semaphore, #tpu.memory_space<semaphore_mem>>)
      %dma_wait3A = arith.constant 0 : i32
      %dma_wait3A_178 = tpu.memref_slice %arg17[%add3A_20, %dma_wait3A] : memref<10240x128xf32, #tpu.memory_space<vmem_shared>> -> memref<16x128xf32, #tpu.memory_space<vmem_shared>>
      %dma_wait3A_179 = arith.constant 0 : i32
      %dma_wait3A_180 = tpu.memref_slice %arg17[%add3A_20, %dma_wait3A_179] : memref<10240x128xf32, #tpu.memory_space<vmem_shared>> -> memref<16x128xf32, #tpu.memory_space<vmem_shared>>
      tpu.wait_dma2 semaphore(%run_scoped3A : memref<!tpu.dma_semaphore, #tpu.memory_space<semaphore_mem>>) src(%arg16 : memref<16x128xf32, #tpu.memory_space<vmem>>) dst(%dma_wait3A_180 : memref<16x128xf32, #tpu.memory_space<vmem_shared>>)
      tpu.yield
    }) : () -> ()
    %mul3A_21 = arith.constant 640 : i32
    %mul3A_22 = arith.muli %arg1, %mul3A_21 : i32
    %add3A_23 = arith.constant 64 : i32
    %add3A_24 = arith.addi %mul3A_22, %add3A_23 : i32
    "tpu.region"() ({
      %run_scoped3A = tpu.sem_alloc : memref<!tpu.dma_semaphore, #tpu.memory_space<semaphore_mem>>
      %dma_start3A = arith.constant 0 : i32
      %dma_start3A_175 = tpu.memref_slice %arg17[%add3A_24, %dma_start3A] : memref<10240x128xf32, #tpu.memory_space<vmem_shared>> -> memref<16x128xf32, #tpu.memory_space<vmem_shared>>
      %dma_start3A_176 = arith.constant 0 : i32
      %dma_start3A_177 = tpu.memref_slice %arg17[%add3A_24, %dma_start3A_176] : memref<10240x128xf32, #tpu.memory_space<vmem_shared>> -> memref<16x128xf32, #tpu.memory_space<vmem_shared>>
      tpu.enqueue_dma source(%arg16 : memref<16x128xf32, #tpu.memory_space<vmem>>) target(%dma_start3A_177 : memref<16x128xf32, #tpu.memory_space<vmem_shared>>) target_semaphore(%run_scoped3A : memref<!tpu.dma_semaphore, #tpu.memory_space<semaphore_mem>>)
      %dma_wait3A = arith.constant 0 : i32
      %dma_wait3A_178 = tpu.memref_slice %arg17[%add3A_24, %dma_wait3A] : memref<10240x128xf32, #tpu.memory_space<vmem_shared>> -> memref<16x128xf32, #tpu.memory_space<vmem_shared>>
      %dma_wait3A_179 = arith.constant 0 : i32
      %dma_wait3A_180 = tpu.memref_slice %arg17[%add3A_24, %dma_wait3A_179] : memref<10240x128xf32, #tpu.memory_space<vmem_shared>> -> memref<16x128xf32, #tpu.memory_space<vmem_shared>>
      tpu.wait_dma2 semaphore(%run_scoped3A : memref<!tpu.dma_semaphore, #tpu.memory_space<semaphore_mem>>) src(%arg16 : memref<16x128xf32, #tpu.memory_space<vmem>>) dst(%dma_wait3A_180 : memref<16x128xf32, #tpu.memory_space<vmem_shared>>)
      tpu.yield
    }) : () -> ()
    %mul3A_25 = arith.constant 640 : i32
    %mul3A_26 = arith.muli %arg1, %mul3A_25 : i32
    %add3A_27 = arith.constant 80 : i32
    %add3A_28 = arith.addi %mul3A_26, %add3A_27 : i32
    "tpu.region"() ({
      %run_scoped3A = tpu.sem_alloc : memref<!tpu.dma_semaphore, #tpu.memory_space<semaphore_mem>>
      %dma_start3A = arith.constant 0 : i32
      %dma_start3A_175 = tpu.memref_slice %arg17[%add3A_28, %dma_start3A] : memref<10240x128xf32, #tpu.memory_space<vmem_shared>> -> memref<16x128xf32, #tpu.memory_space<vmem_shared>>
      %dma_start3A_176 = arith.constant 0 : i32
      %dma_start3A_177 = tpu.memref_slice %arg17[%add3A_28, %dma_start3A_176] : memref<10240x128xf32, #tpu.memory_space<vmem_shared>> -> memref<16x128xf32, #tpu.memory_space<vmem_shared>>
      tpu.enqueue_dma source(%arg16 : memref<16x128xf32, #tpu.memory_space<vmem>>) target(%dma_start3A_177 : memref<16x128xf32, #tpu.memory_space<vmem_shared>>) target_semaphore(%run_scoped3A : memref<!tpu.dma_semaphore, #tpu.memory_space<semaphore_mem>>)
      %dma_wait3A = arith.constant 0 : i32
      %dma_wait3A_178 = tpu.memref_slice %arg17[%add3A_28, %dma_wait3A] : memref<10240x128xf32, #tpu.memory_space<vmem_shared>> -> memref<16x128xf32, #tpu.memory_space<vmem_shared>>
      %dma_wait3A_179 = arith.constant 0 : i32
      %dma_wait3A_180 = tpu.memref_slice %arg17[%add3A_28, %dma_wait3A_179] : memref<10240x128xf32, #tpu.memory_space<vmem_shared>> -> memref<16x128xf32, #tpu.memory_space<vmem_shared>>
      tpu.wait_dma2 semaphore(%run_scoped3A : memref<!tpu.dma_semaphore, #tpu.memory_space<semaphore_mem>>) src(%arg16 : memref<16x128xf32, #tpu.memory_space<vmem>>) dst(%dma_wait3A_180 : memref<16x128xf32, #tpu.memory_space<vmem_shared>>)
      tpu.yield
    }) : () -> ()
    %mul3A_29 = arith.constant 640 : i32
    %mul3A_30 = arith.muli %arg1, %mul3A_29 : i32
    %add3A_31 = arith.constant 96 : i32
    %add3A_32 = arith.addi %mul3A_30, %add3A_31 : i32
    "tpu.region"() ({
      %run_scoped3A = tpu.sem_alloc : memref<!tpu.dma_semaphore, #tpu.memory_space<semaphore_mem>>
      %dma_start3A = arith.constant 0 : i32
      %dma_start3A_175 = tpu.memref_slice %arg17[%add3A_32, %dma_start3A] : memref<10240x128xf32, #tpu.memory_space<vmem_shared>> -> memref<16x128xf32, #tpu.memory_space<vmem_shared>>
      %dma_start3A_176 = arith.constant 0 : i32
      %dma_start3A_177 = tpu.memref_slice %arg17[%add3A_32, %dma_start3A_176] : memref<10240x128xf32, #tpu.memory_space<vmem_shared>> -> memref<16x128xf32, #tpu.memory_space<vmem_shared>>
      tpu.enqueue_dma source(%arg16 : memref<16x128xf32, #tpu.memory_space<vmem>>) target(%dma_start3A_177 : memref<16x128xf32, #tpu.memory_space<vmem_shared>>) target_semaphore(%run_scoped3A : memref<!tpu.dma_semaphore, #tpu.memory_space<semaphore_mem>>)
      %dma_wait3A = arith.constant 0 : i32
      %dma_wait3A_178 = tpu.memref_slice %arg17[%add3A_32, %dma_wait3A] : memref<10240x128xf32, #tpu.memory_space<vmem_shared>> -> memref<16x128xf32, #tpu.memory_space<vmem_shared>>
      %dma_wait3A_179 = arith.constant 0 : i32
      %dma_wait3A_180 = tpu.memref_slice %arg17[%add3A_32, %dma_wait3A_179] : memref<10240x128xf32, #tpu.memory_space<vmem_shared>> -> memref<16x128xf32, #tpu.memory_space<vmem_shared>>
      tpu.wait_dma2 semaphore(%run_scoped3A : memref<!tpu.dma_semaphore, #tpu.memory_space<semaphore_mem>>) src(%arg16 : memref<16x128xf32, #tpu.memory_space<vmem>>) dst(%dma_wait3A_180 : memref<16x128xf32, #tpu.memory_space<vmem_shared>>)
      tpu.yield
    }) : () -> ()
    %mul3A_33 = arith.constant 640 : i32
    %mul3A_34 = arith.muli %arg1, %mul3A_33 : i32
    %add3A_35 = arith.constant 112 : i32
    %add3A_36 = arith.addi %mul3A_34, %add3A_35 : i32
    "tpu.region"() ({
      %run_scoped3A = tpu.sem_alloc : memref<!tpu.dma_semaphore, #tpu.memory_space<semaphore_mem>>
      %dma_start3A = arith.constant 0 : i32
      %dma_start3A_175 = tpu.memref_slice %arg17[%add3A_36, %dma_start3A] : memref<10240x128xf32, #tpu.memory_space<vmem_shared>> -> memref<16x128xf32, #tpu.memory_space<vmem_shared>>
      %dma_start3A_176 = arith.constant 0 : i32
      %dma_start3A_177 = tpu.memref_slice %arg17[%add3A_36, %dma_start3A_176] : memref<10240x128xf32, #tpu.memory_space<vmem_shared>> -> memref<16x128xf32, #tpu.memory_space<vmem_shared>>
      tpu.enqueue_dma source(%arg16 : memref<16x128xf32, #tpu.memory_space<vmem>>) target(%dma_start3A_177 : memref<16x128xf32, #tpu.memory_space<vmem_shared>>) target_semaphore(%run_scoped3A : memref<!tpu.dma_semaphore, #tpu.memory_space<semaphore_mem>>)
      %dma_wait3A = arith.constant 0 : i32
      %dma_wait3A_178 = tpu.memref_slice %arg17[%add3A_36, %dma_wait3A] : memref<10240x128xf32, #tpu.memory_space<vmem_shared>> -> memref<16x128xf32, #tpu.memory_space<vmem_shared>>
      %dma_wait3A_179 = arith.constant 0 : i32
      %dma_wait3A_180 = tpu.memref_slice %arg17[%add3A_36, %dma_wait3A_179] : memref<10240x128xf32, #tpu.memory_space<vmem_shared>> -> memref<16x128xf32, #tpu.memory_space<vmem_shared>>
      tpu.wait_dma2 semaphore(%run_scoped3A : memref<!tpu.dma_semaphore, #tpu.memory_space<semaphore_mem>>) src(%arg16 : memref<16x128xf32, #tpu.memory_space<vmem>>) dst(%dma_wait3A_180 : memref<16x128xf32, #tpu.memory_space<vmem_shared>>)
      tpu.yield
    }) : () -> ()
    %mul3A_37 = arith.constant 640 : i32
    %mul3A_38 = arith.muli %arg1, %mul3A_37 : i32
    %add3A_39 = arith.constant 128 : i32
    %add3A_40 = arith.addi %mul3A_38, %add3A_39 : i32
    "tpu.region"() ({
      %run_scoped3A = tpu.sem_alloc : memref<!tpu.dma_semaphore, #tpu.memory_space<semaphore_mem>>
      %dma_start3A = arith.constant 0 : i32
      %dma_start3A_175 = tpu.memref_slice %arg17[%add3A_40, %dma_start3A] : memref<10240x128xf32, #tpu.memory_space<vmem_shared>> -> memref<16x128xf32, #tpu.memory_space<vmem_shared>>
      %dma_start3A_176 = arith.constant 0 : i32
      %dma_start3A_177 = tpu.memref_slice %arg17[%add3A_40, %dma_start3A_176] : memref<10240x128xf32, #tpu.memory_space<vmem_shared>> -> memref<16x128xf32, #tpu.memory_space<vmem_shared>>
      tpu.enqueue_dma source(%arg16 : memref<16x128xf32, #tpu.memory_space<vmem>>) target(%dma_start3A_177 : memref<16x128xf32, #tpu.memory_space<vmem_shared>>) target_semaphore(%run_scoped3A : memref<!tpu.dma_semaphore, #tpu.memory_space<semaphore_mem>>)
      %dma_wait3A = arith.constant 0 : i32
      %dma_wait3A_178 = tpu.memref_slice %arg17[%add3A_40, %dma_wait3A] : memref<10240x128xf32, #tpu.memory_space<vmem_shared>> -> memref<16x128xf32, #tpu.memory_space<vmem_shared>>
      %dma_wait3A_179 = arith.constant 0 : i32
      %dma_wait3A_180 = tpu.memref_slice %arg17[%add3A_40, %dma_wait3A_179] : memref<10240x128xf32, #tpu.memory_space<vmem_shared>> -> memref<16x128xf32, #tpu.memory_space<vmem_shared>>
      tpu.wait_dma2 semaphore(%run_scoped3A : memref<!tpu.dma_semaphore, #tpu.memory_space<semaphore_mem>>) src(%arg16 : memref<16x128xf32, #tpu.memory_space<vmem>>) dst(%dma_wait3A_180 : memref<16x128xf32, #tpu.memory_space<vmem_shared>>)
      tpu.yield
    }) : () -> ()
    %mul3A_41 = arith.constant 640 : i32
    %mul3A_42 = arith.muli %arg1, %mul3A_41 : i32
    %add3A_43 = arith.constant 144 : i32
    %add3A_44 = arith.addi %mul3A_42, %add3A_43 : i32
    "tpu.region"() ({
      %run_scoped3A = tpu.sem_alloc : memref<!tpu.dma_semaphore, #tpu.memory_space<semaphore_mem>>
      %dma_start3A = arith.constant 0 : i32
      %dma_start3A_175 = tpu.memref_slice %arg17[%add3A_44, %dma_start3A] : memref<10240x128xf32, #tpu.memory_space<vmem_shared>> -> memref<16x128xf32, #tpu.memory_space<vmem_shared>>
      %dma_start3A_176 = arith.constant 0 : i32
      %dma_start3A_177 = tpu.memref_slice %arg17[%add3A_44, %dma_start3A_176] : memref<10240x128xf32, #tpu.memory_space<vmem_shared>> -> memref<16x128xf32, #tpu.memory_space<vmem_shared>>
      tpu.enqueue_dma source(%arg16 : memref<16x128xf32, #tpu.memory_space<vmem>>) target(%dma_start3A_177 : memref<16x128xf32, #tpu.memory_space<vmem_shared>>) target_semaphore(%run_scoped3A : memref<!tpu.dma_semaphore, #tpu.memory_space<semaphore_mem>>)
      %dma_wait3A = arith.constant 0 : i32
      %dma_wait3A_178 = tpu.memref_slice %arg17[%add3A_44, %dma_wait3A] : memref<10240x128xf32, #tpu.memory_space<vmem_shared>> -> memref<16x128xf32, #tpu.memory_space<vmem_shared>>
      %dma_wait3A_179 = arith.constant 0 : i32
      %dma_wait3A_180 = tpu.memref_slice %arg17[%add3A_44, %dma_wait3A_179] : memref<10240x128xf32, #tpu.memory_space<vmem_shared>> -> memref<16x128xf32, #tpu.memory_space<vmem_shared>>
      tpu.wait_dma2 semaphore(%run_scoped3A : memref<!tpu.dma_semaphore, #tpu.memory_space<semaphore_mem>>) src(%arg16 : memref<16x128xf32, #tpu.memory_space<vmem>>) dst(%dma_wait3A_180 : memref<16x128xf32, #tpu.memory_space<vmem_shared>>)
      tpu.yield
    }) : () -> ()
    %mul3A_45 = arith.constant 640 : i32
    %mul3A_46 = arith.muli %arg1, %mul3A_45 : i32
    %add3A_47 = arith.constant 160 : i32
    %add3A_48 = arith.addi %mul3A_46, %add3A_47 : i32
    "tpu.region"() ({
      %run_scoped3A = tpu.sem_alloc : memref<!tpu.dma_semaphore, #tpu.memory_space<semaphore_mem>>
      %dma_start3A = arith.constant 0 : i32
      %dma_start3A_175 = tpu.memref_slice %arg17[%add3A_48, %dma_start3A] : memref<10240x128xf32, #tpu.memory_space<vmem_shared>> -> memref<16x128xf32, #tpu.memory_space<vmem_shared>>
      %dma_start3A_176 = arith.constant 0 : i32
      %dma_start3A_177 = tpu.memref_slice %arg17[%add3A_48, %dma_start3A_176] : memref<10240x128xf32, #tpu.memory_space<vmem_shared>> -> memref<16x128xf32, #tpu.memory_space<vmem_shared>>
      tpu.enqueue_dma source(%arg16 : memref<16x128xf32, #tpu.memory_space<vmem>>) target(%dma_start3A_177 : memref<16x128xf32, #tpu.memory_space<vmem_shared>>) target_semaphore(%run_scoped3A : memref<!tpu.dma_semaphore, #tpu.memory_space<semaphore_mem>>)
      %dma_wait3A = arith.constant 0 : i32
      %dma_wait3A_178 = tpu.memref_slice %arg17[%add3A_48, %dma_wait3A] : memref<10240x128xf32, #tpu.memory_space<vmem_shared>> -> memref<16x128xf32, #tpu.memory_space<vmem_shared>>
      %dma_wait3A_179 = arith.constant 0 : i32
      %dma_wait3A_180 = tpu.memref_slice %arg17[%add3A_48, %dma_wait3A_179] : memref<10240x128xf32, #tpu.memory_space<vmem_shared>> -> memref<16x128xf32, #tpu.memory_space<vmem_shared>>
      tpu.wait_dma2 semaphore(%run_scoped3A : memref<!tpu.dma_semaphore, #tpu.memory_space<semaphore_mem>>) src(%arg16 : memref<16x128xf32, #tpu.memory_space<vmem>>) dst(%dma_wait3A_180 : memref<16x128xf32, #tpu.memory_space<vmem_shared>>)
      tpu.yield
    }) : () -> ()
    %mul3A_49 = arith.constant 640 : i32
    %mul3A_50 = arith.muli %arg1, %mul3A_49 : i32
    %add3A_51 = arith.constant 176 : i32
    %add3A_52 = arith.addi %mul3A_50, %add3A_51 : i32
    "tpu.region"() ({
      %run_scoped3A = tpu.sem_alloc : memref<!tpu.dma_semaphore, #tpu.memory_space<semaphore_mem>>
      %dma_start3A = arith.constant 0 : i32
      %dma_start3A_175 = tpu.memref_slice %arg17[%add3A_52, %dma_start3A] : memref<10240x128xf32, #tpu.memory_space<vmem_shared>> -> memref<16x128xf32, #tpu.memory_space<vmem_shared>>
      %dma_start3A_176 = arith.constant 0 : i32
      %dma_start3A_177 = tpu.memref_slice %arg17[%add3A_52, %dma_start3A_176] : memref<10240x128xf32, #tpu.memory_space<vmem_shared>> -> memref<16x128xf32, #tpu.memory_space<vmem_shared>>
      tpu.enqueue_dma source(%arg16 : memref<16x128xf32, #tpu.memory_space<vmem>>) target(%dma_start3A_177 : memref<16x128xf32, #tpu.memory_space<vmem_shared>>) target_semaphore(%run_scoped3A : memref<!tpu.dma_semaphore, #tpu.memory_space<semaphore_mem>>)
      %dma_wait3A = arith.constant 0 : i32
      %dma_wait3A_178 = tpu.memref_slice %arg17[%add3A_52, %dma_wait3A] : memref<10240x128xf32, #tpu.memory_space<vmem_shared>> -> memref<16x128xf32, #tpu.memory_space<vmem_shared>>
      %dma_wait3A_179 = arith.constant 0 : i32
      %dma_wait3A_180 = tpu.memref_slice %arg17[%add3A_52, %dma_wait3A_179] : memref<10240x128xf32, #tpu.memory_space<vmem_shared>> -> memref<16x128xf32, #tpu.memory_space<vmem_shared>>
      tpu.wait_dma2 semaphore(%run_scoped3A : memref<!tpu.dma_semaphore, #tpu.memory_space<semaphore_mem>>) src(%arg16 : memref<16x128xf32, #tpu.memory_space<vmem>>) dst(%dma_wait3A_180 : memref<16x128xf32, #tpu.memory_space<vmem_shared>>)
      tpu.yield
    }) : () -> ()
    %mul3A_53 = arith.constant 640 : i32
    %mul3A_54 = arith.muli %arg1, %mul3A_53 : i32
    %add3A_55 = arith.constant 192 : i32
    %add3A_56 = arith.addi %mul3A_54, %add3A_55 : i32
    "tpu.region"() ({
      %run_scoped3A = tpu.sem_alloc : memref<!tpu.dma_semaphore, #tpu.memory_space<semaphore_mem>>
      %dma_start3A = arith.constant 0 : i32
      %dma_start3A_175 = tpu.memref_slice %arg17[%add3A_56, %dma_start3A] : memref<10240x128xf32, #tpu.memory_space<vmem_shared>> -> memref<16x128xf32, #tpu.memory_space<vmem_shared>>
      %dma_start3A_176 = arith.constant 0 : i32
      %dma_start3A_177 = tpu.memref_slice %arg17[%add3A_56, %dma_start3A_176] : memref<10240x128xf32, #tpu.memory_space<vmem_shared>> -> memref<16x128xf32, #tpu.memory_space<vmem_shared>>
      tpu.enqueue_dma source(%arg16 : memref<16x128xf32, #tpu.memory_space<vmem>>) target(%dma_start3A_177 : memref<16x128xf32, #tpu.memory_space<vmem_shared>>) target_semaphore(%run_scoped3A : memref<!tpu.dma_semaphore, #tpu.memory_space<semaphore_mem>>)
      %dma_wait3A = arith.constant 0 : i32
      %dma_wait3A_178 = tpu.memref_slice %arg17[%add3A_56, %dma_wait3A] : memref<10240x128xf32, #tpu.memory_space<vmem_shared>> -> memref<16x128xf32, #tpu.memory_space<vmem_shared>>
      %dma_wait3A_179 = arith.constant 0 : i32
      %dma_wait3A_180 = tpu.memref_slice %arg17[%add3A_56, %dma_wait3A_179] : memref<10240x128xf32, #tpu.memory_space<vmem_shared>> -> memref<16x128xf32, #tpu.memory_space<vmem_shared>>
      tpu.wait_dma2 semaphore(%run_scoped3A : memref<!tpu.dma_semaphore, #tpu.memory_space<semaphore_mem>>) src(%arg16 : memref<16x128xf32, #tpu.memory_space<vmem>>) dst(%dma_wait3A_180 : memref<16x128xf32, #tpu.memory_space<vmem_shared>>)
      tpu.yield
    }) : () -> ()
    %mul3A_57 = arith.constant 640 : i32
    %mul3A_58 = arith.muli %arg1, %mul3A_57 : i32
    %add3A_59 = arith.constant 208 : i32
    %add3A_60 = arith.addi %mul3A_58, %add3A_59 : i32
    "tpu.region"() ({
      %run_scoped3A = tpu.sem_alloc : memref<!tpu.dma_semaphore, #tpu.memory_space<semaphore_mem>>
      %dma_start3A = arith.constant 0 : i32
      %dma_start3A_175 = tpu.memref_slice %arg17[%add3A_60, %dma_start3A] : memref<10240x128xf32, #tpu.memory_space<vmem_shared>> -> memref<16x128xf32, #tpu.memory_space<vmem_shared>>
      %dma_start3A_176 = arith.constant 0 : i32
      %dma_start3A_177 = tpu.memref_slice %arg17[%add3A_60, %dma_start3A_176] : memref<10240x128xf32, #tpu.memory_space<vmem_shared>> -> memref<16x128xf32, #tpu.memory_space<vmem_shared>>
      tpu.enqueue_dma source(%arg16 : memref<16x128xf32, #tpu.memory_space<vmem>>) target(%dma_start3A_177 : memref<16x128xf32, #tpu.memory_space<vmem_shared>>) target_semaphore(%run_scoped3A : memref<!tpu.dma_semaphore, #tpu.memory_space<semaphore_mem>>)
      %dma_wait3A = arith.constant 0 : i32
      %dma_wait3A_178 = tpu.memref_slice %arg17[%add3A_60, %dma_wait3A] : memref<10240x128xf32, #tpu.memory_space<vmem_shared>> -> memref<16x128xf32, #tpu.memory_space<vmem_shared>>
      %dma_wait3A_179 = arith.constant 0 : i32
      %dma_wait3A_180 = tpu.memref_slice %arg17[%add3A_60, %dma_wait3A_179] : memref<10240x128xf32, #tpu.memory_space<vmem_shared>> -> memref<16x128xf32, #tpu.memory_space<vmem_shared>>
      tpu.wait_dma2 semaphore(%run_scoped3A : memref<!tpu.dma_semaphore, #tpu.memory_space<semaphore_mem>>) src(%arg16 : memref<16x128xf32, #tpu.memory_space<vmem>>) dst(%dma_wait3A_180 : memref<16x128xf32, #tpu.memory_space<vmem_shared>>)
      tpu.yield
    }) : () -> ()
    %mul3A_61 = arith.constant 640 : i32
    %mul3A_62 = arith.muli %arg1, %mul3A_61 : i32
    %add3A_63 = arith.constant 224 : i32
    %add3A_64 = arith.addi %mul3A_62, %add3A_63 : i32
    "tpu.region"() ({
      %run_scoped3A = tpu.sem_alloc : memref<!tpu.dma_semaphore, #tpu.memory_space<semaphore_mem>>
      %dma_start3A = arith.constant 0 : i32
      %dma_start3A_175 = tpu.memref_slice %arg17[%add3A_64, %dma_start3A] : memref<10240x128xf32, #tpu.memory_space<vmem_shared>> -> memref<16x128xf32, #tpu.memory_space<vmem_shared>>
      %dma_start3A_176 = arith.constant 0 : i32
      %dma_start3A_177 = tpu.memref_slice %arg17[%add3A_64, %dma_start3A_176] : memref<10240x128xf32, #tpu.memory_space<vmem_shared>> -> memref<16x128xf32, #tpu.memory_space<vmem_shared>>
      tpu.enqueue_dma source(%arg16 : memref<16x128xf32, #tpu.memory_space<vmem>>) target(%dma_start3A_177 : memref<16x128xf32, #tpu.memory_space<vmem_shared>>) target_semaphore(%run_scoped3A : memref<!tpu.dma_semaphore, #tpu.memory_space<semaphore_mem>>)
      %dma_wait3A = arith.constant 0 : i32
      %dma_wait3A_178 = tpu.memref_slice %arg17[%add3A_64, %dma_wait3A] : memref<10240x128xf32, #tpu.memory_space<vmem_shared>> -> memref<16x128xf32, #tpu.memory_space<vmem_shared>>
      %dma_wait3A_179 = arith.constant 0 : i32
      %dma_wait3A_180 = tpu.memref_slice %arg17[%add3A_64, %dma_wait3A_179] : memref<10240x128xf32, #tpu.memory_space<vmem_shared>> -> memref<16x128xf32, #tpu.memory_space<vmem_shared>>
      tpu.wait_dma2 semaphore(%run_scoped3A : memref<!tpu.dma_semaphore, #tpu.memory_space<semaphore_mem>>) src(%arg16 : memref<16x128xf32, #tpu.memory_space<vmem>>) dst(%dma_wait3A_180 : memref<16x128xf32, #tpu.memory_space<vmem_shared>>)
      tpu.yield
    }) : () -> ()
    %mul3A_65 = arith.constant 640 : i32
    %mul3A_66 = arith.muli %arg1, %mul3A_65 : i32
    %add3A_67 = arith.constant 240 : i32
    %add3A_68 = arith.addi %mul3A_66, %add3A_67 : i32
    "tpu.region"() ({
      %run_scoped3A = tpu.sem_alloc : memref<!tpu.dma_semaphore, #tpu.memory_space<semaphore_mem>>
      %dma_start3A = arith.constant 0 : i32
      %dma_start3A_175 = tpu.memref_slice %arg17[%add3A_68, %dma_start3A] : memref<10240x128xf32, #tpu.memory_space<vmem_shared>> -> memref<16x128xf32, #tpu.memory_space<vmem_shared>>
      %dma_start3A_176 = arith.constant 0 : i32
      %dma_start3A_177 = tpu.memref_slice %arg17[%add3A_68, %dma_start3A_176] : memref<10240x128xf32, #tpu.memory_space<vmem_shared>> -> memref<16x128xf32, #tpu.memory_space<vmem_shared>>
      tpu.enqueue_dma source(%arg16 : memref<16x128xf32, #tpu.memory_space<vmem>>) target(%dma_start3A_177 : memref<16x128xf32, #tpu.memory_space<vmem_shared>>) target_semaphore(%run_scoped3A : memref<!tpu.dma_semaphore, #tpu.memory_space<semaphore_mem>>)
      %dma_wait3A = arith.constant 0 : i32
      %dma_wait3A_178 = tpu.memref_slice %arg17[%add3A_68, %dma_wait3A] : memref<10240x128xf32, #tpu.memory_space<vmem_shared>> -> memref<16x128xf32, #tpu.memory_space<vmem_shared>>
      %dma_wait3A_179 = arith.constant 0 : i32
      %dma_wait3A_180 = tpu.memref_slice %arg17[%add3A_68, %dma_wait3A_179] : memref<10240x128xf32, #tpu.memory_space<vmem_shared>> -> memref<16x128xf32, #tpu.memory_space<vmem_shared>>
      tpu.wait_dma2 semaphore(%run_scoped3A : memref<!tpu.dma_semaphore, #tpu.memory_space<semaphore_mem>>) src(%arg16 : memref<16x128xf32, #tpu.memory_space<vmem>>) dst(%dma_wait3A_180 : memref<16x128xf32, #tpu.memory_space<vmem_shared>>)
      tpu.yield
    }) : () -> ()
    %mul3A_69 = arith.constant 640 : i32
    %mul3A_70 = arith.muli %arg1, %mul3A_69 : i32
    %add3A_71 = arith.constant 256 : i32
    %add3A_72 = arith.addi %mul3A_70, %add3A_71 : i32
    "tpu.region"() ({
      %run_scoped3A = tpu.sem_alloc : memref<!tpu.dma_semaphore, #tpu.memory_space<semaphore_mem>>
      %dma_start3A = arith.constant 0 : i32
      %dma_start3A_175 = tpu.memref_slice %arg17[%add3A_72, %dma_start3A] : memref<10240x128xf32, #tpu.memory_space<vmem_shared>> -> memref<16x128xf32, #tpu.memory_space<vmem_shared>>
      %dma_start3A_176 = arith.constant 0 : i32
      %dma_start3A_177 = tpu.memref_slice %arg17[%add3A_72, %dma_start3A_176] : memref<10240x128xf32, #tpu.memory_space<vmem_shared>> -> memref<16x128xf32, #tpu.memory_space<vmem_shared>>
      tpu.enqueue_dma source(%arg16 : memref<16x128xf32, #tpu.memory_space<vmem>>) target(%dma_start3A_177 : memref<16x128xf32, #tpu.memory_space<vmem_shared>>) target_semaphore(%run_scoped3A : memref<!tpu.dma_semaphore, #tpu.memory_space<semaphore_mem>>)
      %dma_wait3A = arith.constant 0 : i32
      %dma_wait3A_178 = tpu.memref_slice %arg17[%add3A_72, %dma_wait3A] : memref<10240x128xf32, #tpu.memory_space<vmem_shared>> -> memref<16x128xf32, #tpu.memory_space<vmem_shared>>
      %dma_wait3A_179 = arith.constant 0 : i32
      %dma_wait3A_180 = tpu.memref_slice %arg17[%add3A_72, %dma_wait3A_179] : memref<10240x128xf32, #tpu.memory_space<vmem_shared>> -> memref<16x128xf32, #tpu.memory_space<vmem_shared>>
      tpu.wait_dma2 semaphore(%run_scoped3A : memref<!tpu.dma_semaphore, #tpu.memory_space<semaphore_mem>>) src(%arg16 : memref<16x128xf32, #tpu.memory_space<vmem>>) dst(%dma_wait3A_180 : memref<16x128xf32, #tpu.memory_space<vmem_shared>>)
      tpu.yield
    }) : () -> ()
    %mul3A_73 = arith.constant 640 : i32
    %mul3A_74 = arith.muli %arg1, %mul3A_73 : i32
    %add3A_75 = arith.constant 272 : i32
    %add3A_76 = arith.addi %mul3A_74, %add3A_75 : i32
    "tpu.region"() ({
      %run_scoped3A = tpu.sem_alloc : memref<!tpu.dma_semaphore, #tpu.memory_space<semaphore_mem>>
      %dma_start3A = arith.constant 0 : i32
      %dma_start3A_175 = tpu.memref_slice %arg17[%add3A_76, %dma_start3A] : memref<10240x128xf32, #tpu.memory_space<vmem_shared>> -> memref<16x128xf32, #tpu.memory_space<vmem_shared>>
      %dma_start3A_176 = arith.constant 0 : i32
      %dma_start3A_177 = tpu.memref_slice %arg17[%add3A_76, %dma_start3A_176] : memref<10240x128xf32, #tpu.memory_space<vmem_shared>> -> memref<16x128xf32, #tpu.memory_space<vmem_shared>>
      tpu.enqueue_dma source(%arg16 : memref<16x128xf32, #tpu.memory_space<vmem>>) target(%dma_start3A_177 : memref<16x128xf32, #tpu.memory_space<vmem_shared>>) target_semaphore(%run_scoped3A : memref<!tpu.dma_semaphore, #tpu.memory_space<semaphore_mem>>)
      %dma_wait3A = arith.constant 0 : i32
      %dma_wait3A_178 = tpu.memref_slice %arg17[%add3A_76, %dma_wait3A] : memref<10240x128xf32, #tpu.memory_space<vmem_shared>> -> memref<16x128xf32, #tpu.memory_space<vmem_shared>>
      %dma_wait3A_179 = arith.constant 0 : i32
      %dma_wait3A_180 = tpu.memref_slice %arg17[%add3A_76, %dma_wait3A_179] : memref<10240x128xf32, #tpu.memory_space<vmem_shared>> -> memref<16x128xf32, #tpu.memory_space<vmem_shared>>
      tpu.wait_dma2 semaphore(%run_scoped3A : memref<!tpu.dma_semaphore, #tpu.memory_space<semaphore_mem>>) src(%arg16 : memref<16x128xf32, #tpu.memory_space<vmem>>) dst(%dma_wait3A_180 : memref<16x128xf32, #tpu.memory_space<vmem_shared>>)
      tpu.yield
    }) : () -> ()
    %mul3A_77 = arith.constant 640 : i32
    %mul3A_78 = arith.muli %arg1, %mul3A_77 : i32
    %add3A_79 = arith.constant 288 : i32
    %add3A_80 = arith.addi %mul3A_78, %add3A_79 : i32
    "tpu.region"() ({
      %run_scoped3A = tpu.sem_alloc : memref<!tpu.dma_semaphore, #tpu.memory_space<semaphore_mem>>
      %dma_start3A = arith.constant 0 : i32
      %dma_start3A_175 = tpu.memref_slice %arg17[%add3A_80, %dma_start3A] : memref<10240x128xf32, #tpu.memory_space<vmem_shared>> -> memref<16x128xf32, #tpu.memory_space<vmem_shared>>
      %dma_start3A_176 = arith.constant 0 : i32
      %dma_start3A_177 = tpu.memref_slice %arg17[%add3A_80, %dma_start3A_176] : memref<10240x128xf32, #tpu.memory_space<vmem_shared>> -> memref<16x128xf32, #tpu.memory_space<vmem_shared>>
      tpu.enqueue_dma source(%arg16 : memref<16x128xf32, #tpu.memory_space<vmem>>) target(%dma_start3A_177 : memref<16x128xf32, #tpu.memory_space<vmem_shared>>) target_semaphore(%run_scoped3A : memref<!tpu.dma_semaphore, #tpu.memory_space<semaphore_mem>>)
      %dma_wait3A = arith.constant 0 : i32
      %dma_wait3A_178 = tpu.memref_slice %arg17[%add3A_80, %dma_wait3A] : memref<10240x128xf32, #tpu.memory_space<vmem_shared>> -> memref<16x128xf32, #tpu.memory_space<vmem_shared>>
      %dma_wait3A_179 = arith.constant 0 : i32
      %dma_wait3A_180 = tpu.memref_slice %arg17[%add3A_80, %dma_wait3A_179] : memref<10240x128xf32, #tpu.memory_space<vmem_shared>> -> memref<16x128xf32, #tpu.memory_space<vmem_shared>>
      tpu.wait_dma2 semaphore(%run_scoped3A : memref<!tpu.dma_semaphore, #tpu.memory_space<semaphore_mem>>) src(%arg16 : memref<16x128xf32, #tpu.memory_space<vmem>>) dst(%dma_wait3A_180 : memref<16x128xf32, #tpu.memory_space<vmem_shared>>)
      tpu.yield
    }) : () -> ()
    %mul3A_81 = arith.constant 640 : i32
    %mul3A_82 = arith.muli %arg1, %mul3A_81 : i32
    %add3A_83 = arith.constant 304 : i32
    %add3A_84 = arith.addi %mul3A_82, %add3A_83 : i32
    "tpu.region"() ({
      %run_scoped3A = tpu.sem_alloc : memref<!tpu.dma_semaphore, #tpu.memory_space<semaphore_mem>>
      %dma_start3A = arith.constant 0 : i32
      %dma_start3A_175 = tpu.memref_slice %arg17[%add3A_84, %dma_start3A] : memref<10240x128xf32, #tpu.memory_space<vmem_shared>> -> memref<16x128xf32, #tpu.memory_space<vmem_shared>>
      %dma_start3A_176 = arith.constant 0 : i32
      %dma_start3A_177 = tpu.memref_slice %arg17[%add3A_84, %dma_start3A_176] : memref<10240x128xf32, #tpu.memory_space<vmem_shared>> -> memref<16x128xf32, #tpu.memory_space<vmem_shared>>
      tpu.enqueue_dma source(%arg16 : memref<16x128xf32, #tpu.memory_space<vmem>>) target(%dma_start3A_177 : memref<16x128xf32, #tpu.memory_space<vmem_shared>>) target_semaphore(%run_scoped3A : memref<!tpu.dma_semaphore, #tpu.memory_space<semaphore_mem>>)
      %dma_wait3A = arith.constant 0 : i32
      %dma_wait3A_178 = tpu.memref_slice %arg17[%add3A_84, %dma_wait3A] : memref<10240x128xf32, #tpu.memory_space<vmem_shared>> -> memref<16x128xf32, #tpu.memory_space<vmem_shared>>
      %dma_wait3A_179 = arith.constant 0 : i32
      %dma_wait3A_180 = tpu.memref_slice %arg17[%add3A_84, %dma_wait3A_179] : memref<10240x128xf32, #tpu.memory_space<vmem_shared>> -> memref<16x128xf32, #tpu.memory_space<vmem_shared>>
      tpu.wait_dma2 semaphore(%run_scoped3A : memref<!tpu.dma_semaphore, #tpu.memory_space<semaphore_mem>>) src(%arg16 : memref<16x128xf32, #tpu.memory_space<vmem>>) dst(%dma_wait3A_180 : memref<16x128xf32, #tpu.memory_space<vmem_shared>>)
      tpu.yield
    }) : () -> ()
    %mul3A_85 = arith.constant 640 : i32
    %mul3A_86 = arith.muli %arg1, %mul3A_85 : i32
    %add3A_87 = arith.constant 320 : i32
    %add3A_88 = arith.addi %mul3A_86, %add3A_87 : i32
    "tpu.region"() ({
      %run_scoped3A = tpu.sem_alloc : memref<!tpu.dma_semaphore, #tpu.memory_space<semaphore_mem>>
      %dma_start3A = arith.constant 0 : i32
      %dma_start3A_175 = tpu.memref_slice %arg17[%add3A_88, %dma_start3A] : memref<10240x128xf32, #tpu.memory_space<vmem_shared>> -> memref<16x128xf32, #tpu.memory_space<vmem_shared>>
      %dma_start3A_176 = arith.constant 0 : i32
      %dma_start3A_177 = tpu.memref_slice %arg17[%add3A_88, %dma_start3A_176] : memref<10240x128xf32, #tpu.memory_space<vmem_shared>> -> memref<16x128xf32, #tpu.memory_space<vmem_shared>>
      tpu.enqueue_dma source(%arg16 : memref<16x128xf32, #tpu.memory_space<vmem>>) target(%dma_start3A_177 : memref<16x128xf32, #tpu.memory_space<vmem_shared>>) target_semaphore(%run_scoped3A : memref<!tpu.dma_semaphore, #tpu.memory_space<semaphore_mem>>)
      %dma_wait3A = arith.constant 0 : i32
      %dma_wait3A_178 = tpu.memref_slice %arg17[%add3A_88, %dma_wait3A] : memref<10240x128xf32, #tpu.memory_space<vmem_shared>> -> memref<16x128xf32, #tpu.memory_space<vmem_shared>>
      %dma_wait3A_179 = arith.constant 0 : i32
      %dma_wait3A_180 = tpu.memref_slice %arg17[%add3A_88, %dma_wait3A_179] : memref<10240x128xf32, #tpu.memory_space<vmem_shared>> -> memref<16x128xf32, #tpu.memory_space<vmem_shared>>
      tpu.wait_dma2 semaphore(%run_scoped3A : memref<!tpu.dma_semaphore, #tpu.memory_space<semaphore_mem>>) src(%arg16 : memref<16x128xf32, #tpu.memory_space<vmem>>) dst(%dma_wait3A_180 : memref<16x128xf32, #tpu.memory_space<vmem_shared>>)
      tpu.yield
    }) : () -> ()
    %mul3A_89 = arith.constant 640 : i32
    %mul3A_90 = arith.muli %arg1, %mul3A_89 : i32
    %add3A_91 = arith.constant 336 : i32
    %add3A_92 = arith.addi %mul3A_90, %add3A_91 : i32
    "tpu.region"() ({
      %run_scoped3A = tpu.sem_alloc : memref<!tpu.dma_semaphore, #tpu.memory_space<semaphore_mem>>
      %dma_start3A = arith.constant 0 : i32
      %dma_start3A_175 = tpu.memref_slice %arg17[%add3A_92, %dma_start3A] : memref<10240x128xf32, #tpu.memory_space<vmem_shared>> -> memref<16x128xf32, #tpu.memory_space<vmem_shared>>
      %dma_start3A_176 = arith.constant 0 : i32
      %dma_start3A_177 = tpu.memref_slice %arg17[%add3A_92, %dma_start3A_176] : memref<10240x128xf32, #tpu.memory_space<vmem_shared>> -> memref<16x128xf32, #tpu.memory_space<vmem_shared>>
      tpu.enqueue_dma source(%arg16 : memref<16x128xf32, #tpu.memory_space<vmem>>) target(%dma_start3A_177 : memref<16x128xf32, #tpu.memory_space<vmem_shared>>) target_semaphore(%run_scoped3A : memref<!tpu.dma_semaphore, #tpu.memory_space<semaphore_mem>>)
      %dma_wait3A = arith.constant 0 : i32
      %dma_wait3A_178 = tpu.memref_slice %arg17[%add3A_92, %dma_wait3A] : memref<10240x128xf32, #tpu.memory_space<vmem_shared>> -> memref<16x128xf32, #tpu.memory_space<vmem_shared>>
      %dma_wait3A_179 = arith.constant 0 : i32
      %dma_wait3A_180 = tpu.memref_slice %arg17[%add3A_92, %dma_wait3A_179] : memref<10240x128xf32, #tpu.memory_space<vmem_shared>> -> memref<16x128xf32, #tpu.memory_space<vmem_shared>>
      tpu.wait_dma2 semaphore(%run_scoped3A : memref<!tpu.dma_semaphore, #tpu.memory_space<semaphore_mem>>) src(%arg16 : memref<16x128xf32, #tpu.memory_space<vmem>>) dst(%dma_wait3A_180 : memref<16x128xf32, #tpu.memory_space<vmem_shared>>)
      tpu.yield
    }) : () -> ()
    %mul3A_93 = arith.constant 640 : i32
    %mul3A_94 = arith.muli %arg1, %mul3A_93 : i32
    %add3A_95 = arith.constant 352 : i32
    %add3A_96 = arith.addi %mul3A_94, %add3A_95 : i32
    "tpu.region"() ({
      %run_scoped3A = tpu.sem_alloc : memref<!tpu.dma_semaphore, #tpu.memory_space<semaphore_mem>>
      %dma_start3A = arith.constant 0 : i32
      %dma_start3A_175 = tpu.memref_slice %arg17[%add3A_96, %dma_start3A] : memref<10240x128xf32, #tpu.memory_space<vmem_shared>> -> memref<16x128xf32, #tpu.memory_space<vmem_shared>>
      %dma_start3A_176 = arith.constant 0 : i32
      %dma_start3A_177 = tpu.memref_slice %arg17[%add3A_96, %dma_start3A_176] : memref<10240x128xf32, #tpu.memory_space<vmem_shared>> -> memref<16x128xf32, #tpu.memory_space<vmem_shared>>
      tpu.enqueue_dma source(%arg16 : memref<16x128xf32, #tpu.memory_space<vmem>>) target(%dma_start3A_177 : memref<16x128xf32, #tpu.memory_space<vmem_shared>>) target_semaphore(%run_scoped3A : memref<!tpu.dma_semaphore, #tpu.memory_space<semaphore_mem>>)
      %dma_wait3A = arith.constant 0 : i32
      %dma_wait3A_178 = tpu.memref_slice %arg17[%add3A_96, %dma_wait3A] : memref<10240x128xf32, #tpu.memory_space<vmem_shared>> -> memref<16x128xf32, #tpu.memory_space<vmem_shared>>
      %dma_wait3A_179 = arith.constant 0 : i32
      %dma_wait3A_180 = tpu.memref_slice %arg17[%add3A_96, %dma_wait3A_179] : memref<10240x128xf32, #tpu.memory_space<vmem_shared>> -> memref<16x128xf32, #tpu.memory_space<vmem_shared>>
      tpu.wait_dma2 semaphore(%run_scoped3A : memref<!tpu.dma_semaphore, #tpu.memory_space<semaphore_mem>>) src(%arg16 : memref<16x128xf32, #tpu.memory_space<vmem>>) dst(%dma_wait3A_180 : memref<16x128xf32, #tpu.memory_space<vmem_shared>>)
      tpu.yield
    }) : () -> ()
    %mul3A_97 = arith.constant 640 : i32
    %mul3A_98 = arith.muli %arg1, %mul3A_97 : i32
    %add3A_99 = arith.constant 368 : i32
    %add3A_100 = arith.addi %mul3A_98, %add3A_99 : i32
    "tpu.region"() ({
      %run_scoped3A = tpu.sem_alloc : memref<!tpu.dma_semaphore, #tpu.memory_space<semaphore_mem>>
      %dma_start3A = arith.constant 0 : i32
      %dma_start3A_175 = tpu.memref_slice %arg17[%add3A_100, %dma_start3A] : memref<10240x128xf32, #tpu.memory_space<vmem_shared>> -> memref<16x128xf32, #tpu.memory_space<vmem_shared>>
      %dma_start3A_176 = arith.constant 0 : i32
      %dma_start3A_177 = tpu.memref_slice %arg17[%add3A_100, %dma_start3A_176] : memref<10240x128xf32, #tpu.memory_space<vmem_shared>> -> memref<16x128xf32, #tpu.memory_space<vmem_shared>>
      tpu.enqueue_dma source(%arg16 : memref<16x128xf32, #tpu.memory_space<vmem>>) target(%dma_start3A_177 : memref<16x128xf32, #tpu.memory_space<vmem_shared>>) target_semaphore(%run_scoped3A : memref<!tpu.dma_semaphore, #tpu.memory_space<semaphore_mem>>)
      %dma_wait3A = arith.constant 0 : i32
      %dma_wait3A_178 = tpu.memref_slice %arg17[%add3A_100, %dma_wait3A] : memref<10240x128xf32, #tpu.memory_space<vmem_shared>> -> memref<16x128xf32, #tpu.memory_space<vmem_shared>>
      %dma_wait3A_179 = arith.constant 0 : i32
      %dma_wait3A_180 = tpu.memref_slice %arg17[%add3A_100, %dma_wait3A_179] : memref<10240x128xf32, #tpu.memory_space<vmem_shared>> -> memref<16x128xf32, #tpu.memory_space<vmem_shared>>
      tpu.wait_dma2 semaphore(%run_scoped3A : memref<!tpu.dma_semaphore, #tpu.memory_space<semaphore_mem>>) src(%arg16 : memref<16x128xf32, #tpu.memory_space<vmem>>) dst(%dma_wait3A_180 : memref<16x128xf32, #tpu.memory_space<vmem_shared>>)
      tpu.yield
    }) : () -> ()
    %mul3A_101 = arith.constant 640 : i32
    %mul3A_102 = arith.muli %arg1, %mul3A_101 : i32
    %add3A_103 = arith.constant 384 : i32
    %add3A_104 = arith.addi %mul3A_102, %add3A_103 : i32
    "tpu.region"() ({
      %run_scoped3A = tpu.sem_alloc : memref<!tpu.dma_semaphore, #tpu.memory_space<semaphore_mem>>
      %dma_start3A = arith.constant 0 : i32
      %dma_start3A_175 = tpu.memref_slice %arg17[%add3A_104, %dma_start3A] : memref<10240x128xf32, #tpu.memory_space<vmem_shared>> -> memref<16x128xf32, #tpu.memory_space<vmem_shared>>
      %dma_start3A_176 = arith.constant 0 : i32
      %dma_start3A_177 = tpu.memref_slice %arg17[%add3A_104, %dma_start3A_176] : memref<10240x128xf32, #tpu.memory_space<vmem_shared>> -> memref<16x128xf32, #tpu.memory_space<vmem_shared>>
      tpu.enqueue_dma source(%arg16 : memref<16x128xf32, #tpu.memory_space<vmem>>) target(%dma_start3A_177 : memref<16x128xf32, #tpu.memory_space<vmem_shared>>) target_semaphore(%run_scoped3A : memref<!tpu.dma_semaphore, #tpu.memory_space<semaphore_mem>>)
      %dma_wait3A = arith.constant 0 : i32
      %dma_wait3A_178 = tpu.memref_slice %arg17[%add3A_104, %dma_wait3A] : memref<10240x128xf32, #tpu.memory_space<vmem_shared>> -> memref<16x128xf32, #tpu.memory_space<vmem_shared>>
      %dma_wait3A_179 = arith.constant 0 : i32
      %dma_wait3A_180 = tpu.memref_slice %arg17[%add3A_104, %dma_wait3A_179] : memref<10240x128xf32, #tpu.memory_space<vmem_shared>> -> memref<16x128xf32, #tpu.memory_space<vmem_shared>>
      tpu.wait_dma2 semaphore(%run_scoped3A : memref<!tpu.dma_semaphore, #tpu.memory_space<semaphore_mem>>) src(%arg16 : memref<16x128xf32, #tpu.memory_space<vmem>>) dst(%dma_wait3A_180 : memref<16x128xf32, #tpu.memory_space<vmem_shared>>)
      tpu.yield
    }) : () -> ()
    %mul3A_105 = arith.constant 640 : i32
    %mul3A_106 = arith.muli %arg1, %mul3A_105 : i32
    %add3A_107 = arith.constant 400 : i32
    %add3A_108 = arith.addi %mul3A_106, %add3A_107 : i32
    "tpu.region"() ({
      %run_scoped3A = tpu.sem_alloc : memref<!tpu.dma_semaphore, #tpu.memory_space<semaphore_mem>>
      %dma_start3A = arith.constant 0 : i32
      %dma_start3A_175 = tpu.memref_slice %arg17[%add3A_108, %dma_start3A] : memref<10240x128xf32, #tpu.memory_space<vmem_shared>> -> memref<16x128xf32, #tpu.memory_space<vmem_shared>>
      %dma_start3A_176 = arith.constant 0 : i32
      %dma_start3A_177 = tpu.memref_slice %arg17[%add3A_108, %dma_start3A_176] : memref<10240x128xf32, #tpu.memory_space<vmem_shared>> -> memref<16x128xf32, #tpu.memory_space<vmem_shared>>
      tpu.enqueue_dma source(%arg16 : memref<16x128xf32, #tpu.memory_space<vmem>>) target(%dma_start3A_177 : memref<16x128xf32, #tpu.memory_space<vmem_shared>>) target_semaphore(%run_scoped3A : memref<!tpu.dma_semaphore, #tpu.memory_space<semaphore_mem>>)
      %dma_wait3A = arith.constant 0 : i32
      %dma_wait3A_178 = tpu.memref_slice %arg17[%add3A_108, %dma_wait3A] : memref<10240x128xf32, #tpu.memory_space<vmem_shared>> -> memref<16x128xf32, #tpu.memory_space<vmem_shared>>
      %dma_wait3A_179 = arith.constant 0 : i32
      %dma_wait3A_180 = tpu.memref_slice %arg17[%add3A_108, %dma_wait3A_179] : memref<10240x128xf32, #tpu.memory_space<vmem_shared>> -> memref<16x128xf32, #tpu.memory_space<vmem_shared>>
      tpu.wait_dma2 semaphore(%run_scoped3A : memref<!tpu.dma_semaphore, #tpu.memory_space<semaphore_mem>>) src(%arg16 : memref<16x128xf32, #tpu.memory_space<vmem>>) dst(%dma_wait3A_180 : memref<16x128xf32, #tpu.memory_space<vmem_shared>>)
      tpu.yield
    }) : () -> ()
    %mul3A_109 = arith.constant 640 : i32
    %mul3A_110 = arith.muli %arg1, %mul3A_109 : i32
    %add3A_111 = arith.constant 416 : i32
    %add3A_112 = arith.addi %mul3A_110, %add3A_111 : i32
    "tpu.region"() ({
      %run_scoped3A = tpu.sem_alloc : memref<!tpu.dma_semaphore, #tpu.memory_space<semaphore_mem>>
      %dma_start3A = arith.constant 0 : i32
      %dma_start3A_175 = tpu.memref_slice %arg17[%add3A_112, %dma_start3A] : memref<10240x128xf32, #tpu.memory_space<vmem_shared>> -> memref<16x128xf32, #tpu.memory_space<vmem_shared>>
      %dma_start3A_176 = arith.constant 0 : i32
      %dma_start3A_177 = tpu.memref_slice %arg17[%add3A_112, %dma_start3A_176] : memref<10240x128xf32, #tpu.memory_space<vmem_shared>> -> memref<16x128xf32, #tpu.memory_space<vmem_shared>>
      tpu.enqueue_dma source(%arg16 : memref<16x128xf32, #tpu.memory_space<vmem>>) target(%dma_start3A_177 : memref<16x128xf32, #tpu.memory_space<vmem_shared>>) target_semaphore(%run_scoped3A : memref<!tpu.dma_semaphore, #tpu.memory_space<semaphore_mem>>)
      %dma_wait3A = arith.constant 0 : i32
      %dma_wait3A_178 = tpu.memref_slice %arg17[%add3A_112, %dma_wait3A] : memref<10240x128xf32, #tpu.memory_space<vmem_shared>> -> memref<16x128xf32, #tpu.memory_space<vmem_shared>>
      %dma_wait3A_179 = arith.constant 0 : i32
      %dma_wait3A_180 = tpu.memref_slice %arg17[%add3A_112, %dma_wait3A_179] : memref<10240x128xf32, #tpu.memory_space<vmem_shared>> -> memref<16x128xf32, #tpu.memory_space<vmem_shared>>
      tpu.wait_dma2 semaphore(%run_scoped3A : memref<!tpu.dma_semaphore, #tpu.memory_space<semaphore_mem>>) src(%arg16 : memref<16x128xf32, #tpu.memory_space<vmem>>) dst(%dma_wait3A_180 : memref<16x128xf32, #tpu.memory_space<vmem_shared>>)
      tpu.yield
    }) : () -> ()
    %mul3A_113 = arith.constant 640 : i32
    %mul3A_114 = arith.muli %arg1, %mul3A_113 : i32
    %add3A_115 = arith.constant 432 : i32
    %add3A_116 = arith.addi %mul3A_114, %add3A_115 : i32
    "tpu.region"() ({
      %run_scoped3A = tpu.sem_alloc : memref<!tpu.dma_semaphore, #tpu.memory_space<semaphore_mem>>
      %dma_start3A = arith.constant 0 : i32
      %dma_start3A_175 = tpu.memref_slice %arg17[%add3A_116, %dma_start3A] : memref<10240x128xf32, #tpu.memory_space<vmem_shared>> -> memref<16x128xf32, #tpu.memory_space<vmem_shared>>
      %dma_start3A_176 = arith.constant 0 : i32
      %dma_start3A_177 = tpu.memref_slice %arg17[%add3A_116, %dma_start3A_176] : memref<10240x128xf32, #tpu.memory_space<vmem_shared>> -> memref<16x128xf32, #tpu.memory_space<vmem_shared>>
      tpu.enqueue_dma source(%arg16 : memref<16x128xf32, #tpu.memory_space<vmem>>) target(%dma_start3A_177 : memref<16x128xf32, #tpu.memory_space<vmem_shared>>) target_semaphore(%run_scoped3A : memref<!tpu.dma_semaphore, #tpu.memory_space<semaphore_mem>>)
      %dma_wait3A = arith.constant 0 : i32
      %dma_wait3A_178 = tpu.memref_slice %arg17[%add3A_116, %dma_wait3A] : memref<10240x128xf32, #tpu.memory_space<vmem_shared>> -> memref<16x128xf32, #tpu.memory_space<vmem_shared>>
      %dma_wait3A_179 = arith.constant 0 : i32
      %dma_wait3A_180 = tpu.memref_slice %arg17[%add3A_116, %dma_wait3A_179] : memref<10240x128xf32, #tpu.memory_space<vmem_shared>> -> memref<16x128xf32, #tpu.memory_space<vmem_shared>>
      tpu.wait_dma2 semaphore(%run_scoped3A : memref<!tpu.dma_semaphore, #tpu.memory_space<semaphore_mem>>) src(%arg16 : memref<16x128xf32, #tpu.memory_space<vmem>>) dst(%dma_wait3A_180 : memref<16x128xf32, #tpu.memory_space<vmem_shared>>)
      tpu.yield
    }) : () -> ()
    %mul3A_117 = arith.constant 640 : i32
    %mul3A_118 = arith.muli %arg1, %mul3A_117 : i32
    %add3A_119 = arith.constant 448 : i32
    %add3A_120 = arith.addi %mul3A_118, %add3A_119 : i32
    "tpu.region"() ({
      %run_scoped3A = tpu.sem_alloc : memref<!tpu.dma_semaphore, #tpu.memory_space<semaphore_mem>>
      %dma_start3A = arith.constant 0 : i32
      %dma_start3A_175 = tpu.memref_slice %arg17[%add3A_120, %dma_start3A] : memref<10240x128xf32, #tpu.memory_space<vmem_shared>> -> memref<16x128xf32, #tpu.memory_space<vmem_shared>>
      %dma_start3A_176 = arith.constant 0 : i32
      %dma_start3A_177 = tpu.memref_slice %arg17[%add3A_120, %dma_start3A_176] : memref<10240x128xf32, #tpu.memory_space<vmem_shared>> -> memref<16x128xf32, #tpu.memory_space<vmem_shared>>
      tpu.enqueue_dma source(%arg16 : memref<16x128xf32, #tpu.memory_space<vmem>>) target(%dma_start3A_177 : memref<16x128xf32, #tpu.memory_space<vmem_shared>>) target_semaphore(%run_scoped3A : memref<!tpu.dma_semaphore, #tpu.memory_space<semaphore_mem>>)
      %dma_wait3A = arith.constant 0 : i32
      %dma_wait3A_178 = tpu.memref_slice %arg17[%add3A_120, %dma_wait3A] : memref<10240x128xf32, #tpu.memory_space<vmem_shared>> -> memref<16x128xf32, #tpu.memory_space<vmem_shared>>
      %dma_wait3A_179 = arith.constant 0 : i32
      %dma_wait3A_180 = tpu.memref_slice %arg17[%add3A_120, %dma_wait3A_179] : memref<10240x128xf32, #tpu.memory_space<vmem_shared>> -> memref<16x128xf32, #tpu.memory_space<vmem_shared>>
      tpu.wait_dma2 semaphore(%run_scoped3A : memref<!tpu.dma_semaphore, #tpu.memory_space<semaphore_mem>>) src(%arg16 : memref<16x128xf32, #tpu.memory_space<vmem>>) dst(%dma_wait3A_180 : memref<16x128xf32, #tpu.memory_space<vmem_shared>>)
      tpu.yield
    }) : () -> ()
    %mul3A_121 = arith.constant 640 : i32
    %mul3A_122 = arith.muli %arg1, %mul3A_121 : i32
    %add3A_123 = arith.constant 464 : i32
    %add3A_124 = arith.addi %mul3A_122, %add3A_123 : i32
    "tpu.region"() ({
      %run_scoped3A = tpu.sem_alloc : memref<!tpu.dma_semaphore, #tpu.memory_space<semaphore_mem>>
      %dma_start3A = arith.constant 0 : i32
      %dma_start3A_175 = tpu.memref_slice %arg17[%add3A_124, %dma_start3A] : memref<10240x128xf32, #tpu.memory_space<vmem_shared>> -> memref<16x128xf32, #tpu.memory_space<vmem_shared>>
      %dma_start3A_176 = arith.constant 0 : i32
      %dma_start3A_177 = tpu.memref_slice %arg17[%add3A_124, %dma_start3A_176] : memref<10240x128xf32, #tpu.memory_space<vmem_shared>> -> memref<16x128xf32, #tpu.memory_space<vmem_shared>>
      tpu.enqueue_dma source(%arg16 : memref<16x128xf32, #tpu.memory_space<vmem>>) target(%dma_start3A_177 : memref<16x128xf32, #tpu.memory_space<vmem_shared>>) target_semaphore(%run_scoped3A : memref<!tpu.dma_semaphore, #tpu.memory_space<semaphore_mem>>)
      %dma_wait3A = arith.constant 0 : i32
      %dma_wait3A_178 = tpu.memref_slice %arg17[%add3A_124, %dma_wait3A] : memref<10240x128xf32, #tpu.memory_space<vmem_shared>> -> memref<16x128xf32, #tpu.memory_space<vmem_shared>>
      %dma_wait3A_179 = arith.constant 0 : i32
      %dma_wait3A_180 = tpu.memref_slice %arg17[%add3A_124, %dma_wait3A_179] : memref<10240x128xf32, #tpu.memory_space<vmem_shared>> -> memref<16x128xf32, #tpu.memory_space<vmem_shared>>
      tpu.wait_dma2 semaphore(%run_scoped3A : memref<!tpu.dma_semaphore, #tpu.memory_space<semaphore_mem>>) src(%arg16 : memref<16x128xf32, #tpu.memory_space<vmem>>) dst(%dma_wait3A_180 : memref<16x128xf32, #tpu.memory_space<vmem_shared>>)
      tpu.yield
    }) : () -> ()
    %mul3A_125 = arith.constant 640 : i32
    %mul3A_126 = arith.muli %arg1, %mul3A_125 : i32
    %add3A_127 = arith.constant 480 : i32
    %add3A_128 = arith.addi %mul3A_126, %add3A_127 : i32
    "tpu.region"() ({
      %run_scoped3A = tpu.sem_alloc : memref<!tpu.dma_semaphore, #tpu.memory_space<semaphore_mem>>
      %dma_start3A = arith.constant 0 : i32
      %dma_start3A_175 = tpu.memref_slice %arg17[%add3A_128, %dma_start3A] : memref<10240x128xf32, #tpu.memory_space<vmem_shared>> -> memref<16x128xf32, #tpu.memory_space<vmem_shared>>
      %dma_start3A_176 = arith.constant 0 : i32
      %dma_start3A_177 = tpu.memref_slice %arg17[%add3A_128, %dma_start3A_176] : memref<10240x128xf32, #tpu.memory_space<vmem_shared>> -> memref<16x128xf32, #tpu.memory_space<vmem_shared>>
      tpu.enqueue_dma source(%arg16 : memref<16x128xf32, #tpu.memory_space<vmem>>) target(%dma_start3A_177 : memref<16x128xf32, #tpu.memory_space<vmem_shared>>) target_semaphore(%run_scoped3A : memref<!tpu.dma_semaphore, #tpu.memory_space<semaphore_mem>>)
      %dma_wait3A = arith.constant 0 : i32
      %dma_wait3A_178 = tpu.memref_slice %arg17[%add3A_128, %dma_wait3A] : memref<10240x128xf32, #tpu.memory_space<vmem_shared>> -> memref<16x128xf32, #tpu.memory_space<vmem_shared>>
      %dma_wait3A_179 = arith.constant 0 : i32
      %dma_wait3A_180 = tpu.memref_slice %arg17[%add3A_128, %dma_wait3A_179] : memref<10240x128xf32, #tpu.memory_space<vmem_shared>> -> memref<16x128xf32, #tpu.memory_space<vmem_shared>>
      tpu.wait_dma2 semaphore(%run_scoped3A : memref<!tpu.dma_semaphore, #tpu.memory_space<semaphore_mem>>) src(%arg16 : memref<16x128xf32, #tpu.memory_space<vmem>>) dst(%dma_wait3A_180 : memref<16x128xf32, #tpu.memory_space<vmem_shared>>)
      tpu.yield
    }) : () -> ()
    %mul3A_129 = arith.constant 640 : i32
    %mul3A_130 = arith.muli %arg1, %mul3A_129 : i32
    %add3A_131 = arith.constant 496 : i32
    %add3A_132 = arith.addi %mul3A_130, %add3A_131 : i32
    "tpu.region"() ({
      %run_scoped3A = tpu.sem_alloc : memref<!tpu.dma_semaphore, #tpu.memory_space<semaphore_mem>>
      %dma_start3A = arith.constant 0 : i32
      %dma_start3A_175 = tpu.memref_slice %arg17[%add3A_132, %dma_start3A] : memref<10240x128xf32, #tpu.memory_space<vmem_shared>> -> memref<16x128xf32, #tpu.memory_space<vmem_shared>>
      %dma_start3A_176 = arith.constant 0 : i32
      %dma_start3A_177 = tpu.memref_slice %arg17[%add3A_132, %dma_start3A_176] : memref<10240x128xf32, #tpu.memory_space<vmem_shared>> -> memref<16x128xf32, #tpu.memory_space<vmem_shared>>
      tpu.enqueue_dma source(%arg16 : memref<16x128xf32, #tpu.memory_space<vmem>>) target(%dma_start3A_177 : memref<16x128xf32, #tpu.memory_space<vmem_shared>>) target_semaphore(%run_scoped3A : memref<!tpu.dma_semaphore, #tpu.memory_space<semaphore_mem>>)
      %dma_wait3A = arith.constant 0 : i32
      %dma_wait3A_178 = tpu.memref_slice %arg17[%add3A_132, %dma_wait3A] : memref<10240x128xf32, #tpu.memory_space<vmem_shared>> -> memref<16x128xf32, #tpu.memory_space<vmem_shared>>
      %dma_wait3A_179 = arith.constant 0 : i32
      %dma_wait3A_180 = tpu.memref_slice %arg17[%add3A_132, %dma_wait3A_179] : memref<10240x128xf32, #tpu.memory_space<vmem_shared>> -> memref<16x128xf32, #tpu.memory_space<vmem_shared>>
      tpu.wait_dma2 semaphore(%run_scoped3A : memref<!tpu.dma_semaphore, #tpu.memory_space<semaphore_mem>>) src(%arg16 : memref<16x128xf32, #tpu.memory_space<vmem>>) dst(%dma_wait3A_180 : memref<16x128xf32, #tpu.memory_space<vmem_shared>>)
      tpu.yield
    }) : () -> ()
    %mul3A_133 = arith.constant 640 : i32
    %mul3A_134 = arith.muli %arg1, %mul3A_133 : i32
    %add3A_135 = arith.constant 512 : i32
    %add3A_136 = arith.addi %mul3A_134, %add3A_135 : i32
    "tpu.region"() ({
      %run_scoped3A = tpu.sem_alloc : memref<!tpu.dma_semaphore, #tpu.memory_space<semaphore_mem>>
      %dma_start3A = arith.constant 0 : i32
      %dma_start3A_175 = tpu.memref_slice %arg17[%add3A_136, %dma_start3A] : memref<10240x128xf32, #tpu.memory_space<vmem_shared>> -> memref<16x128xf32, #tpu.memory_space<vmem_shared>>
      %dma_start3A_176 = arith.constant 0 : i32
      %dma_start3A_177 = tpu.memref_slice %arg17[%add3A_136, %dma_start3A_176] : memref<10240x128xf32, #tpu.memory_space<vmem_shared>> -> memref<16x128xf32, #tpu.memory_space<vmem_shared>>
      tpu.enqueue_dma source(%arg16 : memref<16x128xf32, #tpu.memory_space<vmem>>) target(%dma_start3A_177 : memref<16x128xf32, #tpu.memory_space<vmem_shared>>) target_semaphore(%run_scoped3A : memref<!tpu.dma_semaphore, #tpu.memory_space<semaphore_mem>>)
      %dma_wait3A = arith.constant 0 : i32
      %dma_wait3A_178 = tpu.memref_slice %arg17[%add3A_136, %dma_wait3A] : memref<10240x128xf32, #tpu.memory_space<vmem_shared>> -> memref<16x128xf32, #tpu.memory_space<vmem_shared>>
      %dma_wait3A_179 = arith.constant 0 : i32
      %dma_wait3A_180 = tpu.memref_slice %arg17[%add3A_136, %dma_wait3A_179] : memref<10240x128xf32, #tpu.memory_space<vmem_shared>> -> memref<16x128xf32, #tpu.memory_space<vmem_shared>>
      tpu.wait_dma2 semaphore(%run_scoped3A : memref<!tpu.dma_semaphore, #tpu.memory_space<semaphore_mem>>) src(%arg16 : memref<16x128xf32, #tpu.memory_space<vmem>>) dst(%dma_wait3A_180 : memref<16x128xf32, #tpu.memory_space<vmem_shared>>)
      tpu.yield
    }) : () -> ()
    %mul3A_137 = arith.constant 640 : i32
    %mul3A_138 = arith.muli %arg1, %mul3A_137 : i32
    %add3A_139 = arith.constant 528 : i32
    %add3A_140 = arith.addi %mul3A_138, %add3A_139 : i32
    "tpu.region"() ({
      %run_scoped3A = tpu.sem_alloc : memref<!tpu.dma_semaphore, #tpu.memory_space<semaphore_mem>>
      %dma_start3A = arith.constant 0 : i32
      %dma_start3A_175 = tpu.memref_slice %arg17[%add3A_140, %dma_start3A] : memref<10240x128xf32, #tpu.memory_space<vmem_shared>> -> memref<16x128xf32, #tpu.memory_space<vmem_shared>>
      %dma_start3A_176 = arith.constant 0 : i32
      %dma_start3A_177 = tpu.memref_slice %arg17[%add3A_140, %dma_start3A_176] : memref<10240x128xf32, #tpu.memory_space<vmem_shared>> -> memref<16x128xf32, #tpu.memory_space<vmem_shared>>
      tpu.enqueue_dma source(%arg16 : memref<16x128xf32, #tpu.memory_space<vmem>>) target(%dma_start3A_177 : memref<16x128xf32, #tpu.memory_space<vmem_shared>>) target_semaphore(%run_scoped3A : memref<!tpu.dma_semaphore, #tpu.memory_space<semaphore_mem>>)
      %dma_wait3A = arith.constant 0 : i32
      %dma_wait3A_178 = tpu.memref_slice %arg17[%add3A_140, %dma_wait3A] : memref<10240x128xf32, #tpu.memory_space<vmem_shared>> -> memref<16x128xf32, #tpu.memory_space<vmem_shared>>
      %dma_wait3A_179 = arith.constant 0 : i32
      %dma_wait3A_180 = tpu.memref_slice %arg17[%add3A_140, %dma_wait3A_179] : memref<10240x128xf32, #tpu.memory_space<vmem_shared>> -> memref<16x128xf32, #tpu.memory_space<vmem_shared>>
      tpu.wait_dma2 semaphore(%run_scoped3A : memref<!tpu.dma_semaphore, #tpu.memory_space<semaphore_mem>>) src(%arg16 : memref<16x128xf32, #tpu.memory_space<vmem>>) dst(%dma_wait3A_180 : memref<16x128xf32, #tpu.memory_space<vmem_shared>>)
      tpu.yield
    }) : () -> ()
    %mul3A_141 = arith.constant 640 : i32
    %mul3A_142 = arith.muli %arg1, %mul3A_141 : i32
    %add3A_143 = arith.constant 544 : i32
    %add3A_144 = arith.addi %mul3A_142, %add3A_143 : i32
    "tpu.region"() ({
      %run_scoped3A = tpu.sem_alloc : memref<!tpu.dma_semaphore, #tpu.memory_space<semaphore_mem>>
      %dma_start3A = arith.constant 0 : i32
      %dma_start3A_175 = tpu.memref_slice %arg17[%add3A_144, %dma_start3A] : memref<10240x128xf32, #tpu.memory_space<vmem_shared>> -> memref<16x128xf32, #tpu.memory_space<vmem_shared>>
      %dma_start3A_176 = arith.constant 0 : i32
      %dma_start3A_177 = tpu.memref_slice %arg17[%add3A_144, %dma_start3A_176] : memref<10240x128xf32, #tpu.memory_space<vmem_shared>> -> memref<16x128xf32, #tpu.memory_space<vmem_shared>>
      tpu.enqueue_dma source(%arg16 : memref<16x128xf32, #tpu.memory_space<vmem>>) target(%dma_start3A_177 : memref<16x128xf32, #tpu.memory_space<vmem_shared>>) target_semaphore(%run_scoped3A : memref<!tpu.dma_semaphore, #tpu.memory_space<semaphore_mem>>)
      %dma_wait3A = arith.constant 0 : i32
      %dma_wait3A_178 = tpu.memref_slice %arg17[%add3A_144, %dma_wait3A] : memref<10240x128xf32, #tpu.memory_space<vmem_shared>> -> memref<16x128xf32, #tpu.memory_space<vmem_shared>>
      %dma_wait3A_179 = arith.constant 0 : i32
      %dma_wait3A_180 = tpu.memref_slice %arg17[%add3A_144, %dma_wait3A_179] : memref<10240x128xf32, #tpu.memory_space<vmem_shared>> -> memref<16x128xf32, #tpu.memory_space<vmem_shared>>
      tpu.wait_dma2 semaphore(%run_scoped3A : memref<!tpu.dma_semaphore, #tpu.memory_space<semaphore_mem>>) src(%arg16 : memref<16x128xf32, #tpu.memory_space<vmem>>) dst(%dma_wait3A_180 : memref<16x128xf32, #tpu.memory_space<vmem_shared>>)
      tpu.yield
    }) : () -> ()
    %mul3A_145 = arith.constant 640 : i32
    %mul3A_146 = arith.muli %arg1, %mul3A_145 : i32
    %add3A_147 = arith.constant 560 : i32
    %add3A_148 = arith.addi %mul3A_146, %add3A_147 : i32
    "tpu.region"() ({
      %run_scoped3A = tpu.sem_alloc : memref<!tpu.dma_semaphore, #tpu.memory_space<semaphore_mem>>
      %dma_start3A = arith.constant 0 : i32
      %dma_start3A_175 = tpu.memref_slice %arg17[%add3A_148, %dma_start3A] : memref<10240x128xf32, #tpu.memory_space<vmem_shared>> -> memref<16x128xf32, #tpu.memory_space<vmem_shared>>
      %dma_start3A_176 = arith.constant 0 : i32
      %dma_start3A_177 = tpu.memref_slice %arg17[%add3A_148, %dma_start3A_176] : memref<10240x128xf32, #tpu.memory_space<vmem_shared>> -> memref<16x128xf32, #tpu.memory_space<vmem_shared>>
      tpu.enqueue_dma source(%arg16 : memref<16x128xf32, #tpu.memory_space<vmem>>) target(%dma_start3A_177 : memref<16x128xf32, #tpu.memory_space<vmem_shared>>) target_semaphore(%run_scoped3A : memref<!tpu.dma_semaphore, #tpu.memory_space<semaphore_mem>>)
      %dma_wait3A = arith.constant 0 : i32
      %dma_wait3A_178 = tpu.memref_slice %arg17[%add3A_148, %dma_wait3A] : memref<10240x128xf32, #tpu.memory_space<vmem_shared>> -> memref<16x128xf32, #tpu.memory_space<vmem_shared>>
      %dma_wait3A_179 = arith.constant 0 : i32
      %dma_wait3A_180 = tpu.memref_slice %arg17[%add3A_148, %dma_wait3A_179] : memref<10240x128xf32, #tpu.memory_space<vmem_shared>> -> memref<16x128xf32, #tpu.memory_space<vmem_shared>>
      tpu.wait_dma2 semaphore(%run_scoped3A : memref<!tpu.dma_semaphore, #tpu.memory_space<semaphore_mem>>) src(%arg16 : memref<16x128xf32, #tpu.memory_space<vmem>>) dst(%dma_wait3A_180 : memref<16x128xf32, #tpu.memory_space<vmem_shared>>)
      tpu.yield
    }) : () -> ()
    %mul3A_149 = arith.constant 640 : i32
    %mul3A_150 = arith.muli %arg1, %mul3A_149 : i32
    %add3A_151 = arith.constant 576 : i32
    %add3A_152 = arith.addi %mul3A_150, %add3A_151 : i32
    "tpu.region"() ({
      %run_scoped3A = tpu.sem_alloc : memref<!tpu.dma_semaphore, #tpu.memory_space<semaphore_mem>>
      %dma_start3A = arith.constant 0 : i32
      %dma_start3A_175 = tpu.memref_slice %arg17[%add3A_152, %dma_start3A] : memref<10240x128xf32, #tpu.memory_space<vmem_shared>> -> memref<16x128xf32, #tpu.memory_space<vmem_shared>>
      %dma_start3A_176 = arith.constant 0 : i32
      %dma_start3A_177 = tpu.memref_slice %arg17[%add3A_152, %dma_start3A_176] : memref<10240x128xf32, #tpu.memory_space<vmem_shared>> -> memref<16x128xf32, #tpu.memory_space<vmem_shared>>
      tpu.enqueue_dma source(%arg16 : memref<16x128xf32, #tpu.memory_space<vmem>>) target(%dma_start3A_177 : memref<16x128xf32, #tpu.memory_space<vmem_shared>>) target_semaphore(%run_scoped3A : memref<!tpu.dma_semaphore, #tpu.memory_space<semaphore_mem>>)
      %dma_wait3A = arith.constant 0 : i32
      %dma_wait3A_178 = tpu.memref_slice %arg17[%add3A_152, %dma_wait3A] : memref<10240x128xf32, #tpu.memory_space<vmem_shared>> -> memref<16x128xf32, #tpu.memory_space<vmem_shared>>
      %dma_wait3A_179 = arith.constant 0 : i32
      %dma_wait3A_180 = tpu.memref_slice %arg17[%add3A_152, %dma_wait3A_179] : memref<10240x128xf32, #tpu.memory_space<vmem_shared>> -> memref<16x128xf32, #tpu.memory_space<vmem_shared>>
      tpu.wait_dma2 semaphore(%run_scoped3A : memref<!tpu.dma_semaphore, #tpu.memory_space<semaphore_mem>>) src(%arg16 : memref<16x128xf32, #tpu.memory_space<vmem>>) dst(%dma_wait3A_180 : memref<16x128xf32, #tpu.memory_space<vmem_shared>>)
      tpu.yield
    }) : () -> ()
    %mul3A_153 = arith.constant 640 : i32
    %mul3A_154 = arith.muli %arg1, %mul3A_153 : i32
    %add3A_155 = arith.constant 592 : i32
    %add3A_156 = arith.addi %mul3A_154, %add3A_155 : i32
    "tpu.region"() ({
      %run_scoped3A = tpu.sem_alloc : memref<!tpu.dma_semaphore, #tpu.memory_space<semaphore_mem>>
      %dma_start3A = arith.constant 0 : i32
      %dma_start3A_175 = tpu.memref_slice %arg17[%add3A_156, %dma_start3A] : memref<10240x128xf32, #tpu.memory_space<vmem_shared>> -> memref<16x128xf32, #tpu.memory_space<vmem_shared>>
      %dma_start3A_176 = arith.constant 0 : i32
      %dma_start3A_177 = tpu.memref_slice %arg17[%add3A_156, %dma_start3A_176] : memref<10240x128xf32, #tpu.memory_space<vmem_shared>> -> memref<16x128xf32, #tpu.memory_space<vmem_shared>>
      tpu.enqueue_dma source(%arg16 : memref<16x128xf32, #tpu.memory_space<vmem>>) target(%dma_start3A_177 : memref<16x128xf32, #tpu.memory_space<vmem_shared>>) target_semaphore(%run_scoped3A : memref<!tpu.dma_semaphore, #tpu.memory_space<semaphore_mem>>)
      %dma_wait3A = arith.constant 0 : i32
      %dma_wait3A_178 = tpu.memref_slice %arg17[%add3A_156, %dma_wait3A] : memref<10240x128xf32, #tpu.memory_space<vmem_shared>> -> memref<16x128xf32, #tpu.memory_space<vmem_shared>>
      %dma_wait3A_179 = arith.constant 0 : i32
      %dma_wait3A_180 = tpu.memref_slice %arg17[%add3A_156, %dma_wait3A_179] : memref<10240x128xf32, #tpu.memory_space<vmem_shared>> -> memref<16x128xf32, #tpu.memory_space<vmem_shared>>
      tpu.wait_dma2 semaphore(%run_scoped3A : memref<!tpu.dma_semaphore, #tpu.memory_space<semaphore_mem>>) src(%arg16 : memref<16x128xf32, #tpu.memory_space<vmem>>) dst(%dma_wait3A_180 : memref<16x128xf32, #tpu.memory_space<vmem_shared>>)
      tpu.yield
    }) : () -> ()
    %mul3A_157 = arith.constant 640 : i32
    %mul3A_158 = arith.muli %arg1, %mul3A_157 : i32
    %add3A_159 = arith.constant 608 : i32
    %add3A_160 = arith.addi %mul3A_158, %add3A_159 : i32
    "tpu.region"() ({
      %run_scoped3A = tpu.sem_alloc : memref<!tpu.dma_semaphore, #tpu.memory_space<semaphore_mem>>
      %dma_start3A = arith.constant 0 : i32
      %dma_start3A_175 = tpu.memref_slice %arg17[%add3A_160, %dma_start3A] : memref<10240x128xf32, #tpu.memory_space<vmem_shared>> -> memref<16x128xf32, #tpu.memory_space<vmem_shared>>
      %dma_start3A_176 = arith.constant 0 : i32
      %dma_start3A_177 = tpu.memref_slice %arg17[%add3A_160, %dma_start3A_176] : memref<10240x128xf32, #tpu.memory_space<vmem_shared>> -> memref<16x128xf32, #tpu.memory_space<vmem_shared>>
      tpu.enqueue_dma source(%arg16 : memref<16x128xf32, #tpu.memory_space<vmem>>) target(%dma_start3A_177 : memref<16x128xf32, #tpu.memory_space<vmem_shared>>) target_semaphore(%run_scoped3A : memref<!tpu.dma_semaphore, #tpu.memory_space<semaphore_mem>>)
      %dma_wait3A = arith.constant 0 : i32
      %dma_wait3A_178 = tpu.memref_slice %arg17[%add3A_160, %dma_wait3A] : memref<10240x128xf32, #tpu.memory_space<vmem_shared>> -> memref<16x128xf32, #tpu.memory_space<vmem_shared>>
      %dma_wait3A_179 = arith.constant 0 : i32
      %dma_wait3A_180 = tpu.memref_slice %arg17[%add3A_160, %dma_wait3A_179] : memref<10240x128xf32, #tpu.memory_space<vmem_shared>> -> memref<16x128xf32, #tpu.memory_space<vmem_shared>>
      tpu.wait_dma2 semaphore(%run_scoped3A : memref<!tpu.dma_semaphore, #tpu.memory_space<semaphore_mem>>) src(%arg16 : memref<16x128xf32, #tpu.memory_space<vmem>>) dst(%dma_wait3A_180 : memref<16x128xf32, #tpu.memory_space<vmem_shared>>)
      tpu.yield
    }) : () -> ()
    %mul3A_161 = arith.constant 640 : i32
    %mul3A_162 = arith.muli %arg1, %mul3A_161 : i32
    %add3A_163 = arith.constant 624 : i32
    %add3A_164 = arith.addi %mul3A_162, %add3A_163 : i32
    "tpu.region"() ({
      %run_scoped3A = tpu.sem_alloc : memref<!tpu.dma_semaphore, #tpu.memory_space<semaphore_mem>>
      %dma_start3A = arith.constant 0 : i32
      %dma_start3A_175 = tpu.memref_slice %arg17[%add3A_164, %dma_start3A] : memref<10240x128xf32, #tpu.memory_space<vmem_shared>> -> memref<16x128xf32, #tpu.memory_space<vmem_shared>>
      %dma_start3A_176 = arith.constant 0 : i32
      %dma_start3A_177 = tpu.memref_slice %arg17[%add3A_164, %dma_start3A_176] : memref<10240x128xf32, #tpu.memory_space<vmem_shared>> -> memref<16x128xf32, #tpu.memory_space<vmem_shared>>
      tpu.enqueue_dma source(%arg16 : memref<16x128xf32, #tpu.memory_space<vmem>>) target(%dma_start3A_177 : memref<16x128xf32, #tpu.memory_space<vmem_shared>>) target_semaphore(%run_scoped3A : memref<!tpu.dma_semaphore, #tpu.memory_space<semaphore_mem>>)
      %dma_wait3A = arith.constant 0 : i32
      %dma_wait3A_178 = tpu.memref_slice %arg17[%add3A_164, %dma_wait3A] : memref<10240x128xf32, #tpu.memory_space<vmem_shared>> -> memref<16x128xf32, #tpu.memory_space<vmem_shared>>
      %dma_wait3A_179 = arith.constant 0 : i32
      %dma_wait3A_180 = tpu.memref_slice %arg17[%add3A_164, %dma_wait3A_179] : memref<10240x128xf32, #tpu.memory_space<vmem_shared>> -> memref<16x128xf32, #tpu.memory_space<vmem_shared>>
      tpu.wait_dma2 semaphore(%run_scoped3A : memref<!tpu.dma_semaphore, #tpu.memory_space<semaphore_mem>>) src(%arg16 : memref<16x128xf32, #tpu.memory_space<vmem>>) dst(%dma_wait3A_180 : memref<16x128xf32, #tpu.memory_space<vmem_shared>>)
      tpu.yield
    }) : () -> ()
    %barrier3A = arith.constant 0 : index
    tpu.barrier barrier_id(%barrier3A)
    %scan3A_165 = arith.constant 0 : i32
    %scan3A_166 = arith.constant 125 : i32
    %scan3A_167 = arith.addi %scan3A_165, %scan3A_166 : i32
    %scan3A_168 = arith.constant 1 : i32
    scf.for %scan3A_175 = %scan3A_165 to %scan3A_167 step %scan3A_168  : i32 {
      %mul3A_176 = arith.constant 1 : i32
      %mul3A_177 = arith.muli %scan3A_175, %mul3A_176 : i32
      %add3A_178 = arith.constant 0 : i32
      %add3A_179 = arith.addi %add3A_178, %mul3A_177 : i32
      %mul3A_180 = arith.constant 10000 : i32
      %mul3A_181 = arith.muli %add3A, %mul3A_180 : i32
      %mul3A_182 = arith.constant 80 : i32
      %mul3A_183 = arith.muli %add3A_179, %mul3A_182 : i32
      %add3A_184 = arith.addi %mul3A_181, %mul3A_183 : i32
      "tpu.region"() ({
        %run_scoped3A_392 = tpu.sem_alloc : memref<!tpu.dma_semaphore, #tpu.memory_space<semaphore_mem>>
        %dma_start3A_393 = tpu.memref_slice %arg6[%add3A_184] : memref<320000xi32, #tpu.memory_space<hbm>> -> memref<80xi32, #tpu.memory_space<hbm>>
        %dma_start3A_394 = tpu.memref_slice %arg6[%add3A_184] : memref<320000xi32, #tpu.memory_space<hbm>> -> memref<80xi32, #tpu.memory_space<hbm>>
        tpu.enqueue_dma source(%dma_start3A_394 : memref<80xi32, #tpu.memory_space<hbm>>) target(%arg12 : memref<80xi32, #tpu.memory_space<vmem>>) target_semaphore(%run_scoped3A_392 : memref<!tpu.dma_semaphore, #tpu.memory_space<semaphore_mem>>)
        %dma_wait3A_395 = tpu.memref_slice %arg6[%add3A_184] : memref<320000xi32, #tpu.memory_space<hbm>> -> memref<80xi32, #tpu.memory_space<hbm>>
        %dma_wait3A_396 = tpu.memref_slice %arg6[%add3A_184] : memref<320000xi32, #tpu.memory_space<hbm>> -> memref<80xi32, #tpu.memory_space<hbm>>
        tpu.wait_dma2 semaphore(%run_scoped3A_392 : memref<!tpu.dma_semaphore, #tpu.memory_space<semaphore_mem>>) src(%dma_wait3A_396 : memref<80xi32, #tpu.memory_space<hbm>>) dst(%arg12 : memref<80xi32, #tpu.memory_space<vmem>>)
        tpu.yield
      }) : () -> ()
      %run_scoped3A = arith.constant 0 : i32
      "tpu.region"() ({
        %run_scoped3A_392 = tpu.sem_alloc : memref<!tpu.dma_semaphore, #tpu.memory_space<semaphore_mem>>
        %dma_start3A_393 = arith.constant 0 : i32
        %dma_start3A_394 = tpu.memref_slice %arg13[%run_scoped3A, %dma_start3A_393] : memref<1x80xi32, #tpu.memory_space<vmem>> -> memref<1x80xi32, #tpu.memory_space<vmem>>
        %dma_start3A_395 = tpu.memref_squeeze %dma_start3A_394 : memref<1x80xi32, #tpu.memory_space<vmem>> -> memref<80xi32, #tpu.memory_space<vmem>>
        %dma_start3A_396 = tpu.memref_slice %arg7[%add3A_184] : memref<320000xi32, #tpu.memory_space<hbm>> -> memref<80xi32, #tpu.memory_space<hbm>>
        %dma_start3A_397 = arith.constant 0 : i32
        %dma_start3A_398 = tpu.memref_slice %arg13[%run_scoped3A, %dma_start3A_397] : memref<1x80xi32, #tpu.memory_space<vmem>> -> memref<1x80xi32, #tpu.memory_space<vmem>>
        %dma_start3A_399 = tpu.memref_squeeze %dma_start3A_398 : memref<1x80xi32, #tpu.memory_space<vmem>> -> memref<80xi32, #tpu.memory_space<vmem>>
        %dma_start3A_400 = tpu.memref_slice %arg7[%add3A_184] : memref<320000xi32, #tpu.memory_space<hbm>> -> memref<80xi32, #tpu.memory_space<hbm>>
        tpu.enqueue_dma source(%dma_start3A_400 : memref<80xi32, #tpu.memory_space<hbm>>) target(%dma_start3A_399 : memref<80xi32, #tpu.memory_space<vmem>>) target_semaphore(%run_scoped3A_392 : memref<!tpu.dma_semaphore, #tpu.memory_space<semaphore_mem>>)
        %dma_wait3A_401 = arith.constant 0 : i32
        %dma_wait3A_402 = tpu.memref_slice %arg13[%run_scoped3A, %dma_wait3A_401] : memref<1x80xi32, #tpu.memory_space<vmem>> -> memref<1x80xi32, #tpu.memory_space<vmem>>
        %dma_wait3A_403 = tpu.memref_squeeze %dma_wait3A_402 : memref<1x80xi32, #tpu.memory_space<vmem>> -> memref<80xi32, #tpu.memory_space<vmem>>
        %dma_wait3A_404 = tpu.memref_slice %arg7[%add3A_184] : memref<320000xi32, #tpu.memory_space<hbm>> -> memref<80xi32, #tpu.memory_space<hbm>>
        %dma_wait3A_405 = arith.constant 0 : i32
        %dma_wait3A_406 = tpu.memref_slice %arg13[%run_scoped3A, %dma_wait3A_405] : memref<1x80xi32, #tpu.memory_space<vmem>> -> memref<1x80xi32, #tpu.memory_space<vmem>>
        %dma_wait3A_407 = tpu.memref_squeeze %dma_wait3A_406 : memref<1x80xi32, #tpu.memory_space<vmem>> -> memref<80xi32, #tpu.memory_space<vmem>>
        %dma_wait3A_408 = tpu.memref_slice %arg7[%add3A_184] : memref<320000xi32, #tpu.memory_space<hbm>> -> memref<80xi32, #tpu.memory_space<hbm>>
        tpu.wait_dma2 semaphore(%run_scoped3A_392 : memref<!tpu.dma_semaphore, #tpu.memory_space<semaphore_mem>>) src(%dma_wait3A_408 : memref<80xi32, #tpu.memory_space<hbm>>) dst(%dma_wait3A_407 : memref<80xi32, #tpu.memory_space<vmem>>)
        tpu.yield
      }) : () -> ()
      %dma_start3A = arith.constant 0 : i32
      %dma_start3A_185 = arith.constant 0 : i32
      %dma_start3A_186 = tpu.memref_slice %arg2[%dma_start3A, %dma_start3A_185] : memref<10240x128xf32, #tpu.memory_space<hbm>> -> memref<10240x128xf32, #tpu.memory_space<hbm>>
      tpu.enqueue_indirect_dma source(%dma_start3A_186 : memref<10240x128xf32, #tpu.memory_space<hbm>>) target(%arg15 : memref<80x128xf32, #tpu.memory_space<vmem>>) offsets(%arg12 : memref<80xi32, #tpu.memory_space<vmem>>) semaphore(%arg18 : memref<!tpu.dma_semaphore, #tpu.memory_space<semaphore_mem>>)
      %get3A = arith.constant 0 : index
      %get3A_187 = tpu.vector_load %arg12[%get3A] {strides = array<i32>} : memref<80xi32, #tpu.memory_space<vmem>>, vector<16xi32>,
      %get3A_188 = arith.constant 0 : i32
      %get3A_189 = arith.index_cast %get3A_188 : i32 to index
      %get3A_190 = arith.constant 0 : index
      %get3A_191 = tpu.vector_load %arg13[%get3A_189, %get3A_190] {strides = array<i32>} : memref<1x80xi32, #tpu.memory_space<vmem>>, vector<16xi32>,
      %gather3A = tpu.vector_load_idx %arg9[%get3A_187] : memref<10240xf32, #tpu.memory_space<vmem>>[vector<16xi32>], vector<16xf32>,
      %gather3A_192 = tpu.vector_load_idx %arg10[%get3A_191] : memref<10240xf32, #tpu.memory_space<vmem>>[vector<16xi32>], vector<16xf32>,
      %add3A_193 = arith.addf %gather3A, %gather3A_192 : vector<16xf32>
      %abs3A = math.absf %add3A_193 : vector<16xf32>
      %mul3A_194 = arith.constant -2.000000e+00 : f32
      %mul3A_195 = vector.broadcast %mul3A_194 : f32 to vector<16xf32>
      %mul3A_196 = arith.mulf %mul3A_195, %abs3A : vector<16xf32>
      %exp3A = math.exp %mul3A_196 : vector<16xf32>
      %sign3A = tpu.bitcast %add3A_193 : vector<16xf32> -> vector<16xi32>
      %sign3A_197 = arith.constant -2147483648 : i32
      %sign3A_198 = vector.broadcast %sign3A_197 : i32 to vector<16xi32>
      %sign3A_199 = arith.andi %sign3A, %sign3A_198 : vector<16xi32>
      %sign3A_200 = arith.constant 1065353216 : i32
      %sign3A_201 = vector.broadcast %sign3A_200 : i32 to vector<16xi32>
      %sign3A_202 = arith.ori %sign3A_201, %sign3A_199 : vector<16xi32>
      %sign3A_203 = tpu.bitcast %sign3A_202 : vector<16xi32> -> vector<16xf32>
      %sign3A_204 = math.absf %add3A_193 : vector<16xf32>
      %sign3A_205 = arith.constant 0.000000e+00 : f32
      %sign3A_206 = vector.broadcast %sign3A_205 : f32 to vector<16xf32>
      %sign3A_207 = arith.cmpf ogt, %sign3A_204, %sign3A_206 : vector<16xf32>
      %sign3A_208 = arith.select %sign3A_207, %sign3A_203, %add3A_193 : vector<16xi1>, vector<16xf32>
      %sub3A = arith.constant 1.000000e+00 : f32
      %sub3A_209 = vector.broadcast %sub3A : f32 to vector<16xf32>
      %sub3A_210 = arith.subf %sub3A_209, %exp3A : vector<16xf32>
      %mul3A_211 = arith.mulf %sign3A_208, %sub3A_210 : vector<16xf32>
      %add3A_212 = arith.constant 1.000000e+00 : f32
      %add3A_213 = vector.broadcast %add3A_212 : f32 to vector<16xf32>
      %add3A_214 = arith.addf %add3A_213, %exp3A : vector<16xf32>
      %div3A = arith.divf %mul3A_211, %add3A_214 : vector<16xf32>
      %gather3A_215 = tpu.vector_load_idx %arg11[%get3A_187] : memref<10240xf32, #tpu.memory_space<vmem>>[vector<16xi32>], vector<16xf32>,
      %mul3A_216 = arith.mulf %div3A, %gather3A_215 : vector<16xf32>
      %gather3A_217 = tpu.vector_load_idx %arg11[%get3A_191] : memref<10240xf32, #tpu.memory_space<vmem>>[vector<16xi32>], vector<16xf32>,
      %mul3A_218 = arith.mulf %mul3A_216, %gather3A_217 : vector<16xf32>
      %swap3A = arith.constant 0 : index
      %swap3A_219 = tpu.vector_load %arg14[%swap3A] {strides = array<i32>} : memref<80xf32, #tpu.memory_space<vmem>>, vector<16xf32>,
      tpu.vector_store %arg14[%swap3A], %mul3A_218 {strides = array<i32>} : memref<80xf32, #tpu.memory_space<vmem>>, vector<16xf32>,
      %get3A_220 = arith.constant 16 : index
      %get3A_221 = tpu.vector_load %arg12[%get3A_220] {strides = array<i32>} : memref<80xi32, #tpu.memory_space<vmem>>, vector<16xi32>,
      %get3A_222 = arith.constant 0 : i32
      %get3A_223 = arith.index_cast %get3A_222 : i32 to index
      %get3A_224 = arith.constant 16 : index
      %get3A_225 = tpu.vector_load %arg13[%get3A_223, %get3A_224] {strides = array<i32>} : memref<1x80xi32, #tpu.memory_space<vmem>>, vector<16xi32>,
      %gather3A_226 = tpu.vector_load_idx %arg9[%get3A_221] : memref<10240xf32, #tpu.memory_space<vmem>>[vector<16xi32>], vector<16xf32>,
      %gather3A_227 = tpu.vector_load_idx %arg10[%get3A_225] : memref<10240xf32, #tpu.memory_space<vmem>>[vector<16xi32>], vector<16xf32>,
      %add3A_228 = arith.addf %gather3A_226, %gather3A_227 : vector<16xf32>
      %abs3A_229 = math.absf %add3A_228 : vector<16xf32>
      %mul3A_230 = arith.constant -2.000000e+00 : f32
      %mul3A_231 = vector.broadcast %mul3A_230 : f32 to vector<16xf32>
      %mul3A_232 = arith.mulf %mul3A_231, %abs3A_229 : vector<16xf32>
      %exp3A_233 = math.exp %mul3A_232 : vector<16xf32>
      %sign3A_234 = tpu.bitcast %add3A_228 : vector<16xf32> -> vector<16xi32>
      %sign3A_235 = arith.constant -2147483648 : i32
      %sign3A_236 = vector.broadcast %sign3A_235 : i32 to vector<16xi32>
      %sign3A_237 = arith.andi %sign3A_234, %sign3A_236 : vector<16xi32>
      %sign3A_238 = arith.constant 1065353216 : i32
      %sign3A_239 = vector.broadcast %sign3A_238 : i32 to vector<16xi32>
      %sign3A_240 = arith.ori %sign3A_239, %sign3A_237 : vector<16xi32>
      %sign3A_241 = tpu.bitcast %sign3A_240 : vector<16xi32> -> vector<16xf32>
      %sign3A_242 = math.absf %add3A_228 : vector<16xf32>
      %sign3A_243 = arith.constant 0.000000e+00 : f32
      %sign3A_244 = vector.broadcast %sign3A_243 : f32 to vector<16xf32>
      %sign3A_245 = arith.cmpf ogt, %sign3A_242, %sign3A_244 : vector<16xf32>
      %sign3A_246 = arith.select %sign3A_245, %sign3A_241, %add3A_228 : vector<16xi1>, vector<16xf32>
      %sub3A_247 = arith.constant 1.000000e+00 : f32
      %sub3A_248 = vector.broadcast %sub3A_247 : f32 to vector<16xf32>
      %sub3A_249 = arith.subf %sub3A_248, %exp3A_233 : vector<16xf32>
      %mul3A_250 = arith.mulf %sign3A_246, %sub3A_249 : vector<16xf32>
      %add3A_251 = arith.constant 1.000000e+00 : f32
      %add3A_252 = vector.broadcast %add3A_251 : f32 to vector<16xf32>
      %add3A_253 = arith.addf %add3A_252, %exp3A_233 : vector<16xf32>
      %div3A_254 = arith.divf %mul3A_250, %add3A_253 : vector<16xf32>
      %gather3A_255 = tpu.vector_load_idx %arg11[%get3A_221] : memref<10240xf32, #tpu.memory_space<vmem>>[vector<16xi32>], vector<16xf32>,
      %mul3A_256 = arith.mulf %div3A_254, %gather3A_255 : vector<16xf32>
      %gather3A_257 = tpu.vector_load_idx %arg11[%get3A_225] : memref<10240xf32, #tpu.memory_space<vmem>>[vector<16xi32>], vector<16xf32>,
      %mul3A_258 = arith.mulf %mul3A_256, %gather3A_257 : vector<16xf32>
      %swap3A_259 = arith.constant 16 : index
      %swap3A_260 = tpu.vector_load %arg14[%swap3A_259] {strides = array<i32>} : memref<80xf32, #tpu.memory_space<vmem>>, vector<16xf32>,
      tpu.vector_store %arg14[%swap3A_259], %mul3A_258 {strides = array<i32>} : memref<80xf32, #tpu.memory_space<vmem>>, vector<16xf32>,
      %get3A_261 = arith.constant 32 : index
      %get3A_262 = tpu.vector_load %arg12[%get3A_261] {strides = array<i32>} : memref<80xi32, #tpu.memory_space<vmem>>, vector<16xi32>,
      %get3A_263 = arith.constant 0 : i32
      %get3A_264 = arith.index_cast %get3A_263 : i32 to index
      %get3A_265 = arith.constant 32 : index
      %get3A_266 = tpu.vector_load %arg13[%get3A_264, %get3A_265] {strides = array<i32>} : memref<1x80xi32, #tpu.memory_space<vmem>>, vector<16xi32>,
      %gather3A_267 = tpu.vector_load_idx %arg9[%get3A_262] : memref<10240xf32, #tpu.memory_space<vmem>>[vector<16xi32>], vector<16xf32>,
      %gather3A_268 = tpu.vector_load_idx %arg10[%get3A_266] : memref<10240xf32, #tpu.memory_space<vmem>>[vector<16xi32>], vector<16xf32>,
      %add3A_269 = arith.addf %gather3A_267, %gather3A_268 : vector<16xf32>
      %abs3A_270 = math.absf %add3A_269 : vector<16xf32>
      %mul3A_271 = arith.constant -2.000000e+00 : f32
      %mul3A_272 = vector.broadcast %mul3A_271 : f32 to vector<16xf32>
      %mul3A_273 = arith.mulf %mul3A_272, %abs3A_270 : vector<16xf32>
      %exp3A_274 = math.exp %mul3A_273 : vector<16xf32>
      %sign3A_275 = tpu.bitcast %add3A_269 : vector<16xf32> -> vector<16xi32>
      %sign3A_276 = arith.constant -2147483648 : i32
      %sign3A_277 = vector.broadcast %sign3A_276 : i32 to vector<16xi32>
      %sign3A_278 = arith.andi %sign3A_275, %sign3A_277 : vector<16xi32>
      %sign3A_279 = arith.constant 1065353216 : i32
      %sign3A_280 = vector.broadcast %sign3A_279 : i32 to vector<16xi32>
      %sign3A_281 = arith.ori %sign3A_280, %sign3A_278 : vector<16xi32>
      %sign3A_282 = tpu.bitcast %sign3A_281 : vector<16xi32> -> vector<16xf32>
      %sign3A_283 = math.absf %add3A_269 : vector<16xf32>
      %sign3A_284 = arith.constant 0.000000e+00 : f32
      %sign3A_285 = vector.broadcast %sign3A_284 : f32 to vector<16xf32>
      %sign3A_286 = arith.cmpf ogt, %sign3A_283, %sign3A_285 : vector<16xf32>
      %sign3A_287 = arith.select %sign3A_286, %sign3A_282, %add3A_269 : vector<16xi1>, vector<16xf32>
      %sub3A_288 = arith.constant 1.000000e+00 : f32
      %sub3A_289 = vector.broadcast %sub3A_288 : f32 to vector<16xf32>
      %sub3A_290 = arith.subf %sub3A_289, %exp3A_274 : vector<16xf32>
      %mul3A_291 = arith.mulf %sign3A_287, %sub3A_290 : vector<16xf32>
      %add3A_292 = arith.constant 1.000000e+00 : f32
      %add3A_293 = vector.broadcast %add3A_292 : f32 to vector<16xf32>
      %add3A_294 = arith.addf %add3A_293, %exp3A_274 : vector<16xf32>
      %div3A_295 = arith.divf %mul3A_291, %add3A_294 : vector<16xf32>
      %gather3A_296 = tpu.vector_load_idx %arg11[%get3A_262] : memref<10240xf32, #tpu.memory_space<vmem>>[vector<16xi32>], vector<16xf32>,
      %mul3A_297 = arith.mulf %div3A_295, %gather3A_296 : vector<16xf32>
      %gather3A_298 = tpu.vector_load_idx %arg11[%get3A_266] : memref<10240xf32, #tpu.memory_space<vmem>>[vector<16xi32>], vector<16xf32>,
      %mul3A_299 = arith.mulf %mul3A_297, %gather3A_298 : vector<16xf32>
      %swap3A_300 = arith.constant 32 : index
      %swap3A_301 = tpu.vector_load %arg14[%swap3A_300] {strides = array<i32>} : memref<80xf32, #tpu.memory_space<vmem>>, vector<16xf32>,
      tpu.vector_store %arg14[%swap3A_300], %mul3A_299 {strides = array<i32>} : memref<80xf32, #tpu.memory_space<vmem>>, vector<16xf32>,
      %get3A_302 = arith.constant 48 : index
      %get3A_303 = tpu.vector_load %arg12[%get3A_302] {strides = array<i32>} : memref<80xi32, #tpu.memory_space<vmem>>, vector<16xi32>,
      %get3A_304 = arith.constant 0 : i32
      %get3A_305 = arith.index_cast %get3A_304 : i32 to index
      %get3A_306 = arith.constant 48 : index
      %get3A_307 = tpu.vector_load %arg13[%get3A_305, %get3A_306] {strides = array<i32>} : memref<1x80xi32, #tpu.memory_space<vmem>>, vector<16xi32>,
      %gather3A_308 = tpu.vector_load_idx %arg9[%get3A_303] : memref<10240xf32, #tpu.memory_space<vmem>>[vector<16xi32>], vector<16xf32>,
      %gather3A_309 = tpu.vector_load_idx %arg10[%get3A_307] : memref<10240xf32, #tpu.memory_space<vmem>>[vector<16xi32>], vector<16xf32>,
      %add3A_310 = arith.addf %gather3A_308, %gather3A_309 : vector<16xf32>
      %abs3A_311 = math.absf %add3A_310 : vector<16xf32>
      %mul3A_312 = arith.constant -2.000000e+00 : f32
      %mul3A_313 = vector.broadcast %mul3A_312 : f32 to vector<16xf32>
      %mul3A_314 = arith.mulf %mul3A_313, %abs3A_311 : vector<16xf32>
      %exp3A_315 = math.exp %mul3A_314 : vector<16xf32>
      %sign3A_316 = tpu.bitcast %add3A_310 : vector<16xf32> -> vector<16xi32>
      %sign3A_317 = arith.constant -2147483648 : i32
      %sign3A_318 = vector.broadcast %sign3A_317 : i32 to vector<16xi32>
      %sign3A_319 = arith.andi %sign3A_316, %sign3A_318 : vector<16xi32>
      %sign3A_320 = arith.constant 1065353216 : i32
      %sign3A_321 = vector.broadcast %sign3A_320 : i32 to vector<16xi32>
      %sign3A_322 = arith.ori %sign3A_321, %sign3A_319 : vector<16xi32>
      %sign3A_323 = tpu.bitcast %sign3A_322 : vector<16xi32> -> vector<16xf32>
      %sign3A_324 = math.absf %add3A_310 : vector<16xf32>
      %sign3A_325 = arith.constant 0.000000e+00 : f32
      %sign3A_326 = vector.broadcast %sign3A_325 : f32 to vector<16xf32>
      %sign3A_327 = arith.cmpf ogt, %sign3A_324, %sign3A_326 : vector<16xf32>
      %sign3A_328 = arith.select %sign3A_327, %sign3A_323, %add3A_310 : vector<16xi1>, vector<16xf32>
      %sub3A_329 = arith.constant 1.000000e+00 : f32
      %sub3A_330 = vector.broadcast %sub3A_329 : f32 to vector<16xf32>
      %sub3A_331 = arith.subf %sub3A_330, %exp3A_315 : vector<16xf32>
      %mul3A_332 = arith.mulf %sign3A_328, %sub3A_331 : vector<16xf32>
      %add3A_333 = arith.constant 1.000000e+00 : f32
      %add3A_334 = vector.broadcast %add3A_333 : f32 to vector<16xf32>
      %add3A_335 = arith.addf %add3A_334, %exp3A_315 : vector<16xf32>
      %div3A_336 = arith.divf %mul3A_332, %add3A_335 : vector<16xf32>
      %gather3A_337 = tpu.vector_load_idx %arg11[%get3A_303] : memref<10240xf32, #tpu.memory_space<vmem>>[vector<16xi32>], vector<16xf32>,
      %mul3A_338 = arith.mulf %div3A_336, %gather3A_337 : vector<16xf32>
      %gather3A_339 = tpu.vector_load_idx %arg11[%get3A_307] : memref<10240xf32, #tpu.memory_space<vmem>>[vector<16xi32>], vector<16xf32>,
      %mul3A_340 = arith.mulf %mul3A_338, %gather3A_339 : vector<16xf32>
      %swap3A_341 = arith.constant 48 : index
      %swap3A_342 = tpu.vector_load %arg14[%swap3A_341] {strides = array<i32>} : memref<80xf32, #tpu.memory_space<vmem>>, vector<16xf32>,
      tpu.vector_store %arg14[%swap3A_341], %mul3A_340 {strides = array<i32>} : memref<80xf32, #tpu.memory_space<vmem>>, vector<16xf32>,
      %get3A_343 = arith.constant 64 : index
      %get3A_344 = tpu.vector_load %arg12[%get3A_343] {strides = array<i32>} : memref<80xi32, #tpu.memory_space<vmem>>, vector<16xi32>,
      %get3A_345 = arith.constant 0 : i32
      %get3A_346 = arith.index_cast %get3A_345 : i32 to index
      %get3A_347 = arith.constant 64 : index
      %get3A_348 = tpu.vector_load %arg13[%get3A_346, %get3A_347] {strides = array<i32>} : memref<1x80xi32, #tpu.memory_space<vmem>>, vector<16xi32>,
      %gather3A_349 = tpu.vector_load_idx %arg9[%get3A_344] : memref<10240xf32, #tpu.memory_space<vmem>>[vector<16xi32>], vector<16xf32>,
      %gather3A_350 = tpu.vector_load_idx %arg10[%get3A_348] : memref<10240xf32, #tpu.memory_space<vmem>>[vector<16xi32>], vector<16xf32>,
      %add3A_351 = arith.addf %gather3A_349, %gather3A_350 : vector<16xf32>
      %abs3A_352 = math.absf %add3A_351 : vector<16xf32>
      %mul3A_353 = arith.constant -2.000000e+00 : f32
      %mul3A_354 = vector.broadcast %mul3A_353 : f32 to vector<16xf32>
      %mul3A_355 = arith.mulf %mul3A_354, %abs3A_352 : vector<16xf32>
      %exp3A_356 = math.exp %mul3A_355 : vector<16xf32>
      %sign3A_357 = tpu.bitcast %add3A_351 : vector<16xf32> -> vector<16xi32>
      %sign3A_358 = arith.constant -2147483648 : i32
      %sign3A_359 = vector.broadcast %sign3A_358 : i32 to vector<16xi32>
      %sign3A_360 = arith.andi %sign3A_357, %sign3A_359 : vector<16xi32>
      %sign3A_361 = arith.constant 1065353216 : i32
      %sign3A_362 = vector.broadcast %sign3A_361 : i32 to vector<16xi32>
      %sign3A_363 = arith.ori %sign3A_362, %sign3A_360 : vector<16xi32>
      %sign3A_364 = tpu.bitcast %sign3A_363 : vector<16xi32> -> vector<16xf32>
      %sign3A_365 = math.absf %add3A_351 : vector<16xf32>
      %sign3A_366 = arith.constant 0.000000e+00 : f32
      %sign3A_367 = vector.broadcast %sign3A_366 : f32 to vector<16xf32>
      %sign3A_368 = arith.cmpf ogt, %sign3A_365, %sign3A_367 : vector<16xf32>
      %sign3A_369 = arith.select %sign3A_368, %sign3A_364, %add3A_351 : vector<16xi1>, vector<16xf32>
      %sub3A_370 = arith.constant 1.000000e+00 : f32
      %sub3A_371 = vector.broadcast %sub3A_370 : f32 to vector<16xf32>
      %sub3A_372 = arith.subf %sub3A_371, %exp3A_356 : vector<16xf32>
      %mul3A_373 = arith.mulf %sign3A_369, %sub3A_372 : vector<16xf32>
      %add3A_374 = arith.constant 1.000000e+00 : f32
      %add3A_375 = vector.broadcast %add3A_374 : f32 to vector<16xf32>
      %add3A_376 = arith.addf %add3A_375, %exp3A_356 : vector<16xf32>
      %div3A_377 = arith.divf %mul3A_373, %add3A_376 : vector<16xf32>
      %gather3A_378 = tpu.vector_load_idx %arg11[%get3A_344] : memref<10240xf32, #tpu.memory_space<vmem>>[vector<16xi32>], vector<16xf32>,
      %mul3A_379 = arith.mulf %div3A_377, %gather3A_378 : vector<16xf32>
      %gather3A_380 = tpu.vector_load_idx %arg11[%get3A_348] : memref<10240xf32, #tpu.memory_space<vmem>>[vector<16xi32>], vector<16xf32>,
      %mul3A_381 = arith.mulf %mul3A_379, %gather3A_380 : vector<16xf32>
      %swap3A_382 = arith.constant 64 : index
      %swap3A_383 = tpu.vector_load %arg14[%swap3A_382] {strides = array<i32>} : memref<80xf32, #tpu.memory_space<vmem>>, vector<16xf32>,
      tpu.vector_store %arg14[%swap3A_382], %mul3A_381 {strides = array<i32>} : memref<80xf32, #tpu.memory_space<vmem>>, vector<16xf32>,
      %dma_wait3A = arith.constant 0 : i32
      %dma_wait3A_384 = arith.constant 0 : i32
      %dma_wait3A_385 = tpu.memref_slice %arg2[%dma_wait3A, %dma_wait3A_384] : memref<10240x128xf32, #tpu.memory_space<hbm>> -> memref<10240x128xf32, #tpu.memory_space<hbm>>
      tpu.wait_indirect_dma semaphore(%arg18 : memref<!tpu.dma_semaphore, #tpu.memory_space<semaphore_mem>>) src(%dma_wait3A_385 : memref<10240x128xf32, #tpu.memory_space<hbm>>) dst(%arg15 : memref<80x128xf32, #tpu.memory_space<vmem>>)
      %scan3A_386 = arith.constant 0 : i32
      %scan3A_387 = arith.constant 80 : i32
      %scan3A_388 = arith.addi %scan3A_386, %scan3A_387 : i32
      %scan3A_389 = arith.constant 1 : i32
      scf.for %scan3A_392 = %scan3A_386 to %scan3A_388 step %scan3A_389  : i32 {
        %mul3A_393 = arith.constant 1 : i32
        %mul3A_394 = arith.muli %scan3A_392, %mul3A_393 : i32
        %add3A_395 = arith.constant 0 : i32
        %add3A_396 = arith.addi %add3A_395, %mul3A_394 : i32
        %broadcast_in_dim3A = vector.broadcast %add3A_396 : i32 to vector<16xi32>
        %gather3A_397 = tpu.vector_load_idx %arg14[%broadcast_in_dim3A] : memref<80xf32, #tpu.memory_space<vmem>>[vector<16xi32>], vector<16xf32>,
        %get3A_398 = arith.index_cast %add3A_396 : i32 to index
        %get3A_399 = arith.constant 0 : index
        %get3A_400 = tpu.vector_load %arg15[%get3A_398, %get3A_399] {strides = array<i32>} : memref<80x128xf32, #tpu.memory_space<vmem>>, vector<16xf32>,
        %mul3A_401 = arith.mulf %get3A_400, %gather3A_397 : vector<16xf32>
        %swap3A_402 = arith.index_cast %add3A_396 : i32 to index
        %swap3A_403 = arith.constant 0 : index
        %swap3A_404 = tpu.vector_load %arg15[%swap3A_402, %swap3A_403] {strides = array<i32>} : memref<80x128xf32, #tpu.memory_space<vmem>>, vector<16xf32>,
        tpu.vector_store %arg15[%swap3A_402, %swap3A_403], %mul3A_401 {strides = array<i32>} : memref<80x128xf32, #tpu.memory_space<vmem>>, vector<16xf32>,
        %get3A_405 = arith.index_cast %add3A_396 : i32 to index
        %get3A_406 = arith.constant 16 : index
        %get3A_407 = tpu.vector_load %arg15[%get3A_405, %get3A_406] {strides = array<i32>} : memref<80x128xf32, #tpu.memory_space<vmem>>, vector<16xf32>,
        %mul3A_408 = arith.mulf %get3A_407, %gather3A_397 : vector<16xf32>
        %swap3A_409 = arith.index_cast %add3A_396 : i32 to index
        %swap3A_410 = arith.constant 16 : index
        %swap3A_411 = tpu.vector_load %arg15[%swap3A_409, %swap3A_410] {strides = array<i32>} : memref<80x128xf32, #tpu.memory_space<vmem>>, vector<16xf32>,
        tpu.vector_store %arg15[%swap3A_409, %swap3A_410], %mul3A_408 {strides = array<i32>} : memref<80x128xf32, #tpu.memory_space<vmem>>, vector<16xf32>,
        %get3A_412 = arith.index_cast %add3A_396 : i32 to index
        %get3A_413 = arith.constant 32 : index
        %get3A_414 = tpu.vector_load %arg15[%get3A_412, %get3A_413] {strides = array<i32>} : memref<80x128xf32, #tpu.memory_space<vmem>>, vector<16xf32>,
        %mul3A_415 = arith.mulf %get3A_414, %gather3A_397 : vector<16xf32>
        %swap3A_416 = arith.index_cast %add3A_396 : i32 to index
        %swap3A_417 = arith.constant 32 : index
        %swap3A_418 = tpu.vector_load %arg15[%swap3A_416, %swap3A_417] {strides = array<i32>} : memref<80x128xf32, #tpu.memory_space<vmem>>, vector<16xf32>,
        tpu.vector_store %arg15[%swap3A_416, %swap3A_417], %mul3A_415 {strides = array<i32>} : memref<80x128xf32, #tpu.memory_space<vmem>>, vector<16xf32>,
        %get3A_419 = arith.index_cast %add3A_396 : i32 to index
        %get3A_420 = arith.constant 48 : index
        %get3A_421 = tpu.vector_load %arg15[%get3A_419, %get3A_420] {strides = array<i32>} : memref<80x128xf32, #tpu.memory_space<vmem>>, vector<16xf32>,
        %mul3A_422 = arith.mulf %get3A_421, %gather3A_397 : vector<16xf32>
        %swap3A_423 = arith.index_cast %add3A_396 : i32 to index
        %swap3A_424 = arith.constant 48 : index
        %swap3A_425 = tpu.vector_load %arg15[%swap3A_423, %swap3A_424] {strides = array<i32>} : memref<80x128xf32, #tpu.memory_space<vmem>>, vector<16xf32>,
        tpu.vector_store %arg15[%swap3A_423, %swap3A_424], %mul3A_422 {strides = array<i32>} : memref<80x128xf32, #tpu.memory_space<vmem>>, vector<16xf32>,
        %get3A_426 = arith.index_cast %add3A_396 : i32 to index
        %get3A_427 = arith.constant 64 : index
        %get3A_428 = tpu.vector_load %arg15[%get3A_426, %get3A_427] {strides = array<i32>} : memref<80x128xf32, #tpu.memory_space<vmem>>, vector<16xf32>,
        %mul3A_429 = arith.mulf %get3A_428, %gather3A_397 : vector<16xf32>
        %swap3A_430 = arith.index_cast %add3A_396 : i32 to index
        %swap3A_431 = arith.constant 64 : index
        %swap3A_432 = tpu.vector_load %arg15[%swap3A_430, %swap3A_431] {strides = array<i32>} : memref<80x128xf32, #tpu.memory_space<vmem>>, vector<16xf32>,
        tpu.vector_store %arg15[%swap3A_430, %swap3A_431], %mul3A_429 {strides = array<i32>} : memref<80x128xf32, #tpu.memory_space<vmem>>, vector<16xf32>,
        %get3A_433 = arith.index_cast %add3A_396 : i32 to index
        %get3A_434 = arith.constant 80 : index
        %get3A_435 = tpu.vector_load %arg15[%get3A_433, %get3A_434] {strides = array<i32>} : memref<80x128xf32, #tpu.memory_space<vmem>>, vector<16xf32>,
        %mul3A_436 = arith.mulf %get3A_435, %gather3A_397 : vector<16xf32>
        %swap3A_437 = arith.index_cast %add3A_396 : i32 to index
        %swap3A_438 = arith.constant 80 : index
        %swap3A_439 = tpu.vector_load %arg15[%swap3A_437, %swap3A_438] {strides = array<i32>} : memref<80x128xf32, #tpu.memory_space<vmem>>, vector<16xf32>,
        tpu.vector_store %arg15[%swap3A_437, %swap3A_438], %mul3A_436 {strides = array<i32>} : memref<80x128xf32, #tpu.memory_space<vmem>>, vector<16xf32>,
        %get3A_440 = arith.index_cast %add3A_396 : i32 to index
        %get3A_441 = arith.constant 96 : index
        %get3A_442 = tpu.vector_load %arg15[%get3A_440, %get3A_441] {strides = array<i32>} : memref<80x128xf32, #tpu.memory_space<vmem>>, vector<16xf32>,
        %mul3A_443 = arith.mulf %get3A_442, %gather3A_397 : vector<16xf32>
        %swap3A_444 = arith.index_cast %add3A_396 : i32 to index
        %swap3A_445 = arith.constant 96 : index
        %swap3A_446 = tpu.vector_load %arg15[%swap3A_444, %swap3A_445] {strides = array<i32>} : memref<80x128xf32, #tpu.memory_space<vmem>>, vector<16xf32>,
        tpu.vector_store %arg15[%swap3A_444, %swap3A_445], %mul3A_443 {strides = array<i32>} : memref<80x128xf32, #tpu.memory_space<vmem>>, vector<16xf32>,
        %get3A_447 = arith.index_cast %add3A_396 : i32 to index
        %get3A_448 = arith.constant 112 : index
        %get3A_449 = tpu.vector_load %arg15[%get3A_447, %get3A_448] {strides = array<i32>} : memref<80x128xf32, #tpu.memory_space<vmem>>, vector<16xf32>,
        %mul3A_450 = arith.mulf %get3A_449, %gather3A_397 : vector<16xf32>
        %swap3A_451 = arith.index_cast %add3A_396 : i32 to index
        %swap3A_452 = arith.constant 112 : index
        %swap3A_453 = tpu.vector_load %arg15[%swap3A_451, %swap3A_452] {strides = array<i32>} : memref<80x128xf32, #tpu.memory_space<vmem>>, vector<16xf32>,
        tpu.vector_store %arg15[%swap3A_451, %swap3A_452], %mul3A_450 {strides = array<i32>} : memref<80x128xf32, #tpu.memory_space<vmem>>, vector<16xf32>,
      }
      %scan3A_390 = arith.constant 80 : i32
      %run_scoped3A_391 = arith.constant 0 : i32
      "tpu.region"() ({
        %run_scoped3A_392 = tpu.sem_alloc : memref<!tpu.dma_semaphore, #tpu.memory_space<semaphore_mem>>
        %dma_start3A_393 = arith.constant 0 : i32
        %dma_start3A_394 = tpu.memref_slice %arg13[%run_scoped3A_391, %dma_start3A_393] : memref<1x80xi32, #tpu.memory_space<vmem>> -> memref<1x80xi32, #tpu.memory_space<vmem>>
        %dma_start3A_395 = tpu.memref_squeeze %dma_start3A_394 : memref<1x80xi32, #tpu.memory_space<vmem>> -> memref<80xi32, #tpu.memory_space<vmem>>
        %dma_start3A_396 = arith.constant 0 : i32
        %dma_start3A_397 = arith.constant 0 : i32
        %dma_start3A_398 = tpu.memref_slice %arg17[%dma_start3A_396, %dma_start3A_397] : memref<10240x128xf32, #tpu.memory_space<vmem_shared>> -> memref<10240x128xf32, #tpu.memory_space<vmem_shared>>
        tpu.enqueue_indirect_dma source(%arg15 : memref<80x128xf32, #tpu.memory_space<vmem>>) target(%dma_start3A_398 : memref<10240x128xf32, #tpu.memory_space<vmem_shared>>) offsets(%dma_start3A_395 : memref<80xi32, #tpu.memory_space<vmem>>) semaphore(%run_scoped3A_392 : memref<!tpu.dma_semaphore, #tpu.memory_space<semaphore_mem>>) {add = true}
        %dma_wait3A_399 = arith.constant 0 : i32
        %dma_wait3A_400 = tpu.memref_slice %arg13[%run_scoped3A_391, %dma_wait3A_399] : memref<1x80xi32, #tpu.memory_space<vmem>> -> memref<1x80xi32, #tpu.memory_space<vmem>>
        %dma_wait3A_401 = tpu.memref_squeeze %dma_wait3A_400 : memref<1x80xi32, #tpu.memory_space<vmem>> -> memref<80xi32, #tpu.memory_space<vmem>>
        %dma_wait3A_402 = arith.constant 0 : i32
        %dma_wait3A_403 = arith.constant 0 : i32
        %dma_wait3A_404 = tpu.memref_slice %arg17[%dma_wait3A_402, %dma_wait3A_403] : memref<10240x128xf32, #tpu.memory_space<vmem_shared>> -> memref<10240x128xf32, #tpu.memory_space<vmem_shared>>
        tpu.wait_indirect_dma semaphore(%run_scoped3A_392 : memref<!tpu.dma_semaphore, #tpu.memory_space<semaphore_mem>>) src(%arg15 : memref<80x128xf32, #tpu.memory_space<vmem>>) dst(%dma_wait3A_404 : memref<10240x128xf32, #tpu.memory_space<vmem_shared>>)
        tpu.yield
      }) : () -> ()
    }
    %scan3A_169 = arith.constant 125 : i32
    %barrier3A_170 = arith.constant 0 : index
    tpu.barrier barrier_id(%barrier3A_170)
    %mul3A_171 = arith.constant 640 : i32
    %mul3A_172 = arith.muli %arg1, %mul3A_171 : i32
    %mul3A_173 = arith.constant 640 : i32
    %mul3A_174 = arith.muli %arg1, %mul3A_173 : i32
    "tpu.region"() ({
      %run_scoped3A = tpu.sem_alloc : memref<!tpu.dma_semaphore, #tpu.memory_space<semaphore_mem>>
      %dma_start3A = arith.constant 0 : i32
      %dma_start3A_175 = tpu.memref_slice %arg8[%arg0, %mul3A_174, %dma_start3A] : memref<2x10240x128xf32, #tpu.memory_space<hbm>> -> memref<1x640x128xf32, #tpu.memory_space<hbm>>
      %dma_start3A_176 = tpu.memref_squeeze %dma_start3A_175 : memref<1x640x128xf32, #tpu.memory_space<hbm>> -> memref<640x128xf32, #tpu.memory_space<hbm>>
      %dma_start3A_177 = arith.constant 0 : i32
      %dma_start3A_178 = tpu.memref_slice %arg17[%mul3A_172, %dma_start3A_177] : memref<10240x128xf32, #tpu.memory_space<vmem_shared>> -> memref<640x128xf32, #tpu.memory_space<vmem_shared>>
      tpu.enqueue_dma source(%dma_start3A_178 : memref<640x128xf32, #tpu.memory_space<vmem_shared>>) target(%dma_start3A_176 : memref<640x128xf32, #tpu.memory_space<hbm>>) target_semaphore(%run_scoped3A : memref<!tpu.dma_semaphore, #tpu.memory_space<semaphore_mem>>)
      %dma_wait3A = arith.constant 0 : i32
      %dma_wait3A_179 = tpu.memref_slice %arg8[%arg0, %mul3A_174, %dma_wait3A] : memref<2x10240x128xf32, #tpu.memory_space<hbm>> -> memref<1x640x128xf32, #tpu.memory_space<hbm>>
      %dma_wait3A_180 = tpu.memref_squeeze %dma_wait3A_179 : memref<1x640x128xf32, #tpu.memory_space<hbm>> -> memref<640x128xf32, #tpu.memory_space<hbm>>
      %dma_wait3A_181 = arith.constant 0 : i32
      %dma_wait3A_182 = tpu.memref_slice %arg17[%mul3A_172, %dma_wait3A_181] : memref<10240x128xf32, #tpu.memory_space<vmem_shared>> -> memref<640x128xf32, #tpu.memory_space<vmem_shared>>
      tpu.wait_dma2 semaphore(%run_scoped3A : memref<!tpu.dma_semaphore, #tpu.memory_space<semaphore_mem>>) src(%dma_wait3A_182 : memref<640x128xf32, #tpu.memory_space<vmem_shared>>) dst(%dma_wait3A_180 : memref<640x128xf32, #tpu.memory_space<hbm>>)
      tpu.yield
    }) : () -> ()
    return
  }
}

#map = affine_map<(d0, d1) -> (0, 0)>
#map1 = affine_map<(d0, d1) -> (0)>
#map2 = affine_map<(d0, d1) -> (0, 0, 0)>
module attributes {stable_mosaic.version = 14 : i64} {
  func.func @_layer_body(%arg0: i32, %arg1: i32, %arg2: memref<10240x128xf32, #tpu.memory_space<hbm>>, %arg3: memref<10240xf32, #tpu.memory_space<hbm>>, %arg4: memref<10240xf32, #tpu.memory_space<hbm>>, %arg5: memref<10240xf32, #tpu.memory_space<hbm>>, %arg6: memref<320000xi32, #tpu.memory_space<hbm>>, %arg7: memref<320000xi32, #tpu.memory_space<hbm>>, %arg8: memref<2x10240x128xf32, #tpu.memory_space<hbm>>, %arg9: memref<10240xf32, #tpu.memory_space<vmem>>, %arg10: memref<10240xf32, #tpu.memory_space<vmem>>, %arg11: memref<10240xf32, #tpu.memory_space<vmem>>, %arg12: memref<80xi32, #tpu.memory_space<vmem>>, %arg13: memref<1x80xi32, #tpu.memory_space<vmem>>, %arg14: memref<80xf32, #tpu.memory_space<vmem>>, %arg15: memref<80x128xf32, #tpu.memory_space<vmem>>, %arg16: memref<16x128xf32, #tpu.memory_space<vmem>>, %arg17: memref<10240x128xf32, #tpu.memory_space<vmem_shared>>, %arg18: memref<!tpu.dma_semaphore, #tpu.memory_space<semaphore_mem>>) attributes {dimension_semantics = [#tpu.dimension_semantics<core_parallel>, #tpu.dimension_semantics<subcore_parallel>], iteration_bounds = array<i64: 2, 16>, scalar_prefetch = 0 : i64, scratch_operands = 10 : i64, tpu.core_type = #tpu.core_type<sc_vector_subcore>, window_params = [{transform_indices = #map}, {transform_indices = #map1}, {transform_indices = #map1}, {transform_indices = #map1}, {transform_indices = #map1}, {transform_indices = #map1}, {transform_indices = #map2}]} {
    %mul3A = arith.constant 2 : i32
    %mul3A_0 = arith.muli %arg1, %mul3A : i32
    %add3A = arith.addi %mul3A_0, %arg0 : i32
    "tpu.region"() ({
      %run_scoped3A = tpu.sem_alloc : memref<!tpu.dma_semaphore, #tpu.memory_space<semaphore_mem>>
      tpu.enqueue_dma source(%arg3 : memref<10240xf32, #tpu.memory_space<hbm>>) target(%arg9 : memref<10240xf32, #tpu.memory_space<vmem>>) target_semaphore(%run_scoped3A : memref<!tpu.dma_semaphore, #tpu.memory_space<semaphore_mem>>)
      tpu.wait_dma2 semaphore(%run_scoped3A : memref<!tpu.dma_semaphore, #tpu.memory_space<semaphore_mem>>) src(%arg3 : memref<10240xf32, #tpu.memory_space<hbm>>) dst(%arg9 : memref<10240xf32, #tpu.memory_space<vmem>>)
      tpu.yield
    }) : () -> ()
    "tpu.region"() ({
      %run_scoped3A = tpu.sem_alloc : memref<!tpu.dma_semaphore, #tpu.memory_space<semaphore_mem>>
      tpu.enqueue_dma source(%arg4 : memref<10240xf32, #tpu.memory_space<hbm>>) target(%arg10 : memref<10240xf32, #tpu.memory_space<vmem>>) target_semaphore(%run_scoped3A : memref<!tpu.dma_semaphore, #tpu.memory_space<semaphore_mem>>)
      tpu.wait_dma2 semaphore(%run_scoped3A : memref<!tpu.dma_semaphore, #tpu.memory_space<semaphore_mem>>) src(%arg4 : memref<10240xf32, #tpu.memory_space<hbm>>) dst(%arg10 : memref<10240xf32, #tpu.memory_space<vmem>>)
      tpu.yield
    }) : () -> ()
    "tpu.region"() ({
      %run_scoped3A = tpu.sem_alloc : memref<!tpu.dma_semaphore, #tpu.memory_space<semaphore_mem>>
      tpu.enqueue_dma source(%arg5 : memref<10240xf32, #tpu.memory_space<hbm>>) target(%arg11 : memref<10240xf32, #tpu.memory_space<vmem>>) target_semaphore(%run_scoped3A : memref<!tpu.dma_semaphore, #tpu.memory_space<semaphore_mem>>)
      tpu.wait_dma2 semaphore(%run_scoped3A : memref<!tpu.dma_semaphore, #tpu.memory_space<semaphore_mem>>) src(%arg5 : memref<10240xf32, #tpu.memory_space<hbm>>) dst(%arg11 : memref<10240xf32, #tpu.memory_space<vmem>>)
      tpu.yield
    }) : () -> ()
    %scan3A = arith.constant 0 : i32
    %scan3A_1 = arith.constant 16 : i32
    %scan3A_2 = arith.addi %scan3A, %scan3A_1 : i32
    %scan3A_3 = arith.constant 1 : i32
    scf.for %scan3A_175 = %scan3A to %scan3A_2 step %scan3A_3  : i32 {
      %mul3A_176 = arith.constant 1 : i32
      %mul3A_177 = arith.muli %scan3A_175, %mul3A_176 : i32
      %add3A_178 = arith.constant 0 : i32
      %add3A_179 = arith.addi %add3A_178, %mul3A_177 : i32
      %broadcast_in_dim3A = arith.constant 0.000000e+00 : f32
      %broadcast_in_dim3A_180 = vector.broadcast %broadcast_in_dim3A : f32 to vector<16xf32>
      %swap3A = arith.index_cast %add3A_179 : i32 to index
      %swap3A_181 = arith.constant 0 : index
      %swap3A_182 = tpu.vector_load %arg16[%swap3A, %swap3A_181] {strides = array<i32>} : memref<16x128xf32, #tpu.memory_space<vmem>>, vector<16xf32>,
      tpu.vector_store %arg16[%swap3A, %swap3A_181], %broadcast_in_dim3A_180 {strides = array<i32>} : memref<16x128xf32, #tpu.memory_space<vmem>>, vector<16xf32>,
      %broadcast_in_dim3A_183 = arith.constant 0.000000e+00 : f32
      %broadcast_in_dim3A_184 = vector.broadcast %broadcast_in_dim3A_183 : f32 to vector<16xf32>
      %swap3A_185 = arith.index_cast %add3A_179 : i32 to index
      %swap3A_186 = arith.constant 16 : index
      %swap3A_187 = tpu.vector_load %arg16[%swap3A_185, %swap3A_186] {strides = array<i32>} : memref<16x128xf32, #tpu.memory_space<vmem>>, vector<16xf32>,
      tpu.vector_store %arg16[%swap3A_185, %swap3A_186], %broadcast_in_dim3A_184 {strides = array<i32>} : memref<16x128xf32, #tpu.memory_space<vmem>>, vector<16xf32>,
      %broadcast_in_dim3A_188 = arith.constant 0.000000e+00 : f32
      %broadcast_in_dim3A_189 = vector.broadcast %broadcast_in_dim3A_188 : f32 to vector<16xf32>
      %swap3A_190 = arith.index_cast %add3A_179 : i32 to index
      %swap3A_191 = arith.constant 32 : index
      %swap3A_192 = tpu.vector_load %arg16[%swap3A_190, %swap3A_191] {strides = array<i32>} : memref<16x128xf32, #tpu.memory_space<vmem>>, vector<16xf32>,
      tpu.vector_store %arg16[%swap3A_190, %swap3A_191], %broadcast_in_dim3A_189 {strides = array<i32>} : memref<16x128xf32, #tpu.memory_space<vmem>>, vector<16xf32>,
      %broadcast_in_dim3A_193 = arith.constant 0.000000e+00 : f32
      %broadcast_in_dim3A_194 = vector.broadcast %broadcast_in_dim3A_193 : f32 to vector<16xf32>
      %swap3A_195 = arith.index_cast %add3A_179 : i32 to index
      %swap3A_196 = arith.constant 48 : index
      %swap3A_197 = tpu.vector_load %arg16[%swap3A_195, %swap3A_196] {strides = array<i32>} : memref<16x128xf32, #tpu.memory_space<vmem>>, vector<16xf32>,
      tpu.vector_store %arg16[%swap3A_195, %swap3A_196], %broadcast_in_dim3A_194 {strides = array<i32>} : memref<16x128xf32, #tpu.memory_space<vmem>>, vector<16xf32>,
      %broadcast_in_dim3A_198 = arith.constant 0.000000e+00 : f32
      %broadcast_in_dim3A_199 = vector.broadcast %broadcast_in_dim3A_198 : f32 to vector<16xf32>
      %swap3A_200 = arith.index_cast %add3A_179 : i32 to index
      %swap3A_201 = arith.constant 64 : index
      %swap3A_202 = tpu.vector_load %arg16[%swap3A_200, %swap3A_201] {strides = array<i32>} : memref<16x128xf32, #tpu.memory_space<vmem>>, vector<16xf32>,
      tpu.vector_store %arg16[%swap3A_200, %swap3A_201], %broadcast_in_dim3A_199 {strides = array<i32>} : memref<16x128xf32, #tpu.memory_space<vmem>>, vector<16xf32>,
      %broadcast_in_dim3A_203 = arith.constant 0.000000e+00 : f32
      %broadcast_in_dim3A_204 = vector.broadcast %broadcast_in_dim3A_203 : f32 to vector<16xf32>
      %swap3A_205 = arith.index_cast %add3A_179 : i32 to index
      %swap3A_206 = arith.constant 80 : index
      %swap3A_207 = tpu.vector_load %arg16[%swap3A_205, %swap3A_206] {strides = array<i32>} : memref<16x128xf32, #tpu.memory_space<vmem>>, vector<16xf32>,
      tpu.vector_store %arg16[%swap3A_205, %swap3A_206], %broadcast_in_dim3A_204 {strides = array<i32>} : memref<16x128xf32, #tpu.memory_space<vmem>>, vector<16xf32>,
      %broadcast_in_dim3A_208 = arith.constant 0.000000e+00 : f32
      %broadcast_in_dim3A_209 = vector.broadcast %broadcast_in_dim3A_208 : f32 to vector<16xf32>
      %swap3A_210 = arith.index_cast %add3A_179 : i32 to index
      %swap3A_211 = arith.constant 96 : index
      %swap3A_212 = tpu.vector_load %arg16[%swap3A_210, %swap3A_211] {strides = array<i32>} : memref<16x128xf32, #tpu.memory_space<vmem>>, vector<16xf32>,
      tpu.vector_store %arg16[%swap3A_210, %swap3A_211], %broadcast_in_dim3A_209 {strides = array<i32>} : memref<16x128xf32, #tpu.memory_space<vmem>>, vector<16xf32>,
      %broadcast_in_dim3A_213 = arith.constant 0.000000e+00 : f32
      %broadcast_in_dim3A_214 = vector.broadcast %broadcast_in_dim3A_213 : f32 to vector<16xf32>
      %swap3A_215 = arith.index_cast %add3A_179 : i32 to index
      %swap3A_216 = arith.constant 112 : index
      %swap3A_217 = tpu.vector_load %arg16[%swap3A_215, %swap3A_216] {strides = array<i32>} : memref<16x128xf32, #tpu.memory_space<vmem>>, vector<16xf32>,
      tpu.vector_store %arg16[%swap3A_215, %swap3A_216], %broadcast_in_dim3A_214 {strides = array<i32>} : memref<16x128xf32, #tpu.memory_space<vmem>>, vector<16xf32>,
    }
    %scan3A_4 = arith.constant 16 : i32
    %mul3A_5 = arith.constant 640 : i32
    %mul3A_6 = arith.muli %arg1, %mul3A_5 : i32
    %add3A_7 = arith.constant 0 : i32
    %add3A_8 = arith.addi %mul3A_6, %add3A_7 : i32
    "tpu.region"() ({
      %run_scoped3A = tpu.sem_alloc : memref<!tpu.dma_semaphore, #tpu.memory_space<semaphore_mem>>
      %dma_start3A = arith.constant 0 : i32
      %dma_start3A_175 = tpu.memref_slice %arg17[%add3A_8, %dma_start3A] : memref<10240x128xf32, #tpu.memory_space<vmem_shared>> -> memref<16x128xf32, #tpu.memory_space<vmem_shared>>
      %dma_start3A_176 = arith.constant 0 : i32
      %dma_start3A_177 = tpu.memref_slice %arg17[%add3A_8, %dma_start3A_176] : memref<10240x128xf32, #tpu.memory_space<vmem_shared>> -> memref<16x128xf32, #tpu.memory_space<vmem_shared>>
      tpu.enqueue_dma source(%arg16 : memref<16x128xf32, #tpu.memory_space<vmem>>) target(%dma_start3A_177 : memref<16x128xf32, #tpu.memory_space<vmem_shared>>) target_semaphore(%run_scoped3A : memref<!tpu.dma_semaphore, #tpu.memory_space<semaphore_mem>>)
      %dma_wait3A = arith.constant 0 : i32
      %dma_wait3A_178 = tpu.memref_slice %arg17[%add3A_8, %dma_wait3A] : memref<10240x128xf32, #tpu.memory_space<vmem_shared>> -> memref<16x128xf32, #tpu.memory_space<vmem_shared>>
      %dma_wait3A_179 = arith.constant 0 : i32
      %dma_wait3A_180 = tpu.memref_slice %arg17[%add3A_8, %dma_wait3A_179] : memref<10240x128xf32, #tpu.memory_space<vmem_shared>> -> memref<16x128xf32, #tpu.memory_space<vmem_shared>>
      tpu.wait_dma2 semaphore(%run_scoped3A : memref<!tpu.dma_semaphore, #tpu.memory_space<semaphore_mem>>) src(%arg16 : memref<16x128xf32, #tpu.memory_space<vmem>>) dst(%dma_wait3A_180 : memref<16x128xf32, #tpu.memory_space<vmem_shared>>)
      tpu.yield
    }) : () -> ()
    %mul3A_9 = arith.constant 640 : i32
    %mul3A_10 = arith.muli %arg1, %mul3A_9 : i32
    %add3A_11 = arith.constant 16 : i32
    %add3A_12 = arith.addi %mul3A_10, %add3A_11 : i32
    "tpu.region"() ({
      %run_scoped3A = tpu.sem_alloc : memref<!tpu.dma_semaphore, #tpu.memory_space<semaphore_mem>>
      %dma_start3A = arith.constant 0 : i32
      %dma_start3A_175 = tpu.memref_slice %arg17[%add3A_12, %dma_start3A] : memref<10240x128xf32, #tpu.memory_space<vmem_shared>> -> memref<16x128xf32, #tpu.memory_space<vmem_shared>>
      %dma_start3A_176 = arith.constant 0 : i32
      %dma_start3A_177 = tpu.memref_slice %arg17[%add3A_12, %dma_start3A_176] : memref<10240x128xf32, #tpu.memory_space<vmem_shared>> -> memref<16x128xf32, #tpu.memory_space<vmem_shared>>
      tpu.enqueue_dma source(%arg16 : memref<16x128xf32, #tpu.memory_space<vmem>>) target(%dma_start3A_177 : memref<16x128xf32, #tpu.memory_space<vmem_shared>>) target_semaphore(%run_scoped3A : memref<!tpu.dma_semaphore, #tpu.memory_space<semaphore_mem>>)
      %dma_wait3A = arith.constant 0 : i32
      %dma_wait3A_178 = tpu.memref_slice %arg17[%add3A_12, %dma_wait3A] : memref<10240x128xf32, #tpu.memory_space<vmem_shared>> -> memref<16x128xf32, #tpu.memory_space<vmem_shared>>
      %dma_wait3A_179 = arith.constant 0 : i32
      %dma_wait3A_180 = tpu.memref_slice %arg17[%add3A_12, %dma_wait3A_179] : memref<10240x128xf32, #tpu.memory_space<vmem_shared>> -> memref<16x128xf32, #tpu.memory_space<vmem_shared>>
      tpu.wait_dma2 semaphore(%run_scoped3A : memref<!tpu.dma_semaphore, #tpu.memory_space<semaphore_mem>>) src(%arg16 : memref<16x128xf32, #tpu.memory_space<vmem>>) dst(%dma_wait3A_180 : memref<16x128xf32, #tpu.memory_space<vmem_shared>>)
      tpu.yield
    }) : () -> ()
    %mul3A_13 = arith.constant 640 : i32
    %mul3A_14 = arith.muli %arg1, %mul3A_13 : i32
    %add3A_15 = arith.constant 32 : i32
    %add3A_16 = arith.addi %mul3A_14, %add3A_15 : i32
    "tpu.region"() ({
      %run_scoped3A = tpu.sem_alloc : memref<!tpu.dma_semaphore, #tpu.memory_space<semaphore_mem>>
      %dma_start3A = arith.constant 0 : i32
      %dma_start3A_175 = tpu.memref_slice %arg17[%add3A_16, %dma_start3A] : memref<10240x128xf32, #tpu.memory_space<vmem_shared>> -> memref<16x128xf32, #tpu.memory_space<vmem_shared>>
      %dma_start3A_176 = arith.constant 0 : i32
      %dma_start3A_177 = tpu.memref_slice %arg17[%add3A_16, %dma_start3A_176] : memref<10240x128xf32, #tpu.memory_space<vmem_shared>> -> memref<16x128xf32, #tpu.memory_space<vmem_shared>>
      tpu.enqueue_dma source(%arg16 : memref<16x128xf32, #tpu.memory_space<vmem>>) target(%dma_start3A_177 : memref<16x128xf32, #tpu.memory_space<vmem_shared>>) target_semaphore(%run_scoped3A : memref<!tpu.dma_semaphore, #tpu.memory_space<semaphore_mem>>)
      %dma_wait3A = arith.constant 0 : i32
      %dma_wait3A_178 = tpu.memref_slice %arg17[%add3A_16, %dma_wait3A] : memref<10240x128xf32, #tpu.memory_space<vmem_shared>> -> memref<16x128xf32, #tpu.memory_space<vmem_shared>>
      %dma_wait3A_179 = arith.constant 0 : i32
      %dma_wait3A_180 = tpu.memref_slice %arg17[%add3A_16, %dma_wait3A_179] : memref<10240x128xf32, #tpu.memory_space<vmem_shared>> -> memref<16x128xf32, #tpu.memory_space<vmem_shared>>
      tpu.wait_dma2 semaphore(%run_scoped3A : memref<!tpu.dma_semaphore, #tpu.memory_space<semaphore_mem>>) src(%arg16 : memref<16x128xf32, #tpu.memory_space<vmem>>) dst(%dma_wait3A_180 : memref<16x128xf32, #tpu.memory_space<vmem_shared>>)
      tpu.yield
    }) : () -> ()
    %mul3A_17 = arith.constant 640 : i32
    %mul3A_18 = arith.muli %arg1, %mul3A_17 : i32
    %add3A_19 = arith.constant 48 : i32
    %add3A_20 = arith.addi %mul3A_18, %add3A_19 : i32
    "tpu.region"() ({
      %run_scoped3A = tpu.sem_alloc : memref<!tpu.dma_semaphore, #tpu.memory_space<semaphore_mem>>
      %dma_start3A = arith.constant 0 : i32
      %dma_start3A_175 = tpu.memref_slice %arg17[%add3A_20, %dma_start3A] : memref<10240x128xf32, #tpu.memory_space<vmem_shared>> -> memref<16x128xf32, #tpu.memory_space<vmem_shared>>
      %dma_start3A_176 = arith.constant 0 : i32
      %dma_start3A_177 = tpu.memref_slice %arg17[%add3A_20, %dma_start3A_176] : memref<10240x128xf32, #tpu.memory_space<vmem_shared>> -> memref<16x128xf32, #tpu.memory_space<vmem_shared>>
      tpu.enqueue_dma source(%arg16 : memref<16x128xf32, #tpu.memory_space<vmem>>) target(%dma_start3A_177 : memref<16x128xf32, #tpu.memory_space<vmem_shared>>) target_semaphore(%run_scoped3A : memref<!tpu.dma_semaphore, #tpu.memory_space<semaphore_mem>>)
      %dma_wait3A = arith.constant 0 : i32
      %dma_wait3A_178 = tpu.memref_slice %arg17[%add3A_20, %dma_wait3A] : memref<10240x128xf32, #tpu.memory_space<vmem_shared>> -> memref<16x128xf32, #tpu.memory_space<vmem_shared>>
      %dma_wait3A_179 = arith.constant 0 : i32
      %dma_wait3A_180 = tpu.memref_slice %arg17[%add3A_20, %dma_wait3A_179] : memref<10240x128xf32, #tpu.memory_space<vmem_shared>> -> memref<16x128xf32, #tpu.memory_space<vmem_shared>>
      tpu.wait_dma2 semaphore(%run_scoped3A : memref<!tpu.dma_semaphore, #tpu.memory_space<semaphore_mem>>) src(%arg16 : memref<16x128xf32, #tpu.memory_space<vmem>>) dst(%dma_wait3A_180 : memref<16x128xf32, #tpu.memory_space<vmem_shared>>)
      tpu.yield
    }) : () -> ()
    %mul3A_21 = arith.constant 640 : i32
    %mul3A_22 = arith.muli %arg1, %mul3A_21 : i32
    %add3A_23 = arith.constant 64 : i32
    %add3A_24 = arith.addi %mul3A_22, %add3A_23 : i32
    "tpu.region"() ({
      %run_scoped3A = tpu.sem_alloc : memref<!tpu.dma_semaphore, #tpu.memory_space<semaphore_mem>>
      %dma_start3A = arith.constant 0 : i32
      %dma_start3A_175 = tpu.memref_slice %arg17[%add3A_24, %dma_start3A] : memref<10240x128xf32, #tpu.memory_space<vmem_shared>> -> memref<16x128xf32, #tpu.memory_space<vmem_shared>>
      %dma_start3A_176 = arith.constant 0 : i32
      %dma_start3A_177 = tpu.memref_slice %arg17[%add3A_24, %dma_start3A_176] : memref<10240x128xf32, #tpu.memory_space<vmem_shared>> -> memref<16x128xf32, #tpu.memory_space<vmem_shared>>
      tpu.enqueue_dma source(%arg16 : memref<16x128xf32, #tpu.memory_space<vmem>>) target(%dma_start3A_177 : memref<16x128xf32, #tpu.memory_space<vmem_shared>>) target_semaphore(%run_scoped3A : memref<!tpu.dma_semaphore, #tpu.memory_space<semaphore_mem>>)
      %dma_wait3A = arith.constant 0 : i32
      %dma_wait3A_178 = tpu.memref_slice %arg17[%add3A_24, %dma_wait3A] : memref<10240x128xf32, #tpu.memory_space<vmem_shared>> -> memref<16x128xf32, #tpu.memory_space<vmem_shared>>
      %dma_wait3A_179 = arith.constant 0 : i32
      %dma_wait3A_180 = tpu.memref_slice %arg17[%add3A_24, %dma_wait3A_179] : memref<10240x128xf32, #tpu.memory_space<vmem_shared>> -> memref<16x128xf32, #tpu.memory_space<vmem_shared>>
      tpu.wait_dma2 semaphore(%run_scoped3A : memref<!tpu.dma_semaphore, #tpu.memory_space<semaphore_mem>>) src(%arg16 : memref<16x128xf32, #tpu.memory_space<vmem>>) dst(%dma_wait3A_180 : memref<16x128xf32, #tpu.memory_space<vmem_shared>>)
      tpu.yield
    }) : () -> ()
    %mul3A_25 = arith.constant 640 : i32
    %mul3A_26 = arith.muli %arg1, %mul3A_25 : i32
    %add3A_27 = arith.constant 80 : i32
    %add3A_28 = arith.addi %mul3A_26, %add3A_27 : i32
    "tpu.region"() ({
      %run_scoped3A = tpu.sem_alloc : memref<!tpu.dma_semaphore, #tpu.memory_space<semaphore_mem>>
      %dma_start3A = arith.constant 0 : i32
      %dma_start3A_175 = tpu.memref_slice %arg17[%add3A_28, %dma_start3A] : memref<10240x128xf32, #tpu.memory_space<vmem_shared>> -> memref<16x128xf32, #tpu.memory_space<vmem_shared>>
      %dma_start3A_176 = arith.constant 0 : i32
      %dma_start3A_177 = tpu.memref_slice %arg17[%add3A_28, %dma_start3A_176] : memref<10240x128xf32, #tpu.memory_space<vmem_shared>> -> memref<16x128xf32, #tpu.memory_space<vmem_shared>>
      tpu.enqueue_dma source(%arg16 : memref<16x128xf32, #tpu.memory_space<vmem>>) target(%dma_start3A_177 : memref<16x128xf32, #tpu.memory_space<vmem_shared>>) target_semaphore(%run_scoped3A : memref<!tpu.dma_semaphore, #tpu.memory_space<semaphore_mem>>)
      %dma_wait3A = arith.constant 0 : i32
      %dma_wait3A_178 = tpu.memref_slice %arg17[%add3A_28, %dma_wait3A] : memref<10240x128xf32, #tpu.memory_space<vmem_shared>> -> memref<16x128xf32, #tpu.memory_space<vmem_shared>>
      %dma_wait3A_179 = arith.constant 0 : i32
      %dma_wait3A_180 = tpu.memref_slice %arg17[%add3A_28, %dma_wait3A_179] : memref<10240x128xf32, #tpu.memory_space<vmem_shared>> -> memref<16x128xf32, #tpu.memory_space<vmem_shared>>
      tpu.wait_dma2 semaphore(%run_scoped3A : memref<!tpu.dma_semaphore, #tpu.memory_space<semaphore_mem>>) src(%arg16 : memref<16x128xf32, #tpu.memory_space<vmem>>) dst(%dma_wait3A_180 : memref<16x128xf32, #tpu.memory_space<vmem_shared>>)
      tpu.yield
    }) : () -> ()
    %mul3A_29 = arith.constant 640 : i32
    %mul3A_30 = arith.muli %arg1, %mul3A_29 : i32
    %add3A_31 = arith.constant 96 : i32
    %add3A_32 = arith.addi %mul3A_30, %add3A_31 : i32
    "tpu.region"() ({
      %run_scoped3A = tpu.sem_alloc : memref<!tpu.dma_semaphore, #tpu.memory_space<semaphore_mem>>
      %dma_start3A = arith.constant 0 : i32
      %dma_start3A_175 = tpu.memref_slice %arg17[%add3A_32, %dma_start3A] : memref<10240x128xf32, #tpu.memory_space<vmem_shared>> -> memref<16x128xf32, #tpu.memory_space<vmem_shared>>
      %dma_start3A_176 = arith.constant 0 : i32
      %dma_start3A_177 = tpu.memref_slice %arg17[%add3A_32, %dma_start3A_176] : memref<10240x128xf32, #tpu.memory_space<vmem_shared>> -> memref<16x128xf32, #tpu.memory_space<vmem_shared>>
      tpu.enqueue_dma source(%arg16 : memref<16x128xf32, #tpu.memory_space<vmem>>) target(%dma_start3A_177 : memref<16x128xf32, #tpu.memory_space<vmem_shared>>) target_semaphore(%run_scoped3A : memref<!tpu.dma_semaphore, #tpu.memory_space<semaphore_mem>>)
      %dma_wait3A = arith.constant 0 : i32
      %dma_wait3A_178 = tpu.memref_slice %arg17[%add3A_32, %dma_wait3A] : memref<10240x128xf32, #tpu.memory_space<vmem_shared>> -> memref<16x128xf32, #tpu.memory_space<vmem_shared>>
      %dma_wait3A_179 = arith.constant 0 : i32
      %dma_wait3A_180 = tpu.memref_slice %arg17[%add3A_32, %dma_wait3A_179] : memref<10240x128xf32, #tpu.memory_space<vmem_shared>> -> memref<16x128xf32, #tpu.memory_space<vmem_shared>>
      tpu.wait_dma2 semaphore(%run_scoped3A : memref<!tpu.dma_semaphore, #tpu.memory_space<semaphore_mem>>) src(%arg16 : memref<16x128xf32, #tpu.memory_space<vmem>>) dst(%dma_wait3A_180 : memref<16x128xf32, #tpu.memory_space<vmem_shared>>)
      tpu.yield
    }) : () -> ()
    %mul3A_33 = arith.constant 640 : i32
    %mul3A_34 = arith.muli %arg1, %mul3A_33 : i32
    %add3A_35 = arith.constant 112 : i32
    %add3A_36 = arith.addi %mul3A_34, %add3A_35 : i32
    "tpu.region"() ({
      %run_scoped3A = tpu.sem_alloc : memref<!tpu.dma_semaphore, #tpu.memory_space<semaphore_mem>>
      %dma_start3A = arith.constant 0 : i32
      %dma_start3A_175 = tpu.memref_slice %arg17[%add3A_36, %dma_start3A] : memref<10240x128xf32, #tpu.memory_space<vmem_shared>> -> memref<16x128xf32, #tpu.memory_space<vmem_shared>>
      %dma_start3A_176 = arith.constant 0 : i32
      %dma_start3A_177 = tpu.memref_slice %arg17[%add3A_36, %dma_start3A_176] : memref<10240x128xf32, #tpu.memory_space<vmem_shared>> -> memref<16x128xf32, #tpu.memory_space<vmem_shared>>
      tpu.enqueue_dma source(%arg16 : memref<16x128xf32, #tpu.memory_space<vmem>>) target(%dma_start3A_177 : memref<16x128xf32, #tpu.memory_space<vmem_shared>>) target_semaphore(%run_scoped3A : memref<!tpu.dma_semaphore, #tpu.memory_space<semaphore_mem>>)
      %dma_wait3A = arith.constant 0 : i32
      %dma_wait3A_178 = tpu.memref_slice %arg17[%add3A_36, %dma_wait3A] : memref<10240x128xf32, #tpu.memory_space<vmem_shared>> -> memref<16x128xf32, #tpu.memory_space<vmem_shared>>
      %dma_wait3A_179 = arith.constant 0 : i32
      %dma_wait3A_180 = tpu.memref_slice %arg17[%add3A_36, %dma_wait3A_179] : memref<10240x128xf32, #tpu.memory_space<vmem_shared>> -> memref<16x128xf32, #tpu.memory_space<vmem_shared>>
      tpu.wait_dma2 semaphore(%run_scoped3A : memref<!tpu.dma_semaphore, #tpu.memory_space<semaphore_mem>>) src(%arg16 : memref<16x128xf32, #tpu.memory_space<vmem>>) dst(%dma_wait3A_180 : memref<16x128xf32, #tpu.memory_space<vmem_shared>>)
      tpu.yield
    }) : () -> ()
    %mul3A_37 = arith.constant 640 : i32
    %mul3A_38 = arith.muli %arg1, %mul3A_37 : i32
    %add3A_39 = arith.constant 128 : i32
    %add3A_40 = arith.addi %mul3A_38, %add3A_39 : i32
    "tpu.region"() ({
      %run_scoped3A = tpu.sem_alloc : memref<!tpu.dma_semaphore, #tpu.memory_space<semaphore_mem>>
      %dma_start3A = arith.constant 0 : i32
      %dma_start3A_175 = tpu.memref_slice %arg17[%add3A_40, %dma_start3A] : memref<10240x128xf32, #tpu.memory_space<vmem_shared>> -> memref<16x128xf32, #tpu.memory_space<vmem_shared>>
      %dma_start3A_176 = arith.constant 0 : i32
      %dma_start3A_177 = tpu.memref_slice %arg17[%add3A_40, %dma_start3A_176] : memref<10240x128xf32, #tpu.memory_space<vmem_shared>> -> memref<16x128xf32, #tpu.memory_space<vmem_shared>>
      tpu.enqueue_dma source(%arg16 : memref<16x128xf32, #tpu.memory_space<vmem>>) target(%dma_start3A_177 : memref<16x128xf32, #tpu.memory_space<vmem_shared>>) target_semaphore(%run_scoped3A : memref<!tpu.dma_semaphore, #tpu.memory_space<semaphore_mem>>)
      %dma_wait3A = arith.constant 0 : i32
      %dma_wait3A_178 = tpu.memref_slice %arg17[%add3A_40, %dma_wait3A] : memref<10240x128xf32, #tpu.memory_space<vmem_shared>> -> memref<16x128xf32, #tpu.memory_space<vmem_shared>>
      %dma_wait3A_179 = arith.constant 0 : i32
      %dma_wait3A_180 = tpu.memref_slice %arg17[%add3A_40, %dma_wait3A_179] : memref<10240x128xf32, #tpu.memory_space<vmem_shared>> -> memref<16x128xf32, #tpu.memory_space<vmem_shared>>
      tpu.wait_dma2 semaphore(%run_scoped3A : memref<!tpu.dma_semaphore, #tpu.memory_space<semaphore_mem>>) src(%arg16 : memref<16x128xf32, #tpu.memory_space<vmem>>) dst(%dma_wait3A_180 : memref<16x128xf32, #tpu.memory_space<vmem_shared>>)
      tpu.yield
    }) : () -> ()
    %mul3A_41 = arith.constant 640 : i32
    %mul3A_42 = arith.muli %arg1, %mul3A_41 : i32
    %add3A_43 = arith.constant 144 : i32
    %add3A_44 = arith.addi %mul3A_42, %add3A_43 : i32
    "tpu.region"() ({
      %run_scoped3A = tpu.sem_alloc : memref<!tpu.dma_semaphore, #tpu.memory_space<semaphore_mem>>
      %dma_start3A = arith.constant 0 : i32
      %dma_start3A_175 = tpu.memref_slice %arg17[%add3A_44, %dma_start3A] : memref<10240x128xf32, #tpu.memory_space<vmem_shared>> -> memref<16x128xf32, #tpu.memory_space<vmem_shared>>
      %dma_start3A_176 = arith.constant 0 : i32
      %dma_start3A_177 = tpu.memref_slice %arg17[%add3A_44, %dma_start3A_176] : memref<10240x128xf32, #tpu.memory_space<vmem_shared>> -> memref<16x128xf32, #tpu.memory_space<vmem_shared>>
      tpu.enqueue_dma source(%arg16 : memref<16x128xf32, #tpu.memory_space<vmem>>) target(%dma_start3A_177 : memref<16x128xf32, #tpu.memory_space<vmem_shared>>) target_semaphore(%run_scoped3A : memref<!tpu.dma_semaphore, #tpu.memory_space<semaphore_mem>>)
      %dma_wait3A = arith.constant 0 : i32
      %dma_wait3A_178 = tpu.memref_slice %arg17[%add3A_44, %dma_wait3A] : memref<10240x128xf32, #tpu.memory_space<vmem_shared>> -> memref<16x128xf32, #tpu.memory_space<vmem_shared>>
      %dma_wait3A_179 = arith.constant 0 : i32
      %dma_wait3A_180 = tpu.memref_slice %arg17[%add3A_44, %dma_wait3A_179] : memref<10240x128xf32, #tpu.memory_space<vmem_shared>> -> memref<16x128xf32, #tpu.memory_space<vmem_shared>>
      tpu.wait_dma2 semaphore(%run_scoped3A : memref<!tpu.dma_semaphore, #tpu.memory_space<semaphore_mem>>) src(%arg16 : memref<16x128xf32, #tpu.memory_space<vmem>>) dst(%dma_wait3A_180 : memref<16x128xf32, #tpu.memory_space<vmem_shared>>)
      tpu.yield
    }) : () -> ()
    %mul3A_45 = arith.constant 640 : i32
    %mul3A_46 = arith.muli %arg1, %mul3A_45 : i32
    %add3A_47 = arith.constant 160 : i32
    %add3A_48 = arith.addi %mul3A_46, %add3A_47 : i32
    "tpu.region"() ({
      %run_scoped3A = tpu.sem_alloc : memref<!tpu.dma_semaphore, #tpu.memory_space<semaphore_mem>>
      %dma_start3A = arith.constant 0 : i32
      %dma_start3A_175 = tpu.memref_slice %arg17[%add3A_48, %dma_start3A] : memref<10240x128xf32, #tpu.memory_space<vmem_shared>> -> memref<16x128xf32, #tpu.memory_space<vmem_shared>>
      %dma_start3A_176 = arith.constant 0 : i32
      %dma_start3A_177 = tpu.memref_slice %arg17[%add3A_48, %dma_start3A_176] : memref<10240x128xf32, #tpu.memory_space<vmem_shared>> -> memref<16x128xf32, #tpu.memory_space<vmem_shared>>
      tpu.enqueue_dma source(%arg16 : memref<16x128xf32, #tpu.memory_space<vmem>>) target(%dma_start3A_177 : memref<16x128xf32, #tpu.memory_space<vmem_shared>>) target_semaphore(%run_scoped3A : memref<!tpu.dma_semaphore, #tpu.memory_space<semaphore_mem>>)
      %dma_wait3A = arith.constant 0 : i32
      %dma_wait3A_178 = tpu.memref_slice %arg17[%add3A_48, %dma_wait3A] : memref<10240x128xf32, #tpu.memory_space<vmem_shared>> -> memref<16x128xf32, #tpu.memory_space<vmem_shared>>
      %dma_wait3A_179 = arith.constant 0 : i32
      %dma_wait3A_180 = tpu.memref_slice %arg17[%add3A_48, %dma_wait3A_179] : memref<10240x128xf32, #tpu.memory_space<vmem_shared>> -> memref<16x128xf32, #tpu.memory_space<vmem_shared>>
      tpu.wait_dma2 semaphore(%run_scoped3A : memref<!tpu.dma_semaphore, #tpu.memory_space<semaphore_mem>>) src(%arg16 : memref<16x128xf32, #tpu.memory_space<vmem>>) dst(%dma_wait3A_180 : memref<16x128xf32, #tpu.memory_space<vmem_shared>>)
      tpu.yield
    }) : () -> ()
    %mul3A_49 = arith.constant 640 : i32
    %mul3A_50 = arith.muli %arg1, %mul3A_49 : i32
    %add3A_51 = arith.constant 176 : i32
    %add3A_52 = arith.addi %mul3A_50, %add3A_51 : i32
    "tpu.region"() ({
      %run_scoped3A = tpu.sem_alloc : memref<!tpu.dma_semaphore, #tpu.memory_space<semaphore_mem>>
      %dma_start3A = arith.constant 0 : i32
      %dma_start3A_175 = tpu.memref_slice %arg17[%add3A_52, %dma_start3A] : memref<10240x128xf32, #tpu.memory_space<vmem_shared>> -> memref<16x128xf32, #tpu.memory_space<vmem_shared>>
      %dma_start3A_176 = arith.constant 0 : i32
      %dma_start3A_177 = tpu.memref_slice %arg17[%add3A_52, %dma_start3A_176] : memref<10240x128xf32, #tpu.memory_space<vmem_shared>> -> memref<16x128xf32, #tpu.memory_space<vmem_shared>>
      tpu.enqueue_dma source(%arg16 : memref<16x128xf32, #tpu.memory_space<vmem>>) target(%dma_start3A_177 : memref<16x128xf32, #tpu.memory_space<vmem_shared>>) target_semaphore(%run_scoped3A : memref<!tpu.dma_semaphore, #tpu.memory_space<semaphore_mem>>)
      %dma_wait3A = arith.constant 0 : i32
      %dma_wait3A_178 = tpu.memref_slice %arg17[%add3A_52, %dma_wait3A] : memref<10240x128xf32, #tpu.memory_space<vmem_shared>> -> memref<16x128xf32, #tpu.memory_space<vmem_shared>>
      %dma_wait3A_179 = arith.constant 0 : i32
      %dma_wait3A_180 = tpu.memref_slice %arg17[%add3A_52, %dma_wait3A_179] : memref<10240x128xf32, #tpu.memory_space<vmem_shared>> -> memref<16x128xf32, #tpu.memory_space<vmem_shared>>
      tpu.wait_dma2 semaphore(%run_scoped3A : memref<!tpu.dma_semaphore, #tpu.memory_space<semaphore_mem>>) src(%arg16 : memref<16x128xf32, #tpu.memory_space<vmem>>) dst(%dma_wait3A_180 : memref<16x128xf32, #tpu.memory_space<vmem_shared>>)
      tpu.yield
    }) : () -> ()
    %mul3A_53 = arith.constant 640 : i32
    %mul3A_54 = arith.muli %arg1, %mul3A_53 : i32
    %add3A_55 = arith.constant 192 : i32
    %add3A_56 = arith.addi %mul3A_54, %add3A_55 : i32
    "tpu.region"() ({
      %run_scoped3A = tpu.sem_alloc : memref<!tpu.dma_semaphore, #tpu.memory_space<semaphore_mem>>
      %dma_start3A = arith.constant 0 : i32
      %dma_start3A_175 = tpu.memref_slice %arg17[%add3A_56, %dma_start3A] : memref<10240x128xf32, #tpu.memory_space<vmem_shared>> -> memref<16x128xf32, #tpu.memory_space<vmem_shared>>
      %dma_start3A_176 = arith.constant 0 : i32
      %dma_start3A_177 = tpu.memref_slice %arg17[%add3A_56, %dma_start3A_176] : memref<10240x128xf32, #tpu.memory_space<vmem_shared>> -> memref<16x128xf32, #tpu.memory_space<vmem_shared>>
      tpu.enqueue_dma source(%arg16 : memref<16x128xf32, #tpu.memory_space<vmem>>) target(%dma_start3A_177 : memref<16x128xf32, #tpu.memory_space<vmem_shared>>) target_semaphore(%run_scoped3A : memref<!tpu.dma_semaphore, #tpu.memory_space<semaphore_mem>>)
      %dma_wait3A = arith.constant 0 : i32
      %dma_wait3A_178 = tpu.memref_slice %arg17[%add3A_56, %dma_wait3A] : memref<10240x128xf32, #tpu.memory_space<vmem_shared>> -> memref<16x128xf32, #tpu.memory_space<vmem_shared>>
      %dma_wait3A_179 = arith.constant 0 : i32
      %dma_wait3A_180 = tpu.memref_slice %arg17[%add3A_56, %dma_wait3A_179] : memref<10240x128xf32, #tpu.memory_space<vmem_shared>> -> memref<16x128xf32, #tpu.memory_space<vmem_shared>>
      tpu.wait_dma2 semaphore(%run_scoped3A : memref<!tpu.dma_semaphore, #tpu.memory_space<semaphore_mem>>) src(%arg16 : memref<16x128xf32, #tpu.memory_space<vmem>>) dst(%dma_wait3A_180 : memref<16x128xf32, #tpu.memory_space<vmem_shared>>)
      tpu.yield
    }) : () -> ()
    %mul3A_57 = arith.constant 640 : i32
    %mul3A_58 = arith.muli %arg1, %mul3A_57 : i32
    %add3A_59 = arith.constant 208 : i32
    %add3A_60 = arith.addi %mul3A_58, %add3A_59 : i32
    "tpu.region"() ({
      %run_scoped3A = tpu.sem_alloc : memref<!tpu.dma_semaphore, #tpu.memory_space<semaphore_mem>>
      %dma_start3A = arith.constant 0 : i32
      %dma_start3A_175 = tpu.memref_slice %arg17[%add3A_60, %dma_start3A] : memref<10240x128xf32, #tpu.memory_space<vmem_shared>> -> memref<16x128xf32, #tpu.memory_space<vmem_shared>>
      %dma_start3A_176 = arith.constant 0 : i32
      %dma_start3A_177 = tpu.memref_slice %arg17[%add3A_60, %dma_start3A_176] : memref<10240x128xf32, #tpu.memory_space<vmem_shared>> -> memref<16x128xf32, #tpu.memory_space<vmem_shared>>
      tpu.enqueue_dma source(%arg16 : memref<16x128xf32, #tpu.memory_space<vmem>>) target(%dma_start3A_177 : memref<16x128xf32, #tpu.memory_space<vmem_shared>>) target_semaphore(%run_scoped3A : memref<!tpu.dma_semaphore, #tpu.memory_space<semaphore_mem>>)
      %dma_wait3A = arith.constant 0 : i32
      %dma_wait3A_178 = tpu.memref_slice %arg17[%add3A_60, %dma_wait3A] : memref<10240x128xf32, #tpu.memory_space<vmem_shared>> -> memref<16x128xf32, #tpu.memory_space<vmem_shared>>
      %dma_wait3A_179 = arith.constant 0 : i32
      %dma_wait3A_180 = tpu.memref_slice %arg17[%add3A_60, %dma_wait3A_179] : memref<10240x128xf32, #tpu.memory_space<vmem_shared>> -> memref<16x128xf32, #tpu.memory_space<vmem_shared>>
      tpu.wait_dma2 semaphore(%run_scoped3A : memref<!tpu.dma_semaphore, #tpu.memory_space<semaphore_mem>>) src(%arg16 : memref<16x128xf32, #tpu.memory_space<vmem>>) dst(%dma_wait3A_180 : memref<16x128xf32, #tpu.memory_space<vmem_shared>>)
      tpu.yield
    }) : () -> ()
    %mul3A_61 = arith.constant 640 : i32
    %mul3A_62 = arith.muli %arg1, %mul3A_61 : i32
    %add3A_63 = arith.constant 224 : i32
    %add3A_64 = arith.addi %mul3A_62, %add3A_63 : i32
    "tpu.region"() ({
      %run_scoped3A = tpu.sem_alloc : memref<!tpu.dma_semaphore, #tpu.memory_space<semaphore_mem>>
      %dma_start3A = arith.constant 0 : i32
      %dma_start3A_175 = tpu.memref_slice %arg17[%add3A_64, %dma_start3A] : memref<10240x128xf32, #tpu.memory_space<vmem_shared>> -> memref<16x128xf32, #tpu.memory_space<vmem_shared>>
      %dma_start3A_176 = arith.constant 0 : i32
      %dma_start3A_177 = tpu.memref_slice %arg17[%add3A_64, %dma_start3A_176] : memref<10240x128xf32, #tpu.memory_space<vmem_shared>> -> memref<16x128xf32, #tpu.memory_space<vmem_shared>>
      tpu.enqueue_dma source(%arg16 : memref<16x128xf32, #tpu.memory_space<vmem>>) target(%dma_start3A_177 : memref<16x128xf32, #tpu.memory_space<vmem_shared>>) target_semaphore(%run_scoped3A : memref<!tpu.dma_semaphore, #tpu.memory_space<semaphore_mem>>)
      %dma_wait3A = arith.constant 0 : i32
      %dma_wait3A_178 = tpu.memref_slice %arg17[%add3A_64, %dma_wait3A] : memref<10240x128xf32, #tpu.memory_space<vmem_shared>> -> memref<16x128xf32, #tpu.memory_space<vmem_shared>>
      %dma_wait3A_179 = arith.constant 0 : i32
      %dma_wait3A_180 = tpu.memref_slice %arg17[%add3A_64, %dma_wait3A_179] : memref<10240x128xf32, #tpu.memory_space<vmem_shared>> -> memref<16x128xf32, #tpu.memory_space<vmem_shared>>
      tpu.wait_dma2 semaphore(%run_scoped3A : memref<!tpu.dma_semaphore, #tpu.memory_space<semaphore_mem>>) src(%arg16 : memref<16x128xf32, #tpu.memory_space<vmem>>) dst(%dma_wait3A_180 : memref<16x128xf32, #tpu.memory_space<vmem_shared>>)
      tpu.yield
    }) : () -> ()
    %mul3A_65 = arith.constant 640 : i32
    %mul3A_66 = arith.muli %arg1, %mul3A_65 : i32
    %add3A_67 = arith.constant 240 : i32
    %add3A_68 = arith.addi %mul3A_66, %add3A_67 : i32
    "tpu.region"() ({
      %run_scoped3A = tpu.sem_alloc : memref<!tpu.dma_semaphore, #tpu.memory_space<semaphore_mem>>
      %dma_start3A = arith.constant 0 : i32
      %dma_start3A_175 = tpu.memref_slice %arg17[%add3A_68, %dma_start3A] : memref<10240x128xf32, #tpu.memory_space<vmem_shared>> -> memref<16x128xf32, #tpu.memory_space<vmem_shared>>
      %dma_start3A_176 = arith.constant 0 : i32
      %dma_start3A_177 = tpu.memref_slice %arg17[%add3A_68, %dma_start3A_176] : memref<10240x128xf32, #tpu.memory_space<vmem_shared>> -> memref<16x128xf32, #tpu.memory_space<vmem_shared>>
      tpu.enqueue_dma source(%arg16 : memref<16x128xf32, #tpu.memory_space<vmem>>) target(%dma_start3A_177 : memref<16x128xf32, #tpu.memory_space<vmem_shared>>) target_semaphore(%run_scoped3A : memref<!tpu.dma_semaphore, #tpu.memory_space<semaphore_mem>>)
      %dma_wait3A = arith.constant 0 : i32
      %dma_wait3A_178 = tpu.memref_slice %arg17[%add3A_68, %dma_wait3A] : memref<10240x128xf32, #tpu.memory_space<vmem_shared>> -> memref<16x128xf32, #tpu.memory_space<vmem_shared>>
      %dma_wait3A_179 = arith.constant 0 : i32
      %dma_wait3A_180 = tpu.memref_slice %arg17[%add3A_68, %dma_wait3A_179] : memref<10240x128xf32, #tpu.memory_space<vmem_shared>> -> memref<16x128xf32, #tpu.memory_space<vmem_shared>>
      tpu.wait_dma2 semaphore(%run_scoped3A : memref<!tpu.dma_semaphore, #tpu.memory_space<semaphore_mem>>) src(%arg16 : memref<16x128xf32, #tpu.memory_space<vmem>>) dst(%dma_wait3A_180 : memref<16x128xf32, #tpu.memory_space<vmem_shared>>)
      tpu.yield
    }) : () -> ()
    %mul3A_69 = arith.constant 640 : i32
    %mul3A_70 = arith.muli %arg1, %mul3A_69 : i32
    %add3A_71 = arith.constant 256 : i32
    %add3A_72 = arith.addi %mul3A_70, %add3A_71 : i32
    "tpu.region"() ({
      %run_scoped3A = tpu.sem_alloc : memref<!tpu.dma_semaphore, #tpu.memory_space<semaphore_mem>>
      %dma_start3A = arith.constant 0 : i32
      %dma_start3A_175 = tpu.memref_slice %arg17[%add3A_72, %dma_start3A] : memref<10240x128xf32, #tpu.memory_space<vmem_shared>> -> memref<16x128xf32, #tpu.memory_space<vmem_shared>>
      %dma_start3A_176 = arith.constant 0 : i32
      %dma_start3A_177 = tpu.memref_slice %arg17[%add3A_72, %dma_start3A_176] : memref<10240x128xf32, #tpu.memory_space<vmem_shared>> -> memref<16x128xf32, #tpu.memory_space<vmem_shared>>
      tpu.enqueue_dma source(%arg16 : memref<16x128xf32, #tpu.memory_space<vmem>>) target(%dma_start3A_177 : memref<16x128xf32, #tpu.memory_space<vmem_shared>>) target_semaphore(%run_scoped3A : memref<!tpu.dma_semaphore, #tpu.memory_space<semaphore_mem>>)
      %dma_wait3A = arith.constant 0 : i32
      %dma_wait3A_178 = tpu.memref_slice %arg17[%add3A_72, %dma_wait3A] : memref<10240x128xf32, #tpu.memory_space<vmem_shared>> -> memref<16x128xf32, #tpu.memory_space<vmem_shared>>
      %dma_wait3A_179 = arith.constant 0 : i32
      %dma_wait3A_180 = tpu.memref_slice %arg17[%add3A_72, %dma_wait3A_179] : memref<10240x128xf32, #tpu.memory_space<vmem_shared>> -> memref<16x128xf32, #tpu.memory_space<vmem_shared>>
      tpu.wait_dma2 semaphore(%run_scoped3A : memref<!tpu.dma_semaphore, #tpu.memory_space<semaphore_mem>>) src(%arg16 : memref<16x128xf32, #tpu.memory_space<vmem>>) dst(%dma_wait3A_180 : memref<16x128xf32, #tpu.memory_space<vmem_shared>>)
      tpu.yield
    }) : () -> ()
    %mul3A_73 = arith.constant 640 : i32
    %mul3A_74 = arith.muli %arg1, %mul3A_73 : i32
    %add3A_75 = arith.constant 272 : i32
    %add3A_76 = arith.addi %mul3A_74, %add3A_75 : i32
    "tpu.region"() ({
      %run_scoped3A = tpu.sem_alloc : memref<!tpu.dma_semaphore, #tpu.memory_space<semaphore_mem>>
      %dma_start3A = arith.constant 0 : i32
      %dma_start3A_175 = tpu.memref_slice %arg17[%add3A_76, %dma_start3A] : memref<10240x128xf32, #tpu.memory_space<vmem_shared>> -> memref<16x128xf32, #tpu.memory_space<vmem_shared>>
      %dma_start3A_176 = arith.constant 0 : i32
      %dma_start3A_177 = tpu.memref_slice %arg17[%add3A_76, %dma_start3A_176] : memref<10240x128xf32, #tpu.memory_space<vmem_shared>> -> memref<16x128xf32, #tpu.memory_space<vmem_shared>>
      tpu.enqueue_dma source(%arg16 : memref<16x128xf32, #tpu.memory_space<vmem>>) target(%dma_start3A_177 : memref<16x128xf32, #tpu.memory_space<vmem_shared>>) target_semaphore(%run_scoped3A : memref<!tpu.dma_semaphore, #tpu.memory_space<semaphore_mem>>)
      %dma_wait3A = arith.constant 0 : i32
      %dma_wait3A_178 = tpu.memref_slice %arg17[%add3A_76, %dma_wait3A] : memref<10240x128xf32, #tpu.memory_space<vmem_shared>> -> memref<16x128xf32, #tpu.memory_space<vmem_shared>>
      %dma_wait3A_179 = arith.constant 0 : i32
      %dma_wait3A_180 = tpu.memref_slice %arg17[%add3A_76, %dma_wait3A_179] : memref<10240x128xf32, #tpu.memory_space<vmem_shared>> -> memref<16x128xf32, #tpu.memory_space<vmem_shared>>
      tpu.wait_dma2 semaphore(%run_scoped3A : memref<!tpu.dma_semaphore, #tpu.memory_space<semaphore_mem>>) src(%arg16 : memref<16x128xf32, #tpu.memory_space<vmem>>) dst(%dma_wait3A_180 : memref<16x128xf32, #tpu.memory_space<vmem_shared>>)
      tpu.yield
    }) : () -> ()
    %mul3A_77 = arith.constant 640 : i32
    %mul3A_78 = arith.muli %arg1, %mul3A_77 : i32
    %add3A_79 = arith.constant 288 : i32
    %add3A_80 = arith.addi %mul3A_78, %add3A_79 : i32
    "tpu.region"() ({
      %run_scoped3A = tpu.sem_alloc : memref<!tpu.dma_semaphore, #tpu.memory_space<semaphore_mem>>
      %dma_start3A = arith.constant 0 : i32
      %dma_start3A_175 = tpu.memref_slice %arg17[%add3A_80, %dma_start3A] : memref<10240x128xf32, #tpu.memory_space<vmem_shared>> -> memref<16x128xf32, #tpu.memory_space<vmem_shared>>
      %dma_start3A_176 = arith.constant 0 : i32
      %dma_start3A_177 = tpu.memref_slice %arg17[%add3A_80, %dma_start3A_176] : memref<10240x128xf32, #tpu.memory_space<vmem_shared>> -> memref<16x128xf32, #tpu.memory_space<vmem_shared>>
      tpu.enqueue_dma source(%arg16 : memref<16x128xf32, #tpu.memory_space<vmem>>) target(%dma_start3A_177 : memref<16x128xf32, #tpu.memory_space<vmem_shared>>) target_semaphore(%run_scoped3A : memref<!tpu.dma_semaphore, #tpu.memory_space<semaphore_mem>>)
      %dma_wait3A = arith.constant 0 : i32
      %dma_wait3A_178 = tpu.memref_slice %arg17[%add3A_80, %dma_wait3A] : memref<10240x128xf32, #tpu.memory_space<vmem_shared>> -> memref<16x128xf32, #tpu.memory_space<vmem_shared>>
      %dma_wait3A_179 = arith.constant 0 : i32
      %dma_wait3A_180 = tpu.memref_slice %arg17[%add3A_80, %dma_wait3A_179] : memref<10240x128xf32, #tpu.memory_space<vmem_shared>> -> memref<16x128xf32, #tpu.memory_space<vmem_shared>>
      tpu.wait_dma2 semaphore(%run_scoped3A : memref<!tpu.dma_semaphore, #tpu.memory_space<semaphore_mem>>) src(%arg16 : memref<16x128xf32, #tpu.memory_space<vmem>>) dst(%dma_wait3A_180 : memref<16x128xf32, #tpu.memory_space<vmem_shared>>)
      tpu.yield
    }) : () -> ()
    %mul3A_81 = arith.constant 640 : i32
    %mul3A_82 = arith.muli %arg1, %mul3A_81 : i32
    %add3A_83 = arith.constant 304 : i32
    %add3A_84 = arith.addi %mul3A_82, %add3A_83 : i32
    "tpu.region"() ({
      %run_scoped3A = tpu.sem_alloc : memref<!tpu.dma_semaphore, #tpu.memory_space<semaphore_mem>>
      %dma_start3A = arith.constant 0 : i32
      %dma_start3A_175 = tpu.memref_slice %arg17[%add3A_84, %dma_start3A] : memref<10240x128xf32, #tpu.memory_space<vmem_shared>> -> memref<16x128xf32, #tpu.memory_space<vmem_shared>>
      %dma_start3A_176 = arith.constant 0 : i32
      %dma_start3A_177 = tpu.memref_slice %arg17[%add3A_84, %dma_start3A_176] : memref<10240x128xf32, #tpu.memory_space<vmem_shared>> -> memref<16x128xf32, #tpu.memory_space<vmem_shared>>
      tpu.enqueue_dma source(%arg16 : memref<16x128xf32, #tpu.memory_space<vmem>>) target(%dma_start3A_177 : memref<16x128xf32, #tpu.memory_space<vmem_shared>>) target_semaphore(%run_scoped3A : memref<!tpu.dma_semaphore, #tpu.memory_space<semaphore_mem>>)
      %dma_wait3A = arith.constant 0 : i32
      %dma_wait3A_178 = tpu.memref_slice %arg17[%add3A_84, %dma_wait3A] : memref<10240x128xf32, #tpu.memory_space<vmem_shared>> -> memref<16x128xf32, #tpu.memory_space<vmem_shared>>
      %dma_wait3A_179 = arith.constant 0 : i32
      %dma_wait3A_180 = tpu.memref_slice %arg17[%add3A_84, %dma_wait3A_179] : memref<10240x128xf32, #tpu.memory_space<vmem_shared>> -> memref<16x128xf32, #tpu.memory_space<vmem_shared>>
      tpu.wait_dma2 semaphore(%run_scoped3A : memref<!tpu.dma_semaphore, #tpu.memory_space<semaphore_mem>>) src(%arg16 : memref<16x128xf32, #tpu.memory_space<vmem>>) dst(%dma_wait3A_180 : memref<16x128xf32, #tpu.memory_space<vmem_shared>>)
      tpu.yield
    }) : () -> ()
    %mul3A_85 = arith.constant 640 : i32
    %mul3A_86 = arith.muli %arg1, %mul3A_85 : i32
    %add3A_87 = arith.constant 320 : i32
    %add3A_88 = arith.addi %mul3A_86, %add3A_87 : i32
    "tpu.region"() ({
      %run_scoped3A = tpu.sem_alloc : memref<!tpu.dma_semaphore, #tpu.memory_space<semaphore_mem>>
      %dma_start3A = arith.constant 0 : i32
      %dma_start3A_175 = tpu.memref_slice %arg17[%add3A_88, %dma_start3A] : memref<10240x128xf32, #tpu.memory_space<vmem_shared>> -> memref<16x128xf32, #tpu.memory_space<vmem_shared>>
      %dma_start3A_176 = arith.constant 0 : i32
      %dma_start3A_177 = tpu.memref_slice %arg17[%add3A_88, %dma_start3A_176] : memref<10240x128xf32, #tpu.memory_space<vmem_shared>> -> memref<16x128xf32, #tpu.memory_space<vmem_shared>>
      tpu.enqueue_dma source(%arg16 : memref<16x128xf32, #tpu.memory_space<vmem>>) target(%dma_start3A_177 : memref<16x128xf32, #tpu.memory_space<vmem_shared>>) target_semaphore(%run_scoped3A : memref<!tpu.dma_semaphore, #tpu.memory_space<semaphore_mem>>)
      %dma_wait3A = arith.constant 0 : i32
      %dma_wait3A_178 = tpu.memref_slice %arg17[%add3A_88, %dma_wait3A] : memref<10240x128xf32, #tpu.memory_space<vmem_shared>> -> memref<16x128xf32, #tpu.memory_space<vmem_shared>>
      %dma_wait3A_179 = arith.constant 0 : i32
      %dma_wait3A_180 = tpu.memref_slice %arg17[%add3A_88, %dma_wait3A_179] : memref<10240x128xf32, #tpu.memory_space<vmem_shared>> -> memref<16x128xf32, #tpu.memory_space<vmem_shared>>
      tpu.wait_dma2 semaphore(%run_scoped3A : memref<!tpu.dma_semaphore, #tpu.memory_space<semaphore_mem>>) src(%arg16 : memref<16x128xf32, #tpu.memory_space<vmem>>) dst(%dma_wait3A_180 : memref<16x128xf32, #tpu.memory_space<vmem_shared>>)
      tpu.yield
    }) : () -> ()
    %mul3A_89 = arith.constant 640 : i32
    %mul3A_90 = arith.muli %arg1, %mul3A_89 : i32
    %add3A_91 = arith.constant 336 : i32
    %add3A_92 = arith.addi %mul3A_90, %add3A_91 : i32
    "tpu.region"() ({
      %run_scoped3A = tpu.sem_alloc : memref<!tpu.dma_semaphore, #tpu.memory_space<semaphore_mem>>
      %dma_start3A = arith.constant 0 : i32
      %dma_start3A_175 = tpu.memref_slice %arg17[%add3A_92, %dma_start3A] : memref<10240x128xf32, #tpu.memory_space<vmem_shared>> -> memref<16x128xf32, #tpu.memory_space<vmem_shared>>
      %dma_start3A_176 = arith.constant 0 : i32
      %dma_start3A_177 = tpu.memref_slice %arg17[%add3A_92, %dma_start3A_176] : memref<10240x128xf32, #tpu.memory_space<vmem_shared>> -> memref<16x128xf32, #tpu.memory_space<vmem_shared>>
      tpu.enqueue_dma source(%arg16 : memref<16x128xf32, #tpu.memory_space<vmem>>) target(%dma_start3A_177 : memref<16x128xf32, #tpu.memory_space<vmem_shared>>) target_semaphore(%run_scoped3A : memref<!tpu.dma_semaphore, #tpu.memory_space<semaphore_mem>>)
      %dma_wait3A = arith.constant 0 : i32
      %dma_wait3A_178 = tpu.memref_slice %arg17[%add3A_92, %dma_wait3A] : memref<10240x128xf32, #tpu.memory_space<vmem_shared>> -> memref<16x128xf32, #tpu.memory_space<vmem_shared>>
      %dma_wait3A_179 = arith.constant 0 : i32
      %dma_wait3A_180 = tpu.memref_slice %arg17[%add3A_92, %dma_wait3A_179] : memref<10240x128xf32, #tpu.memory_space<vmem_shared>> -> memref<16x128xf32, #tpu.memory_space<vmem_shared>>
      tpu.wait_dma2 semaphore(%run_scoped3A : memref<!tpu.dma_semaphore, #tpu.memory_space<semaphore_mem>>) src(%arg16 : memref<16x128xf32, #tpu.memory_space<vmem>>) dst(%dma_wait3A_180 : memref<16x128xf32, #tpu.memory_space<vmem_shared>>)
      tpu.yield
    }) : () -> ()
    %mul3A_93 = arith.constant 640 : i32
    %mul3A_94 = arith.muli %arg1, %mul3A_93 : i32
    %add3A_95 = arith.constant 352 : i32
    %add3A_96 = arith.addi %mul3A_94, %add3A_95 : i32
    "tpu.region"() ({
      %run_scoped3A = tpu.sem_alloc : memref<!tpu.dma_semaphore, #tpu.memory_space<semaphore_mem>>
      %dma_start3A = arith.constant 0 : i32
      %dma_start3A_175 = tpu.memref_slice %arg17[%add3A_96, %dma_start3A] : memref<10240x128xf32, #tpu.memory_space<vmem_shared>> -> memref<16x128xf32, #tpu.memory_space<vmem_shared>>
      %dma_start3A_176 = arith.constant 0 : i32
      %dma_start3A_177 = tpu.memref_slice %arg17[%add3A_96, %dma_start3A_176] : memref<10240x128xf32, #tpu.memory_space<vmem_shared>> -> memref<16x128xf32, #tpu.memory_space<vmem_shared>>
      tpu.enqueue_dma source(%arg16 : memref<16x128xf32, #tpu.memory_space<vmem>>) target(%dma_start3A_177 : memref<16x128xf32, #tpu.memory_space<vmem_shared>>) target_semaphore(%run_scoped3A : memref<!tpu.dma_semaphore, #tpu.memory_space<semaphore_mem>>)
      %dma_wait3A = arith.constant 0 : i32
      %dma_wait3A_178 = tpu.memref_slice %arg17[%add3A_96, %dma_wait3A] : memref<10240x128xf32, #tpu.memory_space<vmem_shared>> -> memref<16x128xf32, #tpu.memory_space<vmem_shared>>
      %dma_wait3A_179 = arith.constant 0 : i32
      %dma_wait3A_180 = tpu.memref_slice %arg17[%add3A_96, %dma_wait3A_179] : memref<10240x128xf32, #tpu.memory_space<vmem_shared>> -> memref<16x128xf32, #tpu.memory_space<vmem_shared>>
      tpu.wait_dma2 semaphore(%run_scoped3A : memref<!tpu.dma_semaphore, #tpu.memory_space<semaphore_mem>>) src(%arg16 : memref<16x128xf32, #tpu.memory_space<vmem>>) dst(%dma_wait3A_180 : memref<16x128xf32, #tpu.memory_space<vmem_shared>>)
      tpu.yield
    }) : () -> ()
    %mul3A_97 = arith.constant 640 : i32
    %mul3A_98 = arith.muli %arg1, %mul3A_97 : i32
    %add3A_99 = arith.constant 368 : i32
    %add3A_100 = arith.addi %mul3A_98, %add3A_99 : i32
    "tpu.region"() ({
      %run_scoped3A = tpu.sem_alloc : memref<!tpu.dma_semaphore, #tpu.memory_space<semaphore_mem>>
      %dma_start3A = arith.constant 0 : i32
      %dma_start3A_175 = tpu.memref_slice %arg17[%add3A_100, %dma_start3A] : memref<10240x128xf32, #tpu.memory_space<vmem_shared>> -> memref<16x128xf32, #tpu.memory_space<vmem_shared>>
      %dma_start3A_176 = arith.constant 0 : i32
      %dma_start3A_177 = tpu.memref_slice %arg17[%add3A_100, %dma_start3A_176] : memref<10240x128xf32, #tpu.memory_space<vmem_shared>> -> memref<16x128xf32, #tpu.memory_space<vmem_shared>>
      tpu.enqueue_dma source(%arg16 : memref<16x128xf32, #tpu.memory_space<vmem>>) target(%dma_start3A_177 : memref<16x128xf32, #tpu.memory_space<vmem_shared>>) target_semaphore(%run_scoped3A : memref<!tpu.dma_semaphore, #tpu.memory_space<semaphore_mem>>)
      %dma_wait3A = arith.constant 0 : i32
      %dma_wait3A_178 = tpu.memref_slice %arg17[%add3A_100, %dma_wait3A] : memref<10240x128xf32, #tpu.memory_space<vmem_shared>> -> memref<16x128xf32, #tpu.memory_space<vmem_shared>>
      %dma_wait3A_179 = arith.constant 0 : i32
      %dma_wait3A_180 = tpu.memref_slice %arg17[%add3A_100, %dma_wait3A_179] : memref<10240x128xf32, #tpu.memory_space<vmem_shared>> -> memref<16x128xf32, #tpu.memory_space<vmem_shared>>
      tpu.wait_dma2 semaphore(%run_scoped3A : memref<!tpu.dma_semaphore, #tpu.memory_space<semaphore_mem>>) src(%arg16 : memref<16x128xf32, #tpu.memory_space<vmem>>) dst(%dma_wait3A_180 : memref<16x128xf32, #tpu.memory_space<vmem_shared>>)
      tpu.yield
    }) : () -> ()
    %mul3A_101 = arith.constant 640 : i32
    %mul3A_102 = arith.muli %arg1, %mul3A_101 : i32
    %add3A_103 = arith.constant 384 : i32
    %add3A_104 = arith.addi %mul3A_102, %add3A_103 : i32
    "tpu.region"() ({
      %run_scoped3A = tpu.sem_alloc : memref<!tpu.dma_semaphore, #tpu.memory_space<semaphore_mem>>
      %dma_start3A = arith.constant 0 : i32
      %dma_start3A_175 = tpu.memref_slice %arg17[%add3A_104, %dma_start3A] : memref<10240x128xf32, #tpu.memory_space<vmem_shared>> -> memref<16x128xf32, #tpu.memory_space<vmem_shared>>
      %dma_start3A_176 = arith.constant 0 : i32
      %dma_start3A_177 = tpu.memref_slice %arg17[%add3A_104, %dma_start3A_176] : memref<10240x128xf32, #tpu.memory_space<vmem_shared>> -> memref<16x128xf32, #tpu.memory_space<vmem_shared>>
      tpu.enqueue_dma source(%arg16 : memref<16x128xf32, #tpu.memory_space<vmem>>) target(%dma_start3A_177 : memref<16x128xf32, #tpu.memory_space<vmem_shared>>) target_semaphore(%run_scoped3A : memref<!tpu.dma_semaphore, #tpu.memory_space<semaphore_mem>>)
      %dma_wait3A = arith.constant 0 : i32
      %dma_wait3A_178 = tpu.memref_slice %arg17[%add3A_104, %dma_wait3A] : memref<10240x128xf32, #tpu.memory_space<vmem_shared>> -> memref<16x128xf32, #tpu.memory_space<vmem_shared>>
      %dma_wait3A_179 = arith.constant 0 : i32
      %dma_wait3A_180 = tpu.memref_slice %arg17[%add3A_104, %dma_wait3A_179] : memref<10240x128xf32, #tpu.memory_space<vmem_shared>> -> memref<16x128xf32, #tpu.memory_space<vmem_shared>>
      tpu.wait_dma2 semaphore(%run_scoped3A : memref<!tpu.dma_semaphore, #tpu.memory_space<semaphore_mem>>) src(%arg16 : memref<16x128xf32, #tpu.memory_space<vmem>>) dst(%dma_wait3A_180 : memref<16x128xf32, #tpu.memory_space<vmem_shared>>)
      tpu.yield
    }) : () -> ()
    %mul3A_105 = arith.constant 640 : i32
    %mul3A_106 = arith.muli %arg1, %mul3A_105 : i32
    %add3A_107 = arith.constant 400 : i32
    %add3A_108 = arith.addi %mul3A_106, %add3A_107 : i32
    "tpu.region"() ({
      %run_scoped3A = tpu.sem_alloc : memref<!tpu.dma_semaphore, #tpu.memory_space<semaphore_mem>>
      %dma_start3A = arith.constant 0 : i32
      %dma_start3A_175 = tpu.memref_slice %arg17[%add3A_108, %dma_start3A] : memref<10240x128xf32, #tpu.memory_space<vmem_shared>> -> memref<16x128xf32, #tpu.memory_space<vmem_shared>>
      %dma_start3A_176 = arith.constant 0 : i32
      %dma_start3A_177 = tpu.memref_slice %arg17[%add3A_108, %dma_start3A_176] : memref<10240x128xf32, #tpu.memory_space<vmem_shared>> -> memref<16x128xf32, #tpu.memory_space<vmem_shared>>
      tpu.enqueue_dma source(%arg16 : memref<16x128xf32, #tpu.memory_space<vmem>>) target(%dma_start3A_177 : memref<16x128xf32, #tpu.memory_space<vmem_shared>>) target_semaphore(%run_scoped3A : memref<!tpu.dma_semaphore, #tpu.memory_space<semaphore_mem>>)
      %dma_wait3A = arith.constant 0 : i32
      %dma_wait3A_178 = tpu.memref_slice %arg17[%add3A_108, %dma_wait3A] : memref<10240x128xf32, #tpu.memory_space<vmem_shared>> -> memref<16x128xf32, #tpu.memory_space<vmem_shared>>
      %dma_wait3A_179 = arith.constant 0 : i32
      %dma_wait3A_180 = tpu.memref_slice %arg17[%add3A_108, %dma_wait3A_179] : memref<10240x128xf32, #tpu.memory_space<vmem_shared>> -> memref<16x128xf32, #tpu.memory_space<vmem_shared>>
      tpu.wait_dma2 semaphore(%run_scoped3A : memref<!tpu.dma_semaphore, #tpu.memory_space<semaphore_mem>>) src(%arg16 : memref<16x128xf32, #tpu.memory_space<vmem>>) dst(%dma_wait3A_180 : memref<16x128xf32, #tpu.memory_space<vmem_shared>>)
      tpu.yield
    }) : () -> ()
    %mul3A_109 = arith.constant 640 : i32
    %mul3A_110 = arith.muli %arg1, %mul3A_109 : i32
    %add3A_111 = arith.constant 416 : i32
    %add3A_112 = arith.addi %mul3A_110, %add3A_111 : i32
    "tpu.region"() ({
      %run_scoped3A = tpu.sem_alloc : memref<!tpu.dma_semaphore, #tpu.memory_space<semaphore_mem>>
      %dma_start3A = arith.constant 0 : i32
      %dma_start3A_175 = tpu.memref_slice %arg17[%add3A_112, %dma_start3A] : memref<10240x128xf32, #tpu.memory_space<vmem_shared>> -> memref<16x128xf32, #tpu.memory_space<vmem_shared>>
      %dma_start3A_176 = arith.constant 0 : i32
      %dma_start3A_177 = tpu.memref_slice %arg17[%add3A_112, %dma_start3A_176] : memref<10240x128xf32, #tpu.memory_space<vmem_shared>> -> memref<16x128xf32, #tpu.memory_space<vmem_shared>>
      tpu.enqueue_dma source(%arg16 : memref<16x128xf32, #tpu.memory_space<vmem>>) target(%dma_start3A_177 : memref<16x128xf32, #tpu.memory_space<vmem_shared>>) target_semaphore(%run_scoped3A : memref<!tpu.dma_semaphore, #tpu.memory_space<semaphore_mem>>)
      %dma_wait3A = arith.constant 0 : i32
      %dma_wait3A_178 = tpu.memref_slice %arg17[%add3A_112, %dma_wait3A] : memref<10240x128xf32, #tpu.memory_space<vmem_shared>> -> memref<16x128xf32, #tpu.memory_space<vmem_shared>>
      %dma_wait3A_179 = arith.constant 0 : i32
      %dma_wait3A_180 = tpu.memref_slice %arg17[%add3A_112, %dma_wait3A_179] : memref<10240x128xf32, #tpu.memory_space<vmem_shared>> -> memref<16x128xf32, #tpu.memory_space<vmem_shared>>
      tpu.wait_dma2 semaphore(%run_scoped3A : memref<!tpu.dma_semaphore, #tpu.memory_space<semaphore_mem>>) src(%arg16 : memref<16x128xf32, #tpu.memory_space<vmem>>) dst(%dma_wait3A_180 : memref<16x128xf32, #tpu.memory_space<vmem_shared>>)
      tpu.yield
    }) : () -> ()
    %mul3A_113 = arith.constant 640 : i32
    %mul3A_114 = arith.muli %arg1, %mul3A_113 : i32
    %add3A_115 = arith.constant 432 : i32
    %add3A_116 = arith.addi %mul3A_114, %add3A_115 : i32
    "tpu.region"() ({
      %run_scoped3A = tpu.sem_alloc : memref<!tpu.dma_semaphore, #tpu.memory_space<semaphore_mem>>
      %dma_start3A = arith.constant 0 : i32
      %dma_start3A_175 = tpu.memref_slice %arg17[%add3A_116, %dma_start3A] : memref<10240x128xf32, #tpu.memory_space<vmem_shared>> -> memref<16x128xf32, #tpu.memory_space<vmem_shared>>
      %dma_start3A_176 = arith.constant 0 : i32
      %dma_start3A_177 = tpu.memref_slice %arg17[%add3A_116, %dma_start3A_176] : memref<10240x128xf32, #tpu.memory_space<vmem_shared>> -> memref<16x128xf32, #tpu.memory_space<vmem_shared>>
      tpu.enqueue_dma source(%arg16 : memref<16x128xf32, #tpu.memory_space<vmem>>) target(%dma_start3A_177 : memref<16x128xf32, #tpu.memory_space<vmem_shared>>) target_semaphore(%run_scoped3A : memref<!tpu.dma_semaphore, #tpu.memory_space<semaphore_mem>>)
      %dma_wait3A = arith.constant 0 : i32
      %dma_wait3A_178 = tpu.memref_slice %arg17[%add3A_116, %dma_wait3A] : memref<10240x128xf32, #tpu.memory_space<vmem_shared>> -> memref<16x128xf32, #tpu.memory_space<vmem_shared>>
      %dma_wait3A_179 = arith.constant 0 : i32
      %dma_wait3A_180 = tpu.memref_slice %arg17[%add3A_116, %dma_wait3A_179] : memref<10240x128xf32, #tpu.memory_space<vmem_shared>> -> memref<16x128xf32, #tpu.memory_space<vmem_shared>>
      tpu.wait_dma2 semaphore(%run_scoped3A : memref<!tpu.dma_semaphore, #tpu.memory_space<semaphore_mem>>) src(%arg16 : memref<16x128xf32, #tpu.memory_space<vmem>>) dst(%dma_wait3A_180 : memref<16x128xf32, #tpu.memory_space<vmem_shared>>)
      tpu.yield
    }) : () -> ()
    %mul3A_117 = arith.constant 640 : i32
    %mul3A_118 = arith.muli %arg1, %mul3A_117 : i32
    %add3A_119 = arith.constant 448 : i32
    %add3A_120 = arith.addi %mul3A_118, %add3A_119 : i32
    "tpu.region"() ({
      %run_scoped3A = tpu.sem_alloc : memref<!tpu.dma_semaphore, #tpu.memory_space<semaphore_mem>>
      %dma_start3A = arith.constant 0 : i32
      %dma_start3A_175 = tpu.memref_slice %arg17[%add3A_120, %dma_start3A] : memref<10240x128xf32, #tpu.memory_space<vmem_shared>> -> memref<16x128xf32, #tpu.memory_space<vmem_shared>>
      %dma_start3A_176 = arith.constant 0 : i32
      %dma_start3A_177 = tpu.memref_slice %arg17[%add3A_120, %dma_start3A_176] : memref<10240x128xf32, #tpu.memory_space<vmem_shared>> -> memref<16x128xf32, #tpu.memory_space<vmem_shared>>
      tpu.enqueue_dma source(%arg16 : memref<16x128xf32, #tpu.memory_space<vmem>>) target(%dma_start3A_177 : memref<16x128xf32, #tpu.memory_space<vmem_shared>>) target_semaphore(%run_scoped3A : memref<!tpu.dma_semaphore, #tpu.memory_space<semaphore_mem>>)
      %dma_wait3A = arith.constant 0 : i32
      %dma_wait3A_178 = tpu.memref_slice %arg17[%add3A_120, %dma_wait3A] : memref<10240x128xf32, #tpu.memory_space<vmem_shared>> -> memref<16x128xf32, #tpu.memory_space<vmem_shared>>
      %dma_wait3A_179 = arith.constant 0 : i32
      %dma_wait3A_180 = tpu.memref_slice %arg17[%add3A_120, %dma_wait3A_179] : memref<10240x128xf32, #tpu.memory_space<vmem_shared>> -> memref<16x128xf32, #tpu.memory_space<vmem_shared>>
      tpu.wait_dma2 semaphore(%run_scoped3A : memref<!tpu.dma_semaphore, #tpu.memory_space<semaphore_mem>>) src(%arg16 : memref<16x128xf32, #tpu.memory_space<vmem>>) dst(%dma_wait3A_180 : memref<16x128xf32, #tpu.memory_space<vmem_shared>>)
      tpu.yield
    }) : () -> ()
    %mul3A_121 = arith.constant 640 : i32
    %mul3A_122 = arith.muli %arg1, %mul3A_121 : i32
    %add3A_123 = arith.constant 464 : i32
    %add3A_124 = arith.addi %mul3A_122, %add3A_123 : i32
    "tpu.region"() ({
      %run_scoped3A = tpu.sem_alloc : memref<!tpu.dma_semaphore, #tpu.memory_space<semaphore_mem>>
      %dma_start3A = arith.constant 0 : i32
      %dma_start3A_175 = tpu.memref_slice %arg17[%add3A_124, %dma_start3A] : memref<10240x128xf32, #tpu.memory_space<vmem_shared>> -> memref<16x128xf32, #tpu.memory_space<vmem_shared>>
      %dma_start3A_176 = arith.constant 0 : i32
      %dma_start3A_177 = tpu.memref_slice %arg17[%add3A_124, %dma_start3A_176] : memref<10240x128xf32, #tpu.memory_space<vmem_shared>> -> memref<16x128xf32, #tpu.memory_space<vmem_shared>>
      tpu.enqueue_dma source(%arg16 : memref<16x128xf32, #tpu.memory_space<vmem>>) target(%dma_start3A_177 : memref<16x128xf32, #tpu.memory_space<vmem_shared>>) target_semaphore(%run_scoped3A : memref<!tpu.dma_semaphore, #tpu.memory_space<semaphore_mem>>)
      %dma_wait3A = arith.constant 0 : i32
      %dma_wait3A_178 = tpu.memref_slice %arg17[%add3A_124, %dma_wait3A] : memref<10240x128xf32, #tpu.memory_space<vmem_shared>> -> memref<16x128xf32, #tpu.memory_space<vmem_shared>>
      %dma_wait3A_179 = arith.constant 0 : i32
      %dma_wait3A_180 = tpu.memref_slice %arg17[%add3A_124, %dma_wait3A_179] : memref<10240x128xf32, #tpu.memory_space<vmem_shared>> -> memref<16x128xf32, #tpu.memory_space<vmem_shared>>
      tpu.wait_dma2 semaphore(%run_scoped3A : memref<!tpu.dma_semaphore, #tpu.memory_space<semaphore_mem>>) src(%arg16 : memref<16x128xf32, #tpu.memory_space<vmem>>) dst(%dma_wait3A_180 : memref<16x128xf32, #tpu.memory_space<vmem_shared>>)
      tpu.yield
    }) : () -> ()
    %mul3A_125 = arith.constant 640 : i32
    %mul3A_126 = arith.muli %arg1, %mul3A_125 : i32
    %add3A_127 = arith.constant 480 : i32
    %add3A_128 = arith.addi %mul3A_126, %add3A_127 : i32
    "tpu.region"() ({
      %run_scoped3A = tpu.sem_alloc : memref<!tpu.dma_semaphore, #tpu.memory_space<semaphore_mem>>
      %dma_start3A = arith.constant 0 : i32
      %dma_start3A_175 = tpu.memref_slice %arg17[%add3A_128, %dma_start3A] : memref<10240x128xf32, #tpu.memory_space<vmem_shared>> -> memref<16x128xf32, #tpu.memory_space<vmem_shared>>
      %dma_start3A_176 = arith.constant 0 : i32
      %dma_start3A_177 = tpu.memref_slice %arg17[%add3A_128, %dma_start3A_176] : memref<10240x128xf32, #tpu.memory_space<vmem_shared>> -> memref<16x128xf32, #tpu.memory_space<vmem_shared>>
      tpu.enqueue_dma source(%arg16 : memref<16x128xf32, #tpu.memory_space<vmem>>) target(%dma_start3A_177 : memref<16x128xf32, #tpu.memory_space<vmem_shared>>) target_semaphore(%run_scoped3A : memref<!tpu.dma_semaphore, #tpu.memory_space<semaphore_mem>>)
      %dma_wait3A = arith.constant 0 : i32
      %dma_wait3A_178 = tpu.memref_slice %arg17[%add3A_128, %dma_wait3A] : memref<10240x128xf32, #tpu.memory_space<vmem_shared>> -> memref<16x128xf32, #tpu.memory_space<vmem_shared>>
      %dma_wait3A_179 = arith.constant 0 : i32
      %dma_wait3A_180 = tpu.memref_slice %arg17[%add3A_128, %dma_wait3A_179] : memref<10240x128xf32, #tpu.memory_space<vmem_shared>> -> memref<16x128xf32, #tpu.memory_space<vmem_shared>>
      tpu.wait_dma2 semaphore(%run_scoped3A : memref<!tpu.dma_semaphore, #tpu.memory_space<semaphore_mem>>) src(%arg16 : memref<16x128xf32, #tpu.memory_space<vmem>>) dst(%dma_wait3A_180 : memref<16x128xf32, #tpu.memory_space<vmem_shared>>)
      tpu.yield
    }) : () -> ()
    %mul3A_129 = arith.constant 640 : i32
    %mul3A_130 = arith.muli %arg1, %mul3A_129 : i32
    %add3A_131 = arith.constant 496 : i32
    %add3A_132 = arith.addi %mul3A_130, %add3A_131 : i32
    "tpu.region"() ({
      %run_scoped3A = tpu.sem_alloc : memref<!tpu.dma_semaphore, #tpu.memory_space<semaphore_mem>>
      %dma_start3A = arith.constant 0 : i32
      %dma_start3A_175 = tpu.memref_slice %arg17[%add3A_132, %dma_start3A] : memref<10240x128xf32, #tpu.memory_space<vmem_shared>> -> memref<16x128xf32, #tpu.memory_space<vmem_shared>>
      %dma_start3A_176 = arith.constant 0 : i32
      %dma_start3A_177 = tpu.memref_slice %arg17[%add3A_132, %dma_start3A_176] : memref<10240x128xf32, #tpu.memory_space<vmem_shared>> -> memref<16x128xf32, #tpu.memory_space<vmem_shared>>
      tpu.enqueue_dma source(%arg16 : memref<16x128xf32, #tpu.memory_space<vmem>>) target(%dma_start3A_177 : memref<16x128xf32, #tpu.memory_space<vmem_shared>>) target_semaphore(%run_scoped3A : memref<!tpu.dma_semaphore, #tpu.memory_space<semaphore_mem>>)
      %dma_wait3A = arith.constant 0 : i32
      %dma_wait3A_178 = tpu.memref_slice %arg17[%add3A_132, %dma_wait3A] : memref<10240x128xf32, #tpu.memory_space<vmem_shared>> -> memref<16x128xf32, #tpu.memory_space<vmem_shared>>
      %dma_wait3A_179 = arith.constant 0 : i32
      %dma_wait3A_180 = tpu.memref_slice %arg17[%add3A_132, %dma_wait3A_179] : memref<10240x128xf32, #tpu.memory_space<vmem_shared>> -> memref<16x128xf32, #tpu.memory_space<vmem_shared>>
      tpu.wait_dma2 semaphore(%run_scoped3A : memref<!tpu.dma_semaphore, #tpu.memory_space<semaphore_mem>>) src(%arg16 : memref<16x128xf32, #tpu.memory_space<vmem>>) dst(%dma_wait3A_180 : memref<16x128xf32, #tpu.memory_space<vmem_shared>>)
      tpu.yield
    }) : () -> ()
    %mul3A_133 = arith.constant 640 : i32
    %mul3A_134 = arith.muli %arg1, %mul3A_133 : i32
    %add3A_135 = arith.constant 512 : i32
    %add3A_136 = arith.addi %mul3A_134, %add3A_135 : i32
    "tpu.region"() ({
      %run_scoped3A = tpu.sem_alloc : memref<!tpu.dma_semaphore, #tpu.memory_space<semaphore_mem>>
      %dma_start3A = arith.constant 0 : i32
      %dma_start3A_175 = tpu.memref_slice %arg17[%add3A_136, %dma_start3A] : memref<10240x128xf32, #tpu.memory_space<vmem_shared>> -> memref<16x128xf32, #tpu.memory_space<vmem_shared>>
      %dma_start3A_176 = arith.constant 0 : i32
      %dma_start3A_177 = tpu.memref_slice %arg17[%add3A_136, %dma_start3A_176] : memref<10240x128xf32, #tpu.memory_space<vmem_shared>> -> memref<16x128xf32, #tpu.memory_space<vmem_shared>>
      tpu.enqueue_dma source(%arg16 : memref<16x128xf32, #tpu.memory_space<vmem>>) target(%dma_start3A_177 : memref<16x128xf32, #tpu.memory_space<vmem_shared>>) target_semaphore(%run_scoped3A : memref<!tpu.dma_semaphore, #tpu.memory_space<semaphore_mem>>)
      %dma_wait3A = arith.constant 0 : i32
      %dma_wait3A_178 = tpu.memref_slice %arg17[%add3A_136, %dma_wait3A] : memref<10240x128xf32, #tpu.memory_space<vmem_shared>> -> memref<16x128xf32, #tpu.memory_space<vmem_shared>>
      %dma_wait3A_179 = arith.constant 0 : i32
      %dma_wait3A_180 = tpu.memref_slice %arg17[%add3A_136, %dma_wait3A_179] : memref<10240x128xf32, #tpu.memory_space<vmem_shared>> -> memref<16x128xf32, #tpu.memory_space<vmem_shared>>
      tpu.wait_dma2 semaphore(%run_scoped3A : memref<!tpu.dma_semaphore, #tpu.memory_space<semaphore_mem>>) src(%arg16 : memref<16x128xf32, #tpu.memory_space<vmem>>) dst(%dma_wait3A_180 : memref<16x128xf32, #tpu.memory_space<vmem_shared>>)
      tpu.yield
    }) : () -> ()
    %mul3A_137 = arith.constant 640 : i32
    %mul3A_138 = arith.muli %arg1, %mul3A_137 : i32
    %add3A_139 = arith.constant 528 : i32
    %add3A_140 = arith.addi %mul3A_138, %add3A_139 : i32
    "tpu.region"() ({
      %run_scoped3A = tpu.sem_alloc : memref<!tpu.dma_semaphore, #tpu.memory_space<semaphore_mem>>
      %dma_start3A = arith.constant 0 : i32
      %dma_start3A_175 = tpu.memref_slice %arg17[%add3A_140, %dma_start3A] : memref<10240x128xf32, #tpu.memory_space<vmem_shared>> -> memref<16x128xf32, #tpu.memory_space<vmem_shared>>
      %dma_start3A_176 = arith.constant 0 : i32
      %dma_start3A_177 = tpu.memref_slice %arg17[%add3A_140, %dma_start3A_176] : memref<10240x128xf32, #tpu.memory_space<vmem_shared>> -> memref<16x128xf32, #tpu.memory_space<vmem_shared>>
      tpu.enqueue_dma source(%arg16 : memref<16x128xf32, #tpu.memory_space<vmem>>) target(%dma_start3A_177 : memref<16x128xf32, #tpu.memory_space<vmem_shared>>) target_semaphore(%run_scoped3A : memref<!tpu.dma_semaphore, #tpu.memory_space<semaphore_mem>>)
      %dma_wait3A = arith.constant 0 : i32
      %dma_wait3A_178 = tpu.memref_slice %arg17[%add3A_140, %dma_wait3A] : memref<10240x128xf32, #tpu.memory_space<vmem_shared>> -> memref<16x128xf32, #tpu.memory_space<vmem_shared>>
      %dma_wait3A_179 = arith.constant 0 : i32
      %dma_wait3A_180 = tpu.memref_slice %arg17[%add3A_140, %dma_wait3A_179] : memref<10240x128xf32, #tpu.memory_space<vmem_shared>> -> memref<16x128xf32, #tpu.memory_space<vmem_shared>>
      tpu.wait_dma2 semaphore(%run_scoped3A : memref<!tpu.dma_semaphore, #tpu.memory_space<semaphore_mem>>) src(%arg16 : memref<16x128xf32, #tpu.memory_space<vmem>>) dst(%dma_wait3A_180 : memref<16x128xf32, #tpu.memory_space<vmem_shared>>)
      tpu.yield
    }) : () -> ()
    %mul3A_141 = arith.constant 640 : i32
    %mul3A_142 = arith.muli %arg1, %mul3A_141 : i32
    %add3A_143 = arith.constant 544 : i32
    %add3A_144 = arith.addi %mul3A_142, %add3A_143 : i32
    "tpu.region"() ({
      %run_scoped3A = tpu.sem_alloc : memref<!tpu.dma_semaphore, #tpu.memory_space<semaphore_mem>>
      %dma_start3A = arith.constant 0 : i32
      %dma_start3A_175 = tpu.memref_slice %arg17[%add3A_144, %dma_start3A] : memref<10240x128xf32, #tpu.memory_space<vmem_shared>> -> memref<16x128xf32, #tpu.memory_space<vmem_shared>>
      %dma_start3A_176 = arith.constant 0 : i32
      %dma_start3A_177 = tpu.memref_slice %arg17[%add3A_144, %dma_start3A_176] : memref<10240x128xf32, #tpu.memory_space<vmem_shared>> -> memref<16x128xf32, #tpu.memory_space<vmem_shared>>
      tpu.enqueue_dma source(%arg16 : memref<16x128xf32, #tpu.memory_space<vmem>>) target(%dma_start3A_177 : memref<16x128xf32, #tpu.memory_space<vmem_shared>>) target_semaphore(%run_scoped3A : memref<!tpu.dma_semaphore, #tpu.memory_space<semaphore_mem>>)
      %dma_wait3A = arith.constant 0 : i32
      %dma_wait3A_178 = tpu.memref_slice %arg17[%add3A_144, %dma_wait3A] : memref<10240x128xf32, #tpu.memory_space<vmem_shared>> -> memref<16x128xf32, #tpu.memory_space<vmem_shared>>
      %dma_wait3A_179 = arith.constant 0 : i32
      %dma_wait3A_180 = tpu.memref_slice %arg17[%add3A_144, %dma_wait3A_179] : memref<10240x128xf32, #tpu.memory_space<vmem_shared>> -> memref<16x128xf32, #tpu.memory_space<vmem_shared>>
      tpu.wait_dma2 semaphore(%run_scoped3A : memref<!tpu.dma_semaphore, #tpu.memory_space<semaphore_mem>>) src(%arg16 : memref<16x128xf32, #tpu.memory_space<vmem>>) dst(%dma_wait3A_180 : memref<16x128xf32, #tpu.memory_space<vmem_shared>>)
      tpu.yield
    }) : () -> ()
    %mul3A_145 = arith.constant 640 : i32
    %mul3A_146 = arith.muli %arg1, %mul3A_145 : i32
    %add3A_147 = arith.constant 560 : i32
    %add3A_148 = arith.addi %mul3A_146, %add3A_147 : i32
    "tpu.region"() ({
      %run_scoped3A = tpu.sem_alloc : memref<!tpu.dma_semaphore, #tpu.memory_space<semaphore_mem>>
      %dma_start3A = arith.constant 0 : i32
      %dma_start3A_175 = tpu.memref_slice %arg17[%add3A_148, %dma_start3A] : memref<10240x128xf32, #tpu.memory_space<vmem_shared>> -> memref<16x128xf32, #tpu.memory_space<vmem_shared>>
      %dma_start3A_176 = arith.constant 0 : i32
      %dma_start3A_177 = tpu.memref_slice %arg17[%add3A_148, %dma_start3A_176] : memref<10240x128xf32, #tpu.memory_space<vmem_shared>> -> memref<16x128xf32, #tpu.memory_space<vmem_shared>>
      tpu.enqueue_dma source(%arg16 : memref<16x128xf32, #tpu.memory_space<vmem>>) target(%dma_start3A_177 : memref<16x128xf32, #tpu.memory_space<vmem_shared>>) target_semaphore(%run_scoped3A : memref<!tpu.dma_semaphore, #tpu.memory_space<semaphore_mem>>)
      %dma_wait3A = arith.constant 0 : i32
      %dma_wait3A_178 = tpu.memref_slice %arg17[%add3A_148, %dma_wait3A] : memref<10240x128xf32, #tpu.memory_space<vmem_shared>> -> memref<16x128xf32, #tpu.memory_space<vmem_shared>>
      %dma_wait3A_179 = arith.constant 0 : i32
      %dma_wait3A_180 = tpu.memref_slice %arg17[%add3A_148, %dma_wait3A_179] : memref<10240x128xf32, #tpu.memory_space<vmem_shared>> -> memref<16x128xf32, #tpu.memory_space<vmem_shared>>
      tpu.wait_dma2 semaphore(%run_scoped3A : memref<!tpu.dma_semaphore, #tpu.memory_space<semaphore_mem>>) src(%arg16 : memref<16x128xf32, #tpu.memory_space<vmem>>) dst(%dma_wait3A_180 : memref<16x128xf32, #tpu.memory_space<vmem_shared>>)
      tpu.yield
    }) : () -> ()
    %mul3A_149 = arith.constant 640 : i32
    %mul3A_150 = arith.muli %arg1, %mul3A_149 : i32
    %add3A_151 = arith.constant 576 : i32
    %add3A_152 = arith.addi %mul3A_150, %add3A_151 : i32
    "tpu.region"() ({
      %run_scoped3A = tpu.sem_alloc : memref<!tpu.dma_semaphore, #tpu.memory_space<semaphore_mem>>
      %dma_start3A = arith.constant 0 : i32
      %dma_start3A_175 = tpu.memref_slice %arg17[%add3A_152, %dma_start3A] : memref<10240x128xf32, #tpu.memory_space<vmem_shared>> -> memref<16x128xf32, #tpu.memory_space<vmem_shared>>
      %dma_start3A_176 = arith.constant 0 : i32
      %dma_start3A_177 = tpu.memref_slice %arg17[%add3A_152, %dma_start3A_176] : memref<10240x128xf32, #tpu.memory_space<vmem_shared>> -> memref<16x128xf32, #tpu.memory_space<vmem_shared>>
      tpu.enqueue_dma source(%arg16 : memref<16x128xf32, #tpu.memory_space<vmem>>) target(%dma_start3A_177 : memref<16x128xf32, #tpu.memory_space<vmem_shared>>) target_semaphore(%run_scoped3A : memref<!tpu.dma_semaphore, #tpu.memory_space<semaphore_mem>>)
      %dma_wait3A = arith.constant 0 : i32
      %dma_wait3A_178 = tpu.memref_slice %arg17[%add3A_152, %dma_wait3A] : memref<10240x128xf32, #tpu.memory_space<vmem_shared>> -> memref<16x128xf32, #tpu.memory_space<vmem_shared>>
      %dma_wait3A_179 = arith.constant 0 : i32
      %dma_wait3A_180 = tpu.memref_slice %arg17[%add3A_152, %dma_wait3A_179] : memref<10240x128xf32, #tpu.memory_space<vmem_shared>> -> memref<16x128xf32, #tpu.memory_space<vmem_shared>>
      tpu.wait_dma2 semaphore(%run_scoped3A : memref<!tpu.dma_semaphore, #tpu.memory_space<semaphore_mem>>) src(%arg16 : memref<16x128xf32, #tpu.memory_space<vmem>>) dst(%dma_wait3A_180 : memref<16x128xf32, #tpu.memory_space<vmem_shared>>)
      tpu.yield
    }) : () -> ()
    %mul3A_153 = arith.constant 640 : i32
    %mul3A_154 = arith.muli %arg1, %mul3A_153 : i32
    %add3A_155 = arith.constant 592 : i32
    %add3A_156 = arith.addi %mul3A_154, %add3A_155 : i32
    "tpu.region"() ({
      %run_scoped3A = tpu.sem_alloc : memref<!tpu.dma_semaphore, #tpu.memory_space<semaphore_mem>>
      %dma_start3A = arith.constant 0 : i32
      %dma_start3A_175 = tpu.memref_slice %arg17[%add3A_156, %dma_start3A] : memref<10240x128xf32, #tpu.memory_space<vmem_shared>> -> memref<16x128xf32, #tpu.memory_space<vmem_shared>>
      %dma_start3A_176 = arith.constant 0 : i32
      %dma_start3A_177 = tpu.memref_slice %arg17[%add3A_156, %dma_start3A_176] : memref<10240x128xf32, #tpu.memory_space<vmem_shared>> -> memref<16x128xf32, #tpu.memory_space<vmem_shared>>
      tpu.enqueue_dma source(%arg16 : memref<16x128xf32, #tpu.memory_space<vmem>>) target(%dma_start3A_177 : memref<16x128xf32, #tpu.memory_space<vmem_shared>>) target_semaphore(%run_scoped3A : memref<!tpu.dma_semaphore, #tpu.memory_space<semaphore_mem>>)
      %dma_wait3A = arith.constant 0 : i32
      %dma_wait3A_178 = tpu.memref_slice %arg17[%add3A_156, %dma_wait3A] : memref<10240x128xf32, #tpu.memory_space<vmem_shared>> -> memref<16x128xf32, #tpu.memory_space<vmem_shared>>
      %dma_wait3A_179 = arith.constant 0 : i32
      %dma_wait3A_180 = tpu.memref_slice %arg17[%add3A_156, %dma_wait3A_179] : memref<10240x128xf32, #tpu.memory_space<vmem_shared>> -> memref<16x128xf32, #tpu.memory_space<vmem_shared>>
      tpu.wait_dma2 semaphore(%run_scoped3A : memref<!tpu.dma_semaphore, #tpu.memory_space<semaphore_mem>>) src(%arg16 : memref<16x128xf32, #tpu.memory_space<vmem>>) dst(%dma_wait3A_180 : memref<16x128xf32, #tpu.memory_space<vmem_shared>>)
      tpu.yield
    }) : () -> ()
    %mul3A_157 = arith.constant 640 : i32
    %mul3A_158 = arith.muli %arg1, %mul3A_157 : i32
    %add3A_159 = arith.constant 608 : i32
    %add3A_160 = arith.addi %mul3A_158, %add3A_159 : i32
    "tpu.region"() ({
      %run_scoped3A = tpu.sem_alloc : memref<!tpu.dma_semaphore, #tpu.memory_space<semaphore_mem>>
      %dma_start3A = arith.constant 0 : i32
      %dma_start3A_175 = tpu.memref_slice %arg17[%add3A_160, %dma_start3A] : memref<10240x128xf32, #tpu.memory_space<vmem_shared>> -> memref<16x128xf32, #tpu.memory_space<vmem_shared>>
      %dma_start3A_176 = arith.constant 0 : i32
      %dma_start3A_177 = tpu.memref_slice %arg17[%add3A_160, %dma_start3A_176] : memref<10240x128xf32, #tpu.memory_space<vmem_shared>> -> memref<16x128xf32, #tpu.memory_space<vmem_shared>>
      tpu.enqueue_dma source(%arg16 : memref<16x128xf32, #tpu.memory_space<vmem>>) target(%dma_start3A_177 : memref<16x128xf32, #tpu.memory_space<vmem_shared>>) target_semaphore(%run_scoped3A : memref<!tpu.dma_semaphore, #tpu.memory_space<semaphore_mem>>)
      %dma_wait3A = arith.constant 0 : i32
      %dma_wait3A_178 = tpu.memref_slice %arg17[%add3A_160, %dma_wait3A] : memref<10240x128xf32, #tpu.memory_space<vmem_shared>> -> memref<16x128xf32, #tpu.memory_space<vmem_shared>>
      %dma_wait3A_179 = arith.constant 0 : i32
      %dma_wait3A_180 = tpu.memref_slice %arg17[%add3A_160, %dma_wait3A_179] : memref<10240x128xf32, #tpu.memory_space<vmem_shared>> -> memref<16x128xf32, #tpu.memory_space<vmem_shared>>
      tpu.wait_dma2 semaphore(%run_scoped3A : memref<!tpu.dma_semaphore, #tpu.memory_space<semaphore_mem>>) src(%arg16 : memref<16x128xf32, #tpu.memory_space<vmem>>) dst(%dma_wait3A_180 : memref<16x128xf32, #tpu.memory_space<vmem_shared>>)
      tpu.yield
    }) : () -> ()
    %mul3A_161 = arith.constant 640 : i32
    %mul3A_162 = arith.muli %arg1, %mul3A_161 : i32
    %add3A_163 = arith.constant 624 : i32
    %add3A_164 = arith.addi %mul3A_162, %add3A_163 : i32
    "tpu.region"() ({
      %run_scoped3A = tpu.sem_alloc : memref<!tpu.dma_semaphore, #tpu.memory_space<semaphore_mem>>
      %dma_start3A = arith.constant 0 : i32
      %dma_start3A_175 = tpu.memref_slice %arg17[%add3A_164, %dma_start3A] : memref<10240x128xf32, #tpu.memory_space<vmem_shared>> -> memref<16x128xf32, #tpu.memory_space<vmem_shared>>
      %dma_start3A_176 = arith.constant 0 : i32
      %dma_start3A_177 = tpu.memref_slice %arg17[%add3A_164, %dma_start3A_176] : memref<10240x128xf32, #tpu.memory_space<vmem_shared>> -> memref<16x128xf32, #tpu.memory_space<vmem_shared>>
      tpu.enqueue_dma source(%arg16 : memref<16x128xf32, #tpu.memory_space<vmem>>) target(%dma_start3A_177 : memref<16x128xf32, #tpu.memory_space<vmem_shared>>) target_semaphore(%run_scoped3A : memref<!tpu.dma_semaphore, #tpu.memory_space<semaphore_mem>>)
      %dma_wait3A = arith.constant 0 : i32
      %dma_wait3A_178 = tpu.memref_slice %arg17[%add3A_164, %dma_wait3A] : memref<10240x128xf32, #tpu.memory_space<vmem_shared>> -> memref<16x128xf32, #tpu.memory_space<vmem_shared>>
      %dma_wait3A_179 = arith.constant 0 : i32
      %dma_wait3A_180 = tpu.memref_slice %arg17[%add3A_164, %dma_wait3A_179] : memref<10240x128xf32, #tpu.memory_space<vmem_shared>> -> memref<16x128xf32, #tpu.memory_space<vmem_shared>>
      tpu.wait_dma2 semaphore(%run_scoped3A : memref<!tpu.dma_semaphore, #tpu.memory_space<semaphore_mem>>) src(%arg16 : memref<16x128xf32, #tpu.memory_space<vmem>>) dst(%dma_wait3A_180 : memref<16x128xf32, #tpu.memory_space<vmem_shared>>)
      tpu.yield
    }) : () -> ()
    %barrier3A = arith.constant 0 : index
    tpu.barrier barrier_id(%barrier3A)
    %scan3A_165 = arith.constant 0 : i32
    %scan3A_166 = arith.constant 125 : i32
    %scan3A_167 = arith.addi %scan3A_165, %scan3A_166 : i32
    %scan3A_168 = arith.constant 1 : i32
    scf.for %scan3A_175 = %scan3A_165 to %scan3A_167 step %scan3A_168  : i32 {
      %mul3A_176 = arith.constant 1 : i32
      %mul3A_177 = arith.muli %scan3A_175, %mul3A_176 : i32
      %add3A_178 = arith.constant 0 : i32
      %add3A_179 = arith.addi %add3A_178, %mul3A_177 : i32
      %mul3A_180 = arith.constant 10000 : i32
      %mul3A_181 = arith.muli %add3A, %mul3A_180 : i32
      %mul3A_182 = arith.constant 80 : i32
      %mul3A_183 = arith.muli %add3A_179, %mul3A_182 : i32
      %add3A_184 = arith.addi %mul3A_181, %mul3A_183 : i32
      "tpu.region"() ({
        %run_scoped3A_392 = tpu.sem_alloc : memref<!tpu.dma_semaphore, #tpu.memory_space<semaphore_mem>>
        %dma_start3A_393 = tpu.memref_slice %arg6[%add3A_184] : memref<320000xi32, #tpu.memory_space<hbm>> -> memref<80xi32, #tpu.memory_space<hbm>>
        %dma_start3A_394 = tpu.memref_slice %arg6[%add3A_184] : memref<320000xi32, #tpu.memory_space<hbm>> -> memref<80xi32, #tpu.memory_space<hbm>>
        tpu.enqueue_dma source(%dma_start3A_394 : memref<80xi32, #tpu.memory_space<hbm>>) target(%arg12 : memref<80xi32, #tpu.memory_space<vmem>>) target_semaphore(%run_scoped3A_392 : memref<!tpu.dma_semaphore, #tpu.memory_space<semaphore_mem>>)
        %dma_wait3A_395 = tpu.memref_slice %arg6[%add3A_184] : memref<320000xi32, #tpu.memory_space<hbm>> -> memref<80xi32, #tpu.memory_space<hbm>>
        %dma_wait3A_396 = tpu.memref_slice %arg6[%add3A_184] : memref<320000xi32, #tpu.memory_space<hbm>> -> memref<80xi32, #tpu.memory_space<hbm>>
        tpu.wait_dma2 semaphore(%run_scoped3A_392 : memref<!tpu.dma_semaphore, #tpu.memory_space<semaphore_mem>>) src(%dma_wait3A_396 : memref<80xi32, #tpu.memory_space<hbm>>) dst(%arg12 : memref<80xi32, #tpu.memory_space<vmem>>)
        tpu.yield
      }) : () -> ()
      %run_scoped3A = arith.constant 0 : i32
      "tpu.region"() ({
        %run_scoped3A_392 = tpu.sem_alloc : memref<!tpu.dma_semaphore, #tpu.memory_space<semaphore_mem>>
        %dma_start3A_393 = arith.constant 0 : i32
        %dma_start3A_394 = tpu.memref_slice %arg13[%run_scoped3A, %dma_start3A_393] : memref<1x80xi32, #tpu.memory_space<vmem>> -> memref<1x80xi32, #tpu.memory_space<vmem>>
        %dma_start3A_395 = tpu.memref_squeeze %dma_start3A_394 : memref<1x80xi32, #tpu.memory_space<vmem>> -> memref<80xi32, #tpu.memory_space<vmem>>
        %dma_start3A_396 = tpu.memref_slice %arg7[%add3A_184] : memref<320000xi32, #tpu.memory_space<hbm>> -> memref<80xi32, #tpu.memory_space<hbm>>
        %dma_start3A_397 = arith.constant 0 : i32
        %dma_start3A_398 = tpu.memref_slice %arg13[%run_scoped3A, %dma_start3A_397] : memref<1x80xi32, #tpu.memory_space<vmem>> -> memref<1x80xi32, #tpu.memory_space<vmem>>
        %dma_start3A_399 = tpu.memref_squeeze %dma_start3A_398 : memref<1x80xi32, #tpu.memory_space<vmem>> -> memref<80xi32, #tpu.memory_space<vmem>>
        %dma_start3A_400 = tpu.memref_slice %arg7[%add3A_184] : memref<320000xi32, #tpu.memory_space<hbm>> -> memref<80xi32, #tpu.memory_space<hbm>>
        tpu.enqueue_dma source(%dma_start3A_400 : memref<80xi32, #tpu.memory_space<hbm>>) target(%dma_start3A_399 : memref<80xi32, #tpu.memory_space<vmem>>) target_semaphore(%run_scoped3A_392 : memref<!tpu.dma_semaphore, #tpu.memory_space<semaphore_mem>>)
        %dma_wait3A_401 = arith.constant 0 : i32
        %dma_wait3A_402 = tpu.memref_slice %arg13[%run_scoped3A, %dma_wait3A_401] : memref<1x80xi32, #tpu.memory_space<vmem>> -> memref<1x80xi32, #tpu.memory_space<vmem>>
        %dma_wait3A_403 = tpu.memref_squeeze %dma_wait3A_402 : memref<1x80xi32, #tpu.memory_space<vmem>> -> memref<80xi32, #tpu.memory_space<vmem>>
        %dma_wait3A_404 = tpu.memref_slice %arg7[%add3A_184] : memref<320000xi32, #tpu.memory_space<hbm>> -> memref<80xi32, #tpu.memory_space<hbm>>
        %dma_wait3A_405 = arith.constant 0 : i32
        %dma_wait3A_406 = tpu.memref_slice %arg13[%run_scoped3A, %dma_wait3A_405] : memref<1x80xi32, #tpu.memory_space<vmem>> -> memref<1x80xi32, #tpu.memory_space<vmem>>
        %dma_wait3A_407 = tpu.memref_squeeze %dma_wait3A_406 : memref<1x80xi32, #tpu.memory_space<vmem>> -> memref<80xi32, #tpu.memory_space<vmem>>
        %dma_wait3A_408 = tpu.memref_slice %arg7[%add3A_184] : memref<320000xi32, #tpu.memory_space<hbm>> -> memref<80xi32, #tpu.memory_space<hbm>>
        tpu.wait_dma2 semaphore(%run_scoped3A_392 : memref<!tpu.dma_semaphore, #tpu.memory_space<semaphore_mem>>) src(%dma_wait3A_408 : memref<80xi32, #tpu.memory_space<hbm>>) dst(%dma_wait3A_407 : memref<80xi32, #tpu.memory_space<vmem>>)
        tpu.yield
      }) : () -> ()
      %dma_start3A = arith.constant 0 : i32
      %dma_start3A_185 = arith.constant 0 : i32
      %dma_start3A_186 = tpu.memref_slice %arg2[%dma_start3A, %dma_start3A_185] : memref<10240x128xf32, #tpu.memory_space<hbm>> -> memref<10240x128xf32, #tpu.memory_space<hbm>>
      tpu.enqueue_indirect_dma source(%dma_start3A_186 : memref<10240x128xf32, #tpu.memory_space<hbm>>) target(%arg15 : memref<80x128xf32, #tpu.memory_space<vmem>>) offsets(%arg12 : memref<80xi32, #tpu.memory_space<vmem>>) semaphore(%arg18 : memref<!tpu.dma_semaphore, #tpu.memory_space<semaphore_mem>>)
      %get3A = arith.constant 0 : index
      %get3A_187 = tpu.vector_load %arg12[%get3A] {strides = array<i32>} : memref<80xi32, #tpu.memory_space<vmem>>, vector<16xi32>,
      %get3A_188 = arith.constant 0 : i32
      %get3A_189 = arith.index_cast %get3A_188 : i32 to index
      %get3A_190 = arith.constant 0 : index
      %get3A_191 = tpu.vector_load %arg13[%get3A_189, %get3A_190] {strides = array<i32>} : memref<1x80xi32, #tpu.memory_space<vmem>>, vector<16xi32>,
      %gather3A = tpu.vector_load_idx %arg9[%get3A_187] : memref<10240xf32, #tpu.memory_space<vmem>>[vector<16xi32>], vector<16xf32>,
      %gather3A_192 = tpu.vector_load_idx %arg10[%get3A_191] : memref<10240xf32, #tpu.memory_space<vmem>>[vector<16xi32>], vector<16xf32>,
      %add3A_193 = arith.addf %gather3A, %gather3A_192 : vector<16xf32>
      %abs3A = math.absf %add3A_193 : vector<16xf32>
      %mul3A_194 = arith.constant -2.000000e+00 : f32
      %mul3A_195 = vector.broadcast %mul3A_194 : f32 to vector<16xf32>
      %mul3A_196 = arith.mulf %mul3A_195, %abs3A : vector<16xf32>
      %exp3A = math.exp %mul3A_196 : vector<16xf32>
      %sign3A = tpu.bitcast %add3A_193 : vector<16xf32> -> vector<16xi32>
      %sign3A_197 = arith.constant -2147483648 : i32
      %sign3A_198 = vector.broadcast %sign3A_197 : i32 to vector<16xi32>
      %sign3A_199 = arith.andi %sign3A, %sign3A_198 : vector<16xi32>
      %sign3A_200 = arith.constant 1065353216 : i32
      %sign3A_201 = vector.broadcast %sign3A_200 : i32 to vector<16xi32>
      %sign3A_202 = arith.ori %sign3A_201, %sign3A_199 : vector<16xi32>
      %sign3A_203 = tpu.bitcast %sign3A_202 : vector<16xi32> -> vector<16xf32>
      %sign3A_204 = math.absf %add3A_193 : vector<16xf32>
      %sign3A_205 = arith.constant 0.000000e+00 : f32
      %sign3A_206 = vector.broadcast %sign3A_205 : f32 to vector<16xf32>
      %sign3A_207 = arith.cmpf ogt, %sign3A_204, %sign3A_206 : vector<16xf32>
      %sign3A_208 = arith.select %sign3A_207, %sign3A_203, %add3A_193 : vector<16xi1>, vector<16xf32>
      %sub3A = arith.constant 1.000000e+00 : f32
      %sub3A_209 = vector.broadcast %sub3A : f32 to vector<16xf32>
      %sub3A_210 = arith.subf %sub3A_209, %exp3A : vector<16xf32>
      %mul3A_211 = arith.mulf %sign3A_208, %sub3A_210 : vector<16xf32>
      %add3A_212 = arith.constant 1.000000e+00 : f32
      %add3A_213 = vector.broadcast %add3A_212 : f32 to vector<16xf32>
      %add3A_214 = arith.addf %add3A_213, %exp3A : vector<16xf32>
      %div3A = arith.divf %mul3A_211, %add3A_214 : vector<16xf32>
      %gather3A_215 = tpu.vector_load_idx %arg11[%get3A_187] : memref<10240xf32, #tpu.memory_space<vmem>>[vector<16xi32>], vector<16xf32>,
      %mul3A_216 = arith.mulf %div3A, %gather3A_215 : vector<16xf32>
      %gather3A_217 = tpu.vector_load_idx %arg11[%get3A_191] : memref<10240xf32, #tpu.memory_space<vmem>>[vector<16xi32>], vector<16xf32>,
      %mul3A_218 = arith.mulf %mul3A_216, %gather3A_217 : vector<16xf32>
      %swap3A = arith.constant 0 : index
      %swap3A_219 = tpu.vector_load %arg14[%swap3A] {strides = array<i32>} : memref<80xf32, #tpu.memory_space<vmem>>, vector<16xf32>,
      tpu.vector_store %arg14[%swap3A], %mul3A_218 {strides = array<i32>} : memref<80xf32, #tpu.memory_space<vmem>>, vector<16xf32>,
      %get3A_220 = arith.constant 16 : index
      %get3A_221 = tpu.vector_load %arg12[%get3A_220] {strides = array<i32>} : memref<80xi32, #tpu.memory_space<vmem>>, vector<16xi32>,
      %get3A_222 = arith.constant 0 : i32
      %get3A_223 = arith.index_cast %get3A_222 : i32 to index
      %get3A_224 = arith.constant 16 : index
      %get3A_225 = tpu.vector_load %arg13[%get3A_223, %get3A_224] {strides = array<i32>} : memref<1x80xi32, #tpu.memory_space<vmem>>, vector<16xi32>,
      %gather3A_226 = tpu.vector_load_idx %arg9[%get3A_221] : memref<10240xf32, #tpu.memory_space<vmem>>[vector<16xi32>], vector<16xf32>,
      %gather3A_227 = tpu.vector_load_idx %arg10[%get3A_225] : memref<10240xf32, #tpu.memory_space<vmem>>[vector<16xi32>], vector<16xf32>,
      %add3A_228 = arith.addf %gather3A_226, %gather3A_227 : vector<16xf32>
      %abs3A_229 = math.absf %add3A_228 : vector<16xf32>
      %mul3A_230 = arith.constant -2.000000e+00 : f32
      %mul3A_231 = vector.broadcast %mul3A_230 : f32 to vector<16xf32>
      %mul3A_232 = arith.mulf %mul3A_231, %abs3A_229 : vector<16xf32>
      %exp3A_233 = math.exp %mul3A_232 : vector<16xf32>
      %sign3A_234 = tpu.bitcast %add3A_228 : vector<16xf32> -> vector<16xi32>
      %sign3A_235 = arith.constant -2147483648 : i32
      %sign3A_236 = vector.broadcast %sign3A_235 : i32 to vector<16xi32>
      %sign3A_237 = arith.andi %sign3A_234, %sign3A_236 : vector<16xi32>
      %sign3A_238 = arith.constant 1065353216 : i32
      %sign3A_239 = vector.broadcast %sign3A_238 : i32 to vector<16xi32>
      %sign3A_240 = arith.ori %sign3A_239, %sign3A_237 : vector<16xi32>
      %sign3A_241 = tpu.bitcast %sign3A_240 : vector<16xi32> -> vector<16xf32>
      %sign3A_242 = math.absf %add3A_228 : vector<16xf32>
      %sign3A_243 = arith.constant 0.000000e+00 : f32
      %sign3A_244 = vector.broadcast %sign3A_243 : f32 to vector<16xf32>
      %sign3A_245 = arith.cmpf ogt, %sign3A_242, %sign3A_244 : vector<16xf32>
      %sign3A_246 = arith.select %sign3A_245, %sign3A_241, %add3A_228 : vector<16xi1>, vector<16xf32>
      %sub3A_247 = arith.constant 1.000000e+00 : f32
      %sub3A_248 = vector.broadcast %sub3A_247 : f32 to vector<16xf32>
      %sub3A_249 = arith.subf %sub3A_248, %exp3A_233 : vector<16xf32>
      %mul3A_250 = arith.mulf %sign3A_246, %sub3A_249 : vector<16xf32>
      %add3A_251 = arith.constant 1.000000e+00 : f32
      %add3A_252 = vector.broadcast %add3A_251 : f32 to vector<16xf32>
      %add3A_253 = arith.addf %add3A_252, %exp3A_233 : vector<16xf32>
      %div3A_254 = arith.divf %mul3A_250, %add3A_253 : vector<16xf32>
      %gather3A_255 = tpu.vector_load_idx %arg11[%get3A_221] : memref<10240xf32, #tpu.memory_space<vmem>>[vector<16xi32>], vector<16xf32>,
      %mul3A_256 = arith.mulf %div3A_254, %gather3A_255 : vector<16xf32>
      %gather3A_257 = tpu.vector_load_idx %arg11[%get3A_225] : memref<10240xf32, #tpu.memory_space<vmem>>[vector<16xi32>], vector<16xf32>,
      %mul3A_258 = arith.mulf %mul3A_256, %gather3A_257 : vector<16xf32>
      %swap3A_259 = arith.constant 16 : index
      %swap3A_260 = tpu.vector_load %arg14[%swap3A_259] {strides = array<i32>} : memref<80xf32, #tpu.memory_space<vmem>>, vector<16xf32>,
      tpu.vector_store %arg14[%swap3A_259], %mul3A_258 {strides = array<i32>} : memref<80xf32, #tpu.memory_space<vmem>>, vector<16xf32>,
      %get3A_261 = arith.constant 32 : index
      %get3A_262 = tpu.vector_load %arg12[%get3A_261] {strides = array<i32>} : memref<80xi32, #tpu.memory_space<vmem>>, vector<16xi32>,
      %get3A_263 = arith.constant 0 : i32
      %get3A_264 = arith.index_cast %get3A_263 : i32 to index
      %get3A_265 = arith.constant 32 : index
      %get3A_266 = tpu.vector_load %arg13[%get3A_264, %get3A_265] {strides = array<i32>} : memref<1x80xi32, #tpu.memory_space<vmem>>, vector<16xi32>,
      %gather3A_267 = tpu.vector_load_idx %arg9[%get3A_262] : memref<10240xf32, #tpu.memory_space<vmem>>[vector<16xi32>], vector<16xf32>,
      %gather3A_268 = tpu.vector_load_idx %arg10[%get3A_266] : memref<10240xf32, #tpu.memory_space<vmem>>[vector<16xi32>], vector<16xf32>,
      %add3A_269 = arith.addf %gather3A_267, %gather3A_268 : vector<16xf32>
      %abs3A_270 = math.absf %add3A_269 : vector<16xf32>
      %mul3A_271 = arith.constant -2.000000e+00 : f32
      %mul3A_272 = vector.broadcast %mul3A_271 : f32 to vector<16xf32>
      %mul3A_273 = arith.mulf %mul3A_272, %abs3A_270 : vector<16xf32>
      %exp3A_274 = math.exp %mul3A_273 : vector<16xf32>
      %sign3A_275 = tpu.bitcast %add3A_269 : vector<16xf32> -> vector<16xi32>
      %sign3A_276 = arith.constant -2147483648 : i32
      %sign3A_277 = vector.broadcast %sign3A_276 : i32 to vector<16xi32>
      %sign3A_278 = arith.andi %sign3A_275, %sign3A_277 : vector<16xi32>
      %sign3A_279 = arith.constant 1065353216 : i32
      %sign3A_280 = vector.broadcast %sign3A_279 : i32 to vector<16xi32>
      %sign3A_281 = arith.ori %sign3A_280, %sign3A_278 : vector<16xi32>
      %sign3A_282 = tpu.bitcast %sign3A_281 : vector<16xi32> -> vector<16xf32>
      %sign3A_283 = math.absf %add3A_269 : vector<16xf32>
      %sign3A_284 = arith.constant 0.000000e+00 : f32
      %sign3A_285 = vector.broadcast %sign3A_284 : f32 to vector<16xf32>
      %sign3A_286 = arith.cmpf ogt, %sign3A_283, %sign3A_285 : vector<16xf32>
      %sign3A_287 = arith.select %sign3A_286, %sign3A_282, %add3A_269 : vector<16xi1>, vector<16xf32>
      %sub3A_288 = arith.constant 1.000000e+00 : f32
      %sub3A_289 = vector.broadcast %sub3A_288 : f32 to vector<16xf32>
      %sub3A_290 = arith.subf %sub3A_289, %exp3A_274 : vector<16xf32>
      %mul3A_291 = arith.mulf %sign3A_287, %sub3A_290 : vector<16xf32>
      %add3A_292 = arith.constant 1.000000e+00 : f32
      %add3A_293 = vector.broadcast %add3A_292 : f32 to vector<16xf32>
      %add3A_294 = arith.addf %add3A_293, %exp3A_274 : vector<16xf32>
      %div3A_295 = arith.divf %mul3A_291, %add3A_294 : vector<16xf32>
      %gather3A_296 = tpu.vector_load_idx %arg11[%get3A_262] : memref<10240xf32, #tpu.memory_space<vmem>>[vector<16xi32>], vector<16xf32>,
      %mul3A_297 = arith.mulf %div3A_295, %gather3A_296 : vector<16xf32>
      %gather3A_298 = tpu.vector_load_idx %arg11[%get3A_266] : memref<10240xf32, #tpu.memory_space<vmem>>[vector<16xi32>], vector<16xf32>,
      %mul3A_299 = arith.mulf %mul3A_297, %gather3A_298 : vector<16xf32>
      %swap3A_300 = arith.constant 32 : index
      %swap3A_301 = tpu.vector_load %arg14[%swap3A_300] {strides = array<i32>} : memref<80xf32, #tpu.memory_space<vmem>>, vector<16xf32>,
      tpu.vector_store %arg14[%swap3A_300], %mul3A_299 {strides = array<i32>} : memref<80xf32, #tpu.memory_space<vmem>>, vector<16xf32>,
      %get3A_302 = arith.constant 48 : index
      %get3A_303 = tpu.vector_load %arg12[%get3A_302] {strides = array<i32>} : memref<80xi32, #tpu.memory_space<vmem>>, vector<16xi32>,
      %get3A_304 = arith.constant 0 : i32
      %get3A_305 = arith.index_cast %get3A_304 : i32 to index
      %get3A_306 = arith.constant 48 : index
      %get3A_307 = tpu.vector_load %arg13[%get3A_305, %get3A_306] {strides = array<i32>} : memref<1x80xi32, #tpu.memory_space<vmem>>, vector<16xi32>,
      %gather3A_308 = tpu.vector_load_idx %arg9[%get3A_303] : memref<10240xf32, #tpu.memory_space<vmem>>[vector<16xi32>], vector<16xf32>,
      %gather3A_309 = tpu.vector_load_idx %arg10[%get3A_307] : memref<10240xf32, #tpu.memory_space<vmem>>[vector<16xi32>], vector<16xf32>,
      %add3A_310 = arith.addf %gather3A_308, %gather3A_309 : vector<16xf32>
      %abs3A_311 = math.absf %add3A_310 : vector<16xf32>
      %mul3A_312 = arith.constant -2.000000e+00 : f32
      %mul3A_313 = vector.broadcast %mul3A_312 : f32 to vector<16xf32>
      %mul3A_314 = arith.mulf %mul3A_313, %abs3A_311 : vector<16xf32>
      %exp3A_315 = math.exp %mul3A_314 : vector<16xf32>
      %sign3A_316 = tpu.bitcast %add3A_310 : vector<16xf32> -> vector<16xi32>
      %sign3A_317 = arith.constant -2147483648 : i32
      %sign3A_318 = vector.broadcast %sign3A_317 : i32 to vector<16xi32>
      %sign3A_319 = arith.andi %sign3A_316, %sign3A_318 : vector<16xi32>
      %sign3A_320 = arith.constant 1065353216 : i32
      %sign3A_321 = vector.broadcast %sign3A_320 : i32 to vector<16xi32>
      %sign3A_322 = arith.ori %sign3A_321, %sign3A_319 : vector<16xi32>
      %sign3A_323 = tpu.bitcast %sign3A_322 : vector<16xi32> -> vector<16xf32>
      %sign3A_324 = math.absf %add3A_310 : vector<16xf32>
      %sign3A_325 = arith.constant 0.000000e+00 : f32
      %sign3A_326 = vector.broadcast %sign3A_325 : f32 to vector<16xf32>
      %sign3A_327 = arith.cmpf ogt, %sign3A_324, %sign3A_326 : vector<16xf32>
      %sign3A_328 = arith.select %sign3A_327, %sign3A_323, %add3A_310 : vector<16xi1>, vector<16xf32>
      %sub3A_329 = arith.constant 1.000000e+00 : f32
      %sub3A_330 = vector.broadcast %sub3A_329 : f32 to vector<16xf32>
      %sub3A_331 = arith.subf %sub3A_330, %exp3A_315 : vector<16xf32>
      %mul3A_332 = arith.mulf %sign3A_328, %sub3A_331 : vector<16xf32>
      %add3A_333 = arith.constant 1.000000e+00 : f32
      %add3A_334 = vector.broadcast %add3A_333 : f32 to vector<16xf32>
      %add3A_335 = arith.addf %add3A_334, %exp3A_315 : vector<16xf32>
      %div3A_336 = arith.divf %mul3A_332, %add3A_335 : vector<16xf32>
      %gather3A_337 = tpu.vector_load_idx %arg11[%get3A_303] : memref<10240xf32, #tpu.memory_space<vmem>>[vector<16xi32>], vector<16xf32>,
      %mul3A_338 = arith.mulf %div3A_336, %gather3A_337 : vector<16xf32>
      %gather3A_339 = tpu.vector_load_idx %arg11[%get3A_307] : memref<10240xf32, #tpu.memory_space<vmem>>[vector<16xi32>], vector<16xf32>,
      %mul3A_340 = arith.mulf %mul3A_338, %gather3A_339 : vector<16xf32>
      %swap3A_341 = arith.constant 48 : index
      %swap3A_342 = tpu.vector_load %arg14[%swap3A_341] {strides = array<i32>} : memref<80xf32, #tpu.memory_space<vmem>>, vector<16xf32>,
      tpu.vector_store %arg14[%swap3A_341], %mul3A_340 {strides = array<i32>} : memref<80xf32, #tpu.memory_space<vmem>>, vector<16xf32>,
      %get3A_343 = arith.constant 64 : index
      %get3A_344 = tpu.vector_load %arg12[%get3A_343] {strides = array<i32>} : memref<80xi32, #tpu.memory_space<vmem>>, vector<16xi32>,
      %get3A_345 = arith.constant 0 : i32
      %get3A_346 = arith.index_cast %get3A_345 : i32 to index
      %get3A_347 = arith.constant 64 : index
      %get3A_348 = tpu.vector_load %arg13[%get3A_346, %get3A_347] {strides = array<i32>} : memref<1x80xi32, #tpu.memory_space<vmem>>, vector<16xi32>,
      %gather3A_349 = tpu.vector_load_idx %arg9[%get3A_344] : memref<10240xf32, #tpu.memory_space<vmem>>[vector<16xi32>], vector<16xf32>,
      %gather3A_350 = tpu.vector_load_idx %arg10[%get3A_348] : memref<10240xf32, #tpu.memory_space<vmem>>[vector<16xi32>], vector<16xf32>,
      %add3A_351 = arith.addf %gather3A_349, %gather3A_350 : vector<16xf32>
      %abs3A_352 = math.absf %add3A_351 : vector<16xf32>
      %mul3A_353 = arith.constant -2.000000e+00 : f32
      %mul3A_354 = vector.broadcast %mul3A_353 : f32 to vector<16xf32>
      %mul3A_355 = arith.mulf %mul3A_354, %abs3A_352 : vector<16xf32>
      %exp3A_356 = math.exp %mul3A_355 : vector<16xf32>
      %sign3A_357 = tpu.bitcast %add3A_351 : vector<16xf32> -> vector<16xi32>
      %sign3A_358 = arith.constant -2147483648 : i32
      %sign3A_359 = vector.broadcast %sign3A_358 : i32 to vector<16xi32>
      %sign3A_360 = arith.andi %sign3A_357, %sign3A_359 : vector<16xi32>
      %sign3A_361 = arith.constant 1065353216 : i32
      %sign3A_362 = vector.broadcast %sign3A_361 : i32 to vector<16xi32>
      %sign3A_363 = arith.ori %sign3A_362, %sign3A_360 : vector<16xi32>
      %sign3A_364 = tpu.bitcast %sign3A_363 : vector<16xi32> -> vector<16xf32>
      %sign3A_365 = math.absf %add3A_351 : vector<16xf32>
      %sign3A_366 = arith.constant 0.000000e+00 : f32
      %sign3A_367 = vector.broadcast %sign3A_366 : f32 to vector<16xf32>
      %sign3A_368 = arith.cmpf ogt, %sign3A_365, %sign3A_367 : vector<16xf32>
      %sign3A_369 = arith.select %sign3A_368, %sign3A_364, %add3A_351 : vector<16xi1>, vector<16xf32>
      %sub3A_370 = arith.constant 1.000000e+00 : f32
      %sub3A_371 = vector.broadcast %sub3A_370 : f32 to vector<16xf32>
      %sub3A_372 = arith.subf %sub3A_371, %exp3A_356 : vector<16xf32>
      %mul3A_373 = arith.mulf %sign3A_369, %sub3A_372 : vector<16xf32>
      %add3A_374 = arith.constant 1.000000e+00 : f32
      %add3A_375 = vector.broadcast %add3A_374 : f32 to vector<16xf32>
      %add3A_376 = arith.addf %add3A_375, %exp3A_356 : vector<16xf32>
      %div3A_377 = arith.divf %mul3A_373, %add3A_376 : vector<16xf32>
      %gather3A_378 = tpu.vector_load_idx %arg11[%get3A_344] : memref<10240xf32, #tpu.memory_space<vmem>>[vector<16xi32>], vector<16xf32>,
      %mul3A_379 = arith.mulf %div3A_377, %gather3A_378 : vector<16xf32>
      %gather3A_380 = tpu.vector_load_idx %arg11[%get3A_348] : memref<10240xf32, #tpu.memory_space<vmem>>[vector<16xi32>], vector<16xf32>,
      %mul3A_381 = arith.mulf %mul3A_379, %gather3A_380 : vector<16xf32>
      %swap3A_382 = arith.constant 64 : index
      %swap3A_383 = tpu.vector_load %arg14[%swap3A_382] {strides = array<i32>} : memref<80xf32, #tpu.memory_space<vmem>>, vector<16xf32>,
      tpu.vector_store %arg14[%swap3A_382], %mul3A_381 {strides = array<i32>} : memref<80xf32, #tpu.memory_space<vmem>>, vector<16xf32>,
      %dma_wait3A = arith.constant 0 : i32
      %dma_wait3A_384 = arith.constant 0 : i32
      %dma_wait3A_385 = tpu.memref_slice %arg2[%dma_wait3A, %dma_wait3A_384] : memref<10240x128xf32, #tpu.memory_space<hbm>> -> memref<10240x128xf32, #tpu.memory_space<hbm>>
      tpu.wait_indirect_dma semaphore(%arg18 : memref<!tpu.dma_semaphore, #tpu.memory_space<semaphore_mem>>) src(%dma_wait3A_385 : memref<10240x128xf32, #tpu.memory_space<hbm>>) dst(%arg15 : memref<80x128xf32, #tpu.memory_space<vmem>>)
      %scan3A_386 = arith.constant 0 : i32
      %scan3A_387 = arith.constant 80 : i32
      %scan3A_388 = arith.addi %scan3A_386, %scan3A_387 : i32
      %scan3A_389 = arith.constant 1 : i32
      scf.for %scan3A_392 = %scan3A_386 to %scan3A_388 step %scan3A_389  : i32 {
        %mul3A_393 = arith.constant 1 : i32
        %mul3A_394 = arith.muli %scan3A_392, %mul3A_393 : i32
        %add3A_395 = arith.constant 0 : i32
        %add3A_396 = arith.addi %add3A_395, %mul3A_394 : i32
        %broadcast_in_dim3A = vector.broadcast %add3A_396 : i32 to vector<16xi32>
        %gather3A_397 = tpu.vector_load_idx %arg14[%broadcast_in_dim3A] : memref<80xf32, #tpu.memory_space<vmem>>[vector<16xi32>], vector<16xf32>,
        %get3A_398 = arith.index_cast %add3A_396 : i32 to index
        %get3A_399 = arith.constant 0 : index
        %get3A_400 = tpu.vector_load %arg15[%get3A_398, %get3A_399] {strides = array<i32>} : memref<80x128xf32, #tpu.memory_space<vmem>>, vector<16xf32>,
        %mul3A_401 = arith.mulf %get3A_400, %gather3A_397 : vector<16xf32>
        %swap3A_402 = arith.index_cast %add3A_396 : i32 to index
        %swap3A_403 = arith.constant 0 : index
        %swap3A_404 = tpu.vector_load %arg15[%swap3A_402, %swap3A_403] {strides = array<i32>} : memref<80x128xf32, #tpu.memory_space<vmem>>, vector<16xf32>,
        tpu.vector_store %arg15[%swap3A_402, %swap3A_403], %mul3A_401 {strides = array<i32>} : memref<80x128xf32, #tpu.memory_space<vmem>>, vector<16xf32>,
        %get3A_405 = arith.index_cast %add3A_396 : i32 to index
        %get3A_406 = arith.constant 16 : index
        %get3A_407 = tpu.vector_load %arg15[%get3A_405, %get3A_406] {strides = array<i32>} : memref<80x128xf32, #tpu.memory_space<vmem>>, vector<16xf32>,
        %mul3A_408 = arith.mulf %get3A_407, %gather3A_397 : vector<16xf32>
        %swap3A_409 = arith.index_cast %add3A_396 : i32 to index
        %swap3A_410 = arith.constant 16 : index
        %swap3A_411 = tpu.vector_load %arg15[%swap3A_409, %swap3A_410] {strides = array<i32>} : memref<80x128xf32, #tpu.memory_space<vmem>>, vector<16xf32>,
        tpu.vector_store %arg15[%swap3A_409, %swap3A_410], %mul3A_408 {strides = array<i32>} : memref<80x128xf32, #tpu.memory_space<vmem>>, vector<16xf32>,
        %get3A_412 = arith.index_cast %add3A_396 : i32 to index
        %get3A_413 = arith.constant 32 : index
        %get3A_414 = tpu.vector_load %arg15[%get3A_412, %get3A_413] {strides = array<i32>} : memref<80x128xf32, #tpu.memory_space<vmem>>, vector<16xf32>,
        %mul3A_415 = arith.mulf %get3A_414, %gather3A_397 : vector<16xf32>
        %swap3A_416 = arith.index_cast %add3A_396 : i32 to index
        %swap3A_417 = arith.constant 32 : index
        %swap3A_418 = tpu.vector_load %arg15[%swap3A_416, %swap3A_417] {strides = array<i32>} : memref<80x128xf32, #tpu.memory_space<vmem>>, vector<16xf32>,
        tpu.vector_store %arg15[%swap3A_416, %swap3A_417], %mul3A_415 {strides = array<i32>} : memref<80x128xf32, #tpu.memory_space<vmem>>, vector<16xf32>,
        %get3A_419 = arith.index_cast %add3A_396 : i32 to index
        %get3A_420 = arith.constant 48 : index
        %get3A_421 = tpu.vector_load %arg15[%get3A_419, %get3A_420] {strides = array<i32>} : memref<80x128xf32, #tpu.memory_space<vmem>>, vector<16xf32>,
        %mul3A_422 = arith.mulf %get3A_421, %gather3A_397 : vector<16xf32>
        %swap3A_423 = arith.index_cast %add3A_396 : i32 to index
        %swap3A_424 = arith.constant 48 : index
        %swap3A_425 = tpu.vector_load %arg15[%swap3A_423, %swap3A_424] {strides = array<i32>} : memref<80x128xf32, #tpu.memory_space<vmem>>, vector<16xf32>,
        tpu.vector_store %arg15[%swap3A_423, %swap3A_424], %mul3A_422 {strides = array<i32>} : memref<80x128xf32, #tpu.memory_space<vmem>>, vector<16xf32>,
        %get3A_426 = arith.index_cast %add3A_396 : i32 to index
        %get3A_427 = arith.constant 64 : index
        %get3A_428 = tpu.vector_load %arg15[%get3A_426, %get3A_427] {strides = array<i32>} : memref<80x128xf32, #tpu.memory_space<vmem>>, vector<16xf32>,
        %mul3A_429 = arith.mulf %get3A_428, %gather3A_397 : vector<16xf32>
        %swap3A_430 = arith.index_cast %add3A_396 : i32 to index
        %swap3A_431 = arith.constant 64 : index
        %swap3A_432 = tpu.vector_load %arg15[%swap3A_430, %swap3A_431] {strides = array<i32>} : memref<80x128xf32, #tpu.memory_space<vmem>>, vector<16xf32>,
        tpu.vector_store %arg15[%swap3A_430, %swap3A_431], %mul3A_429 {strides = array<i32>} : memref<80x128xf32, #tpu.memory_space<vmem>>, vector<16xf32>,
        %get3A_433 = arith.index_cast %add3A_396 : i32 to index
        %get3A_434 = arith.constant 80 : index
        %get3A_435 = tpu.vector_load %arg15[%get3A_433, %get3A_434] {strides = array<i32>} : memref<80x128xf32, #tpu.memory_space<vmem>>, vector<16xf32>,
        %mul3A_436 = arith.mulf %get3A_435, %gather3A_397 : vector<16xf32>
        %swap3A_437 = arith.index_cast %add3A_396 : i32 to index
        %swap3A_438 = arith.constant 80 : index
        %swap3A_439 = tpu.vector_load %arg15[%swap3A_437, %swap3A_438] {strides = array<i32>} : memref<80x128xf32, #tpu.memory_space<vmem>>, vector<16xf32>,
        tpu.vector_store %arg15[%swap3A_437, %swap3A_438], %mul3A_436 {strides = array<i32>} : memref<80x128xf32, #tpu.memory_space<vmem>>, vector<16xf32>,
        %get3A_440 = arith.index_cast %add3A_396 : i32 to index
        %get3A_441 = arith.constant 96 : index
        %get3A_442 = tpu.vector_load %arg15[%get3A_440, %get3A_441] {strides = array<i32>} : memref<80x128xf32, #tpu.memory_space<vmem>>, vector<16xf32>,
        %mul3A_443 = arith.mulf %get3A_442, %gather3A_397 : vector<16xf32>
        %swap3A_444 = arith.index_cast %add3A_396 : i32 to index
        %swap3A_445 = arith.constant 96 : index
        %swap3A_446 = tpu.vector_load %arg15[%swap3A_444, %swap3A_445] {strides = array<i32>} : memref<80x128xf32, #tpu.memory_space<vmem>>, vector<16xf32>,
        tpu.vector_store %arg15[%swap3A_444, %swap3A_445], %mul3A_443 {strides = array<i32>} : memref<80x128xf32, #tpu.memory_space<vmem>>, vector<16xf32>,
        %get3A_447 = arith.index_cast %add3A_396 : i32 to index
        %get3A_448 = arith.constant 112 : index
        %get3A_449 = tpu.vector_load %arg15[%get3A_447, %get3A_448] {strides = array<i32>} : memref<80x128xf32, #tpu.memory_space<vmem>>, vector<16xf32>,
        %mul3A_450 = arith.mulf %get3A_449, %gather3A_397 : vector<16xf32>
        %swap3A_451 = arith.index_cast %add3A_396 : i32 to index
        %swap3A_452 = arith.constant 112 : index
        %swap3A_453 = tpu.vector_load %arg15[%swap3A_451, %swap3A_452] {strides = array<i32>} : memref<80x128xf32, #tpu.memory_space<vmem>>, vector<16xf32>,
        tpu.vector_store %arg15[%swap3A_451, %swap3A_452], %mul3A_450 {strides = array<i32>} : memref<80x128xf32, #tpu.memory_space<vmem>>, vector<16xf32>,
      }
      %scan3A_390 = arith.constant 80 : i32
      %run_scoped3A_391 = arith.constant 0 : i32
      "tpu.region"() ({
        %run_scoped3A_392 = tpu.sem_alloc : memref<!tpu.dma_semaphore, #tpu.memory_space<semaphore_mem>>
        %dma_start3A_393 = arith.constant 0 : i32
        %dma_start3A_394 = tpu.memref_slice %arg13[%run_scoped3A_391, %dma_start3A_393] : memref<1x80xi32, #tpu.memory_space<vmem>> -> memref<1x80xi32, #tpu.memory_space<vmem>>
        %dma_start3A_395 = tpu.memref_squeeze %dma_start3A_394 : memref<1x80xi32, #tpu.memory_space<vmem>> -> memref<80xi32, #tpu.memory_space<vmem>>
        %dma_start3A_396 = arith.constant 0 : i32
        %dma_start3A_397 = arith.constant 0 : i32
        %dma_start3A_398 = tpu.memref_slice %arg17[%dma_start3A_396, %dma_start3A_397] : memref<10240x128xf32, #tpu.memory_space<vmem_shared>> -> memref<10240x128xf32, #tpu.memory_space<vmem_shared>>
        tpu.enqueue_indirect_dma source(%arg15 : memref<80x128xf32, #tpu.memory_space<vmem>>) target(%dma_start3A_398 : memref<10240x128xf32, #tpu.memory_space<vmem_shared>>) offsets(%dma_start3A_395 : memref<80xi32, #tpu.memory_space<vmem>>) semaphore(%run_scoped3A_392 : memref<!tpu.dma_semaphore, #tpu.memory_space<semaphore_mem>>) {add = true}
        %dma_wait3A_399 = arith.constant 0 : i32
        %dma_wait3A_400 = tpu.memref_slice %arg13[%run_scoped3A_391, %dma_wait3A_399] : memref<1x80xi32, #tpu.memory_space<vmem>> -> memref<1x80xi32, #tpu.memory_space<vmem>>
        %dma_wait3A_401 = tpu.memref_squeeze %dma_wait3A_400 : memref<1x80xi32, #tpu.memory_space<vmem>> -> memref<80xi32, #tpu.memory_space<vmem>>
        %dma_wait3A_402 = arith.constant 0 : i32
        %dma_wait3A_403 = arith.constant 0 : i32
        %dma_wait3A_404 = tpu.memref_slice %arg17[%dma_wait3A_402, %dma_wait3A_403] : memref<10240x128xf32, #tpu.memory_space<vmem_shared>> -> memref<10240x128xf32, #tpu.memory_space<vmem_shared>>
        tpu.wait_indirect_dma semaphore(%run_scoped3A_392 : memref<!tpu.dma_semaphore, #tpu.memory_space<semaphore_mem>>) src(%arg15 : memref<80x128xf32, #tpu.memory_space<vmem>>) dst(%dma_wait3A_404 : memref<10240x128xf32, #tpu.memory_space<vmem_shared>>)
        tpu.yield
      }) : () -> ()
    }
    %scan3A_169 = arith.constant 125 : i32
    %barrier3A_170 = arith.constant 0 : index
    tpu.barrier barrier_id(%barrier3A_170)
    %mul3A_171 = arith.constant 640 : i32
    %mul3A_172 = arith.muli %arg1, %mul3A_171 : i32
    %mul3A_173 = arith.constant 640 : i32
    %mul3A_174 = arith.muli %arg1, %mul3A_173 : i32
    "tpu.region"() ({
      %run_scoped3A = tpu.sem_alloc : memref<!tpu.dma_semaphore, #tpu.memory_space<semaphore_mem>>
      %dma_start3A = arith.constant 0 : i32
      %dma_start3A_175 = tpu.memref_slice %arg8[%arg0, %mul3A_174, %dma_start3A] : memref<2x10240x128xf32, #tpu.memory_space<hbm>> -> memref<1x640x128xf32, #tpu.memory_space<hbm>>
      %dma_start3A_176 = tpu.memref_squeeze %dma_start3A_175 : memref<1x640x128xf32, #tpu.memory_space<hbm>> -> memref<640x128xf32, #tpu.memory_space<hbm>>
      %dma_start3A_177 = arith.constant 0 : i32
      %dma_start3A_178 = tpu.memref_slice %arg17[%mul3A_172, %dma_start3A_177] : memref<10240x128xf32, #tpu.memory_space<vmem_shared>> -> memref<640x128xf32, #tpu.memory_space<vmem_shared>>
      tpu.enqueue_dma source(%dma_start3A_178 : memref<640x128xf32, #tpu.memory_space<vmem_shared>>) target(%dma_start3A_176 : memref<640x128xf32, #tpu.memory_space<hbm>>) target_semaphore(%run_scoped3A : memref<!tpu.dma_semaphore, #tpu.memory_space<semaphore_mem>>)
      %dma_wait3A = arith.constant 0 : i32
      %dma_wait3A_179 = tpu.memref_slice %arg8[%arg0, %mul3A_174, %dma_wait3A] : memref<2x10240x128xf32, #tpu.memory_space<hbm>> -> memref<1x640x128xf32, #tpu.memory_space<hbm>>
      %dma_wait3A_180 = tpu.memref_squeeze %dma_wait3A_179 : memref<1x640x128xf32, #tpu.memory_space<hbm>> -> memref<640x128xf32, #tpu.memory_space<hbm>>
      %dma_wait3A_181 = arith.constant 0 : i32
      %dma_wait3A_182 = tpu.memref_slice %arg17[%mul3A_172, %dma_wait3A_181] : memref<10240x128xf32, #tpu.memory_space<vmem_shared>> -> memref<640x128xf32, #tpu.memory_space<vmem_shared>>
      tpu.wait_dma2 semaphore(%run_scoped3A : memref<!tpu.dma_semaphore, #tpu.memory_space<semaphore_mem>>) src(%dma_wait3A_182 : memref<640x128xf32, #tpu.memory_space<vmem_shared>>) dst(%dma_wait3A_180 : memref<640x128xf32, #tpu.memory_space<hbm>>)
      tpu.yield
    }) : () -> ()
    return
  }
}

module attributes {stable_mosaic.version = 14 : i64} {
  func.func @_dense1_body(%arg0: i32, %arg1: memref<2048x128xf32, #tpu.memory_space<vmem>>, %arg2: memref<128x128xf32, #tpu.memory_space<vmem>>, %arg3: memref<128xf32, #tpu.memory_space<vmem>>, %arg4: memref<128xf32, #tpu.memory_space<vmem>>, %arg5: memref<128xf32, #tpu.memory_space<vmem>>, %arg6: memref<2x2048x1xf32, #tpu.memory_space<vmem>>, %arg7: memref<2048x128xf32, #tpu.memory_space<vmem>>, %arg8: memref<2048x1xf32, #tpu.memory_space<vmem>>, %arg9: memref<2048x1xf32, #tpu.memory_space<vmem>>, %arg10: memref<2048x1xf32, #tpu.memory_space<vmem>>) attributes {dimension_semantics = [#tpu.dimension_semantics<arbitrary>], iteration_bounds = array<i64: 5>, scalar_prefetch = 0 : i64, scratch_operands = 0 : i64, tpu.core_type = #tpu.core_type<tc>, window_params = [{transform_indices = @transform_0, window_bounds = array<i64: 2048, 128>}, {pipeline_mode = #tpu.pipeline_mode<synchronous>, transform_indices = @transform_1, window_bounds = array<i64: 128, 128>}, {pipeline_mode = #tpu.pipeline_mode<synchronous>, transform_indices = @transform_2, window_bounds = array<i64: 128>}, {pipeline_mode = #tpu.pipeline_mode<synchronous>, transform_indices = @transform_3, window_bounds = array<i64: 128>}, {pipeline_mode = #tpu.pipeline_mode<synchronous>, transform_indices = @transform_4, window_bounds = array<i64: 128>}, {transform_indices = @transform_5, window_bounds = array<i64: 2, 2048, 1>}, {transform_indices = @transform_6, window_bounds = array<i64: 2048, 128>}, {transform_indices = @transform_7, window_bounds = array<i64: 2048, 1>}, {transform_indices = @transform_8, window_bounds = array<i64: 2048, 1>}, {transform_indices = @transform_9, window_bounds = array<i64: 2048, 1>}]} {
    %get3A = arith.constant 0 : index
    %get3A_0 = arith.constant 0 : index
    %get3A_1 = vector.load %arg1[%get3A, %get3A_0] : memref<2048x128xf32, #tpu.memory_space<vmem>>, vector<2048x128xf32>
    %get3A_2 = arith.constant 0 : index
    %get3A_3 = arith.constant 0 : index
    %get3A_4 = vector.load %arg2[%get3A_2, %get3A_3] : memref<128x128xf32, #tpu.memory_space<vmem>>, vector<128x128xf32>
    %dot_general3A = arith.constant dense<0.000000e+00> : vector<2048x128xf32>
    %dot_general3A_5 = tpu.matmul %get3A_1, %get3A_4, %dot_general3A {dimension_numbers = #tpu.dot_dimension_numbers<[1], [1], [0], [0], [0, 0, 1, 0], [], []>, transpose_lhs_hint = false} : vector<2048x128xf32>, vector<128x128xf32>, vector<2048x128xf32> -> vector<2048x128xf32>
    %get3A_6 = arith.constant 0 : index
    %get3A_7 = vector.load %arg3[%get3A_6] : memref<128xf32, #tpu.memory_space<vmem>>, vector<128xf32>
    %broadcast_in_dim3A = vector.shape_cast %get3A_7 : vector<128xf32> to vector<1x128xf32>
    %add3A = vector.broadcast %broadcast_in_dim3A : vector<1x128xf32> to vector<2048x128xf32>
    %add3A_8 = arith.addf %dot_general3A_5, %add3A : vector<2048x128xf32>
    %max3A = arith.constant 0.000000e+00 : f32
    %max3A_9 = vector.broadcast %max3A : f32 to vector<2048x128xf32>
    %max3A_10 = arith.maximumf %add3A_8, %max3A_9 : vector<2048x128xf32>
    %swap3A = arith.constant 0 : index
    %swap3A_11 = arith.constant 0 : index
    %swap3A_12 = vector.load %arg7[%swap3A, %swap3A_11] : memref<2048x128xf32, #tpu.memory_space<vmem>>, vector<2048x128xf32>
    tpu.vector_store %arg7[%swap3A, %swap3A_11], %max3A_10 {strides = array<i32>} : memref<2048x128xf32, #tpu.memory_space<vmem>>, vector<2048x128xf32>,
    %get3A_13 = arith.constant 0 : index
    %get3A_14 = vector.load %arg4[%get3A_13] : memref<128xf32, #tpu.memory_space<vmem>>, vector<128xf32>
    %broadcast_in_dim3A_15 = vector.shape_cast %get3A_14 : vector<128xf32> to vector<1x128xf32>
    %mul3A = vector.broadcast %broadcast_in_dim3A_15 : vector<1x128xf32> to vector<2048x128xf32>
    %mul3A_16 = arith.mulf %max3A_10, %mul3A : vector<2048x128xf32>
    %reduce_sum3A = arith.constant dense<0.000000e+00> : vector<2048xf32>
    %reduce_sum3A_17 = vector.multi_reduction <add>, %mul3A_16, %reduce_sum3A [1] : vector<2048x128xf32> to vector<2048xf32>
    %broadcast_in_dim3A_18 = vector.shape_cast %reduce_sum3A_17 : vector<2048xf32> to vector<2048x1xf32>
    %swap3A_19 = arith.constant 0 : index
    %swap3A_20 = arith.constant 0 : index
    %swap3A_21 = vector.load %arg8[%swap3A_19, %swap3A_20] : memref<2048x1xf32, #tpu.memory_space<vmem>>, vector<2048x1xf32>
    tpu.vector_store %arg8[%swap3A_19, %swap3A_20], %broadcast_in_dim3A_18 {strides = array<i32>} : memref<2048x1xf32, #tpu.memory_space<vmem>>, vector<2048x1xf32>,
    %get3A_22 = arith.constant 0 : index
    %get3A_23 = vector.load %arg5[%get3A_22] : memref<128xf32, #tpu.memory_space<vmem>>, vector<128xf32>
    %broadcast_in_dim3A_24 = vector.shape_cast %get3A_23 : vector<128xf32> to vector<1x128xf32>
    %mul3A_25 = vector.broadcast %broadcast_in_dim3A_24 : vector<1x128xf32> to vector<2048x128xf32>
    %mul3A_26 = arith.mulf %max3A_10, %mul3A_25 : vector<2048x128xf32>
    %reduce_sum3A_27 = arith.constant dense<0.000000e+00> : vector<2048xf32>
    %reduce_sum3A_28 = vector.multi_reduction <add>, %mul3A_26, %reduce_sum3A_27 [1] : vector<2048x128xf32> to vector<2048xf32>
    %broadcast_in_dim3A_29 = vector.shape_cast %reduce_sum3A_28 : vector<2048xf32> to vector<2048x1xf32>
    %swap3A_30 = arith.constant 0 : index
    %swap3A_31 = arith.constant 0 : index
    %swap3A_32 = vector.load %arg9[%swap3A_30, %swap3A_31] : memref<2048x1xf32, #tpu.memory_space<vmem>>, vector<2048x1xf32>
    tpu.vector_store %arg9[%swap3A_30, %swap3A_31], %broadcast_in_dim3A_29 {strides = array<i32>} : memref<2048x1xf32, #tpu.memory_space<vmem>>, vector<2048x1xf32>,
    %get3A_33 = arith.constant 0 : index
    %get3A_34 = arith.constant 0 : index
    %get3A_35 = arith.constant 0 : index
    %get3A_36 = vector.load %arg6[%get3A_33, %get3A_34, %get3A_35] : memref<2x2048x1xf32, #tpu.memory_space<vmem>>, vector<1x2048x1xf32>
    %get3A_37 = vector.shape_cast %get3A_36 : vector<1x2048x1xf32> to vector<2048x1xf32>
    %get3A_38 = arith.constant 1 : index
    %get3A_39 = arith.constant 0 : index
    %get3A_40 = arith.constant 0 : index
    %get3A_41 = vector.load %arg6[%get3A_38, %get3A_39, %get3A_40] : memref<2x2048x1xf32, #tpu.memory_space<vmem>>, vector<1x2048x1xf32>
    %get3A_42 = vector.shape_cast %get3A_41 : vector<1x2048x1xf32> to vector<2048x1xf32>
    %add3A_43 = arith.addf %get3A_37, %get3A_42 : vector<2048x1xf32>
    %add3A_44 = arith.constant 1.000000e+00 : f32
    %add3A_45 = vector.broadcast %add3A_44 : f32 to vector<2048x1xf32>
    %add3A_46 = arith.addf %add3A_43, %add3A_45 : vector<2048x1xf32>
    %rsqrt3A = math.rsqrt %add3A_46 : vector<2048x1xf32>
    %swap3A_47 = arith.constant 0 : index
    %swap3A_48 = arith.constant 0 : index
    %swap3A_49 = vector.load %arg10[%swap3A_47, %swap3A_48] : memref<2048x1xf32, #tpu.memory_space<vmem>>, vector<2048x1xf32>
    tpu.vector_store %arg10[%swap3A_47, %swap3A_48], %rsqrt3A {strides = array<i32>} : memref<2048x1xf32, #tpu.memory_space<vmem>>, vector<2048x1xf32>,
    return
  }
  func.func @transform_0(%arg0: i32) -> (i32, i32) {
    %c0_i32 = arith.constant 0 : i32
    %c0_i32_0 = arith.constant 0 : i32
    return %arg0, %c0_i32 : i32, i32
  }
  func.func @transform_1(%arg0: i32) -> (i32, i32) {
    %c0_i32 = arith.constant 0 : i32
    %c0_i32_0 = arith.constant 0 : i32
    %c0_i32_1 = arith.constant 0 : i32
    return %c0_i32, %c0_i32_0 : i32, i32
  }
  func.func @transform_2(%arg0: i32) -> i32 {
    %c0_i32 = arith.constant 0 : i32
    %c0_i32_0 = arith.constant 0 : i32
    return %c0_i32 : i32
  }
  func.func @transform_3(%arg0: i32) -> i32 {
    %c0_i32 = arith.constant 0 : i32
    %c0_i32_0 = arith.constant 0 : i32
    return %c0_i32 : i32
  }
  func.func @transform_4(%arg0: i32) -> i32 {
    %c0_i32 = arith.constant 0 : i32
    %c0_i32_0 = arith.constant 0 : i32
    return %c0_i32 : i32
  }
  func.func @transform_5(%arg0: i32) -> (i32, i32, i32) {
    %c0_i32 = arith.constant 0 : i32
    %c0_i32_0 = arith.constant 0 : i32
    %c0_i32_1 = arith.constant 0 : i32
    return %c0_i32, %arg0, %c0_i32_0 : i32, i32, i32
  }
  func.func @transform_6(%arg0: i32) -> (i32, i32) {
    %c0_i32 = arith.constant 0 : i32
    %c0_i32_0 = arith.constant 0 : i32
    return %arg0, %c0_i32 : i32, i32
  }
  func.func @transform_7(%arg0: i32) -> (i32, i32) {
    %c0_i32 = arith.constant 0 : i32
    %c0_i32_0 = arith.constant 0 : i32
    return %arg0, %c0_i32 : i32, i32
  }
  func.func @transform_8(%arg0: i32) -> (i32, i32) {
    %c0_i32 = arith.constant 0 : i32
    %c0_i32_0 = arith.constant 0 : i32
    return %arg0, %c0_i32 : i32, i32
  }
  func.func @transform_9(%arg0: i32) -> (i32, i32) {
    %c0_i32 = arith.constant 0 : i32
    %c0_i32_0 = arith.constant 0 : i32
    return %arg0, %c0_i32 : i32, i32
  }
}

module attributes {stable_mosaic.version = 14 : i64} {
  func.func @_mid_body(%arg0: i32, %arg1: memref<2x2048x128xf32, #tpu.memory_space<vmem>>, %arg2: memref<2048x128xf32, #tpu.memory_space<vmem>>, %arg3: memref<2048x1xf32, #tpu.memory_space<vmem>>, %arg4: memref<2048x1xf32, #tpu.memory_space<vmem>>, %arg5: memref<2048x1xf32, #tpu.memory_space<vmem>>, %arg6: memref<128xf32, #tpu.memory_space<vmem>>, %arg7: memref<128xf32, #tpu.memory_space<vmem>>, %arg8: memref<2048x128xf32, #tpu.memory_space<vmem>>, %arg9: memref<2048x1xf32, #tpu.memory_space<vmem>>, %arg10: memref<2048x1xf32, #tpu.memory_space<vmem>>) attributes {dimension_semantics = [#tpu.dimension_semantics<arbitrary>], iteration_bounds = array<i64: 5>, scalar_prefetch = 0 : i64, scratch_operands = 0 : i64, tpu.core_type = #tpu.core_type<tc>, window_params = [{transform_indices = @transform_0, window_bounds = array<i64: 2, 2048, 128>}, {transform_indices = @transform_1, window_bounds = array<i64: 2048, 128>}, {transform_indices = @transform_2, window_bounds = array<i64: 2048, 1>}, {transform_indices = @transform_3, window_bounds = array<i64: 2048, 1>}, {transform_indices = @transform_4, window_bounds = array<i64: 2048, 1>}, {pipeline_mode = #tpu.pipeline_mode<synchronous>, transform_indices = @transform_5, window_bounds = array<i64: 128>}, {pipeline_mode = #tpu.pipeline_mode<synchronous>, transform_indices = @transform_6, window_bounds = array<i64: 128>}, {transform_indices = @transform_7, window_bounds = array<i64: 2048, 128>}, {transform_indices = @transform_8, window_bounds = array<i64: 2048, 1>}, {transform_indices = @transform_9, window_bounds = array<i64: 2048, 1>}]} {
    %get3A = arith.constant 0 : index
    %get3A_0 = arith.constant 0 : index
    %get3A_1 = vector.load %arg5[%get3A, %get3A_0] : memref<2048x1xf32, #tpu.memory_space<vmem>>, vector<2048x1xf32>
    %get3A_2 = arith.constant 0 : index
    %get3A_3 = arith.constant 0 : index
    %get3A_4 = vector.load %arg3[%get3A_2, %get3A_3] : memref<2048x1xf32, #tpu.memory_space<vmem>>, vector<2048x1xf32>
    %get3A_5 = arith.constant 0 : index
    %get3A_6 = arith.constant 0 : index
    %get3A_7 = vector.load %arg4[%get3A_5, %get3A_6] : memref<2048x1xf32, #tpu.memory_space<vmem>>, vector<2048x1xf32>
    %add3A = arith.addf %get3A_4, %get3A_7 : vector<2048x1xf32>
    %tanh3A = math.tanh %add3A : vector<2048x1xf32>
    %mul3A = arith.mulf %tanh3A, %get3A_1 : vector<2048x1xf32>
    %mul3A_8 = arith.mulf %mul3A, %get3A_1 : vector<2048x1xf32>
    %get3A_9 = arith.constant 0 : index
    %get3A_10 = arith.constant 0 : index
    %get3A_11 = vector.load %arg2[%get3A_9, %get3A_10] : memref<2048x128xf32, #tpu.memory_space<vmem>>, vector<2048x128xf32>
    %get3A_12 = arith.constant 0 : index
    %get3A_13 = arith.constant 0 : index
    %get3A_14 = arith.constant 0 : index
    %get3A_15 = vector.load %arg1[%get3A_12, %get3A_13, %get3A_14] : memref<2x2048x128xf32, #tpu.memory_space<vmem>>, vector<1x2048x128xf32>
    %get3A_16 = vector.shape_cast %get3A_15 : vector<1x2048x128xf32> to vector<2048x128xf32>
    %get3A_17 = arith.constant 1 : index
    %get3A_18 = arith.constant 0 : index
    %get3A_19 = arith.constant 0 : index
    %get3A_20 = vector.load %arg1[%get3A_17, %get3A_18, %get3A_19] : memref<2x2048x128xf32, #tpu.memory_space<vmem>>, vector<1x2048x128xf32>
    %get3A_21 = vector.shape_cast %get3A_20 : vector<1x2048x128xf32> to vector<2048x128xf32>
    %add3A_22 = arith.addf %get3A_16, %get3A_21 : vector<2048x128xf32>
    %mul3A_23 = vector.broadcast %mul3A_8 : vector<2048x1xf32> to vector<2048x128xf32>
    %mul3A_24 = arith.mulf %get3A_11, %mul3A_23 : vector<2048x128xf32>
    %add3A_25 = arith.addf %add3A_22, %mul3A_24 : vector<2048x128xf32>
    %mul3A_26 = arith.constant 3.000000e-01 : f32
    %mul3A_27 = vector.broadcast %mul3A_26 : f32 to vector<2048x128xf32>
    %mul3A_28 = arith.mulf %mul3A_27, %get3A_11 : vector<2048x128xf32>
    %add3A_29 = arith.addf %add3A_25, %mul3A_28 : vector<2048x128xf32>
    %swap3A = arith.constant 0 : index
    %swap3A_30 = arith.constant 0 : index
    %swap3A_31 = vector.load %arg8[%swap3A, %swap3A_30] : memref<2048x128xf32, #tpu.memory_space<vmem>>, vector<2048x128xf32>
    tpu.vector_store %arg8[%swap3A, %swap3A_30], %add3A_29 {strides = array<i32>} : memref<2048x128xf32, #tpu.memory_space<vmem>>, vector<2048x128xf32>,
    %get3A_32 = arith.constant 0 : index
    %get3A_33 = vector.load %arg6[%get3A_32] : memref<128xf32, #tpu.memory_space<vmem>>, vector<128xf32>
    %broadcast_in_dim3A = vector.shape_cast %get3A_33 : vector<128xf32> to vector<1x128xf32>
    %mul3A_34 = vector.broadcast %broadcast_in_dim3A : vector<1x128xf32> to vector<2048x128xf32>
    %mul3A_35 = arith.mulf %add3A_29, %mul3A_34 : vector<2048x128xf32>
    %reduce_sum3A = arith.constant dense<0.000000e+00> : vector<2048xf32>
    %reduce_sum3A_36 = vector.multi_reduction <add>, %mul3A_35, %reduce_sum3A [1] : vector<2048x128xf32> to vector<2048xf32>
    %broadcast_in_dim3A_37 = vector.shape_cast %reduce_sum3A_36 : vector<2048xf32> to vector<2048x1xf32>
    %swap3A_38 = arith.constant 0 : index
    %swap3A_39 = arith.constant 0 : index
    %swap3A_40 = vector.load %arg9[%swap3A_38, %swap3A_39] : memref<2048x1xf32, #tpu.memory_space<vmem>>, vector<2048x1xf32>
    tpu.vector_store %arg9[%swap3A_38, %swap3A_39], %broadcast_in_dim3A_37 {strides = array<i32>} : memref<2048x1xf32, #tpu.memory_space<vmem>>, vector<2048x1xf32>,
    %get3A_41 = arith.constant 0 : index
    %get3A_42 = vector.load %arg7[%get3A_41] : memref<128xf32, #tpu.memory_space<vmem>>, vector<128xf32>
    %broadcast_in_dim3A_43 = vector.shape_cast %get3A_42 : vector<128xf32> to vector<1x128xf32>
    %mul3A_44 = vector.broadcast %broadcast_in_dim3A_43 : vector<1x128xf32> to vector<2048x128xf32>
    %mul3A_45 = arith.mulf %add3A_29, %mul3A_44 : vector<2048x128xf32>
    %reduce_sum3A_46 = arith.constant dense<0.000000e+00> : vector<2048xf32>
    %reduce_sum3A_47 = vector.multi_reduction <add>, %mul3A_45, %reduce_sum3A_46 [1] : vector<2048x128xf32> to vector<2048xf32>
    %broadcast_in_dim3A_48 = vector.shape_cast %reduce_sum3A_47 : vector<2048xf32> to vector<2048x1xf32>
    %swap3A_49 = arith.constant 0 : index
    %swap3A_50 = arith.constant 0 : index
    %swap3A_51 = vector.load %arg10[%swap3A_49, %swap3A_50] : memref<2048x1xf32, #tpu.memory_space<vmem>>, vector<2048x1xf32>
    tpu.vector_store %arg10[%swap3A_49, %swap3A_50], %broadcast_in_dim3A_48 {strides = array<i32>} : memref<2048x1xf32, #tpu.memory_space<vmem>>, vector<2048x1xf32>,
    return
  }
  func.func @transform_0(%arg0: i32) -> (i32, i32, i32) {
    %c0_i32 = arith.constant 0 : i32
    %c0_i32_0 = arith.constant 0 : i32
    %c0_i32_1 = arith.constant 0 : i32
    return %c0_i32, %arg0, %c0_i32_0 : i32, i32, i32
  }
  func.func @transform_1(%arg0: i32) -> (i32, i32) {
    %c0_i32 = arith.constant 0 : i32
    %c0_i32_0 = arith.constant 0 : i32
    return %arg0, %c0_i32 : i32, i32
  }
  func.func @transform_2(%arg0: i32) -> (i32, i32) {
    %c0_i32 = arith.constant 0 : i32
    %c0_i32_0 = arith.constant 0 : i32
    return %arg0, %c0_i32 : i32, i32
  }
  func.func @transform_3(%arg0: i32) -> (i32, i32) {
    %c0_i32 = arith.constant 0 : i32
    %c0_i32_0 = arith.constant 0 : i32
    return %arg0, %c0_i32 : i32, i32
  }
  func.func @transform_4(%arg0: i32) -> (i32, i32) {
    %c0_i32 = arith.constant 0 : i32
    %c0_i32_0 = arith.constant 0 : i32
    return %arg0, %c0_i32 : i32, i32
  }
  func.func @transform_5(%arg0: i32) -> i32 {
    %c0_i32 = arith.constant 0 : i32
    %c0_i32_0 = arith.constant 0 : i32
    return %c0_i32 : i32
  }
  func.func @transform_6(%arg0: i32) -> i32 {
    %c0_i32 = arith.constant 0 : i32
    %c0_i32_0 = arith.constant 0 : i32
    return %c0_i32 : i32
  }
  func.func @transform_7(%arg0: i32) -> (i32, i32) {
    %c0_i32 = arith.constant 0 : i32
    %c0_i32_0 = arith.constant 0 : i32
    return %arg0, %c0_i32 : i32, i32
  }
  func.func @transform_8(%arg0: i32) -> (i32, i32) {
    %c0_i32 = arith.constant 0 : i32
    %c0_i32_0 = arith.constant 0 : i32
    return %arg0, %c0_i32 : i32, i32
  }
  func.func @transform_9(%arg0: i32) -> (i32, i32) {
    %c0_i32 = arith.constant 0 : i32
    %c0_i32_0 = arith.constant 0 : i32
    return %arg0, %c0_i32 : i32, i32
  }
}

module attributes {stable_mosaic.version = 14 : i64} {
  func.func @_fin_body(%arg0: i32, %arg1: memref<2x2048x128xf32, #tpu.memory_space<vmem>>, %arg2: memref<2048x128xf32, #tpu.memory_space<vmem>>, %arg3: memref<2048x128xf32, #tpu.memory_space<vmem>>, %arg4: memref<2048x1xf32, #tpu.memory_space<vmem>>, %arg5: memref<2048x1xf32, #tpu.memory_space<vmem>>, %arg6: memref<2048x1xf32, #tpu.memory_space<vmem>>, %arg7: memref<40x128xf32, #tpu.memory_space<vmem>>, %arg8: memref<40xf32, #tpu.memory_space<vmem>>, %arg9: memref<2048x40xf32, #tpu.memory_space<vmem>>) attributes {dimension_semantics = [#tpu.dimension_semantics<arbitrary>], iteration_bounds = array<i64: 5>, scalar_prefetch = 0 : i64, scratch_operands = 0 : i64, tpu.core_type = #tpu.core_type<tc>, window_params = [{transform_indices = @transform_0, window_bounds = array<i64: 2, 2048, 128>}, {transform_indices = @transform_1, window_bounds = array<i64: 2048, 128>}, {transform_indices = @transform_2, window_bounds = array<i64: 2048, 128>}, {transform_indices = @transform_3, window_bounds = array<i64: 2048, 1>}, {transform_indices = @transform_4, window_bounds = array<i64: 2048, 1>}, {transform_indices = @transform_5, window_bounds = array<i64: 2048, 1>}, {pipeline_mode = #tpu.pipeline_mode<synchronous>, transform_indices = @transform_6, window_bounds = array<i64: 40, 128>}, {pipeline_mode = #tpu.pipeline_mode<synchronous>, transform_indices = @transform_7, window_bounds = array<i64: 40>}, {transform_indices = @transform_8, window_bounds = array<i64: 2048, 40>}]} {
    %get3A = arith.constant 0 : index
    %get3A_0 = arith.constant 0 : index
    %get3A_1 = vector.load %arg6[%get3A, %get3A_0] : memref<2048x1xf32, #tpu.memory_space<vmem>>, vector<2048x1xf32>
    %get3A_2 = arith.constant 0 : index
    %get3A_3 = arith.constant 0 : index
    %get3A_4 = vector.load %arg4[%get3A_2, %get3A_3] : memref<2048x1xf32, #tpu.memory_space<vmem>>, vector<2048x1xf32>
    %get3A_5 = arith.constant 0 : index
    %get3A_6 = arith.constant 0 : index
    %get3A_7 = vector.load %arg5[%get3A_5, %get3A_6] : memref<2048x1xf32, #tpu.memory_space<vmem>>, vector<2048x1xf32>
    %add3A = arith.addf %get3A_4, %get3A_7 : vector<2048x1xf32>
    %tanh3A = math.tanh %add3A : vector<2048x1xf32>
    %mul3A = arith.mulf %tanh3A, %get3A_1 : vector<2048x1xf32>
    %mul3A_8 = arith.mulf %mul3A, %get3A_1 : vector<2048x1xf32>
    %get3A_9 = arith.constant 0 : index
    %get3A_10 = arith.constant 0 : index
    %get3A_11 = vector.load %arg3[%get3A_9, %get3A_10] : memref<2048x128xf32, #tpu.memory_space<vmem>>, vector<2048x128xf32>
    %get3A_12 = arith.constant 0 : index
    %get3A_13 = arith.constant 0 : index
    %get3A_14 = arith.constant 0 : index
    %get3A_15 = vector.load %arg1[%get3A_12, %get3A_13, %get3A_14] : memref<2x2048x128xf32, #tpu.memory_space<vmem>>, vector<1x2048x128xf32>
    %get3A_16 = vector.shape_cast %get3A_15 : vector<1x2048x128xf32> to vector<2048x128xf32>
    %get3A_17 = arith.constant 1 : index
    %get3A_18 = arith.constant 0 : index
    %get3A_19 = arith.constant 0 : index
    %get3A_20 = vector.load %arg1[%get3A_17, %get3A_18, %get3A_19] : memref<2x2048x128xf32, #tpu.memory_space<vmem>>, vector<1x2048x128xf32>
    %get3A_21 = vector.shape_cast %get3A_20 : vector<1x2048x128xf32> to vector<2048x128xf32>
    %add3A_22 = arith.addf %get3A_16, %get3A_21 : vector<2048x128xf32>
    %mul3A_23 = vector.broadcast %mul3A_8 : vector<2048x1xf32> to vector<2048x128xf32>
    %mul3A_24 = arith.mulf %get3A_11, %mul3A_23 : vector<2048x128xf32>
    %add3A_25 = arith.addf %add3A_22, %mul3A_24 : vector<2048x128xf32>
    %get3A_26 = arith.constant 0 : index
    %get3A_27 = arith.constant 0 : index
    %get3A_28 = vector.load %arg2[%get3A_26, %get3A_27] : memref<2048x128xf32, #tpu.memory_space<vmem>>, vector<2048x128xf32>
    %mul3A_29 = arith.constant 3.000000e-01 : f32
    %mul3A_30 = vector.broadcast %mul3A_29 : f32 to vector<2048x128xf32>
    %mul3A_31 = arith.mulf %mul3A_30, %get3A_28 : vector<2048x128xf32>
    %add3A_32 = arith.addf %add3A_25, %mul3A_31 : vector<2048x128xf32>
    %get3A_33 = arith.constant 0 : index
    %get3A_34 = arith.constant 0 : index
    %get3A_35 = vector.load %arg7[%get3A_33, %get3A_34] : memref<40x128xf32, #tpu.memory_space<vmem>>, vector<40x128xf32>
    %dot_general3A = arith.constant dense<0.000000e+00> : vector<2048x40xf32>
    %dot_general3A_36 = tpu.matmul %add3A_32, %get3A_35, %dot_general3A {dimension_numbers = #tpu.dot_dimension_numbers<[1], [1], [0], [0], [0, 0, 1, 0], [], []>, transpose_lhs_hint = false} : vector<2048x128xf32>, vector<40x128xf32>, vector<2048x40xf32> -> vector<2048x40xf32>
    %get3A_37 = arith.constant 0 : index
    %get3A_38 = vector.load %arg8[%get3A_37] : memref<40xf32, #tpu.memory_space<vmem>>, vector<40xf32>
    %broadcast_in_dim3A = vector.shape_cast %get3A_38 : vector<40xf32> to vector<1x40xf32>
    %add3A_39 = vector.broadcast %broadcast_in_dim3A : vector<1x40xf32> to vector<2048x40xf32>
    %add3A_40 = arith.addf %dot_general3A_36, %add3A_39 : vector<2048x40xf32>
    %reduce_max3A = arith.constant dense<0xFF800000> : vector<2048xf32>
    %reduce_max3A_41 = vector.multi_reduction <maximumf>, %add3A_40, %reduce_max3A [1] : vector<2048x40xf32> to vector<2048xf32>
    %broadcast_in_dim3A_42 = vector.shape_cast %reduce_max3A_41 : vector<2048xf32> to vector<2048x1xf32>
    %sub3A = vector.broadcast %broadcast_in_dim3A_42 : vector<2048x1xf32> to vector<2048x40xf32>
    %sub3A_43 = arith.subf %add3A_40, %sub3A : vector<2048x40xf32>
    %exp3A = math.exp %sub3A_43 : vector<2048x40xf32>
    %reduce_sum3A = arith.constant dense<0.000000e+00> : vector<2048xf32>
    %reduce_sum3A_44 = vector.multi_reduction <add>, %exp3A, %reduce_sum3A [1] : vector<2048x40xf32> to vector<2048xf32>
    %broadcast_in_dim3A_45 = vector.shape_cast %reduce_sum3A_44 : vector<2048xf32> to vector<2048x1xf32>
    %log3A = math.log %broadcast_in_dim3A_45 : vector<2048x1xf32>
    %sub3A_46 = vector.broadcast %log3A : vector<2048x1xf32> to vector<2048x40xf32>
    %sub3A_47 = arith.subf %sub3A_43, %sub3A_46 : vector<2048x40xf32>
    %swap3A = arith.constant 0 : index
    %swap3A_48 = arith.constant 0 : index
    %swap3A_49 = vector.load %arg9[%swap3A, %swap3A_48] : memref<2048x40xf32, #tpu.memory_space<vmem>>, vector<2048x40xf32>
    tpu.vector_store %arg9[%swap3A, %swap3A_48], %sub3A_47 {strides = array<i32>} : memref<2048x40xf32, #tpu.memory_space<vmem>>, vector<2048x40xf32>,
    return
  }
  func.func @transform_0(%arg0: i32) -> (i32, i32, i32) {
    %c0_i32 = arith.constant 0 : i32
    %c0_i32_0 = arith.constant 0 : i32
    %c0_i32_1 = arith.constant 0 : i32
    return %c0_i32, %arg0, %c0_i32_0 : i32, i32, i32
  }
  func.func @transform_1(%arg0: i32) -> (i32, i32) {
    %c0_i32 = arith.constant 0 : i32
    %c0_i32_0 = arith.constant 0 : i32
    return %arg0, %c0_i32 : i32, i32
  }
  func.func @transform_2(%arg0: i32) -> (i32, i32) {
    %c0_i32 = arith.constant 0 : i32
    %c0_i32_0 = arith.constant 0 : i32
    return %arg0, %c0_i32 : i32, i32
  }
  func.func @transform_3(%arg0: i32) -> (i32, i32) {
    %c0_i32 = arith.constant 0 : i32
    %c0_i32_0 = arith.constant 0 : i32
    return %arg0, %c0_i32 : i32, i32
  }
  func.func @transform_4(%arg0: i32) -> (i32, i32) {
    %c0_i32 = arith.constant 0 : i32
    %c0_i32_0 = arith.constant 0 : i32
    return %arg0, %c0_i32 : i32, i32
  }
  func.func @transform_5(%arg0: i32) -> (i32, i32) {
    %c0_i32 = arith.constant 0 : i32
    %c0_i32_0 = arith.constant 0 : i32
    return %arg0, %c0_i32 : i32, i32
  }
  func.func @transform_6(%arg0: i32) -> (i32, i32) {
    %c0_i32 = arith.constant 0 : i32
    %c0_i32_0 = arith.constant 0 : i32
    %c0_i32_1 = arith.constant 0 : i32
    return %c0_i32, %c0_i32_0 : i32, i32
  }
  func.func @transform_7(%arg0: i32) -> i32 {
    %c0_i32 = arith.constant 0 : i32
    %c0_i32_0 = arith.constant 0 : i32
    return %c0_i32 : i32
  }
  func.func @transform_8(%arg0: i32) -> (i32, i32) {
    %c0_i32 = arith.constant 0 : i32
    %c0_i32_0 = arith.constant 0 : i32
    return %arg0, %c0_i32 : i32, i32
  }
}

</mosaic_0001>

<sc_bundles>
// kernel: kernel.11.cloned.1.call-start
scs
__scs_entry_jumppad:
0x0: {  	(pc) =	sbr.rel $0x88, $3  }
0x1: {  	(tag) =	ssettag $0x0;
	lr =	simm.s32 $0x1  }
0x2: {  	[smem:$0x3F97] =	sst lr;
	_ =	strace $0xD0000000  }
0x3: {  	_ = 	snop  }
0x4: {  	_ = 	snop  }
0x5: {  	_ = 	snop  }
0x6: {  	_ = 	snop  }
0x7: {  	_ = 	snop  }
__scs_overlays_trampoline_lowered:
0x8: {  	[smem:$0x3FA6] =	sst s0  }
0x9: {  	[smem:$0x3FA7] =	sst s1  }
0xa: {  	[smem:$0x3FA8] =	sst s2  }
0xb: {  	[smem:$0x3FA9] =	sst s3  }
0xc: {  	[smem:$0x3FAA] =	sst s4  }
0xd: {  	[smem:$0x3FAB] =	sst s5  }
0xe: {  	[smem:$0x3FAC] =	sst s6  }
0xf: {  	[smem:$0x3FAD] =	sst s7  }
0x10: {  	[smem:$0x3FAE] =	sst s8  }
0x11: {  	[smem:$0x3FAF] =	sst s9;
	s0 =	simm.s32 @!p0 $0x0  }
0x12: {  	s1 =	sld [smem:$0x3F95];
	s0 =	simm.s32 @p0 $0x1  }
0x13: {  	[smem:$0x3FB0] =	sst s0;
	s0 =	simm.s32 @!p1 $0x0  }
0x14: {  	s2 =	sld [smem:$0x3F94];
	s0 =	simm.s32 @p1 $0x1  }
0x15: {  	[smem:$0x3FB1] =	sst s0;
	s0 =	simm.s32 @!p2 $0x0  }
0x16: {  	s3 =	sld [smem:$0x3FDB];
	s0 =	simm.s32 @p2 $0x1  }
0x17: {  	s4 =	simm.s32 $0x1BF5;
	[smem:$0x3FB3] =	sst s0  }
0x18: {  	s0 =	sld [smem:$0x3F96];
	_ =	swait.ge [sflag:s4], $0x0  }
0x19: {  	s7 =	sld [smem:$0x3F97]  }
0x1a: {  	s8 =	sadd.s32 $0xFFFFE003, lr  }
0x1b: {  	s9 =	sadd.s32 $0xFFFFFEF7, lr;
	s5 =	simm.s32 $0xFFFFFFFF;
	p2 =	slt.u32 s8, $0xFFFFF086  }
0x1c: {  	p1 =	slt.u32 s9, $0xF7A;
	s5 =	simm.s32 @!p2 $0x0  }
0x1d: {  	s5 =	simm.s32 @p1 $0x1;
	p0 =	seq.s32 s7, s2  }
0x1e: {  	s7 =	smul.u32 @!p0 $0xF7A, s2;
	p2 =	seq.s32 @!p0 s5, $0x0  }
0x1f: {  	s9 =	smul.u32 $0xF7A, s1;
	s8 =	simm.s32 @!p0 $0x1BF5;
	p2 =	por !p2, p0  }
0x20: {  	[sflag:s8] =	ssyncset.s32 @!p0 $0xFFFFF086;
	s6 =	sadd.s32 @!p0 s3, s7;
	s7 =	simm.s32 @!p0 $0x108  }
0x21: {  	s3 =	sadd.s32 s3, s9;
	s6 =	sadd.s32 @!p0 $0x88, s6;
	s7 =	simm.s32 @p2 $0x1082  }
0x22: {  	[simem:s7], [sflag:s8] =	dma.local @!p0 [hbm:s6], $0xF7A  }
0x23: {  	s9 =	sor.u32 $0xD0000000, s2;
	s6 =	simm.s32 $0x108;
	_ =	swait.ge @!p0 [sflag:s8], $0x0  }
0x24: {  	s3 =	sadd.s32 $0x88, s3;
	s6 =	simm.s32 @!p1 $0x1082;
	[sflag:s4] =	ssyncset.s32 $0xFFFFF086  }
0x25: {  	[simem:s6], [sflag:s4] =	dma.local [hbm:s3], $0xF7A  }
0x26: {  	[smem:$0x3F97] =	sst s1;
	(tag) =	ssettag s2;
	_ =	strace s9  }
0x27: {  	s1 =	sld [smem:$0x3FA7]  }
0x28: {  	s2 =	sld [smem:$0x3FA8]  }
0x29: {  	s4 =	sld [smem:$0x3FAA]  }
0x2a: {  	p0 =	seq.s32 s5, $0x0;
	s5 =	sld [smem:$0x3FAB]  }
0x2b: {  	s6 =	sld [smem:$0x3FAC]  }
0x2c: {  	s7 =	sld [smem:$0x3FAD]  }
0x2d: {  	s3 =	simm.s32 $0x108;
	s8 =	sld [smem:$0x3FAE]  }
0x2e: {  	s3 =	simm.s32 @!p0 $0x1082;
	s9 =	sld [smem:$0x3FAF]  }
0x2f: {  	lr =	sadd.s32 s0, s3;
	s0 =	sld [smem:$0x3FA6]  }
0x30: {  	s3 =	sld [smem:$0x3FA9]  }
0x31: {  	[smem:$0x3FB2] =	sst s10  }
0x32: {  	s10 =	sld [smem:$0x3FB0];
	_ =	sdelay $0x3  }
0x33: {  	p0 =	seq.s32 s10, $0x1;
	s10 =	sld [smem:$0x3FB2];
	_ =	sdelay $0x3  }
0x34: {  	[smem:$0x3FB2] =	sst s10  }
0x35: {  	s10 =	sld [smem:$0x3FB1];
	_ =	sdelay $0x3  }
0x36: {  	p1 =	seq.s32 s10, $0x1;
	s10 =	sld [smem:$0x3FB2];
	_ =	sdelay $0x3  }
0x37: {  	[smem:$0x3FB2] =	sst s10  }
0x38: {  	s10 =	sld [smem:$0x3FB3]  }
0x39: {  	_ = 	snop;
	(pc) =	sbr.ind lr, $3  }
0x3a: {  	_ = 	snop  }
0x3b: {  	_ = 	snop  }
0x3c: {  	p2 =	seq.s32 s10, $0x1;
	s10 =	sld [smem:$0x3FB2]  }
0x3d: {  	_ =	shalt  }
0x3e: {  	_ =	shalt  }
0x3f: {  	_ =	shalt  }
0x40: {  	_ =	shalt  }
0x41: {  	_ =	shalt  }
0x42: {  	_ =	shalt  }
0x43: {  	_ =	shalt  }
0x44: {  	_ =	shalt  }
0x45: {  	_ =	shalt  }
0x46: {  	_ =	shalt  }
0x47: {  	_ =	shalt  }
0x48: {  	_ =	shalt  }
0x49: {  	_ =	shalt  }
0x4a: {  	_ =	shalt  }
0x4b: {  	_ =	shalt  }
0x4c: {  	_ =	shalt  }
0x4d: {  	_ =	shalt  }
0x4e: {  	_ =	shalt  }
0x4f: {  	_ =	shalt  }
0x50: {  	_ =	shalt  }
0x51: {  	_ =	shalt  }
0x52: {  	_ =	shalt  }
0x53: {  	_ =	shalt  }
0x54: {  	_ =	shalt  }
0x55: {  	_ =	shalt  }
0x56: {  	_ =	shalt  }
0x57: {  	_ =	shalt  }
0x58: {  	_ =	shalt  }
0x59: {  	_ =	shalt  }
0x5a: {  	_ =	shalt  }
0x5b: {  	_ =	shalt  }
0x5c: {  	_ =	shalt  }
0x5d: {  	_ =	shalt  }
0x5e: {  	_ =	shalt  }
0x5f: {  	_ =	shalt  }
0x60: {  	_ =	shalt  }
0x61: {  	_ =	shalt  }
0x62: {  	_ =	shalt  }
0x63: {  	_ =	shalt  }
0x64: {  	_ =	shalt  }
0x65: {  	_ =	shalt  }
0x66: {  	_ =	shalt  }
0x67: {  	_ =	shalt  }
0x68: {  	_ =	shalt  }
0x69: {  	_ =	shalt  }
0x6a: {  	_ =	shalt  }
0x6b: {  	_ =	shalt  }
0x6c: {  	_ =	shalt  }
0x6d: {  	_ =	shalt  }
0x6e: {  	_ =	shalt  }
0x6f: {  	_ =	shalt  }
0x70: {  	_ =	shalt  }
0x71: {  	_ =	shalt  }
0x72: {  	_ =	shalt  }
0x73: {  	_ =	shalt  }
0x74: {  	_ =	shalt  }
0x75: {  	_ =	shalt  }
0x76: {  	_ =	shalt  }
0x77: {  	_ =	shalt  }
0x78: {  	_ =	shalt  }
0x79: {  	_ =	shalt  }
0x7a: {  	_ =	shalt  }
0x7b: {  	_ =	shalt  }
0x7c: {  	_ =	shalt  }
0x7d: {  	_ =	shalt  }
0x7e: {  	_ =	shalt  }
0x7f: {  	_ =	shalt  }
0x80: {  	_ =	shalt  }
0x81: {  	_ =	shalt  }
0x82: {  	_ =	shalt  }
0x83: {  	_ =	shalt  }
0x84: {  	_ =	shalt  }
0x85: {  	_ =	shalt  }
0x86: {  	_ =	shalt  }
0x87: {  	_ =	shalt  }
.Lfunc_end0:
.L_simem_size_0:
called_computation.1_lowered:
.L_overlay_start_0:
0x88: {  	s2 =	sld [smem:$0x3FD9]  }
0x89: {  	s3 =	sld [smem:$0x3FFE];
	_ =	sdelay $0x1  }
0x8a: {  	s1 =	srdreg.scid  }
0x8b: {  	s0 =	sand.u32 $0x1, s1  }
0x8c: {  	s17 =	sshll.u32 s0, $0xA;
	s2 =	sadd.s32 s3, s2  }
0x8d: {  	s2 =	sadd.s32 s2, s17  }
0x8e: {  	[smem:$0x3FBE] =	sst s2  }
0x8f: {  	_ = 	snop  }
0x90: {  	s2 =	sld [smem:$0x3FD0];
	(tm) =	ssettm $0x1  }
0x91: {  	s18 =	sld [smem:$0x3FFB];
	_ =	sdelay $0x3  }
0x92: {  	_ =	strace s18  }
0x93: {  	s3 =	sld [smem:$0x3FFC];
	_ =	sdelay $0x3  }
0x94: {  	_ =	strace s3  }
0x95: {  	s3 =	sld [smem:$0x3FFD];
	_ =	sdelay $0x3  }
0x96: {  	_ =	strace s3  }
0x97: {  	_ =	strace $0x8FFFFFFF  }
0x98: {  	s19 =	sld [smem:$0x3FDB];
	_ =	sdelay $0x1  }
0x99: {  	s4 =	simm.s32 $_scs_section_size  }
0x9a: {  	s5 =	simm.s32 $_size__tile_overlayer_lowered;
	s6 =	simm.s32 $_tile_overlayer_lowered  }
0x9b: {  	s22 =	simm.s32 $0x1BFF;
	s21 =	sshll.u32 s6, $0x1;
	s3 =	sadd.s32 s4, s19  }
0x9c: {  	s7 =	simm.s32 $0x0;
	s20 =	sshll.u32 s5, $0x1;
	s5 =	sadd.s32 s21, s3  }
0x9d: {  	[timem:s7], [sflag:s22] =	dma.local [hbm:s5], s20  }
0x9e: {  	_ =	swait.ge [sflag:s22], s20  }
0x9f: {  	s4 =	ssub.s32 $0x0, s20;
	[sflag:s22] =	ssyncset.done $0x0  }
0xa0: {  	[sflag:s22] =	ssyncadd.s32 s4;
	_ =	sdelay $0x1  }
0xa1: {  	s23 =	simm.s32 $0x1B8B  }
0xa2: {  	_ =	swait.ge [sflag:s23], $0x1  }
0xa3: {  	[sflag:s23] =	ssyncset.done $0x0  }
0xa4: {  	s25 =	simm.s32 $0x1B8E;
	s24 =	sld [smem:$0x3FFE];
	[sflag:s23] =	ssyncadd.s32 $0xFFFFFFFF  }
0xa5: {  	s26 =	simm.s32 $execute0_lowered;
	[smem:$0x3FD2] =	sst s25  }
0xa6: {  	s5 =	sshll.u32 s26, $0x1;
	_ =	strace $0x80000049;
	[dreg:$0x1] =	wrdreg $0xFFFFFFFF  }
0xa7: {  	s28 =	simm.s32 $_size_execute0_lowered;
	s3 =	sadd.s32 s3, s5;
	[dreg:$0x0] =	wrdreg $0x0  }
0xa8: {  	s5 =	sshll.u32 s28, $0x1;
	[dreg:$0x2] =	wrdreg s3  }
0xa9: {  	[dreg:$0x3] =	wrdreg s5  }
0xaa: {  	[dreg:$0x4] =	wrdreg $0xC0  }
0xab: {  	_ =	task [dreg:s7], $0x5FFFF  }
0xac: {  	[dreg:$0x1] =	wrdreg $0xFFFFFFFF  }
0xad: {  	[dreg:$0x0] =	wrdreg $0x60  }
0xae: {  	[dreg:$0x2] =	wrdreg s24  }
0xaf: {  	[dreg:$0x3] =	wrdreg s2  }
0xb0: {  	[dreg:$0x4] =	wrdreg $0xA9800  }
0xb1: {  	[dreg:$0x5] =	wrdreg $0x9  }
0xb2: {  	_ =	task.clear_ibuf [dreg:s7], $0x6FFFF;
	_ =	strace $0x90000049  }
0xb3: {  	s29 =	simm.s32 $0x9;
	_ =	strace $0x8000004B  }
0xb4: {  	_ =	swait.ge [sflag:s29], $0x1  }
0xb5: {  	[sflag:s29] =	ssyncadd.s32 $0xFFFFFFFF  }
0xb6: {  	_ =	strace $0x9000004B  }
0xb7: {  	_ =	sfence  }
0xb8: {  	s30 =	sld [smem:$0x0];
	_ =	sdelay $0x2  }
0xb9: {  	s31 =	sshll.u32 s1, $0xD;
	s1 =	sshrl.u32 s1, $0x2  }
0xba: {  	s3 =	sand.u32 $0x4000, s31;
	s1 =	sadd.s32 s1, s30  }
0xbb: {  	s0 =	sor.u32 s3, s0;
	s1 =	sshll.u32 s1, $0x11  }
0xbc: {  	s0 =	sor.u32 s1, s0  }
0xbd: {  	s0 =	sadd.s32 $0x8F2B, s0  }
0xbe: {  	[sflag:s0] =	ssyncadd.remote.s32 $0x1  }
0xbf: {  	_ =	sfence.sel $0xFFFF  }
0xc0: {  	[dreg:$0x0] =	wrdreg $0xFFFFFFFF;
	(pc) =	sbr.abs _section_cstart, $3  }
0xc1: {  	[dreg:$0x1] =	wrdreg $0xFFFFFFFF  }
0xc2: {  	_ =	task.clear_ibuf [dreg:s7], $0x2FFFF;
	_ =	strace $0x9FFFFFFF  }
0xc3: {  	(tm) =	ssettm $0x7FFFFFFF  }
tec
execute0_lowered:
.L_overlay_start_1:
0x0: {  	(tag) =	ssettag $0x1  }
0x1: {  	s0 =	rddreg [dreg:$0x0]  }
0x2: {  	s1 =	rddreg [dreg:$0x1]  }
0x3: {  	s2 =	rddreg [dreg:$0x2]  }
0x4: {  	s3 =	srdreg.scid;
	s10 =	stileid.u32  }
0x5: {  	s4 =	simm.s32 $0x0;
	s3 =	sand.u32 $0x1, s3;
	s7 =	smul.u32 $0x14000, s10  }
0x6: {  	[smem:$0x7FF] =	sst s4;
	s8 =	sadd.s32 $0xABC00, s0;
	s6 =	smul.u32 $0x140000, s3  }
0x7: {  	_ =	strace $0x8000004A;
	[dreg:$0x4] =	wrdreg s8;
	s8 =	smul.u32 $0x50000, s10  }
0x8: {  	s25 =	sadd.s32 $0xAC200, s0  }
0x9: {  	s26 =	sadd.s32 $0xAB600, s0;
	s6 =	sadd.s32 s7, s6;
	s7 =	sshrl.u32 s8, $0x2  }
0xa: {  	s13 =	sshll.u32 s10, $0x1;
	[dreg:$0x5] =	wrdreg s25;
	s10 =	sadd.s32 s7, s2  }
0xb: {  	[dreg:$0x6] =	wrdreg s26;
	s7 =	sadd.s32 $0x800, s10  }
0xc: {  	s14 =	sadd.s32 $0x1000, s10;
	[dreg:$0x7] =	wrdreg s7  }
0xd: {  	s15 =	sadd.s32 $0x1800, s10;
	[dreg:$0x8] =	wrdreg s14  }
0xe: {  	s16 =	sadd.s32 $0x2000, s10;
	[dreg:$0x9] =	wrdreg s15  }
0xf: {  	s17 =	sadd.s32 $0x2800, s10;
	[dreg:$0xa] =	wrdreg s16  }
0x10: {  	s18 =	sadd.s32 $0x3000, s10;
	[dreg:$0xb] =	wrdreg s17  }
0x11: {  	s19 =	sadd.s32 $0x3800, s10;
	[dreg:$0xc] =	wrdreg s18  }
0x12: {  	s20 =	sadd.s32 $0x4000, s10;
	[dreg:$0xd] =	wrdreg s19  }
0x13: {  	s5 =	sadd.s32 $0xB600, s0;
	s21 =	sadd.s32 $0x4800, s10;
	[dreg:$0xe] =	wrdreg s20  }
0x14: {  	s9 =	sadd.s32 $0x1800, s0;
	s22 =	sadd.s32 $0x5000, s10;
	[dreg:$0xf] =	wrdreg s21  }
0x15: {  	s11 =	ssub.s32 $0x2, s3;
	s23 =	sadd.s32 $0x5800, s10;
	[dreg:$0x10] =	wrdreg s22  }
0x16: {  	s12 =	sshrl.u32 s11, $0x1;
	s24 =	sadd.s32 $0x6000, s10;
	[dreg:$0x11] =	wrdreg s23  }
0x17: {  	s6 =	sshrl.u32 s6, $0x3;
	s26 =	sadd.s32 $0x6800, s10;
	[dreg:$0x12] =	wrdreg s24  }
0x18: {  	s0 =	sadd.s32 s6, s0;
	s8 =	sadd.s32 $0x8800, s10;
	[dreg:$0x15] =	wrdreg s26  }
0x19: {  	s6 =	ssub.s32 s11, s12;
	s11 =	sadd.s32 $0x9000, s10;
	[dreg:$0x19] =	wrdreg s8  }
0x1a: {  	s12 =	sadd.s32 $0x9800, s10;
	[dreg:$0x1a] =	wrdreg s11  }
0x1b: {  	s3 =	sor.u32 s3, s13;
	s13 =	sadd.s32 $0xA000, s10;
	[dreg:$0x1b] =	wrdreg s12  }
0x1c: {  	s0 =	sadd.s32 $0xAC800, s0;
	[dreg:$0x1c] =	wrdreg s13  }
0x1d: {  	s25 =	smax.u32 s6, $0x1;
	[dreg:$0x13] =	wrdreg s0  }
0x1e: {  	s23 =	smul.u32 $0x2710, s3;
	s3 =	sadd.s32 $0x7000, s10;
	[dreg:$0x14] =	wrdreg s25  }
0x1f: {  	s6 =	sadd.s32 $0x7800, s10;
	[dreg:$0x16] =	wrdreg s3  }
0x20: {  	s7 =	sadd.s32 $0x8000, s10;
	[dreg:$0x17] =	wrdreg s6  }
0x21: {  	s14 =	sadd.s32 $0xA800, s10;
	[dreg:$0x18] =	wrdreg s7  }
0x22: {  	s15 =	sadd.s32 $0xB000, s10;
	[dreg:$0x1d] =	wrdreg s14  }
0x23: {  	s30 =	simm.s32 $0x2;
	s16 =	sadd.s32 $0xB800, s10;
	[dreg:$0x1e] =	wrdreg s15  }
0x24: {  	s31 =	simm.s32 $0x2800;
	s17 =	sadd.s32 $0xC000, s10;
	[dreg:$0x1f] =	wrdreg s16  }
0x25: {  	s28 =	sadd.s32 $0x13000, s10;
	s18 =	sadd.s32 $0xC800, s10;
	[smem:$0x7F5] =	sst s17  }
0x26: {  	s29 =	sadd.s32 $0x13800, s10;
	s19 =	sadd.s32 $0xD000, s10;
	[smem:$0x7F6] =	sst s18  }
0x27: {  	s20 =	sadd.s32 $0xD800, s10;
	s21 =	sadd.s32 $0xE000, s10;
	[smem:$0x7F7] =	sst s19  }
0x28: {  	s22 =	sadd.s32 $0xE800, s10;
	s24 =	sadd.s32 $0xF000, s10;
	[smem:$0x7F8] =	sst s20  }
0x29: {  	s26 =	sadd.s32 $0x10000, s10;
	s8 =	simm.s32 $0x50;
	[smem:$0x7F9] =	sst s21  }
0x2a: {  	s11 =	simm.s32 $0x7980;
	s12 =	simm.s32 $0x1;
	[smem:$0x7FA] =	sst s22  }
0x2b: {  	s13 =	simm.s32 $0x7900;
	[smem:$0x7FB] =	sst s24;
	s25 =	sadd.s32 $0xF800, s10  }
0x2c: {  	[smem:$0x7FD] =	sst s26;
	s21 =	sadd.s32 $0x10800, s10;
	s22 =	sadd.s32 $0x11000, s10  }
0x2d: {  	s24 =	sadd.s32 $0x11800, s10;
	s26 =	sadd.s32 $0x12800, s10;
	s0 =	simm.s32 $0x5000  }
0x2e: {  	v1 =	vimm.f32 $1.000000000e+00;
	s3 =	simm.s32 $0xA180;
	s6 =	simm.s32 $0x7800;
	s7 =	simm.s32 $0x7880  }
0x2f: {  	v0 =	vimm.f32 $0.0e+00;
	v1 =	vand.u32 $0x7FFFFFFF, v1;
	s14 =	simm.s32 $0x0;
	[smem:$0x7FC] =	sst s25;
	s25 =	sadd.s32 $0x12000, s10  }
.LBB2_1:
0x30: {  	s15 =	rddreg [dreg:$0x4]  }
0x31: {  	[tilespmem:s4], [sflag:$0x2] =	stream.linear.gather [hbm4b:s15+s4], $0x2800, $0x38;
	[tilespmem:$0x1E980] =	vst v63  }
0x32: {  	_ =	swait.ge [sflag:s30], $0x2800  }
0x33: {  	[sflag:s30] =	ssyncset.done $0x0  }
0x34: {  	s19 =	rddreg [dreg:$0x5];
	[sflag:s30] =	ssyncadd.s32 $0xFFFFD800  }
0x35: {  	[tilespmem:s31], [sflag:$0x2] =	stream.linear.gather [hbm4b:s19+s4], $0x2800, $0x38;
	[tilespmem:$0x1E980] =	vst v63  }
0x36: {  	_ =	swait.ge [sflag:s30], $0x2800  }
0x37: {  	[sflag:s30] =	ssyncset.done $0x0  }
0x38: {  	s20 =	rddreg [dreg:$0x6];
	[sflag:s30] =	ssyncadd.s32 $0xFFFFD800  }
0x39: {  	[tilespmem:s0], [sflag:$0x2] =	stream.linear.gather [hbm4b:s20+s4], $0x2800, $0x38;
	[tilespmem:$0x1E980] =	vst v63  }
0x3a: {  	_ =	swait.ge [sflag:s30], $0x2800  }
0x3b: {  	[sflag:s30] =	ssyncset.done $0x0  }
0x3c: {  	s16 =	simm.s32 $0x200;
	s15 =	simm.s32 $0x0;
	[sflag:s30] =	ssyncadd.s32 $0xFFFFD800  }
.LBB2_2:
0x3d: {  	p0 =	sne.s32 s16, $0x1E00;
	[tilespmem:s15+$0xA1F0] =	vst v0  }
0x3e: {  	[tilespmem:s15+$0xA180] =	vst v0  }
0x3f: {  	[tilespmem:s15+$0xA190] =	vst v0  }
.Ltmp0:
0x40: {  	[tilespmem:s15+$0xA1A0] =	vst v0;
	(pc) =	sbr.rel @p0 .LBB2_2-.Ltmp0, $4  }
0x41: {  	[tilespmem:s15+$0xA1B0] =	vst v0  }
0x42: {  	[tilespmem:s15+$0xA1C0] =	vst v0  }
0x43: {  	[tilespmem:s15+$0xA1D0] =	vst v0  }
0x44: {  	[tilespmem:s15+$0xA1E0] =	vst v0;
	s15 =	sshra.s32 s16, $0x2;
	s16 =	sadd.s32 $0x200, s16  }
0x45: {  	[tilespmem:s15+$0xA1F0] =	vst v0  }
0x46: {  	[tilespmem:s15+$0xA180] =	vst v0  }
0x47: {  	[tilespmem:s15+$0xA190] =	vst v0  }
0x48: {  	[tilespmem:s15+$0xA1A0] =	vst v0  }
0x49: {  	[tilespmem:s15+$0xA1B0] =	vst v0  }
0x4a: {  	[tilespmem:s15+$0xA1C0] =	vst v0  }
0x4b: {  	[tilespmem:s15+$0xA1D0] =	vst v0  }
0x4c: {  	[tilespmem:s15+$0xA1E0] =	vst v0  }
0x4d: {  	[spmem:s10] =	stream.linear.scatter [tilespmem:s3], [sflag:$0x2], $0x800, $0x38;
	[tilespmem:$0x1E980] =	vst v63  }
0x4e: {  	_ =	swait.ge [sflag:s30], $0x800  }
0x4f: {  	[sflag:s30] =	ssyncset.done $0x0  }
0x50: {  	s19 =	rddreg [dreg:$0x7];
	[sflag:s30] =	ssyncadd.s32 $0xFFFFF800  }
0x51: {  	[spmem:s19] =	stream.linear.scatter [tilespmem:s3], [sflag:$0x2], $0x800, $0x38;
	[tilespmem:$0x1E980] =	vst v63  }
0x52: {  	_ =	swait.ge [sflag:s30], $0x800  }
0x53: {  	[sflag:s30] =	ssyncset.done $0x0  }
0x54: {  	s20 =	rddreg [dreg:$0x8];
	[sflag:s30] =	ssyncadd.s32 $0xFFFFF800  }
0x55: {  	[spmem:s20] =	stream.linear.scatter [tilespmem:s3], [sflag:$0x2], $0x800, $0x38;
	[tilespmem:$0x1E980] =	vst v63  }
0x56: {  	_ =	swait.ge [sflag:s30], $0x800  }
0x57: {  	[sflag:s30] =	ssyncset.done $0x0  }
0x58: {  	s16 =	rddreg [dreg:$0x9];
	[sflag:s30] =	ssyncadd.s32 $0xFFFFF800  }
0x59: {  	[spmem:s16] =	stream.linear.scatter [tilespmem:s3], [sflag:$0x2], $0x800, $0x38;
	[tilespmem:$0x1E980] =	vst v63  }
0x5a: {  	_ =	swait.ge [sflag:s30], $0x800  }
0x5b: {  	[sflag:s30] =	ssyncset.done $0x0  }
0x5c: {  	s17 =	rddreg [dreg:$0xa];
	[sflag:s30] =	ssyncadd.s32 $0xFFFFF800  }
0x5d: {  	[spmem:s17] =	stream.linear.scatter [tilespmem:s3], [sflag:$0x2], $0x800, $0x38;
	[tilespmem:$0x1E980] =	vst v63  }
0x5e: {  	_ =	swait.ge [sflag:s30], $0x800  }
0x5f: {  	[sflag:s30] =	ssyncset.done $0x0  }
0x60: {  	s18 =	rddreg [dreg:$0xb];
	[sflag:s30] =	ssyncadd.s32 $0xFFFFF800  }
0x61: {  	[spmem:s18] =	stream.linear.scatter [tilespmem:s3], [sflag:$0x2], $0x800, $0x38;
	[tilespmem:$0x1E980] =	vst v63  }
0x62: {  	_ =	swait.ge [sflag:s30], $0x800  }
0x63: {  	[sflag:s30] =	ssyncset.done $0x0  }
0x64: {  	s19 =	rddreg [dreg:$0xc];
	[sflag:s30] =	ssyncadd.s32 $0xFFFFF800  }
0x65: {  	[spmem:s19] =	stream.linear.scatter [tilespmem:s3], [sflag:$0x2], $0x800, $0x38;
	[tilespmem:$0x1E980] =	vst v63  }
0x66: {  	_ =	swait.ge [sflag:s30], $0x800  }
0x67: {  	[sflag:s30] =	ssyncset.done $0x0  }
0x68: {  	s20 =	rddreg [dreg:$0xd];
	[sflag:s30] =	ssyncadd.s32 $0xFFFFF800  }
0x69: {  	[spmem:s20] =	stream.linear.scatter [tilespmem:s3], [sflag:$0x2], $0x800, $0x38;
	[tilespmem:$0x1E980] =	vst v63  }
0x6a: {  	_ =	swait.ge [sflag:s30], $0x800  }
0x6b: {  	[sflag:s30] =	ssyncset.done $0x0  }
0x6c: {  	s16 =	rddreg [dreg:$0xe];
	[sflag:s30] =	ssyncadd.s32 $0xFFFFF800  }
0x6d: {  	[spmem:s16] =	stream.linear.scatter [tilespmem:s3], [sflag:$0x2], $0x800, $0x38;
	[tilespmem:$0x1E980] =	vst v63  }
0x6e: {  	_ =	swait.ge [sflag:s30], $0x800  }
0x6f: {  	[sflag:s30] =	ssyncset.done $0x0  }
0x70: {  	s17 =	rddreg [dreg:$0xf];
	[sflag:s30] =	ssyncadd.s32 $0xFFFFF800  }
0x71: {  	[spmem:s17] =	stream.linear.scatter [tilespmem:s3], [sflag:$0x2], $0x800, $0x38;
	[tilespmem:$0x1E980] =	vst v63  }
0x72: {  	_ =	swait.ge [sflag:s30], $0x800  }
0x73: {  	[sflag:s30] =	ssyncset.done $0x0  }
0x74: {  	s18 =	rddreg [dreg:$0x10];
	[sflag:s30] =	ssyncadd.s32 $0xFFFFF800  }
0x75: {  	[spmem:s18] =	stream.linear.scatter [tilespmem:s3], [sflag:$0x2], $0x800, $0x38;
	[tilespmem:$0x1E980] =	vst v63  }
0x76: {  	_ =	swait.ge [sflag:s30], $0x800  }
0x77: {  	[sflag:s30] =	ssyncset.done $0x0  }
0x78: {  	s19 =	rddreg [dreg:$0x11];
	[sflag:s30] =	ssyncadd.s32 $0xFFFFF800  }
0x79: {  	[spmem:s19] =	stream.linear.scatter [tilespmem:s3], [sflag:$0x2], $0x800, $0x38;
	[tilespmem:$0x1E980] =	vst v63  }
0x7a: {  	_ =	swait.ge [sflag:s30], $0x800  }
0x7b: {  	[sflag:s30] =	ssyncset.done $0x0  }
0x7c: {  	s20 =	rddreg [dreg:$0x12];
	[sflag:s30] =	ssyncadd.s32 $0xFFFFF800  }
0x7d: {  	[spmem:s20] =	stream.linear.scatter [tilespmem:s3], [sflag:$0x2], $0x800, $0x38;
	[tilespmem:$0x1E980] =	vst v63  }
0x7e: {  	_ =	swait.ge [sflag:s30], $0x800  }
0x7f: {  	[sflag:s30] =	ssyncset.done $0x0  }
0x80: {  	s16 =	rddreg [dreg:$0x15];
	[sflag:s30] =	ssyncadd.s32 $0xFFFFF800  }
0x81: {  	[spmem:s16] =	stream.linear.scatter [tilespmem:s3], [sflag:$0x2], $0x800, $0x38;
	[tilespmem:$0x1E980] =	vst v63  }
0x82: {  	_ =	swait.ge [sflag:s30], $0x800  }
0x83: {  	[sflag:s30] =	ssyncset.done $0x0  }
0x84: {  	s17 =	rddreg [dreg:$0x16];
	[sflag:s30] =	ssyncadd.s32 $0xFFFFF800  }
0x85: {  	[spmem:s17] =	stream.linear.scatter [tilespmem:s3], [sflag:$0x2], $0x800, $0x38;
	[tilespmem:$0x1E980] =	vst v63  }
0x86: {  	_ =	swait.ge [sflag:s30], $0x800  }
0x87: {  	[sflag:s30] =	ssyncset.done $0x0  }
0x88: {  	s18 =	rddreg [dreg:$0x17];
	[sflag:s30] =	ssyncadd.s32 $0xFFFFF800  }
0x89: {  	[spmem:s18] =	stream.linear.scatter [tilespmem:s3], [sflag:$0x2], $0x800, $0x38;
	[tilespmem:$0x1E980] =	vst v63  }
0x8a: {  	_ =	swait.ge [sflag:s30], $0x800  }
0x8b: {  	[sflag:s30] =	ssyncset.done $0x0  }
0x8c: {  	s19 =	rddreg [dreg:$0x18];
	[sflag:s30] =	ssyncadd.s32 $0xFFFFF800  }
0x8d: {  	[spmem:s19] =	stream.linear.scatter [tilespmem:s3], [sflag:$0x2], $0x800, $0x38;
	[tilespmem:$0x1E980] =	vst v63  }
0x8e: {  	_ =	swait.ge [sflag:s30], $0x800  }
0x8f: {  	[sflag:s30] =	ssyncset.done $0x0  }
0x90: {  	s20 =	rddreg [dreg:$0x19];
	[sflag:s30] =	ssyncadd.s32 $0xFFFFF800  }
0x91: {  	[spmem:s20] =	stream.linear.scatter [tilespmem:s3], [sflag:$0x2], $0x800, $0x38;
	[tilespmem:$0x1E980] =	vst v63  }
0x92: {  	_ =	swait.ge [sflag:s30], $0x800  }
0x93: {  	[sflag:s30] =	ssyncset.done $0x0  }
0x94: {  	s16 =	rddreg [dreg:$0x1a];
	[sflag:s30] =	ssyncadd.s32 $0xFFFFF800  }
0x95: {  	[spmem:s16] =	stream.linear.scatter [tilespmem:s3], [sflag:$0x2], $0x800, $0x38;
	[tilespmem:$0x1E980] =	vst v63  }
0x96: {  	_ =	swait.ge [sflag:s30], $0x800  }
0x97: {  	[sflag:s30] =	ssyncset.done $0x0  }
0x98: {  	s17 =	rddreg [dreg:$0x1b];
	[sflag:s30] =	ssyncadd.s32 $0xFFFFF800  }
0x99: {  	[spmem:s17] =	stream.linear.scatter [tilespmem:s3], [sflag:$0x2], $0x800, $0x38;
	[tilespmem:$0x1E980] =	vst v63  }
0x9a: {  	_ =	swait.ge [sflag:s30], $0x800  }
0x9b: {  	[sflag:s30] =	ssyncset.done $0x0  }
0x9c: {  	s18 =	rddreg [dreg:$0x1c];
	[sflag:s30] =	ssyncadd.s32 $0xFFFFF800  }
0x9d: {  	[spmem:s18] =	stream.linear.scatter [tilespmem:s3], [sflag:$0x2], $0x800, $0x38;
	[tilespmem:$0x1E980] =	vst v63  }
0x9e: {  	_ =	swait.ge [sflag:s30], $0x800  }
0x9f: {  	[sflag:s30] =	ssyncset.done $0x0  }
0xa0: {  	s19 =	rddreg [dreg:$0x1d];
	[sflag:s30] =	ssyncadd.s32 $0xFFFFF800  }
0xa1: {  	[spmem:s19] =	stream.linear.scatter [tilespmem:s3], [sflag:$0x2], $0x800, $0x38;
	[tilespmem:$0x1E980] =	vst v63  }
0xa2: {  	_ =	swait.ge [sflag:s30], $0x800  }
0xa3: {  	[sflag:s30] =	ssyncset.done $0x0  }
0xa4: {  	s20 =	rddreg [dreg:$0x1e];
	[sflag:s30] =	ssyncadd.s32 $0xFFFFF800  }
0xa5: {  	[spmem:s20] =	stream.linear.scatter [tilespmem:s3], [sflag:$0x2], $0x800, $0x38;
	[tilespmem:$0x1E980] =	vst v63  }
0xa6: {  	_ =	swait.ge [sflag:s30], $0x800  }
0xa7: {  	[sflag:s30] =	ssyncset.done $0x0  }
0xa8: {  	s16 =	rddreg [dreg:$0x1f];
	[sflag:s30] =	ssyncadd.s32 $0xFFFFF800  }
0xa9: {  	[spmem:s16] =	stream.linear.scatter [tilespmem:s3], [sflag:$0x2], $0x800, $0x38;
	[tilespmem:$0x1E980] =	vst v63  }
0xaa: {  	_ =	swait.ge [sflag:s30], $0x800  }
0xab: {  	s17 =	sld [smem:$0x7F5]  }
0xac: {  	[sflag:s30] =	ssyncset.done $0x0  }
0xad: {  	[sflag:s30] =	ssyncadd.s32 $0xFFFFF800  }
0xae: {  	[spmem:s17] =	stream.linear.scatter [tilespmem:s3], [sflag:$0x2], $0x800, $0x38;
	[tilespmem:$0x1E980] =	vst v63  }
0xaf: {  	_ =	swait.ge [sflag:s30], $0x800  }
0xb0: {  	s18 =	sld [smem:$0x7F6]  }
0xb1: {  	[sflag:s30] =	ssyncset.done $0x0  }
0xb2: {  	[sflag:s30] =	ssyncadd.s32 $0xFFFFF800  }
0xb3: {  	[spmem:s18] =	stream.linear.scatter [tilespmem:s3], [sflag:$0x2], $0x800, $0x38;
	[tilespmem:$0x1E980] =	vst v63  }
0xb4: {  	_ =	swait.ge [sflag:s30], $0x800  }
0xb5: {  	s19 =	sld [smem:$0x7F7]  }
0xb6: {  	[sflag:s30] =	ssyncset.done $0x0  }
0xb7: {  	[sflag:s30] =	ssyncadd.s32 $0xFFFFF800  }
0xb8: {  	[spmem:s19] =	stream.linear.scatter [tilespmem:s3], [sflag:$0x2], $0x800, $0x38;
	[tilespmem:$0x1E980] =	vst v63  }
0xb9: {  	_ =	swait.ge [sflag:s30], $0x800  }
0xba: {  	s20 =	sld [smem:$0x7F8]  }
0xbb: {  	[sflag:s30] =	ssyncset.done $0x0  }
0xbc: {  	[sflag:s30] =	ssyncadd.s32 $0xFFFFF800  }
0xbd: {  	[spmem:s20] =	stream.linear.scatter [tilespmem:s3], [sflag:$0x2], $0x800, $0x38;
	[tilespmem:$0x1E980] =	vst v63  }
0xbe: {  	_ =	swait.ge [sflag:s30], $0x800  }
0xbf: {  	s16 =	sld [smem:$0x7F9]  }
0xc0: {  	[sflag:s30] =	ssyncset.done $0x0  }
0xc1: {  	[sflag:s30] =	ssyncadd.s32 $0xFFFFF800  }
0xc2: {  	[spmem:s16] =	stream.linear.scatter [tilespmem:s3], [sflag:$0x2], $0x800, $0x38;
	[tilespmem:$0x1E980] =	vst v63  }
0xc3: {  	_ =	swait.ge [sflag:s30], $0x800  }
0xc4: {  	s17 =	sld [smem:$0x7FA]  }
0xc5: {  	[sflag:s30] =	ssyncset.done $0x0  }
0xc6: {  	[sflag:s30] =	ssyncadd.s32 $0xFFFFF800  }
0xc7: {  	[spmem:s17] =	stream.linear.scatter [tilespmem:s3], [sflag:$0x2], $0x800, $0x38;
	[tilespmem:$0x1E980] =	vst v63  }
0xc8: {  	_ =	swait.ge [sflag:s30], $0x800  }
0xc9: {  	s18 =	sld [smem:$0x7FB]  }
0xca: {  	[sflag:s30] =	ssyncset.done $0x0  }
0xcb: {  	[sflag:s30] =	ssyncadd.s32 $0xFFFFF800  }
0xcc: {  	[spmem:s18] =	stream.linear.scatter [tilespmem:s3], [sflag:$0x2], $0x800, $0x38;
	[tilespmem:$0x1E980] =	vst v63  }
0xcd: {  	_ =	swait.ge [sflag:s30], $0x800  }
0xce: {  	s19 =	sld [smem:$0x7FC]  }
0xcf: {  	[sflag:s30] =	ssyncset.done $0x0  }
0xd0: {  	[sflag:s30] =	ssyncadd.s32 $0xFFFFF800  }
0xd1: {  	[spmem:s19] =	stream.linear.scatter [tilespmem:s3], [sflag:$0x2], $0x800, $0x38;
	[tilespmem:$0x1E980] =	vst v63  }
0xd2: {  	_ =	swait.ge [sflag:s30], $0x800  }
0xd3: {  	s20 =	sld [smem:$0x7FD]  }
0xd4: {  	[sflag:s30] =	ssyncset.done $0x0  }
0xd5: {  	[sflag:s30] =	ssyncadd.s32 $0xFFFFF800  }
0xd6: {  	[spmem:s20] =	stream.linear.scatter [tilespmem:s3], [sflag:$0x2], $0x800, $0x38;
	[tilespmem:$0x1E980] =	vst v63  }
0xd7: {  	_ =	swait.ge [sflag:s30], $0x800  }
0xd8: {  	[sflag:s30] =	ssyncset.done $0x0  }
0xd9: {  	[sflag:s30] =	ssyncadd.s32 $0xFFFFF800  }
0xda: {  	[spmem:s21] =	stream.linear.scatter [tilespmem:s3], [sflag:$0x2], $0x800, $0x38;
	[tilespmem:$0x1E980] =	vst v63  }
0xdb: {  	_ =	swait.ge [sflag:s30], $0x800  }
0xdc: {  	[sflag:s30] =	ssyncset.done $0x0  }
0xdd: {  	[sflag:s30] =	ssyncadd.s32 $0xFFFFF800  }
0xde: {  	[spmem:s22] =	stream.linear.scatter [tilespmem:s3], [sflag:$0x2], $0x800, $0x38;
	[tilespmem:$0x1E980] =	vst v63  }
0xdf: {  	_ =	swait.ge [sflag:s30], $0x800  }
0xe0: {  	[sflag:s30] =	ssyncset.done $0x0  }
0xe1: {  	[sflag:s30] =	ssyncadd.s32 $0xFFFFF800  }
0xe2: {  	[spmem:s24] =	stream.linear.scatter [tilespmem:s3], [sflag:$0x2], $0x800, $0x38;
	[tilespmem:$0x1E980] =	vst v63  }
0xe3: {  	_ =	swait.ge [sflag:s30], $0x800  }
0xe4: {  	[sflag:s30] =	ssyncset.done $0x0  }
0xe5: {  	[sflag:s30] =	ssyncadd.s32 $0xFFFFF800  }
0xe6: {  	[spmem:s25] =	stream.linear.scatter [tilespmem:s3], [sflag:$0x2], $0x800, $0x38;
	[tilespmem:$0x1E980] =	vst v63  }
0xe7: {  	_ =	swait.ge [sflag:s30], $0x800  }
0xe8: {  	[sflag:s30] =	ssyncset.done $0x0  }
0xe9: {  	[sflag:s30] =	ssyncadd.s32 $0xFFFFF800  }
0xea: {  	[spmem:s26] =	stream.linear.scatter [tilespmem:s3], [sflag:$0x2], $0x800, $0x38;
	[tilespmem:$0x1E980] =	vst v63  }
0xeb: {  	_ =	swait.ge [sflag:s30], $0x800  }
0xec: {  	[sflag:s30] =	ssyncset.done $0x0  }
0xed: {  	[sflag:s30] =	ssyncadd.s32 $0xFFFFF800  }
0xee: {  	[spmem:s28] =	stream.linear.scatter [tilespmem:s3], [sflag:$0x2], $0x800, $0x38;
	[tilespmem:$0x1E980] =	vst v63  }
0xef: {  	_ =	swait.ge [sflag:s30], $0x800  }
0xf0: {  	[sflag:s30] =	ssyncset.done $0x0  }
0xf1: {  	[sflag:s30] =	ssyncadd.s32 $0xFFFFF800  }
0xf2: {  	[spmem:s29] =	stream.linear.scatter [tilespmem:s3], [sflag:$0x2], $0x800, $0x38;
	[tilespmem:$0x1E980] =	vst v63  }
0xf3: {  	_ =	swait.ge [sflag:s30], $0x800  }
0xf4: {  	[sflag:s30] =	ssyncset.done $0x0  }
0xf5: {  	[sflag:s30] =	ssyncadd.s32 $0xFFFFF800  }
0xf6: {  	s15 =	simm.s32 $0x0;
	s16 =	simm.s32 $0x0;
	[bflag:$0x0] =	sbarrier.arrive $0xFFFF  }
.LBB2_4:
0xf7: {  	s17 =	smul.u32 $0x50, s16;
	_ =	sdelay $0x1  }
0xf8: {  	s17 =	sadd.s32 s23, s17  }
0xf9: {  	s17 =	sshrl.u32 s17, $0x3  }
0xfa: {  	s18 =	sadd.s32 s1, s17  }
0xfb: {  	[tilespmem:s6], [sflag:$0x2] =	stream.linear.gather [hbm4b:s18+s15], $0x50, $0x38;
	[tilespmem:$0x1E980] =	vst v63  }
0xfc: {  	_ =	swait.ge [sflag:s30], $0x50  }
0xfd: {  	[sflag:s30] =	ssyncset.done $0x0  }
0xfe: {  	s17 =	sadd.s32 s9, s17;
	[sflag:s30] =	ssyncadd.s32 $0xFFFFFFB0  }
0xff: {  	[tilespmem:s7], [sflag:$0x2] =	stream.linear.gather [hbm4b:s17+s15], $0x50, $0x38;
	[tilespmem:$0x1E980] =	vst v63  }
0x100: {  	_ =	swait.ge [sflag:s30], $0x50  }
0x101: {  	[sflag:s30] =	ssyncset.done $0x0  }
0x102: {  	[sflag:s30] =	ssyncadd.s32 $0xFFFFFFB0  }
0x103: {  	[tilespmem:s11], [sflag:$0x1] =	stream.indirect.gather [hbm4b:s5+s8], $0x80, s6, s8, $0xb8;
	[tilespmem:$0x1E980] =	vst v63  }
0x104: {  	v2 =	vld [tilespmem:$0x7800]  }
0x105: {  	v3 =	vld [tilespmem:$0x7880];
	_ =	sdelay $0x6  }
0x106: {  	v4 =	vld.idx.msk [tilespmem:v2+s15+$0x0], $0xffff  }
0x107: {  	v5 =	vld.idx.msk [tilespmem:v3+s31+$0x0], $0xffff;
	_ =	sdelay $0x4  }
0x108: {  	v4 =	vadd.f32 v5, v4;
	_ =	sdelay $0x1  }
0x109: {  	v5 =	vand.u32 $0x7FFFFFFF, v4  }
0x10a: {  	v5 =	vmul.f32 $-2.000000000e+00, v5;
	_ =	sdelay $0x1  }
0x10b: {  	v5 =	vmul.f32 $1.442695020e+00, v5;
	_ =	sdelay $0x1  }
0x10c: {  	(erf) = vpow2.f32 v5;
	_ =	sdelay $0x8  }
0x10d: {  	v5 =	vpop (erf)  }
0x10e: {  	v6 =	vadd.f32 $1.000000000e+00, v5;
	_ =	sdelay $0x1  }
0x10f: {  	(erf) = vrcp.f32 v6;
	_ =	sdelay $0x3  }
0x110: {  	vm0 =	vlt.f32 v4, $0.0e+00  }
0x111: {  	vm1 =	vgt.f32 v4, $0.0e+00;
	v5 =	vsub.f32 $1.000000000e+00, v5;
	v6 =	vand.u32 $0x80000000, v4  }
0x112: {  	vm0 =	vmor vm1, vm0;
	v6 =	vor.u32 v6, v1  }
0x113: {  	v2 =	vld.idx.msk [tilespmem:v2+s0+$0x0], $0xffff;
	v4 =	vsel vm0, v6, v4  }
0x114: {  	v3 =	vld.idx.msk [tilespmem:v3+s0+$0x0], $0xffff;
	v4 =	vmul.f32 v5, v4  }
0x115: {  	v6 =	vld [tilespmem:$0x7810];
	v5 =	vpop (erf)  }
0x116: {  	v4 =	vmul.f32 v5, v4;
	v5 =	vld [tilespmem:$0x7890];
	_ =	sdelay $0x1  }
0x117: {  	v2 =	vmul.f32 v4, v2;
	_ =	sdelay $0x1  }
0x118: {  	v2 =	vmul.f32 v2, v3;
	_ =	sdelay $0x1  }
0x119: {  	[tilespmem:$0x7900] =	vst v2  }
0x11a: {  	v2 =	vld.idx.msk [tilespmem:v6+s15+$0x0], $0xffff  }
0x11b: {  	v3 =	vld.idx.msk [tilespmem:v5+s31+$0x0], $0xffff;
	_ =	sdelay $0x4  }
0x11c: {  	v2 =	vadd.f32 v3, v2;
	_ =	sdelay $0x1  }
0x11d: {  	v3 =	vand.u32 $0x7FFFFFFF, v2  }
0x11e: {  	v3 =	vmul.f32 $-2.000000000e+00, v3;
	_ =	sdelay $0x1  }
0x11f: {  	v3 =	vmul.f32 $1.442695020e+00, v3;
	_ =	sdelay $0x1  }
0x120: {  	(erf) = vpow2.f32 v3;
	_ =	sdelay $0x8  }
0x121: {  	v3 =	vpop (erf)  }
0x122: {  	v4 =	vadd.f32 $1.000000000e+00, v3;
	_ =	sdelay $0x1  }
0x123: {  	(erf) = vrcp.f32 v4;
	_ =	sdelay $0x4  }
0x124: {  	vm8 =	vlt.f32 v2, $0.0e+00;
	vm9 =	vgt.f32 v2, $0.0e+00;
	v4 =	vand.u32 $0x80000000, v2  }
0x125: {  	vm0 =	vmor vm9, vm8;
	v3 =	vsub.f32 $1.000000000e+00, v3;
	v4 =	vor.u32 v4, v1  }
0x126: {  	v2 =	vsel vm0, v4, v2;
	v4 =	vld.idx.msk [tilespmem:v6+s0+$0x0], $0xffff  }
0x127: {  	v6 =	vld [tilespmem:$0x7820];
	v2 =	vmul.f32 v3, v2  }
0x128: {  	v3 =	vld.idx.msk [tilespmem:v5+s0+$0x0], $0xffff;
	v5 =	vpop (erf)  }
0x129: {  	v2 =	vmul.f32 v5, v2;
	v5 =	vld [tilespmem:$0x78A0];
	_ =	sdelay $0x1  }
0x12a: {  	v2 =	vmul.f32 v2, v4;
	_ =	sdelay $0x1  }
0x12b: {  	v2 =	vmul.f32 v2, v3;
	_ =	sdelay $0x1  }
0x12c: {  	[tilespmem:$0x7910] =	vst v2  }
0x12d: {  	v2 =	vld.idx.msk [tilespmem:v6+s15+$0x0], $0xffff  }
0x12e: {  	v3 =	vld.idx.msk [tilespmem:v5+s31+$0x0], $0xffff;
	_ =	sdelay $0x4  }
0x12f: {  	v2 =	vadd.f32 v3, v2;
	_ =	sdelay $0x1  }
0x130: {  	v3 =	vand.u32 $0x7FFFFFFF, v2  }
0x131: {  	v3 =	vmul.f32 $-2.000000000e+00, v3;
	_ =	sdelay $0x1  }
0x132: {  	v3 =	vmul.f32 $1.442695020e+00, v3;
	_ =	sdelay $0x1  }
0x133: {  	(erf) = vpow2.f32 v3;
	_ =	sdelay $0x8  }
0x134: {  	v3 =	vpop (erf)  }
0x135: {  	v4 =	vadd.f32 $1.000000000e+00, v3;
	_ =	sdelay $0x1  }
0x136: {  	(erf) = vrcp.f32 v4;
	_ =	sdelay $0x4  }
0x137: {  	vm10 =	vlt.f32 v2, $0.0e+00;
	vm11 =	vgt.f32 v2, $0.0e+00;
	v4 =	vand.u32 $0x80000000, v2  }
0x138: {  	vm0 =	vmor vm11, vm10;
	v3 =	vsub.f32 $1.000000000e+00, v3;
	v4 =	vor.u32 v4, v1  }
0x139: {  	v2 =	vsel vm0, v4, v2;
	v4 =	vld.idx.msk [tilespmem:v6+s0+$0x0], $0xffff  }
0x13a: {  	v6 =	vld [tilespmem:$0x7830];
	v2 =	vmul.f32 v3, v2  }
0x13b: {  	v3 =	vld.idx.msk [tilespmem:v5+s0+$0x0], $0xffff;
	v5 =	vpop (erf)  }
0x13c: {  	v2 =	vmul.f32 v5, v2;
	v5 =	vld [tilespmem:$0x78B0];
	_ =	sdelay $0x1  }
0x13d: {  	v2 =	vmul.f32 v2, v4;
	_ =	sdelay $0x1  }
0x13e: {  	v2 =	vmul.f32 v2, v3;
	_ =	sdelay $0x1  }
0x13f: {  	[tilespmem:$0x7920] =	vst v2  }
0x140: {  	v2 =	vld.idx.msk [tilespmem:v6+s15+$0x0], $0xffff  }
0x141: {  	v3 =	vld.idx.msk [tilespmem:v5+s31+$0x0], $0xffff;
	_ =	sdelay $0x4  }
0x142: {  	v2 =	vadd.f32 v3, v2;
	_ =	sdelay $0x1  }
0x143: {  	v3 =	vand.u32 $0x7FFFFFFF, v2  }
0x144: {  	v3 =	vmul.f32 $-2.000000000e+00, v3;
	_ =	sdelay $0x1  }
0x145: {  	v3 =	vmul.f32 $1.442695020e+00, v3;
	_ =	sdelay $0x1  }
0x146: {  	(erf) = vpow2.f32 v3;
	_ =	sdelay $0x8  }
0x147: {  	v3 =	vpop (erf)  }
0x148: {  	v4 =	vadd.f32 $1.000000000e+00, v3;
	_ =	sdelay $0x1  }
0x149: {  	(erf) = vrcp.f32 v4;
	_ =	sdelay $0x4  }
0x14a: {  	vm12 =	vlt.f32 v2, $0.0e+00;
	vm13 =	vgt.f32 v2, $0.0e+00;
	v4 =	vand.u32 $0x80000000, v2  }
0x14b: {  	vm0 =	vmor vm13, vm12;
	v3 =	vsub.f32 $1.000000000e+00, v3;
	v4 =	vor.u32 v4, v1  }
0x14c: {  	v2 =	vsel vm0, v4, v2;
	v4 =	vld.idx.msk [tilespmem:v6+s0+$0x0], $0xffff  }
0x14d: {  	v6 =	vld [tilespmem:$0x7840];
	v2 =	vmul.f32 v3, v2  }
0x14e: {  	v3 =	vld.idx.msk [tilespmem:v5+s0+$0x0], $0xffff;
	v5 =	vpop (erf)  }
0x14f: {  	v2 =	vmul.f32 v5, v2;
	v5 =	vld [tilespmem:$0x78C0];
	_ =	sdelay $0x1  }
0x150: {  	v2 =	vmul.f32 v2, v4;
	_ =	sdelay $0x1  }
0x151: {  	v2 =	vmul.f32 v2, v3;
	_ =	sdelay $0x1  }
0x152: {  	[tilespmem:$0x7930] =	vst v2  }
0x153: {  	v2 =	vld.idx.msk [tilespmem:v6+s15+$0x0], $0xffff  }
0x154: {  	v3 =	vld.idx.msk [tilespmem:v5+s31+$0x0], $0xffff;
	_ =	sdelay $0x4  }
0x155: {  	v2 =	vadd.f32 v3, v2;
	_ =	sdelay $0x1  }
0x156: {  	v3 =	vand.u32 $0x7FFFFFFF, v2  }
0x157: {  	v3 =	vmul.f32 $-2.000000000e+00, v3;
	_ =	sdelay $0x1  }
0x158: {  	v3 =	vmul.f32 $1.442695020e+00, v3;
	_ =	sdelay $0x1  }
0x159: {  	(erf) = vpow2.f32 v3;
	_ =	sdelay $0x8  }
0x15a: {  	v3 =	vpop (erf)  }
0x15b: {  	v4 =	vadd.f32 $1.000000000e+00, v3;
	_ =	sdelay $0x1  }
0x15c: {  	(erf) = vrcp.f32 v4;
	_ =	sdelay $0x3  }
0x15d: {  	vm14 =	vlt.f32 v2, $0.0e+00  }
0x15e: {  	vm15 =	vgt.f32 v2, $0.0e+00;
	v3 =	vsub.f32 $1.000000000e+00, v3;
	v4 =	vand.u32 $0x80000000, v2  }
0x15f: {  	vm0 =	vmor vm15, vm14;
	v4 =	vor.u32 v4, v1  }
0x160: {  	v2 =	vsel vm0, v4, v2;
	v4 =	vld.idx.msk [tilespmem:v6+s0+$0x0], $0xffff  }
0x161: {  	v2 =	vmul.f32 v3, v2  }
0x162: {  	v5 =	vld.idx.msk [tilespmem:v5+s0+$0x0], $0xffff;
	v3 =	vpop (erf)  }
0x163: {  	v2 =	vmul.f32 v3, v2;
	_ =	sdelay $0x1  }
0x164: {  	v2 =	vmul.f32 v2, v4;
	_ =	sdelay $0x1  }
0x165: {  	v2 =	vmul.f32 v2, v5;
	_ =	sdelay $0x1  }
0x166: {  	[tilespmem:$0x7940] =	vst v2  }
0x167: {  	_ =	swait.ge [sflag:s12], $0x2800  }
0x168: {  	v2 =	vmov s15;
	[sflag:s12] =	ssyncset.done $0x0  }
0x169: {  	s17 =	simm.s32 $0x79C0;
	[sflag:s12] =	ssyncadd.s32 $0xFFFFD800  }
0x16a: {  	v6 =	vld [tilespmem:s17+$0x30]  }
0x16b: {  	v9 =	vld [tilespmem:s17+$0x10]  }
0x16c: {  	v7 =	vld [tilespmem:s17+$0xFFFFFFC0]  }
0x16d: {  	v3 =	vld.idx.msk [tilespmem:v2+s13+$0x0], $0xffff  }
0x16e: {  	v11 =	vld [tilespmem:s17+$0xFFFFFFE0]  }
0x16f: {  	v4 =	vld [tilespmem:s17+$0x20]  }
0x170: {  	v5 =	vld [tilespmem:s17+$0xFFFFFFD0]  }
0x171: {  	v2 =	vld [tilespmem:s17+$0xFFFFFFF0]  }
0x172: {  	v10 =	vmul.f32 v6, v3;
	v6 =	vld [tilespmem:s17+$0x0]  }
0x173: {  	v8 =	vmul.f32 v7, v3  }
0x174: {  	s19 =	simm.s32 $0x79C0;
	s18 =	simm.s32 $0x1;
	v7 =	vmul.f32 v11, v3;
	v9 =	vmul.f32 v9, v3  }
.LBB2_5:
0x175: {  	p0 =	sne.s32 s18, $0x4F  }
0x176: {  	v5 =	vmul.f32 v5, v3;
	v4 =	vmul.f32 v4, v3;
	[tilespmem:s17+$0x30] =	vst v10;
	s19 =	sadd.s32 $0x80, s19;
	s20 =	smov.u32 s18;
	s18 =	sadd.s32 $0x1, s18  }
0x177: {  	[tilespmem:s17+$0xFFFFFFC0] =	vst v8;
	v8 =	vmul.f32 v2, v3;
	v3 =	vmul.f32 v6, v3  }
0x178: {  	[tilespmem:s17+$0x10] =	vst v9  }
0x179: {  	v6 =	vmov s20;
	[tilespmem:s17+$0xFFFFFFE0] =	vst v7  }
0x17a: {  	v2 =	vld [tilespmem:s19+$0xFFFFFFF0];
	[tilespmem:s17+$0xFFFFFFF0] =	vst v8  }
0x17b: {  	v7 =	vld [tilespmem:s19+$0x30];
	[tilespmem:s17+$0x0] =	vst v3  }
0x17c: {  	v9 =	vld [tilespmem:s19+$0x10];
	[tilespmem:s17+$0x20] =	vst v4  }
0x17d: {  	v8 =	vld [tilespmem:s19+$0xFFFFFFC0];
	[tilespmem:s17+$0xFFFFFFD0] =	vst v5;
	s17 =	smov.u32 s19  }
0x17e: {  	v3 =	vld.idx.msk [tilespmem:v6+s13+$0x0], $0xffff  }
0x17f: {  	v11 =	vld [tilespmem:s19+$0xFFFFFFE0]  }
0x180: {  	v4 =	vld [tilespmem:s19+$0x20]  }
.Ltmp1:
0x181: {  	v5 =	vld [tilespmem:s19+$0xFFFFFFD0];
	(pc) =	sbr.rel @p0 .LBB2_5-.Ltmp1, $3  }
0x182: {  	v6 =	vld [tilespmem:s19+$0x0];
	_ =	sdelay $0x1  }
0x183: {  	v8 =	vmul.f32 v8, v3;
	v10 =	vmul.f32 v7, v3  }
0x184: {  	v9 =	vmul.f32 v9, v3;
	v7 =	vmul.f32 v11, v3  }
0x185: {  	[tilespmem:s17+$0x30] =	vst v10  }
0x186: {  	[tilespmem:s17+$0xFFFFFFC0] =	vst v8  }
0x187: {  	v2 =	vmul.f32 v2, v3;
	[tilespmem:s17+$0x10] =	vst v9  }
0x188: {  	v4 =	vmul.f32 v4, v3;
	[tilespmem:s17+$0xFFFFFFE0] =	vst v7  }
0x189: {  	v6 =	vmul.f32 v6, v3;
	[tilespmem:s17+$0xFFFFFFF0] =	vst v2  }
0x18a: {  	s16 =	sadd.s32 $0x1, s16;
	v2 =	vmul.f32 v5, v3;
	[tilespmem:s17+$0x20] =	vst v4  }
0x18b: {  	p0 =	sne.s32 s16, $0x7D;
	[tilespmem:s17+$0x0] =	vst v6  }
.Ltmp2:
0x18c: {  	[tilespmem:s17+$0xFFFFFFD0] =	vst v2;
	(pc) =	sbr.rel @p0 .LBB2_4-.Ltmp2, $4  }
0x18d: {  	[spmem:s2] =	stream.indirect.scatter.add.f32 [tilespmem:s11], [sflag:$0x2], $0x80, s7, s8, $0xb8;
	[tilespmem:$0x1E980] =	vst v63  }
0x18e: {  	_ =	swait.ge [sflag:s30], $0x2800  }
0x18f: {  	[sflag:s30] =	ssyncset.done $0x0  }
0x190: {  	[sflag:s30] =	ssyncadd.s32 $0xFFFFD800  }
0x191: {  	s15 =	stileid.u32  }
0x192: {  	[bflag:$0x0] =	sbarrier.arrive $0xFFFF;
	s15 =	sshll.u32 s15, $0x6  }
0x193: {  	s16 =	sshrl.u32 s10, $0x3;
	s17 =	rddreg [dreg:$0x13];
	s15 =	sor.u32 $0x1C02, s15  }
0x194: {  	[hbm:s17], [sflag:s15] =	dma.local [spmem:s16], $0x2800  }
0x195: {  	_ =	swait.ge [sflag:s30], $0x2800  }
0x196: {  	s14 =	sadd.s32 $0x1, s14;
	s20 =	rddreg [dreg:$0x14]  }
0x197: {  	p0 =	sne.s32 s14, s20  }
.Ltmp3:
0x198: {  	_ = 	snop;
	(pc) =	sbr.rel @p0 .LBB2_1-.Ltmp3, $3  }
0x199: {  	_ =	sdelay $0x1  }
0x19a: {  	[sflag:s30] =	ssyncset.done $0x0  }
0x19b: {  	[sflag:s30] =	ssyncadd.s32 $0xFFFFD800  }
0x19c: {  	_ =	sfence.sel $0x180000  }
0x19d: {  	[bflag:$0x0] =	sbarrier.arrive $0xFFFF  }
0x19e: {  	_ =	strace $0x9000004A  }
0x19f: {  	s0 =	stileid.u32;
	[bflag:$0x2] =	sbarrier.arrive $0xFFFF  }
0x1a0: {  	p0 =	sne.s32 s0, $0x0;
	s0 =	rddreg [dreg:$0x3]  }
0x1a1: {  	s0 =	sadd.s32 @!p0 $0x100000, s0  }
0x1a2: {  	[sflag:s0] =	ssyncadd.tile.s32 @!p0 $0x1;
	_ =	shalt  }
.Lfunc_end2:
_tile_overlayer_lowered:
.L_overlay_start_2:
0x1a3: {  	(tag) =	ssettag $0x2  }
0x1a4: {  	s0 =	rddreg [dreg:$0x0];
	s2 =	stileid.u32  }
0x1a5: {  	s1 =	rddreg [dreg:$0x1];
	p0 =	sne.s32 s2, $0x0  }
0x1a6: {  	s3 =	rddreg [dreg:$0x2];
	[bflag:$0x3] =	sbarrier.arrive $0xFFFF;
	s2 =	simm.s32 @!p0 $0x1C02  }
0x1a7: {  	[timem:s3], [sflag:s2] =	dma.local @!p0 [hbm:s0], s1  }
0x1a8: {  	s0 =	simm.s32 @!p0 $0x2  }
0x1a9: {  	_ =	swait.ge @!p0 [sflag:s0], s1  }
0x1aa: {  	s1 =	ssub.s32 @!p0 $0x0, s1;
	[sflag:s0] =	ssyncset.done @!p0 $0x0  }
0x1ab: {  	[sflag:s0] =	ssyncadd.s32 @!p0 s1  }
0x1ac: {  	[bflag:$0x3] =	sbarrier.arrive $0xFFFF  }
0x1ad: {  	_ =	shalt  }

// kernel: kernel.14.cloned.1.call-start
scs
__scs_entry_jumppad:
0x0: {  	(pc) =	sbr.rel $0x88, $3  }
0x1: {  	(tag) =	ssettag $0x0;
	lr =	simm.s32 $0x1  }
0x2: {  	[smem:$0x3F97] =	sst lr;
	_ =	strace $0xD0000000  }
0x3: {  	_ = 	snop  }
0x4: {  	_ = 	snop  }
0x5: {  	_ = 	snop  }
0x6: {  	_ = 	snop  }
0x7: {  	_ = 	snop  }
__scs_overlays_trampoline_lowered:
0x8: {  	[smem:$0x3FA6] =	sst s0  }
0x9: {  	[smem:$0x3FA7] =	sst s1  }
0xa: {  	[smem:$0x3FA8] =	sst s2  }
0xb: {  	[smem:$0x3FA9] =	sst s3  }
0xc: {  	[smem:$0x3FAA] =	sst s4  }
0xd: {  	[smem:$0x3FAB] =	sst s5  }
0xe: {  	[smem:$0x3FAC] =	sst s6  }
0xf: {  	[smem:$0x3FAD] =	sst s7  }
0x10: {  	[smem:$0x3FAE] =	sst s8  }
0x11: {  	[smem:$0x3FAF] =	sst s9;
	s0 =	simm.s32 @!p0 $0x0  }
0x12: {  	s1 =	sld [smem:$0x3F95];
	s0 =	simm.s32 @p0 $0x1  }
0x13: {  	[smem:$0x3FB0] =	sst s0;
	s0 =	simm.s32 @!p1 $0x0  }
0x14: {  	s2 =	sld [smem:$0x3F94];
	s0 =	simm.s32 @p1 $0x1  }
0x15: {  	[smem:$0x3FB1] =	sst s0;
	s0 =	simm.s32 @!p2 $0x0  }
0x16: {  	s3 =	sld [smem:$0x3FDB];
	s0 =	simm.s32 @p2 $0x1  }
0x17: {  	s4 =	simm.s32 $0x1BF5;
	[smem:$0x3FB3] =	sst s0  }
0x18: {  	s0 =	sld [smem:$0x3F96];
	_ =	swait.ge [sflag:s4], $0x0  }
0x19: {  	s7 =	sld [smem:$0x3F97]  }
0x1a: {  	s8 =	sadd.s32 $0xFFFFE003, lr  }
0x1b: {  	s9 =	sadd.s32 $0xFFFFFEF7, lr;
	s5 =	simm.s32 $0xFFFFFFFF;
	p2 =	slt.u32 s8, $0xFFFFF086  }
0x1c: {  	p1 =	slt.u32 s9, $0xF7A;
	s5 =	simm.s32 @!p2 $0x0  }
0x1d: {  	s5 =	simm.s32 @p1 $0x1;
	p0 =	seq.s32 s7, s2  }
0x1e: {  	s7 =	smul.u32 @!p0 $0xF7A, s2;
	p2 =	seq.s32 @!p0 s5, $0x0  }
0x1f: {  	s9 =	smul.u32 $0xF7A, s1;
	s8 =	simm.s32 @!p0 $0x1BF5;
	p2 =	por !p2, p0  }
0x20: {  	[sflag:s8] =	ssyncset.s32 @!p0 $0xFFFFF086;
	s6 =	sadd.s32 @!p0 s3, s7;
	s7 =	simm.s32 @!p0 $0x108  }
0x21: {  	s3 =	sadd.s32 s3, s9;
	s6 =	sadd.s32 @!p0 $0x88, s6;
	s7 =	simm.s32 @p2 $0x1082  }
0x22: {  	[simem:s7], [sflag:s8] =	dma.local @!p0 [hbm:s6], $0xF7A  }
0x23: {  	s9 =	sor.u32 $0xD0000000, s2;
	s6 =	simm.s32 $0x108;
	_ =	swait.ge @!p0 [sflag:s8], $0x0  }
0x24: {  	s3 =	sadd.s32 $0x88, s3;
	s6 =	simm.s32 @!p1 $0x1082;
	[sflag:s4] =	ssyncset.s32 $0xFFFFF086  }
0x25: {  	[simem:s6], [sflag:s4] =	dma.local [hbm:s3], $0xF7A  }
0x26: {  	[smem:$0x3F97] =	sst s1;
	(tag) =	ssettag s2;
	_ =	strace s9  }
0x27: {  	s1 =	sld [smem:$0x3FA7]  }
0x28: {  	s2 =	sld [smem:$0x3FA8]  }
0x29: {  	s4 =	sld [smem:$0x3FAA]  }
0x2a: {  	p0 =	seq.s32 s5, $0x0;
	s5 =	sld [smem:$0x3FAB]  }
0x2b: {  	s6 =	sld [smem:$0x3FAC]  }
0x2c: {  	s7 =	sld [smem:$0x3FAD]  }
0x2d: {  	s3 =	simm.s32 $0x108;
	s8 =	sld [smem:$0x3FAE]  }
0x2e: {  	s3 =	simm.s32 @!p0 $0x1082;
	s9 =	sld [smem:$0x3FAF]  }
0x2f: {  	lr =	sadd.s32 s0, s3;
	s0 =	sld [smem:$0x3FA6]  }
0x30: {  	s3 =	sld [smem:$0x3FA9]  }
0x31: {  	[smem:$0x3FB2] =	sst s10  }
0x32: {  	s10 =	sld [smem:$0x3FB0];
	_ =	sdelay $0x3  }
0x33: {  	p0 =	seq.s32 s10, $0x1;
	s10 =	sld [smem:$0x3FB2];
	_ =	sdelay $0x3  }
0x34: {  	[smem:$0x3FB2] =	sst s10  }
0x35: {  	s10 =	sld [smem:$0x3FB1];
	_ =	sdelay $0x3  }
0x36: {  	p1 =	seq.s32 s10, $0x1;
	s10 =	sld [smem:$0x3FB2];
	_ =	sdelay $0x3  }
0x37: {  	[smem:$0x3FB2] =	sst s10  }
0x38: {  	s10 =	sld [smem:$0x3FB3]  }
0x39: {  	_ = 	snop;
	(pc) =	sbr.ind lr, $3  }
0x3a: {  	_ = 	snop  }
0x3b: {  	_ = 	snop  }
0x3c: {  	p2 =	seq.s32 s10, $0x1;
	s10 =	sld [smem:$0x3FB2]  }
0x3d: {  	_ =	shalt  }
0x3e: {  	_ =	shalt  }
0x3f: {  	_ =	shalt  }
0x40: {  	_ =	shalt  }
0x41: {  	_ =	shalt  }
0x42: {  	_ =	shalt  }
0x43: {  	_ =	shalt  }
0x44: {  	_ =	shalt  }
0x45: {  	_ =	shalt  }
0x46: {  	_ =	shalt  }
0x47: {  	_ =	shalt  }
0x48: {  	_ =	shalt  }
0x49: {  	_ =	shalt  }
0x4a: {  	_ =	shalt  }
0x4b: {  	_ =	shalt  }
0x4c: {  	_ =	shalt  }
0x4d: {  	_ =	shalt  }
0x4e: {  	_ =	shalt  }
0x4f: {  	_ =	shalt  }
0x50: {  	_ =	shalt  }
0x51: {  	_ =	shalt  }
0x52: {  	_ =	shalt  }
0x53: {  	_ =	shalt  }
0x54: {  	_ =	shalt  }
0x55: {  	_ =	shalt  }
0x56: {  	_ =	shalt  }
0x57: {  	_ =	shalt  }
0x58: {  	_ =	shalt  }
0x59: {  	_ =	shalt  }
0x5a: {  	_ =	shalt  }
0x5b: {  	_ =	shalt  }
0x5c: {  	_ =	shalt  }
0x5d: {  	_ =	shalt  }
0x5e: {  	_ =	shalt  }
0x5f: {  	_ =	shalt  }
0x60: {  	_ =	shalt  }
0x61: {  	_ =	shalt  }
0x62: {  	_ =	shalt  }
0x63: {  	_ =	shalt  }
0x64: {  	_ =	shalt  }
0x65: {  	_ =	shalt  }
0x66: {  	_ =	shalt  }
0x67: {  	_ =	shalt  }
0x68: {  	_ =	shalt  }
0x69: {  	_ =	shalt  }
0x6a: {  	_ =	shalt  }
0x6b: {  	_ =	shalt  }
0x6c: {  	_ =	shalt  }
0x6d: {  	_ =	shalt  }
0x6e: {  	_ =	shalt  }
0x6f: {  	_ =	shalt  }
0x70: {  	_ =	shalt  }
0x71: {  	_ =	shalt  }
0x72: {  	_ =	shalt  }
0x73: {  	_ =	shalt  }
0x74: {  	_ =	shalt  }
0x75: {  	_ =	shalt  }
0x76: {  	_ =	shalt  }
0x77: {  	_ =	shalt  }
0x78: {  	_ =	shalt  }
0x79: {  	_ =	shalt  }
0x7a: {  	_ =	shalt  }
0x7b: {  	_ =	shalt  }
0x7c: {  	_ =	shalt  }
0x7d: {  	_ =	shalt  }
0x7e: {  	_ =	shalt  }
0x7f: {  	_ =	shalt  }
0x80: {  	_ =	shalt  }
0x81: {  	_ =	shalt  }
0x82: {  	_ =	shalt  }
0x83: {  	_ =	shalt  }
0x84: {  	_ =	shalt  }
0x85: {  	_ =	shalt  }
0x86: {  	_ =	shalt  }
0x87: {  	_ =	shalt  }
.Lfunc_end0:
.L_simem_size_0:
called_computation.2_lowered:
.L_overlay_start_0:
0x88: {  	s2 =	sld [smem:$0x3FD9]  }
0x89: {  	s3 =	sld [smem:$0x3FFE];
	_ =	sdelay $0x1  }
0x8a: {  	s1 =	srdreg.scid  }
0x8b: {  	s0 =	sand.u32 $0x1, s1  }
0x8c: {  	s17 =	sshll.u32 s0, $0xA;
	s2 =	sadd.s32 s3, s2  }
0x8d: {  	s2 =	sadd.s32 s2, s17  }
0x8e: {  	[smem:$0x3FBE] =	sst s2  }
0x8f: {  	_ = 	snop  }
0x90: {  	s2 =	sld [smem:$0x3FD0];
	(tm) =	ssettm $0x1  }
0x91: {  	s18 =	sld [smem:$0x3FFB];
	_ =	sdelay $0x3  }
0x92: {  	_ =	strace s18  }
0x93: {  	s3 =	sld [smem:$0x3FFC];
	_ =	sdelay $0x3  }
0x94: {  	_ =	strace s3  }
0x95: {  	s3 =	sld [smem:$0x3FFD];
	_ =	sdelay $0x3  }
0x96: {  	_ =	strace s3  }
0x97: {  	_ =	strace $0x8FFFFFFF  }
0x98: {  	s19 =	sld [smem:$0x3FDB];
	_ =	sdelay $0x1  }
0x99: {  	s4 =	simm.s32 $_scs_section_size  }
0x9a: {  	s5 =	simm.s32 $_size__tile_overlayer_lowered;
	s6 =	simm.s32 $_tile_overlayer_lowered  }
0x9b: {  	s22 =	simm.s32 $0x1BFF;
	s21 =	sshll.u32 s6, $0x1;
	s3 =	sadd.s32 s4, s19  }
0x9c: {  	s7 =	simm.s32 $0x0;
	s20 =	sshll.u32 s5, $0x1;
	s5 =	sadd.s32 s21, s3  }
0x9d: {  	[timem:s7], [sflag:s22] =	dma.local [hbm:s5], s20  }
0x9e: {  	_ =	swait.ge [sflag:s22], s20  }
0x9f: {  	s4 =	ssub.s32 $0x0, s20;
	[sflag:s22] =	ssyncset.done $0x0  }
0xa0: {  	[sflag:s22] =	ssyncadd.s32 s4;
	_ =	sdelay $0x1  }
0xa1: {  	s23 =	simm.s32 $0x1B8B  }
0xa2: {  	_ =	swait.ge [sflag:s23], $0x1  }
0xa3: {  	[sflag:s23] =	ssyncset.done $0x0  }
0xa4: {  	s25 =	simm.s32 $0x1B8E;
	s24 =	sld [smem:$0x3FFE];
	[sflag:s23] =	ssyncadd.s32 $0xFFFFFFFF  }
0xa5: {  	s26 =	simm.s32 $execute0_lowered;
	[smem:$0x3FD2] =	sst s25  }
0xa6: {  	s5 =	sshll.u32 s26, $0x1;
	_ =	strace $0x8000004C;
	[dreg:$0x1] =	wrdreg $0xFFFFFFFF  }
0xa7: {  	s28 =	simm.s32 $_size_execute0_lowered;
	s3 =	sadd.s32 s3, s5;
	[dreg:$0x0] =	wrdreg $0x0  }
0xa8: {  	s5 =	sshll.u32 s28, $0x1;
	[dreg:$0x2] =	wrdreg s3  }
0xa9: {  	[dreg:$0x3] =	wrdreg s5  }
0xaa: {  	[dreg:$0x4] =	wrdreg $0xC0  }
0xab: {  	_ =	task [dreg:s7], $0x5FFFF  }
0xac: {  	[dreg:$0x1] =	wrdreg $0xFFFFFFFF  }
0xad: {  	[dreg:$0x0] =	wrdreg $0x60  }
0xae: {  	[dreg:$0x2] =	wrdreg s24  }
0xaf: {  	[dreg:$0x3] =	wrdreg s2  }
0xb0: {  	[dreg:$0x4] =	wrdreg $0xA9800  }
0xb1: {  	[dreg:$0x5] =	wrdreg $0x9  }
0xb2: {  	_ =	task.clear_ibuf [dreg:s7], $0x6FFFF;
	_ =	strace $0x9000004C  }
0xb3: {  	s29 =	simm.s32 $0x9;
	_ =	strace $0x8000004E  }
0xb4: {  	_ =	swait.ge [sflag:s29], $0x1  }
0xb5: {  	[sflag:s29] =	ssyncadd.s32 $0xFFFFFFFF  }
0xb6: {  	_ =	strace $0x9000004E  }
0xb7: {  	_ =	sfence  }
0xb8: {  	s30 =	sld [smem:$0x0];
	_ =	sdelay $0x2  }
0xb9: {  	s31 =	sshll.u32 s1, $0xD;
	s1 =	sshrl.u32 s1, $0x2  }
0xba: {  	s3 =	sand.u32 $0x4000, s31;
	s1 =	sadd.s32 s1, s30  }
0xbb: {  	s0 =	sor.u32 s3, s0;
	s1 =	sshll.u32 s1, $0x11  }
0xbc: {  	s0 =	sor.u32 s1, s0  }
0xbd: {  	s0 =	sadd.s32 $0x8F2B, s0  }
0xbe: {  	[sflag:s0] =	ssyncadd.remote.s32 $0x1  }
0xbf: {  	_ =	sfence.sel $0xFFFF  }
0xc0: {  	[dreg:$0x0] =	wrdreg $0xFFFFFFFF;
	(pc) =	sbr.abs _section_cstart, $3  }
0xc1: {  	[dreg:$0x1] =	wrdreg $0xFFFFFFFF  }
0xc2: {  	_ =	task.clear_ibuf [dreg:s7], $0x2FFFF;
	_ =	strace $0x9FFFFFFF  }
0xc3: {  	(tm) =	ssettm $0x7FFFFFFF  }
tec
execute0_lowered:
.L_overlay_start_1:
0x0: {  	(tag) =	ssettag $0x1  }
0x1: {  	s0 =	rddreg [dreg:$0x0]  }
0x2: {  	s1 =	rddreg [dreg:$0x1]  }
0x3: {  	s2 =	rddreg [dreg:$0x2]  }
0x4: {  	s3 =	srdreg.scid;
	s10 =	stileid.u32  }
0x5: {  	s4 =	simm.s32 $0x0;
	s3 =	sand.u32 $0x1, s3;
	s7 =	smul.u32 $0x14000, s10  }
0x6: {  	[smem:$0x7FF] =	sst s4;
	s8 =	sadd.s32 $0x83600, s0;
	s6 =	smul.u32 $0x140000, s3  }
0x7: {  	_ =	strace $0x8000004D;
	[dreg:$0x4] =	wrdreg s8;
	s8 =	smul.u32 $0x50000, s10  }
0x8: {  	s25 =	sadd.s32 $0x83C00, s0  }
0x9: {  	s26 =	sadd.s32 $0xAB600, s0;
	s6 =	sadd.s32 s7, s6;
	s7 =	sshrl.u32 s8, $0x2  }
0xa: {  	s13 =	sshll.u32 s10, $0x1;
	[dreg:$0x5] =	wrdreg s25;
	s10 =	sadd.s32 s7, s2  }
0xb: {  	[dreg:$0x6] =	wrdreg s26;
	s7 =	sadd.s32 $0x800, s10  }
0xc: {  	s14 =	sadd.s32 $0x1000, s10;
	[dreg:$0x7] =	wrdreg s7  }
0xd: {  	s15 =	sadd.s32 $0x1800, s10;
	[dreg:$0x8] =	wrdreg s14  }
0xe: {  	s16 =	sadd.s32 $0x2000, s10;
	[dreg:$0x9] =	wrdreg s15  }
0xf: {  	s17 =	sadd.s32 $0x2800, s10;
	[dreg:$0xa] =	wrdreg s16  }
0x10: {  	s18 =	sadd.s32 $0x3000, s10;
	[dreg:$0xb] =	wrdreg s17  }
0x11: {  	s19 =	sadd.s32 $0x3800, s10;
	[dreg:$0xc] =	wrdreg s18  }
0x12: {  	s20 =	sadd.s32 $0x4000, s10;
	[dreg:$0xd] =	wrdreg s19  }
0x13: {  	s5 =	sadd.s32 $0xB600, s0;
	s21 =	sadd.s32 $0x4800, s10;
	[dreg:$0xe] =	wrdreg s20  }
0x14: {  	s9 =	sadd.s32 $0x1800, s0;
	s22 =	sadd.s32 $0x5000, s10;
	[dreg:$0xf] =	wrdreg s21  }
0x15: {  	s11 =	ssub.s32 $0x2, s3;
	s23 =	sadd.s32 $0x5800, s10;
	[dreg:$0x10] =	wrdreg s22  }
0x16: {  	s12 =	sshrl.u32 s11, $0x1;
	s24 =	sadd.s32 $0x6000, s10;
	[dreg:$0x11] =	wrdreg s23  }
0x17: {  	s6 =	sshrl.u32 s6, $0x3;
	s26 =	sadd.s32 $0x6800, s10;
	[dreg:$0x12] =	wrdreg s24  }
0x18: {  	s0 =	sadd.s32 s6, s0;
	s8 =	sadd.s32 $0x8800, s10;
	[dreg:$0x15] =	wrdreg s26  }
0x19: {  	s6 =	ssub.s32 s11, s12;
	s11 =	sadd.s32 $0x9000, s10;
	[dreg:$0x19] =	wrdreg s8  }
0x1a: {  	s12 =	sadd.s32 $0x9800, s10;
	[dreg:$0x1a] =	wrdreg s11  }
0x1b: {  	s3 =	sor.u32 s3, s13;
	s13 =	sadd.s32 $0xA000, s10;
	[dreg:$0x1b] =	wrdreg s12  }
0x1c: {  	s0 =	sadd.s32 $0xABC00, s0;
	[dreg:$0x1c] =	wrdreg s13  }
0x1d: {  	s25 =	smax.u32 s6, $0x1;
	[dreg:$0x13] =	wrdreg s0  }
0x1e: {  	s23 =	smul.u32 $0x2710, s3;
	s3 =	sadd.s32 $0x7000, s10;
	[dreg:$0x14] =	wrdreg s25  }
0x1f: {  	s6 =	sadd.s32 $0x7800, s10;
	[dreg:$0x16] =	wrdreg s3  }
0x20: {  	s7 =	sadd.s32 $0x8000, s10;
	[dreg:$0x17] =	wrdreg s6  }
0x21: {  	s14 =	sadd.s32 $0xA800, s10;
	[dreg:$0x18] =	wrdreg s7  }
0x22: {  	s15 =	sadd.s32 $0xB000, s10;
	[dreg:$0x1d] =	wrdreg s14  }
0x23: {  	s30 =	simm.s32 $0x2;
	s16 =	sadd.s32 $0xB800, s10;
	[dreg:$0x1e] =	wrdreg s15  }
0x24: {  	s31 =	simm.s32 $0x2800;
	s17 =	sadd.s32 $0xC000, s10;
	[dreg:$0x1f] =	wrdreg s16  }
0x25: {  	s28 =	sadd.s32 $0x13000, s10;
	s18 =	sadd.s32 $0xC800, s10;
	[smem:$0x7F5] =	sst s17  }
0x26: {  	s29 =	sadd.s32 $0x13800, s10;
	s19 =	sadd.s32 $0xD000, s10;
	[smem:$0x7F6] =	sst s18  }
0x27: {  	s20 =	sadd.s32 $0xD800, s10;
	s21 =	sadd.s32 $0xE000, s10;
	[smem:$0x7F7] =	sst s19  }
0x28: {  	s22 =	sadd.s32 $0xE800, s10;
	s24 =	sadd.s32 $0xF000, s10;
	[smem:$0x7F8] =	sst s20  }
0x29: {  	s26 =	sadd.s32 $0x10000, s10;
	s8 =	simm.s32 $0x50;
	[smem:$0x7F9] =	sst s21  }
0x2a: {  	s11 =	simm.s32 $0x7980;
	s12 =	simm.s32 $0x1;
	[smem:$0x7FA] =	sst s22  }
0x2b: {  	s13 =	simm.s32 $0x7900;
	[smem:$0x7FB] =	sst s24;
	s25 =	sadd.s32 $0xF800, s10  }
0x2c: {  	[smem:$0x7FD] =	sst s26;
	s21 =	sadd.s32 $0x10800, s10;
	s22 =	sadd.s32 $0x11000, s10  }
0x2d: {  	s24 =	sadd.s32 $0x11800, s10;
	s26 =	sadd.s32 $0x12800, s10;
	s0 =	simm.s32 $0x5000  }
0x2e: {  	v1 =	vimm.f32 $1.000000000e+00;
	s3 =	simm.s32 $0xA180;
	s6 =	simm.s32 $0x7800;
	s7 =	simm.s32 $0x7880  }
0x2f: {  	v0 =	vimm.f32 $0.0e+00;
	v1 =	vand.u32 $0x7FFFFFFF, v1;
	s14 =	simm.s32 $0x0;
	[smem:$0x7FC] =	sst s25;
	s25 =	sadd.s32 $0x12000, s10  }
.LBB2_1:
0x30: {  	s15 =	rddreg [dreg:$0x4]  }
0x31: {  	[tilespmem:s4], [sflag:$0x2] =	stream.linear.gather [hbm4b:s15+s4], $0x2800, $0x38;
	[tilespmem:$0x1E980] =	vst v63  }
0x32: {  	_ =	swait.ge [sflag:s30], $0x2800  }
0x33: {  	[sflag:s30] =	ssyncset.done $0x0  }
0x34: {  	s19 =	rddreg [dreg:$0x5];
	[sflag:s30] =	ssyncadd.s32 $0xFFFFD800  }
0x35: {  	[tilespmem:s31], [sflag:$0x2] =	stream.linear.gather [hbm4b:s19+s4], $0x2800, $0x38;
	[tilespmem:$0x1E980] =	vst v63  }
0x36: {  	_ =	swait.ge [sflag:s30], $0x2800  }
0x37: {  	[sflag:s30] =	ssyncset.done $0x0  }
0x38: {  	s20 =	rddreg [dreg:$0x6];
	[sflag:s30] =	ssyncadd.s32 $0xFFFFD800  }
0x39: {  	[tilespmem:s0], [sflag:$0x2] =	stream.linear.gather [hbm4b:s20+s4], $0x2800, $0x38;
	[tilespmem:$0x1E980] =	vst v63  }
0x3a: {  	_ =	swait.ge [sflag:s30], $0x2800  }
0x3b: {  	[sflag:s30] =	ssyncset.done $0x0  }
0x3c: {  	s16 =	simm.s32 $0x200;
	s15 =	simm.s32 $0x0;
	[sflag:s30] =	ssyncadd.s32 $0xFFFFD800  }
.LBB2_2:
0x3d: {  	p0 =	sne.s32 s16, $0x1E00;
	[tilespmem:s15+$0xA1F0] =	vst v0  }
0x3e: {  	[tilespmem:s15+$0xA180] =	vst v0  }
0x3f: {  	[tilespmem:s15+$0xA190] =	vst v0  }
.Ltmp0:
0x40: {  	[tilespmem:s15+$0xA1A0] =	vst v0;
	(pc) =	sbr.rel @p0 .LBB2_2-.Ltmp0, $4  }
0x41: {  	[tilespmem:s15+$0xA1B0] =	vst v0  }
0x42: {  	[tilespmem:s15+$0xA1C0] =	vst v0  }
0x43: {  	[tilespmem:s15+$0xA1D0] =	vst v0  }
0x44: {  	[tilespmem:s15+$0xA1E0] =	vst v0;
	s15 =	sshra.s32 s16, $0x2;
	s16 =	sadd.s32 $0x200, s16  }
0x45: {  	[tilespmem:s15+$0xA1F0] =	vst v0  }
0x46: {  	[tilespmem:s15+$0xA180] =	vst v0  }
0x47: {  	[tilespmem:s15+$0xA190] =	vst v0  }
0x48: {  	[tilespmem:s15+$0xA1A0] =	vst v0  }
0x49: {  	[tilespmem:s15+$0xA1B0] =	vst v0  }
0x4a: {  	[tilespmem:s15+$0xA1C0] =	vst v0  }
0x4b: {  	[tilespmem:s15+$0xA1D0] =	vst v0  }
0x4c: {  	[tilespmem:s15+$0xA1E0] =	vst v0  }
0x4d: {  	[spmem:s10] =	stream.linear.scatter [tilespmem:s3], [sflag:$0x2], $0x800, $0x38;
	[tilespmem:$0x1E980] =	vst v63  }
0x4e: {  	_ =	swait.ge [sflag:s30], $0x800  }
0x4f: {  	[sflag:s30] =	ssyncset.done $0x0  }
0x50: {  	s19 =	rddreg [dreg:$0x7];
	[sflag:s30] =	ssyncadd.s32 $0xFFFFF800  }
0x51: {  	[spmem:s19] =	stream.linear.scatter [tilespmem:s3], [sflag:$0x2], $0x800, $0x38;
	[tilespmem:$0x1E980] =	vst v63  }
0x52: {  	_ =	swait.ge [sflag:s30], $0x800  }
0x53: {  	[sflag:s30] =	ssyncset.done $0x0  }
0x54: {  	s20 =	rddreg [dreg:$0x8];
	[sflag:s30] =	ssyncadd.s32 $0xFFFFF800  }
0x55: {  	[spmem:s20] =	stream.linear.scatter [tilespmem:s3], [sflag:$0x2], $0x800, $0x38;
	[tilespmem:$0x1E980] =	vst v63  }
0x56: {  	_ =	swait.ge [sflag:s30], $0x800  }
0x57: {  	[sflag:s30] =	ssyncset.done $0x0  }
0x58: {  	s16 =	rddreg [dreg:$0x9];
	[sflag:s30] =	ssyncadd.s32 $0xFFFFF800  }
0x59: {  	[spmem:s16] =	stream.linear.scatter [tilespmem:s3], [sflag:$0x2], $0x800, $0x38;
	[tilespmem:$0x1E980] =	vst v63  }
0x5a: {  	_ =	swait.ge [sflag:s30], $0x800  }
0x5b: {  	[sflag:s30] =	ssyncset.done $0x0  }
0x5c: {  	s17 =	rddreg [dreg:$0xa];
	[sflag:s30] =	ssyncadd.s32 $0xFFFFF800  }
0x5d: {  	[spmem:s17] =	stream.linear.scatter [tilespmem:s3], [sflag:$0x2], $0x800, $0x38;
	[tilespmem:$0x1E980] =	vst v63  }
0x5e: {  	_ =	swait.ge [sflag:s30], $0x800  }
0x5f: {  	[sflag:s30] =	ssyncset.done $0x0  }
0x60: {  	s18 =	rddreg [dreg:$0xb];
	[sflag:s30] =	ssyncadd.s32 $0xFFFFF800  }
0x61: {  	[spmem:s18] =	stream.linear.scatter [tilespmem:s3], [sflag:$0x2], $0x800, $0x38;
	[tilespmem:$0x1E980] =	vst v63  }
0x62: {  	_ =	swait.ge [sflag:s30], $0x800  }
0x63: {  	[sflag:s30] =	ssyncset.done $0x0  }
0x64: {  	s19 =	rddreg [dreg:$0xc];
	[sflag:s30] =	ssyncadd.s32 $0xFFFFF800  }
0x65: {  	[spmem:s19] =	stream.linear.scatter [tilespmem:s3], [sflag:$0x2], $0x800, $0x38;
	[tilespmem:$0x1E980] =	vst v63  }
0x66: {  	_ =	swait.ge [sflag:s30], $0x800  }
0x67: {  	[sflag:s30] =	ssyncset.done $0x0  }
0x68: {  	s20 =	rddreg [dreg:$0xd];
	[sflag:s30] =	ssyncadd.s32 $0xFFFFF800  }
0x69: {  	[spmem:s20] =	stream.linear.scatter [tilespmem:s3], [sflag:$0x2], $0x800, $0x38;
	[tilespmem:$0x1E980] =	vst v63  }
0x6a: {  	_ =	swait.ge [sflag:s30], $0x800  }
0x6b: {  	[sflag:s30] =	ssyncset.done $0x0  }
0x6c: {  	s16 =	rddreg [dreg:$0xe];
	[sflag:s30] =	ssyncadd.s32 $0xFFFFF800  }
0x6d: {  	[spmem:s16] =	stream.linear.scatter [tilespmem:s3], [sflag:$0x2], $0x800, $0x38;
	[tilespmem:$0x1E980] =	vst v63  }
0x6e: {  	_ =	swait.ge [sflag:s30], $0x800  }
0x6f: {  	[sflag:s30] =	ssyncset.done $0x0  }
0x70: {  	s17 =	rddreg [dreg:$0xf];
	[sflag:s30] =	ssyncadd.s32 $0xFFFFF800  }
0x71: {  	[spmem:s17] =	stream.linear.scatter [tilespmem:s3], [sflag:$0x2], $0x800, $0x38;
	[tilespmem:$0x1E980] =	vst v63  }
0x72: {  	_ =	swait.ge [sflag:s30], $0x800  }
0x73: {  	[sflag:s30] =	ssyncset.done $0x0  }
0x74: {  	s18 =	rddreg [dreg:$0x10];
	[sflag:s30] =	ssyncadd.s32 $0xFFFFF800  }
0x75: {  	[spmem:s18] =	stream.linear.scatter [tilespmem:s3], [sflag:$0x2], $0x800, $0x38;
	[tilespmem:$0x1E980] =	vst v63  }
0x76: {  	_ =	swait.ge [sflag:s30], $0x800  }
0x77: {  	[sflag:s30] =	ssyncset.done $0x0  }
0x78: {  	s19 =	rddreg [dreg:$0x11];
	[sflag:s30] =	ssyncadd.s32 $0xFFFFF800  }
0x79: {  	[spmem:s19] =	stream.linear.scatter [tilespmem:s3], [sflag:$0x2], $0x800, $0x38;
	[tilespmem:$0x1E980] =	vst v63  }
0x7a: {  	_ =	swait.ge [sflag:s30], $0x800  }
0x7b: {  	[sflag:s30] =	ssyncset.done $0x0  }
0x7c: {  	s20 =	rddreg [dreg:$0x12];
	[sflag:s30] =	ssyncadd.s32 $0xFFFFF800  }
0x7d: {  	[spmem:s20] =	stream.linear.scatter [tilespmem:s3], [sflag:$0x2], $0x800, $0x38;
	[tilespmem:$0x1E980] =	vst v63  }
0x7e: {  	_ =	swait.ge [sflag:s30], $0x800  }
0x7f: {  	[sflag:s30] =	ssyncset.done $0x0  }
0x80: {  	s16 =	rddreg [dreg:$0x15];
	[sflag:s30] =	ssyncadd.s32 $0xFFFFF800  }
0x81: {  	[spmem:s16] =	stream.linear.scatter [tilespmem:s3], [sflag:$0x2], $0x800, $0x38;
	[tilespmem:$0x1E980] =	vst v63  }
0x82: {  	_ =	swait.ge [sflag:s30], $0x800  }
0x83: {  	[sflag:s30] =	ssyncset.done $0x0  }
0x84: {  	s17 =	rddreg [dreg:$0x16];
	[sflag:s30] =	ssyncadd.s32 $0xFFFFF800  }
0x85: {  	[spmem:s17] =	stream.linear.scatter [tilespmem:s3], [sflag:$0x2], $0x800, $0x38;
	[tilespmem:$0x1E980] =	vst v63  }
0x86: {  	_ =	swait.ge [sflag:s30], $0x800  }
0x87: {  	[sflag:s30] =	ssyncset.done $0x0  }
0x88: {  	s18 =	rddreg [dreg:$0x17];
	[sflag:s30] =	ssyncadd.s32 $0xFFFFF800  }
0x89: {  	[spmem:s18] =	stream.linear.scatter [tilespmem:s3], [sflag:$0x2], $0x800, $0x38;
	[tilespmem:$0x1E980] =	vst v63  }
0x8a: {  	_ =	swait.ge [sflag:s30], $0x800  }
0x8b: {  	[sflag:s30] =	ssyncset.done $0x0  }
0x8c: {  	s19 =	rddreg [dreg:$0x18];
	[sflag:s30] =	ssyncadd.s32 $0xFFFFF800  }
0x8d: {  	[spmem:s19] =	stream.linear.scatter [tilespmem:s3], [sflag:$0x2], $0x800, $0x38;
	[tilespmem:$0x1E980] =	vst v63  }
0x8e: {  	_ =	swait.ge [sflag:s30], $0x800  }
0x8f: {  	[sflag:s30] =	ssyncset.done $0x0  }
0x90: {  	s20 =	rddreg [dreg:$0x19];
	[sflag:s30] =	ssyncadd.s32 $0xFFFFF800  }
0x91: {  	[spmem:s20] =	stream.linear.scatter [tilespmem:s3], [sflag:$0x2], $0x800, $0x38;
	[tilespmem:$0x1E980] =	vst v63  }
0x92: {  	_ =	swait.ge [sflag:s30], $0x800  }
0x93: {  	[sflag:s30] =	ssyncset.done $0x0  }
0x94: {  	s16 =	rddreg [dreg:$0x1a];
	[sflag:s30] =	ssyncadd.s32 $0xFFFFF800  }
0x95: {  	[spmem:s16] =	stream.linear.scatter [tilespmem:s3], [sflag:$0x2], $0x800, $0x38;
	[tilespmem:$0x1E980] =	vst v63  }
0x96: {  	_ =	swait.ge [sflag:s30], $0x800  }
0x97: {  	[sflag:s30] =	ssyncset.done $0x0  }
0x98: {  	s17 =	rddreg [dreg:$0x1b];
	[sflag:s30] =	ssyncadd.s32 $0xFFFFF800  }
0x99: {  	[spmem:s17] =	stream.linear.scatter [tilespmem:s3], [sflag:$0x2], $0x800, $0x38;
	[tilespmem:$0x1E980] =	vst v63  }
0x9a: {  	_ =	swait.ge [sflag:s30], $0x800  }
0x9b: {  	[sflag:s30] =	ssyncset.done $0x0  }
0x9c: {  	s18 =	rddreg [dreg:$0x1c];
	[sflag:s30] =	ssyncadd.s32 $0xFFFFF800  }
0x9d: {  	[spmem:s18] =	stream.linear.scatter [tilespmem:s3], [sflag:$0x2], $0x800, $0x38;
	[tilespmem:$0x1E980] =	vst v63  }
0x9e: {  	_ =	swait.ge [sflag:s30], $0x800  }
0x9f: {  	[sflag:s30] =	ssyncset.done $0x0  }
0xa0: {  	s19 =	rddreg [dreg:$0x1d];
	[sflag:s30] =	ssyncadd.s32 $0xFFFFF800  }
0xa1: {  	[spmem:s19] =	stream.linear.scatter [tilespmem:s3], [sflag:$0x2], $0x800, $0x38;
	[tilespmem:$0x1E980] =	vst v63  }
0xa2: {  	_ =	swait.ge [sflag:s30], $0x800  }
0xa3: {  	[sflag:s30] =	ssyncset.done $0x0  }
0xa4: {  	s20 =	rddreg [dreg:$0x1e];
	[sflag:s30] =	ssyncadd.s32 $0xFFFFF800  }
0xa5: {  	[spmem:s20] =	stream.linear.scatter [tilespmem:s3], [sflag:$0x2], $0x800, $0x38;
	[tilespmem:$0x1E980] =	vst v63  }
0xa6: {  	_ =	swait.ge [sflag:s30], $0x800  }
0xa7: {  	[sflag:s30] =	ssyncset.done $0x0  }
0xa8: {  	s16 =	rddreg [dreg:$0x1f];
	[sflag:s30] =	ssyncadd.s32 $0xFFFFF800  }
0xa9: {  	[spmem:s16] =	stream.linear.scatter [tilespmem:s3], [sflag:$0x2], $0x800, $0x38;
	[tilespmem:$0x1E980] =	vst v63  }
0xaa: {  	_ =	swait.ge [sflag:s30], $0x800  }
0xab: {  	s17 =	sld [smem:$0x7F5]  }
0xac: {  	[sflag:s30] =	ssyncset.done $0x0  }
0xad: {  	[sflag:s30] =	ssyncadd.s32 $0xFFFFF800  }
0xae: {  	[spmem:s17] =	stream.linear.scatter [tilespmem:s3], [sflag:$0x2], $0x800, $0x38;
	[tilespmem:$0x1E980] =	vst v63  }
0xaf: {  	_ =	swait.ge [sflag:s30], $0x800  }
0xb0: {  	s18 =	sld [smem:$0x7F6]  }
0xb1: {  	[sflag:s30] =	ssyncset.done $0x0  }
0xb2: {  	[sflag:s30] =	ssyncadd.s32 $0xFFFFF800  }
0xb3: {  	[spmem:s18] =	stream.linear.scatter [tilespmem:s3], [sflag:$0x2], $0x800, $0x38;
	[tilespmem:$0x1E980] =	vst v63  }
0xb4: {  	_ =	swait.ge [sflag:s30], $0x800  }
0xb5: {  	s19 =	sld [smem:$0x7F7]  }
0xb6: {  	[sflag:s30] =	ssyncset.done $0x0  }
0xb7: {  	[sflag:s30] =	ssyncadd.s32 $0xFFFFF800  }
0xb8: {  	[spmem:s19] =	stream.linear.scatter [tilespmem:s3], [sflag:$0x2], $0x800, $0x38;
	[tilespmem:$0x1E980] =	vst v63  }
0xb9: {  	_ =	swait.ge [sflag:s30], $0x800  }
0xba: {  	s20 =	sld [smem:$0x7F8]  }
0xbb: {  	[sflag:s30] =	ssyncset.done $0x0  }
0xbc: {  	[sflag:s30] =	ssyncadd.s32 $0xFFFFF800  }
0xbd: {  	[spmem:s20] =	stream.linear.scatter [tilespmem:s3], [sflag:$0x2], $0x800, $0x38;
	[tilespmem:$0x1E980] =	vst v63  }
0xbe: {  	_ =	swait.ge [sflag:s30], $0x800  }
0xbf: {  	s16 =	sld [smem:$0x7F9]  }
0xc0: {  	[sflag:s30] =	ssyncset.done $0x0  }
0xc1: {  	[sflag:s30] =	ssyncadd.s32 $0xFFFFF800  }
0xc2: {  	[spmem:s16] =	stream.linear.scatter [tilespmem:s3], [sflag:$0x2], $0x800, $0x38;
	[tilespmem:$0x1E980] =	vst v63  }
0xc3: {  	_ =	swait.ge [sflag:s30], $0x800  }
0xc4: {  	s17 =	sld [smem:$0x7FA]  }
0xc5: {  	[sflag:s30] =	ssyncset.done $0x0  }
0xc6: {  	[sflag:s30] =	ssyncadd.s32 $0xFFFFF800  }
0xc7: {  	[spmem:s17] =	stream.linear.scatter [tilespmem:s3], [sflag:$0x2], $0x800, $0x38;
	[tilespmem:$0x1E980] =	vst v63  }
0xc8: {  	_ =	swait.ge [sflag:s30], $0x800  }
0xc9: {  	s18 =	sld [smem:$0x7FB]  }
0xca: {  	[sflag:s30] =	ssyncset.done $0x0  }
0xcb: {  	[sflag:s30] =	ssyncadd.s32 $0xFFFFF800  }
0xcc: {  	[spmem:s18] =	stream.linear.scatter [tilespmem:s3], [sflag:$0x2], $0x800, $0x38;
	[tilespmem:$0x1E980] =	vst v63  }
0xcd: {  	_ =	swait.ge [sflag:s30], $0x800  }
0xce: {  	s19 =	sld [smem:$0x7FC]  }
0xcf: {  	[sflag:s30] =	ssyncset.done $0x0  }
0xd0: {  	[sflag:s30] =	ssyncadd.s32 $0xFFFFF800  }
0xd1: {  	[spmem:s19] =	stream.linear.scatter [tilespmem:s3], [sflag:$0x2], $0x800, $0x38;
	[tilespmem:$0x1E980] =	vst v63  }
0xd2: {  	_ =	swait.ge [sflag:s30], $0x800  }
0xd3: {  	s20 =	sld [smem:$0x7FD]  }
0xd4: {  	[sflag:s30] =	ssyncset.done $0x0  }
0xd5: {  	[sflag:s30] =	ssyncadd.s32 $0xFFFFF800  }
0xd6: {  	[spmem:s20] =	stream.linear.scatter [tilespmem:s3], [sflag:$0x2], $0x800, $0x38;
	[tilespmem:$0x1E980] =	vst v63  }
0xd7: {  	_ =	swait.ge [sflag:s30], $0x800  }
0xd8: {  	[sflag:s30] =	ssyncset.done $0x0  }
0xd9: {  	[sflag:s30] =	ssyncadd.s32 $0xFFFFF800  }
0xda: {  	[spmem:s21] =	stream.linear.scatter [tilespmem:s3], [sflag:$0x2], $0x800, $0x38;
	[tilespmem:$0x1E980] =	vst v63  }
0xdb: {  	_ =	swait.ge [sflag:s30], $0x800  }
0xdc: {  	[sflag:s30] =	ssyncset.done $0x0  }
0xdd: {  	[sflag:s30] =	ssyncadd.s32 $0xFFFFF800  }
0xde: {  	[spmem:s22] =	stream.linear.scatter [tilespmem:s3], [sflag:$0x2], $0x800, $0x38;
	[tilespmem:$0x1E980] =	vst v63  }
0xdf: {  	_ =	swait.ge [sflag:s30], $0x800  }
0xe0: {  	[sflag:s30] =	ssyncset.done $0x0  }
0xe1: {  	[sflag:s30] =	ssyncadd.s32 $0xFFFFF800  }
0xe2: {  	[spmem:s24] =	stream.linear.scatter [tilespmem:s3], [sflag:$0x2], $0x800, $0x38;
	[tilespmem:$0x1E980] =	vst v63  }
0xe3: {  	_ =	swait.ge [sflag:s30], $0x800  }
0xe4: {  	[sflag:s30] =	ssyncset.done $0x0  }
0xe5: {  	[sflag:s30] =	ssyncadd.s32 $0xFFFFF800  }
0xe6: {  	[spmem:s25] =	stream.linear.scatter [tilespmem:s3], [sflag:$0x2], $0x800, $0x38;
	[tilespmem:$0x1E980] =	vst v63  }
0xe7: {  	_ =	swait.ge [sflag:s30], $0x800  }
0xe8: {  	[sflag:s30] =	ssyncset.done $0x0  }
0xe9: {  	[sflag:s30] =	ssyncadd.s32 $0xFFFFF800  }
0xea: {  	[spmem:s26] =	stream.linear.scatter [tilespmem:s3], [sflag:$0x2], $0x800, $0x38;
	[tilespmem:$0x1E980] =	vst v63  }
0xeb: {  	_ =	swait.ge [sflag:s30], $0x800  }
0xec: {  	[sflag:s30] =	ssyncset.done $0x0  }
0xed: {  	[sflag:s30] =	ssyncadd.s32 $0xFFFFF800  }
0xee: {  	[spmem:s28] =	stream.linear.scatter [tilespmem:s3], [sflag:$0x2], $0x800, $0x38;
	[tilespmem:$0x1E980] =	vst v63  }
0xef: {  	_ =	swait.ge [sflag:s30], $0x800  }
0xf0: {  	[sflag:s30] =	ssyncset.done $0x0  }
0xf1: {  	[sflag:s30] =	ssyncadd.s32 $0xFFFFF800  }
0xf2: {  	[spmem:s29] =	stream.linear.scatter [tilespmem:s3], [sflag:$0x2], $0x800, $0x38;
	[tilespmem:$0x1E980] =	vst v63  }
0xf3: {  	_ =	swait.ge [sflag:s30], $0x800  }
0xf4: {  	[sflag:s30] =	ssyncset.done $0x0  }
0xf5: {  	[sflag:s30] =	ssyncadd.s32 $0xFFFFF800  }
0xf6: {  	s15 =	simm.s32 $0x0;
	s16 =	simm.s32 $0x0;
	[bflag:$0x0] =	sbarrier.arrive $0xFFFF  }
.LBB2_4:
0xf7: {  	s17 =	smul.u32 $0x50, s16;
	_ =	sdelay $0x1  }
0xf8: {  	s17 =	sadd.s32 s23, s17  }
0xf9: {  	s17 =	sshrl.u32 s17, $0x3  }
0xfa: {  	s18 =	sadd.s32 s1, s17  }
0xfb: {  	[tilespmem:s6], [sflag:$0x2] =	stream.linear.gather [hbm4b:s18+s15], $0x50, $0x38;
	[tilespmem:$0x1E980] =	vst v63  }
0xfc: {  	_ =	swait.ge [sflag:s30], $0x50  }
0xfd: {  	[sflag:s30] =	ssyncset.done $0x0  }
0xfe: {  	s17 =	sadd.s32 s9, s17;
	[sflag:s30] =	ssyncadd.s32 $0xFFFFFFB0  }
0xff: {  	[tilespmem:s7], [sflag:$0x2] =	stream.linear.gather [hbm4b:s17+s15], $0x50, $0x38;
	[tilespmem:$0x1E980] =	vst v63  }
0x100: {  	_ =	swait.ge [sflag:s30], $0x50  }
0x101: {  	[sflag:s30] =	ssyncset.done $0x0  }
0x102: {  	[sflag:s30] =	ssyncadd.s32 $0xFFFFFFB0  }
0x103: {  	[tilespmem:s11], [sflag:$0x1] =	stream.indirect.gather [hbm4b:s5+s8], $0x80, s6, s8, $0xb8;
	[tilespmem:$0x1E980] =	vst v63  }
0x104: {  	v2 =	vld [tilespmem:$0x7800]  }
0x105: {  	v3 =	vld [tilespmem:$0x7880];
	_ =	sdelay $0x6  }
0x106: {  	v4 =	vld.idx.msk [tilespmem:v2+s15+$0x0], $0xffff  }
0x107: {  	v5 =	vld.idx.msk [tilespmem:v3+s31+$0x0], $0xffff;
	_ =	sdelay $0x4  }
0x108: {  	v4 =	vadd.f32 v5, v4;
	_ =	sdelay $0x1  }
0x109: {  	v5 =	vand.u32 $0x7FFFFFFF, v4  }
0x10a: {  	v5 =	vmul.f32 $-2.000000000e+00, v5;
	_ =	sdelay $0x1  }
0x10b: {  	v5 =	vmul.f32 $1.442695020e+00, v5;
	_ =	sdelay $0x1  }
0x10c: {  	(erf) = vpow2.f32 v5;
	_ =	sdelay $0x8  }
0x10d: {  	v5 =	vpop (erf)  }
0x10e: {  	v6 =	vadd.f32 $1.000000000e+00, v5;
	_ =	sdelay $0x1  }
0x10f: {  	(erf) = vrcp.f32 v6;
	_ =	sdelay $0x3  }
0x110: {  	vm0 =	vlt.f32 v4, $0.0e+00  }
0x111: {  	vm1 =	vgt.f32 v4, $0.0e+00;
	v5 =	vsub.f32 $1.000000000e+00, v5;
	v6 =	vand.u32 $0x80000000, v4  }
0x112: {  	vm0 =	vmor vm1, vm0;
	v6 =	vor.u32 v6, v1  }
0x113: {  	v2 =	vld.idx.msk [tilespmem:v2+s0+$0x0], $0xffff;
	v4 =	vsel vm0, v6, v4  }
0x114: {  	v3 =	vld.idx.msk [tilespmem:v3+s0+$0x0], $0xffff;
	v4 =	vmul.f32 v5, v4  }
0x115: {  	v6 =	vld [tilespmem:$0x7810];
	v5 =	vpop (erf)  }
0x116: {  	v4 =	vmul.f32 v5, v4;
	v5 =	vld [tilespmem:$0x7890];
	_ =	sdelay $0x1  }
0x117: {  	v2 =	vmul.f32 v4, v2;
	_ =	sdelay $0x1  }
0x118: {  	v2 =	vmul.f32 v2, v3;
	_ =	sdelay $0x1  }
0x119: {  	[tilespmem:$0x7900] =	vst v2  }
0x11a: {  	v2 =	vld.idx.msk [tilespmem:v6+s15+$0x0], $0xffff  }
0x11b: {  	v3 =	vld.idx.msk [tilespmem:v5+s31+$0x0], $0xffff;
	_ =	sdelay $0x4  }
0x11c: {  	v2 =	vadd.f32 v3, v2;
	_ =	sdelay $0x1  }
0x11d: {  	v3 =	vand.u32 $0x7FFFFFFF, v2  }
0x11e: {  	v3 =	vmul.f32 $-2.000000000e+00, v3;
	_ =	sdelay $0x1  }
0x11f: {  	v3 =	vmul.f32 $1.442695020e+00, v3;
	_ =	sdelay $0x1  }
0x120: {  	(erf) = vpow2.f32 v3;
	_ =	sdelay $0x8  }
0x121: {  	v3 =	vpop (erf)  }
0x122: {  	v4 =	vadd.f32 $1.000000000e+00, v3;
	_ =	sdelay $0x1  }
0x123: {  	(erf) = vrcp.f32 v4;
	_ =	sdelay $0x4  }
0x124: {  	vm8 =	vlt.f32 v2, $0.0e+00;
	vm9 =	vgt.f32 v2, $0.0e+00;
	v4 =	vand.u32 $0x80000000, v2  }
0x125: {  	vm0 =	vmor vm9, vm8;
	v3 =	vsub.f32 $1.000000000e+00, v3;
	v4 =	vor.u32 v4, v1  }
0x126: {  	v2 =	vsel vm0, v4, v2;
	v4 =	vld.idx.msk [tilespmem:v6+s0+$0x0], $0xffff  }
0x127: {  	v6 =	vld [tilespmem:$0x7820];
	v2 =	vmul.f32 v3, v2  }
0x128: {  	v3 =	vld.idx.msk [tilespmem:v5+s0+$0x0], $0xffff;
	v5 =	vpop (erf)  }
0x129: {  	v2 =	vmul.f32 v5, v2;
	v5 =	vld [tilespmem:$0x78A0];
	_ =	sdelay $0x1  }
0x12a: {  	v2 =	vmul.f32 v2, v4;
	_ =	sdelay $0x1  }
0x12b: {  	v2 =	vmul.f32 v2, v3;
	_ =	sdelay $0x1  }
0x12c: {  	[tilespmem:$0x7910] =	vst v2  }
0x12d: {  	v2 =	vld.idx.msk [tilespmem:v6+s15+$0x0], $0xffff  }
0x12e: {  	v3 =	vld.idx.msk [tilespmem:v5+s31+$0x0], $0xffff;
	_ =	sdelay $0x4  }
0x12f: {  	v2 =	vadd.f32 v3, v2;
	_ =	sdelay $0x1  }
0x130: {  	v3 =	vand.u32 $0x7FFFFFFF, v2  }
0x131: {  	v3 =	vmul.f32 $-2.000000000e+00, v3;
	_ =	sdelay $0x1  }
0x132: {  	v3 =	vmul.f32 $1.442695020e+00, v3;
	_ =	sdelay $0x1  }
0x133: {  	(erf) = vpow2.f32 v3;
	_ =	sdelay $0x8  }
0x134: {  	v3 =	vpop (erf)  }
0x135: {  	v4 =	vadd.f32 $1.000000000e+00, v3;
	_ =	sdelay $0x1  }
0x136: {  	(erf) = vrcp.f32 v4;
	_ =	sdelay $0x4  }
0x137: {  	vm10 =	vlt.f32 v2, $0.0e+00;
	vm11 =	vgt.f32 v2, $0.0e+00;
	v4 =	vand.u32 $0x80000000, v2  }
0x138: {  	vm0 =	vmor vm11, vm10;
	v3 =	vsub.f32 $1.000000000e+00, v3;
	v4 =	vor.u32 v4, v1  }
0x139: {  	v2 =	vsel vm0, v4, v2;
	v4 =	vld.idx.msk [tilespmem:v6+s0+$0x0], $0xffff  }
0x13a: {  	v6 =	vld [tilespmem:$0x7830];
	v2 =	vmul.f32 v3, v2  }
0x13b: {  	v3 =	vld.idx.msk [tilespmem:v5+s0+$0x0], $0xffff;
	v5 =	vpop (erf)  }
0x13c: {  	v2 =	vmul.f32 v5, v2;
	v5 =	vld [tilespmem:$0x78B0];
	_ =	sdelay $0x1  }
0x13d: {  	v2 =	vmul.f32 v2, v4;
	_ =	sdelay $0x1  }
0x13e: {  	v2 =	vmul.f32 v2, v3;
	_ =	sdelay $0x1  }
0x13f: {  	[tilespmem:$0x7920] =	vst v2  }
0x140: {  	v2 =	vld.idx.msk [tilespmem:v6+s15+$0x0], $0xffff  }
0x141: {  	v3 =	vld.idx.msk [tilespmem:v5+s31+$0x0], $0xffff;
	_ =	sdelay $0x4  }
0x142: {  	v2 =	vadd.f32 v3, v2;
	_ =	sdelay $0x1  }
0x143: {  	v3 =	vand.u32 $0x7FFFFFFF, v2  }
0x144: {  	v3 =	vmul.f32 $-2.000000000e+00, v3;
	_ =	sdelay $0x1  }
0x145: {  	v3 =	vmul.f32 $1.442695020e+00, v3;
	_ =	sdelay $0x1  }
0x146: {  	(erf) = vpow2.f32 v3;
	_ =	sdelay $0x8  }
0x147: {  	v3 =	vpop (erf)  }
0x148: {  	v4 =	vadd.f32 $1.000000000e+00, v3;
	_ =	sdelay $0x1  }
0x149: {  	(erf) = vrcp.f32 v4;
	_ =	sdelay $0x4  }
0x14a: {  	vm12 =	vlt.f32 v2, $0.0e+00;
	vm13 =	vgt.f32 v2, $0.0e+00;
	v4 =	vand.u32 $0x80000000, v2  }
0x14b: {  	vm0 =	vmor vm13, vm12;
	v3 =	vsub.f32 $1.000000000e+00, v3;
	v4 =	vor.u32 v4, v1  }
0x14c: {  	v2 =	vsel vm0, v4, v2;
	v4 =	vld.idx.msk [tilespmem:v6+s0+$0x0], $0xffff  }
0x14d: {  	v6 =	vld [tilespmem:$0x7840];
	v2 =	vmul.f32 v3, v2  }
0x14e: {  	v3 =	vld.idx.msk [tilespmem:v5+s0+$0x0], $0xffff;
	v5 =	vpop (erf)  }
0x14f: {  	v2 =	vmul.f32 v5, v2;
	v5 =	vld [tilespmem:$0x78C0];
	_ =	sdelay $0x1  }
0x150: {  	v2 =	vmul.f32 v2, v4;
	_ =	sdelay $0x1  }
0x151: {  	v2 =	vmul.f32 v2, v3;
	_ =	sdelay $0x1  }
0x152: {  	[tilespmem:$0x7930] =	vst v2  }
0x153: {  	v2 =	vld.idx.msk [tilespmem:v6+s15+$0x0], $0xffff  }
0x154: {  	v3 =	vld.idx.msk [tilespmem:v5+s31+$0x0], $0xffff;
	_ =	sdelay $0x4  }
0x155: {  	v2 =	vadd.f32 v3, v2;
	_ =	sdelay $0x1  }
0x156: {  	v3 =	vand.u32 $0x7FFFFFFF, v2  }
0x157: {  	v3 =	vmul.f32 $-2.000000000e+00, v3;
	_ =	sdelay $0x1  }
0x158: {  	v3 =	vmul.f32 $1.442695020e+00, v3;
	_ =	sdelay $0x1  }
0x159: {  	(erf) = vpow2.f32 v3;
	_ =	sdelay $0x8  }
0x15a: {  	v3 =	vpop (erf)  }
0x15b: {  	v4 =	vadd.f32 $1.000000000e+00, v3;
	_ =	sdelay $0x1  }
0x15c: {  	(erf) = vrcp.f32 v4;
	_ =	sdelay $0x3  }
0x15d: {  	vm14 =	vlt.f32 v2, $0.0e+00  }
0x15e: {  	vm15 =	vgt.f32 v2, $0.0e+00;
	v3 =	vsub.f32 $1.000000000e+00, v3;
	v4 =	vand.u32 $0x80000000, v2  }
0x15f: {  	vm0 =	vmor vm15, vm14;
	v4 =	vor.u32 v4, v1  }
0x160: {  	v2 =	vsel vm0, v4, v2;
	v4 =	vld.idx.msk [tilespmem:v6+s0+$0x0], $0xffff  }
0x161: {  	v2 =	vmul.f32 v3, v2  }
0x162: {  	v5 =	vld.idx.msk [tilespmem:v5+s0+$0x0], $0xffff;
	v3 =	vpop (erf)  }
0x163: {  	v2 =	vmul.f32 v3, v2;
	_ =	sdelay $0x1  }
0x164: {  	v2 =	vmul.f32 v2, v4;
	_ =	sdelay $0x1  }
0x165: {  	v2 =	vmul.f32 v2, v5;
	_ =	sdelay $0x1  }
0x166: {  	[tilespmem:$0x7940] =	vst v2  }
0x167: {  	_ =	swait.ge [sflag:s12], $0x2800  }
0x168: {  	v2 =	vmov s15;
	[sflag:s12] =	ssyncset.done $0x0  }
0x169: {  	s17 =	simm.s32 $0x79C0;
	[sflag:s12] =	ssyncadd.s32 $0xFFFFD800  }
0x16a: {  	v6 =	vld [tilespmem:s17+$0x30]  }
0x16b: {  	v9 =	vld [tilespmem:s17+$0x10]  }
0x16c: {  	v7 =	vld [tilespmem:s17+$0xFFFFFFC0]  }
0x16d: {  	v3 =	vld.idx.msk [tilespmem:v2+s13+$0x0], $0xffff  }
0x16e: {  	v11 =	vld [tilespmem:s17+$0xFFFFFFE0]  }
0x16f: {  	v4 =	vld [tilespmem:s17+$0x20]  }
0x170: {  	v5 =	vld [tilespmem:s17+$0xFFFFFFD0]  }
0x171: {  	v2 =	vld [tilespmem:s17+$0xFFFFFFF0]  }
0x172: {  	v10 =	vmul.f32 v6, v3;
	v6 =	vld [tilespmem:s17+$0x0]  }
0x173: {  	v8 =	vmul.f32 v7, v3  }
0x174: {  	s19 =	simm.s32 $0x79C0;
	s18 =	simm.s32 $0x1;
	v7 =	vmul.f32 v11, v3;
	v9 =	vmul.f32 v9, v3  }
.LBB2_5:
0x175: {  	p0 =	sne.s32 s18, $0x4F  }
0x176: {  	v5 =	vmul.f32 v5, v3;
	v4 =	vmul.f32 v4, v3;
	[tilespmem:s17+$0x30] =	vst v10;
	s19 =	sadd.s32 $0x80, s19;
	s20 =	smov.u32 s18;
	s18 =	sadd.s32 $0x1, s18  }
0x177: {  	[tilespmem:s17+$0xFFFFFFC0] =	vst v8;
	v8 =	vmul.f32 v2, v3;
	v3 =	vmul.f32 v6, v3  }
0x178: {  	[tilespmem:s17+$0x10] =	vst v9  }
0x179: {  	v6 =	vmov s20;
	[tilespmem:s17+$0xFFFFFFE0] =	vst v7  }
0x17a: {  	v2 =	vld [tilespmem:s19+$0xFFFFFFF0];
	[tilespmem:s17+$0xFFFFFFF0] =	vst v8  }
0x17b: {  	v7 =	vld [tilespmem:s19+$0x30];
	[tilespmem:s17+$0x0] =	vst v3  }
0x17c: {  	v9 =	vld [tilespmem:s19+$0x10];
	[tilespmem:s17+$0x20] =	vst v4  }
0x17d: {  	v8 =	vld [tilespmem:s19+$0xFFFFFFC0];
	[tilespmem:s17+$0xFFFFFFD0] =	vst v5;
	s17 =	smov.u32 s19  }
0x17e: {  	v3 =	vld.idx.msk [tilespmem:v6+s13+$0x0], $0xffff  }
0x17f: {  	v11 =	vld [tilespmem:s19+$0xFFFFFFE0]  }
0x180: {  	v4 =	vld [tilespmem:s19+$0x20]  }
.Ltmp1:
0x181: {  	v5 =	vld [tilespmem:s19+$0xFFFFFFD0];
	(pc) =	sbr.rel @p0 .LBB2_5-.Ltmp1, $3  }
0x182: {  	v6 =	vld [tilespmem:s19+$0x0];
	_ =	sdelay $0x1  }
0x183: {  	v8 =	vmul.f32 v8, v3;
	v10 =	vmul.f32 v7, v3  }
0x184: {  	v9 =	vmul.f32 v9, v3;
	v7 =	vmul.f32 v11, v3  }
0x185: {  	[tilespmem:s17+$0x30] =	vst v10  }
0x186: {  	[tilespmem:s17+$0xFFFFFFC0] =	vst v8  }
0x187: {  	v2 =	vmul.f32 v2, v3;
	[tilespmem:s17+$0x10] =	vst v9  }
0x188: {  	v4 =	vmul.f32 v4, v3;
	[tilespmem:s17+$0xFFFFFFE0] =	vst v7  }
0x189: {  	v6 =	vmul.f32 v6, v3;
	[tilespmem:s17+$0xFFFFFFF0] =	vst v2  }
0x18a: {  	s16 =	sadd.s32 $0x1, s16;
	v2 =	vmul.f32 v5, v3;
	[tilespmem:s17+$0x20] =	vst v4  }
0x18b: {  	p0 =	sne.s32 s16, $0x7D;
	[tilespmem:s17+$0x0] =	vst v6  }
.Ltmp2:
0x18c: {  	[tilespmem:s17+$0xFFFFFFD0] =	vst v2;
	(pc) =	sbr.rel @p0 .LBB2_4-.Ltmp2, $4  }
0x18d: {  	[spmem:s2] =	stream.indirect.scatter.add.f32 [tilespmem:s11], [sflag:$0x2], $0x80, s7, s8, $0xb8;
	[tilespmem:$0x1E980] =	vst v63  }
0x18e: {  	_ =	swait.ge [sflag:s30], $0x2800  }
0x18f: {  	[sflag:s30] =	ssyncset.done $0x0  }
0x190: {  	[sflag:s30] =	ssyncadd.s32 $0xFFFFD800  }
0x191: {  	s15 =	stileid.u32  }
0x192: {  	[bflag:$0x0] =	sbarrier.arrive $0xFFFF;
	s15 =	sshll.u32 s15, $0x6  }
0x193: {  	s16 =	sshrl.u32 s10, $0x3;
	s17 =	rddreg [dreg:$0x13];
	s15 =	sor.u32 $0x1C02, s15  }
0x194: {  	[hbm:s17], [sflag:s15] =	dma.local [spmem:s16], $0x2800  }
0x195: {  	_ =	swait.ge [sflag:s30], $0x2800  }
0x196: {  	s14 =	sadd.s32 $0x1, s14;
	s20 =	rddreg [dreg:$0x14]  }
0x197: {  	p0 =	sne.s32 s14, s20  }
.Ltmp3:
0x198: {  	_ = 	snop;
	(pc) =	sbr.rel @p0 .LBB2_1-.Ltmp3, $3  }
0x199: {  	_ =	sdelay $0x1  }
0x19a: {  	[sflag:s30] =	ssyncset.done $0x0  }
0x19b: {  	[sflag:s30] =	ssyncadd.s32 $0xFFFFD800  }
0x19c: {  	_ =	sfence.sel $0x180000  }
0x19d: {  	[bflag:$0x0] =	sbarrier.arrive $0xFFFF  }
0x19e: {  	_ =	strace $0x9000004D  }
0x19f: {  	s0 =	stileid.u32;
	[bflag:$0x2] =	sbarrier.arrive $0xFFFF  }
0x1a0: {  	p0 =	sne.s32 s0, $0x0;
	s0 =	rddreg [dreg:$0x3]  }
0x1a1: {  	s0 =	sadd.s32 @!p0 $0x100000, s0  }
0x1a2: {  	[sflag:s0] =	ssyncadd.tile.s32 @!p0 $0x1;
	_ =	shalt  }
.Lfunc_end2:
_tile_overlayer_lowered:
.L_overlay_start_2:
0x1a3: {  	(tag) =	ssettag $0x2  }
0x1a4: {  	s0 =	rddreg [dreg:$0x0];
	s2 =	stileid.u32  }
0x1a5: {  	s1 =	rddreg [dreg:$0x1];
	p0 =	sne.s32 s2, $0x0  }
0x1a6: {  	s3 =	rddreg [dreg:$0x2];
	[bflag:$0x3] =	sbarrier.arrive $0xFFFF;
	s2 =	simm.s32 @!p0 $0x1C02  }
0x1a7: {  	[timem:s3], [sflag:s2] =	dma.local @!p0 [hbm:s0], s1  }
0x1a8: {  	s0 =	simm.s32 @!p0 $0x2  }
0x1a9: {  	_ =	swait.ge @!p0 [sflag:s0], s1  }
0x1aa: {  	s1 =	ssub.s32 @!p0 $0x0, s1;
	[sflag:s0] =	ssyncset.done @!p0 $0x0  }
0x1ab: {  	[sflag:s0] =	ssyncadd.s32 @!p0 s1  }
0x1ac: {  	[bflag:$0x3] =	sbarrier.arrive $0xFFFF  }
0x1ad: {  	_ =	shalt  }

// kernel: kernel.8.cloned.1.call-start
scs
__scs_entry_jumppad:
0x0: {  	(pc) =	sbr.rel $0x88, $3  }
0x1: {  	(tag) =	ssettag $0x0;
	lr =	simm.s32 $0x1  }
0x2: {  	[smem:$0x3F97] =	sst lr;
	_ =	strace $0xD0000000  }
0x3: {  	_ = 	snop  }
0x4: {  	_ = 	snop  }
0x5: {  	_ = 	snop  }
0x6: {  	_ = 	snop  }
0x7: {  	_ = 	snop  }
__scs_overlays_trampoline_lowered:
0x8: {  	[smem:$0x3FA6] =	sst s0  }
0x9: {  	[smem:$0x3FA7] =	sst s1  }
0xa: {  	[smem:$0x3FA8] =	sst s2  }
0xb: {  	[smem:$0x3FA9] =	sst s3  }
0xc: {  	[smem:$0x3FAA] =	sst s4  }
0xd: {  	[smem:$0x3FAB] =	sst s5  }
0xe: {  	[smem:$0x3FAC] =	sst s6  }
0xf: {  	[smem:$0x3FAD] =	sst s7  }
0x10: {  	[smem:$0x3FAE] =	sst s8  }
0x11: {  	[smem:$0x3FAF] =	sst s9;
	s0 =	simm.s32 @!p0 $0x0  }
0x12: {  	s1 =	sld [smem:$0x3F95];
	s0 =	simm.s32 @p0 $0x1  }
0x13: {  	[smem:$0x3FB0] =	sst s0;
	s0 =	simm.s32 @!p1 $0x0  }
0x14: {  	s2 =	sld [smem:$0x3F94];
	s0 =	simm.s32 @p1 $0x1  }
0x15: {  	[smem:$0x3FB1] =	sst s0;
	s0 =	simm.s32 @!p2 $0x0  }
0x16: {  	s3 =	sld [smem:$0x3FDB];
	s0 =	simm.s32 @p2 $0x1  }
0x17: {  	s4 =	simm.s32 $0x1BF5;
	[smem:$0x3FB3] =	sst s0  }
0x18: {  	s0 =	sld [smem:$0x3F96];
	_ =	swait.ge [sflag:s4], $0x0  }
0x19: {  	s7 =	sld [smem:$0x3F97]  }
0x1a: {  	s8 =	sadd.s32 $0xFFFFE003, lr  }
0x1b: {  	s9 =	sadd.s32 $0xFFFFFEF7, lr;
	s5 =	simm.s32 $0xFFFFFFFF;
	p2 =	slt.u32 s8, $0xFFFFF086  }
0x1c: {  	p1 =	slt.u32 s9, $0xF7A;
	s5 =	simm.s32 @!p2 $0x0  }
0x1d: {  	s5 =	simm.s32 @p1 $0x1;
	p0 =	seq.s32 s7, s2  }
0x1e: {  	s7 =	smul.u32 @!p0 $0xF7A, s2;
	p2 =	seq.s32 @!p0 s5, $0x0  }
0x1f: {  	s9 =	smul.u32 $0xF7A, s1;
	s8 =	simm.s32 @!p0 $0x1BF5;
	p2 =	por !p2, p0  }
0x20: {  	[sflag:s8] =	ssyncset.s32 @!p0 $0xFFFFF086;
	s6 =	sadd.s32 @!p0 s3, s7;
	s7 =	simm.s32 @!p0 $0x108  }
0x21: {  	s3 =	sadd.s32 s3, s9;
	s6 =	sadd.s32 @!p0 $0x88, s6;
	s7 =	simm.s32 @p2 $0x1082  }
0x22: {  	[simem:s7], [sflag:s8] =	dma.local @!p0 [hbm:s6], $0xF7A  }
0x23: {  	s9 =	sor.u32 $0xD0000000, s2;
	s6 =	simm.s32 $0x108;
	_ =	swait.ge @!p0 [sflag:s8], $0x0  }
0x24: {  	s3 =	sadd.s32 $0x88, s3;
	s6 =	simm.s32 @!p1 $0x1082;
	[sflag:s4] =	ssyncset.s32 $0xFFFFF086  }
0x25: {  	[simem:s6], [sflag:s4] =	dma.local [hbm:s3], $0xF7A  }
0x26: {  	[smem:$0x3F97] =	sst s1;
	(tag) =	ssettag s2;
	_ =	strace s9  }
0x27: {  	s1 =	sld [smem:$0x3FA7]  }
0x28: {  	s2 =	sld [smem:$0x3FA8]  }
0x29: {  	s4 =	sld [smem:$0x3FAA]  }
0x2a: {  	p0 =	seq.s32 s5, $0x0;
	s5 =	sld [smem:$0x3FAB]  }
0x2b: {  	s6 =	sld [smem:$0x3FAC]  }
0x2c: {  	s7 =	sld [smem:$0x3FAD]  }
0x2d: {  	s3 =	simm.s32 $0x108;
	s8 =	sld [smem:$0x3FAE]  }
0x2e: {  	s3 =	simm.s32 @!p0 $0x1082;
	s9 =	sld [smem:$0x3FAF]  }
0x2f: {  	lr =	sadd.s32 s0, s3;
	s0 =	sld [smem:$0x3FA6]  }
0x30: {  	s3 =	sld [smem:$0x3FA9]  }
0x31: {  	[smem:$0x3FB2] =	sst s10  }
0x32: {  	s10 =	sld [smem:$0x3FB0];
	_ =	sdelay $0x3  }
0x33: {  	p0 =	seq.s32 s10, $0x1;
	s10 =	sld [smem:$0x3FB2];
	_ =	sdelay $0x3  }
0x34: {  	[smem:$0x3FB2] =	sst s10  }
0x35: {  	s10 =	sld [smem:$0x3FB1];
	_ =	sdelay $0x3  }
0x36: {  	p1 =	seq.s32 s10, $0x1;
	s10 =	sld [smem:$0x3FB2];
	_ =	sdelay $0x3  }
0x37: {  	[smem:$0x3FB2] =	sst s10  }
0x38: {  	s10 =	sld [smem:$0x3FB3]  }
0x39: {  	_ = 	snop;
	(pc) =	sbr.ind lr, $3  }
0x3a: {  	_ = 	snop  }
0x3b: {  	_ = 	snop  }
0x3c: {  	p2 =	seq.s32 s10, $0x1;
	s10 =	sld [smem:$0x3FB2]  }
0x3d: {  	_ =	shalt  }
0x3e: {  	_ =	shalt  }
0x3f: {  	_ =	shalt  }
0x40: {  	_ =	shalt  }
0x41: {  	_ =	shalt  }
0x42: {  	_ =	shalt  }
0x43: {  	_ =	shalt  }
0x44: {  	_ =	shalt  }
0x45: {  	_ =	shalt  }
0x46: {  	_ =	shalt  }
0x47: {  	_ =	shalt  }
0x48: {  	_ =	shalt  }
0x49: {  	_ =	shalt  }
0x4a: {  	_ =	shalt  }
0x4b: {  	_ =	shalt  }
0x4c: {  	_ =	shalt  }
0x4d: {  	_ =	shalt  }
0x4e: {  	_ =	shalt  }
0x4f: {  	_ =	shalt  }
0x50: {  	_ =	shalt  }
0x51: {  	_ =	shalt  }
0x52: {  	_ =	shalt  }
0x53: {  	_ =	shalt  }
0x54: {  	_ =	shalt  }
0x55: {  	_ =	shalt  }
0x56: {  	_ =	shalt  }
0x57: {  	_ =	shalt  }
0x58: {  	_ =	shalt  }
0x59: {  	_ =	shalt  }
0x5a: {  	_ =	shalt  }
0x5b: {  	_ =	shalt  }
0x5c: {  	_ =	shalt  }
0x5d: {  	_ =	shalt  }
0x5e: {  	_ =	shalt  }
0x5f: {  	_ =	shalt  }
0x60: {  	_ =	shalt  }
0x61: {  	_ =	shalt  }
0x62: {  	_ =	shalt  }
0x63: {  	_ =	shalt  }
0x64: {  	_ =	shalt  }
0x65: {  	_ =	shalt  }
0x66: {  	_ =	shalt  }
0x67: {  	_ =	shalt  }
0x68: {  	_ =	shalt  }
0x69: {  	_ =	shalt  }
0x6a: {  	_ =	shalt  }
0x6b: {  	_ =	shalt  }
0x6c: {  	_ =	shalt  }
0x6d: {  	_ =	shalt  }
0x6e: {  	_ =	shalt  }
0x6f: {  	_ =	shalt  }
0x70: {  	_ =	shalt  }
0x71: {  	_ =	shalt  }
0x72: {  	_ =	shalt  }
0x73: {  	_ =	shalt  }
0x74: {  	_ =	shalt  }
0x75: {  	_ =	shalt  }
0x76: {  	_ =	shalt  }
0x77: {  	_ =	shalt  }
0x78: {  	_ =	shalt  }
0x79: {  	_ =	shalt  }
0x7a: {  	_ =	shalt  }
0x7b: {  	_ =	shalt  }
0x7c: {  	_ =	shalt  }
0x7d: {  	_ =	shalt  }
0x7e: {  	_ =	shalt  }
0x7f: {  	_ =	shalt  }
0x80: {  	_ =	shalt  }
0x81: {  	_ =	shalt  }
0x82: {  	_ =	shalt  }
0x83: {  	_ =	shalt  }
0x84: {  	_ =	shalt  }
0x85: {  	_ =	shalt  }
0x86: {  	_ =	shalt  }
0x87: {  	_ =	shalt  }
.Lfunc_end0:
.L_simem_size_0:
called_computation_lowered:
.L_overlay_start_0:
0x88: {  	s2 =	sld [smem:$0x3FD9]  }
0x89: {  	s3 =	sld [smem:$0x3FFE];
	_ =	sdelay $0x1  }
0x8a: {  	s1 =	srdreg.scid  }
0x8b: {  	s0 =	sand.u32 $0x1, s1  }
0x8c: {  	s16 =	sshll.u32 s0, $0xA;
	s2 =	sadd.s32 s3, s2  }
0x8d: {  	s2 =	sadd.s32 s2, s16  }
0x8e: {  	[smem:$0x3FBE] =	sst s2  }
0x8f: {  	_ = 	snop  }
0x90: {  	(tm) =	ssettm $0x1  }
0x91: {  	s17 =	sld [smem:$0x3FFB];
	_ =	sdelay $0x3  }
0x92: {  	_ =	strace s17  }
0x93: {  	s2 =	sld [smem:$0x3FFC];
	_ =	sdelay $0x3  }
0x94: {  	_ =	strace s2  }
0x95: {  	s2 =	sld [smem:$0x3FFD];
	_ =	sdelay $0x3  }
0x96: {  	_ =	strace s2  }
0x97: {  	_ =	strace $0x8FFFFFFF  }
0x98: {  	s18 =	sld [smem:$0x3FDB];
	_ =	sdelay $0x1  }
0x99: {  	s19 =	simm.s32 $_scs_section_size  }
0x9a: {  	s4 =	simm.s32 $_size__tile_overlayer_lowered;
	s5 =	simm.s32 $_tile_overlayer_lowered  }
0x9b: {  	s22 =	simm.s32 $0x1BFF;
	s21 =	sshll.u32 s5, $0x1;
	s2 =	sadd.s32 s19, s18  }
0x9c: {  	s6 =	simm.s32 $0x0;
	s20 =	sshll.u32 s4, $0x1;
	s4 =	sadd.s32 s21, s2  }
0x9d: {  	[timem:s6], [sflag:s22] =	dma.local [hbm:s4], s20  }
0x9e: {  	_ =	swait.ge [sflag:s22], s20  }
0x9f: {  	s3 =	ssub.s32 $0x0, s20;
	[sflag:s22] =	ssyncset.done $0x0  }
0xa0: {  	[sflag:s22] =	ssyncadd.s32 s3;
	_ =	sdelay $0x1  }
0xa1: {  	s23 =	simm.s32 $0x1B8B  }
0xa2: {  	_ =	swait.ge [sflag:s23], $0x1  }
0xa3: {  	[sflag:s23] =	ssyncset.done $0x0  }
0xa4: {  	s25 =	simm.s32 $0x1B8E;
	s24 =	sld [smem:$0x3FFE];
	[sflag:s23] =	ssyncadd.s32 $0xFFFFFFFF  }
0xa5: {  	s26 =	simm.s32 $execute0_lowered;
	[smem:$0x3FD2] =	sst s25  }
0xa6: {  	s4 =	sshll.u32 s26, $0x1;
	_ =	strace $0x80000046;
	[dreg:$0x1] =	wrdreg $0xFFFFFFFF  }
0xa7: {  	s28 =	simm.s32 $_size_execute0_lowered;
	s2 =	sadd.s32 s2, s4;
	[dreg:$0x0] =	wrdreg $0x0  }
0xa8: {  	s4 =	sshll.u32 s28, $0x1;
	[dreg:$0x2] =	wrdreg s2  }
0xa9: {  	[dreg:$0x3] =	wrdreg s4  }
0xaa: {  	[dreg:$0x4] =	wrdreg $0xC0  }
0xab: {  	_ =	task [dreg:s6], $0x5FFFF  }
0xac: {  	[dreg:$0x1] =	wrdreg $0xFFFFFFFF  }
0xad: {  	[dreg:$0x0] =	wrdreg $0x60  }
0xae: {  	[dreg:$0x2] =	wrdreg s24  }
0xaf: {  	[dreg:$0x3] =	wrdreg $0x3800  }
0xb0: {  	[dreg:$0x4] =	wrdreg $0x9  }
0xb1: {  	_ =	task.clear_ibuf [dreg:s6], $0x5FFFF;
	_ =	strace $0x90000046  }
0xb2: {  	s29 =	simm.s32 $0x9;
	_ =	strace $0x80000048  }
0xb3: {  	_ =	swait.ge [sflag:s29], $0x1  }
0xb4: {  	[sflag:s29] =	ssyncadd.s32 $0xFFFFFFFF  }
0xb5: {  	_ =	strace $0x90000048  }
0xb6: {  	_ =	sfence  }
0xb7: {  	s30 =	sld [smem:$0x0];
	_ =	sdelay $0x2  }
0xb8: {  	s31 =	sshll.u32 s1, $0xD;
	s1 =	sshrl.u32 s1, $0x2  }
0xb9: {  	s3 =	sand.u32 $0x4000, s31;
	s1 =	sadd.s32 s1, s30  }
0xba: {  	s0 =	sor.u32 s3, s0;
	s1 =	sshll.u32 s1, $0x11  }
0xbb: {  	s0 =	sor.u32 s1, s0  }
0xbc: {  	s0 =	sadd.s32 $0x8F2B, s0  }
0xbd: {  	[sflag:s0] =	ssyncadd.remote.s32 $0x1  }
0xbe: {  	_ =	sfence.sel $0xFFFF  }
0xbf: {  	[dreg:$0x0] =	wrdreg $0xFFFFFFFF;
	(pc) =	sbr.abs _section_cstart, $3  }
0xc0: {  	[dreg:$0x1] =	wrdreg $0xFFFFFFFF  }
0xc1: {  	_ =	task.clear_ibuf [dreg:s6], $0x2FFFF;
	_ =	strace $0x9FFFFFFF  }
0xc2: {  	(tm) =	ssettm $0x7FFFFFFF  }
0xc3: {  	_ =	shalt  }
tec
execute0_lowered:
.L_overlay_start_1:
0x0: {  	(tag) =	ssettag $0x1  }
0x1: {  	s4 =	rddreg [dreg:$0x0];
	s1 =	srdreg.scid  }
0x2: {  	s0 =	stileid.u32;
	s2 =	rddreg [dreg:$0x1];
	s3 =	simm.s32 $0x0  }
0x3: {  	s10 =	simm.s32 $0x50;
	s11 =	simm.s32 $0x80;
	s14 =	simm.s32 $0x20  }
0x4: {  	s15 =	simm.s32 $0x10;
	s16 =	simm.s32 $0x0;
	s6 =	smul.u32 $0x4E20, s0  }
0x5: {  	s5 =	sand.u32 $0x1, s1;
	s1 =	rddreg [dreg:$0x2];
	s8 =	smul.u32 $0x500, s0  }
0x6: {  	[smem:$0x7FF] =	sst s3;
	s26 =	smul.u32 $0xA00, s0;
	s12 =	sshll.u32 s0, $0x6  }
0x7: {  	s7 =	smul.u32 $0x2710, s5;
	s25 =	sshll.u32 s5, $0x7;
	s5 =	ssub.s32 $0x2, s5  }
0x8: {  	_ =	strace $0x80000047;
	s12 =	sor.u32 $0x1C01, s12;
	s29 =	sshrl.u32 s5, $0x1  }
0x9: {  	s30 =	sshrl.u32 s26, $0x2;
	s6 =	sadd.s32 s7, s6;
	s7 =	sor.u32 s25, s8  }
0xa: {  	s31 =	ssub.s32 s5, s29;
	s6 =	sshrl.u32 s6, $0x3;
	s28 =	sshrl.u32 s7, $0x3  }
0xb: {  	s8 =	simm.s32 $0x100;
	s9 =	sadd.s32 s6, s4;
	s6 =	sadd.s32 s28, s4  }
0xc: {  	s4 =	sadd.s32 s30, s2;
	s5 =	sadd.s32 $0xB600, s6;
	s6 =	smax.u32 s31, $0x1  }
0xd: {  	v0 =	vimm.f32 $0.0e+00;
	v1 =	vimm.f32 $1.000000000e+00;
	s7 =	sadd.s32 $0x1800, s9;
	s9 =	simm.s32 $0x1;
	s13 =	sshrl.u32 s4, $0x3  }
.LBB2_1:
0xe: {  	[tilespmem:$0x100] =	vst v0  }
0xf: {  	[tilespmem:$0x110] =	vst v0  }
0x10: {  	[tilespmem:$0x120] =	vst v0  }
0x11: {  	[tilespmem:$0x130] =	vst v0  }
0x12: {  	[tilespmem:$0x140] =	vst v0  }
0x13: {  	[tilespmem:$0x150] =	vst v0  }
0x14: {  	[tilespmem:$0x160] =	vst v0  }
0x15: {  	[tilespmem:$0x170] =	vst v0  }
0x16: {  	[tilespmem:$0x180] =	vst v0  }
0x17: {  	[tilespmem:$0x190] =	vst v0  }
0x18: {  	[tilespmem:$0x1A0] =	vst v0  }
0x19: {  	[tilespmem:$0x1B0] =	vst v0  }
0x1a: {  	[tilespmem:$0x1C0] =	vst v0  }
0x1b: {  	[tilespmem:$0x1D0] =	vst v0  }
0x1c: {  	[tilespmem:$0x1E0] =	vst v0  }
0x1d: {  	[tilespmem:$0x1F0] =	vst v0  }
0x1e: {  	[tilespmem:$0x200] =	vst v0  }
0x1f: {  	[tilespmem:$0x210] =	vst v0  }
0x20: {  	[tilespmem:$0x220] =	vst v0  }
0x21: {  	[tilespmem:$0x230] =	vst v0  }
0x22: {  	[tilespmem:$0x240] =	vst v0  }
0x23: {  	[tilespmem:$0x250] =	vst v0  }
0x24: {  	[tilespmem:$0x260] =	vst v0  }
0x25: {  	[tilespmem:$0x270] =	vst v0  }
0x26: {  	[tilespmem:$0x280] =	vst v0  }
0x27: {  	[tilespmem:$0x290] =	vst v0  }
0x28: {  	[tilespmem:$0x2A0] =	vst v0  }
0x29: {  	[tilespmem:$0x2B0] =	vst v0  }
0x2a: {  	[tilespmem:$0x2C0] =	vst v0  }
0x2b: {  	[tilespmem:$0x2D0] =	vst v0  }
0x2c: {  	[tilespmem:$0x2E0] =	vst v0  }
0x2d: {  	[tilespmem:$0x2F0] =	vst v0  }
0x2e: {  	[tilespmem:$0x300] =	vst v0  }
0x2f: {  	[tilespmem:$0x310] =	vst v0  }
0x30: {  	[tilespmem:$0x320] =	vst v0  }
0x31: {  	[tilespmem:$0x330] =	vst v0  }
0x32: {  	[tilespmem:$0x340] =	vst v0  }
0x33: {  	[tilespmem:$0x350] =	vst v0  }
0x34: {  	[tilespmem:$0x360] =	vst v0  }
0x35: {  	[tilespmem:$0x370] =	vst v0  }
0x36: {  	[tilespmem:$0x80] =	vst v1  }
0x37: {  	[tilespmem:$0x90] =	vst v1  }
0x38: {  	[tilespmem:$0xA0] =	vst v1  }
0x39: {  	[tilespmem:$0xB0] =	vst v1  }
0x3a: {  	[tilespmem:$0xC0] =	vst v1  }
0x3b: {  	[spmem:s4] =	stream.linear.scatter [tilespmem:s8], [sflag:$0x1], $0x280, $0x38;
	[tilespmem:$0x600] =	vst v63  }
0x3c: {  	_ =	swait.ge [sflag:s9], $0x280  }
0x3d: {  	[sflag:s9] =	ssyncset.done $0x0  }
0x3e: {  	[sflag:s9] =	ssyncadd.s32 $0xFFFFFD80  }
0x3f: {  	s17 =	sadd.s32 $0x0, s7;
	[bflag:$0x0] =	sbarrier.arrive $0xFFFF  }
0x40: {  	[tilespmem:s3], [sflag:$0x1] =	stream.linear.gather [hbm4b:s17+s3], $0x50, $0x38;
	[tilespmem:$0x600] =	vst v63  }
0x41: {  	_ =	swait.ge [sflag:s9], $0x50  }
0x42: {  	[sflag:s9] =	ssyncset.done $0x0  }
0x43: {  	[sflag:s9] =	ssyncadd.s32 $0xFFFFFFB0  }
0x44: {  	[spmem:s2] =	stream.indirect.scatter.add.f32 [tilespmem:s11], [sflag:$0x1], $0x1, s3, s10, $0xb8;
	[tilespmem:$0x600] =	vst v63  }
0x45: {  	_ =	swait.ge [sflag:s9], $0x50  }
0x46: {  	s18 =	simm.s32 $0x14;
	s17 =	simm.s32 $0xA;
	[sflag:s9] =	ssyncset.done $0x0  }
.LBB2_2:
0x47: {  	s19 =	sadd.s32 s17, s7  }
0x48: {  	[sflag:s9] =	ssyncadd.s32 $0xFFFFFFB0;
	s17 =	smov.u32 s18;
	s20 =	sadd.s32 $0xA, s18  }
0x49: {  	[tilespmem:s3], [sflag:$0x1] =	stream.linear.gather [hbm4b:s19+s3], $0x50, $0x38;
	[tilespmem:$0x600] =	vst v63  }
0x4a: {  	p0 =	sne.s32 s18, $0x4D8;
	_ =	swait.ge [sflag:s9], $0x50  }
.Ltmp0:
0x4b: {  	[sflag:s9] =	ssyncset.done $0x0;
	(pc) =	sbr.rel @p0 .LBB2_2-.Ltmp0, $4  }
0x4c: {  	[sflag:s9] =	ssyncadd.s32 $0xFFFFFFB0  }
0x4d: {  	[spmem:s2] =	stream.indirect.scatter.add.f32 [tilespmem:s11], [sflag:$0x1], $0x1, s3, s10, $0xb8;
	[tilespmem:$0x600] =	vst v63  }
0x4e: {  	_ =	swait.ge [sflag:s9], $0x50  }
0x4f: {  	s18 =	smov.u32 s20;
	[sflag:s9] =	ssyncset.done $0x0  }
0x50: {  	s17 =	sadd.s32 s17, s7;
	[sflag:s9] =	ssyncadd.s32 $0xFFFFFFB0  }
0x51: {  	[tilespmem:s3], [sflag:$0x1] =	stream.linear.gather [hbm4b:s17+s3], $0x50, $0x38;
	[tilespmem:$0x600] =	vst v63  }
0x52: {  	_ =	swait.ge [sflag:s9], $0x50  }
0x53: {  	[sflag:s9] =	ssyncset.done $0x0  }
0x54: {  	[sflag:s9] =	ssyncadd.s32 $0xFFFFFFB0  }
0x55: {  	[spmem:s2] =	stream.indirect.scatter.add.f32 [tilespmem:s11], [sflag:$0x1], $0x1, s3, s10, $0xb8;
	[tilespmem:$0x600] =	vst v63  }
0x56: {  	_ =	swait.ge [sflag:s9], $0x50  }
0x57: {  	s16 =	sadd.s32 $0x1, s16;
	[sflag:s9] =	ssyncset.done $0x0  }
0x58: {  	p0 =	sne.s32 s16, s6;
	[sflag:s9] =	ssyncadd.s32 $0xFFFFFFB0  }
.Ltmp1:
0x59: {  	[bflag:$0x0] =	sbarrier.arrive $0xFFFF;
	(pc) =	sbr.rel @p0 .LBB2_1-.Ltmp1, $4  }
0x5a: {  	[hbm:s5@s14], [sflag:s12] =	dma.strided [spmem:s13@s15], $0x50, s9, $0x10   }
0x5b: {  	_ =	swait.ge [sflag:s9], $0x50  }
0x5c: {  	[sflag:s9] =	ssyncset.done $0x0  }
0x5d: {  	[sflag:s9] =	ssyncadd.s32 $0xFFFFFFB0  }
0x5e: {  	_ =	sfence.sel $0x180000  }
0x5f: {  	[bflag:$0x0] =	sbarrier.arrive $0xFFFF  }
0x60: {  	p0 =	sne.s32 s0, $0x0;
	_ =	strace $0x90000047  }
0x61: {  	s0 =	sadd.s32 @!p0 $0x100000, s1;
	[bflag:$0x2] =	sbarrier.arrive $0xFFFF  }
0x62: {  	[sflag:s0] =	ssyncadd.tile.s32 @!p0 $0x1;
	_ =	shalt  }
.Lfunc_end2:
_tile_overlayer_lowered:
.L_overlay_start_2:
0x63: {  	(tag) =	ssettag $0x2  }
0x64: {  	s0 =	rddreg [dreg:$0x0];
	s2 =	stileid.u32  }
0x65: {  	s1 =	rddreg [dreg:$0x1];
	p0 =	sne.s32 s2, $0x0  }
0x66: {  	s3 =	rddreg [dreg:$0x2];
	[bflag:$0x3] =	sbarrier.arrive $0xFFFF;
	s2 =	simm.s32 @!p0 $0x1C01  }
0x67: {  	[timem:s3], [sflag:s2] =	dma.local @!p0 [hbm:s0], s1  }
0x68: {  	s0 =	simm.s32 @!p0 $0x1  }
0x69: {  	_ =	swait.ge @!p0 [sflag:s0], s1  }
0x6a: {  	s1 =	ssub.s32 @!p0 $0x0, s1;
	[sflag:s0] =	ssyncset.done @!p0 $0x0  }
0x6b: {  	[sflag:s0] =	ssyncadd.s32 @!p0 s1  }
0x6c: {  	[bflag:$0x3] =	sbarrier.arrive $0xFFFF  }
0x6d: {  	_ =	shalt  }

</sc_bundles>
